<compile_context>
chip_gen: v7x
topology: tpu7x:2x2x1
jax: 0.10.2.dev20260603
libtpu: 0.0.44.dev20260713+nightly
codegen_flags: <defaults>
</compile_context>

<pallas_src>
import functools

import jax
import jax.numpy as jnp
from jax import lax
from jax.experimental import pallas as pl
from jax.experimental.pallas import tpu as pltpu
from jax.experimental.pallas import tpu_sc as plsc

N = 10000
E = 320000
F = 128
NPAD = 10240
NC = 2
NS = 16
NW = NC * NS
CH = 80
EPW = E // NW
EPT = E // NS
CPW = EPW // CH
CPT = EPT // CH
RPT = NPAD // NS
SBP = 50
NSBP = CPT // SBP
PPS = SBP // 2
SB5 = 25
NSB5 = CPW // SB5
DR = NPAD // F
NBLK = 10
BR = N // NBLK
_f32 = jnp.float32
_i32 = jnp.int32

_mesh = plsc.VectorSubcoreMesh(core_axis_name="c", subcore_axis_name="s")
_sc_params = pltpu.CompilerParams(needs_layout_passes=False)


@functools.partial(
    pl.kernel,
    mesh=_mesh,
    out_type=[jax.ShapeDtypeStruct((NC, DR, F), _f32)] * 3,
    compiler_params=_sc_params,
    scratch_types=[
        pltpu.VMEM((CPW, CH), _i32),
        pltpu.VMEM((CPW, CH), _i32),
        pltpu.VMEM((CPW, CH), _f32),
        pltpu.VMEM((DR, F), _f32),
        pltpu.VMEM((DR, F), _f32),
        pltpu.VMEM((DR, F), _f32),
        pltpu.VMEM((DR,), _i32),
        pltpu.VMEM_SHARED((DR, F), _f32),
        pltpu.VMEM_SHARED((DR, F), _f32),
        pltpu.VMEM_SHARED((DR, F), _f32),
    ],
)
def _deg_kernel(src_h, dst_h, ew_h, zn2_h, dego_h, degi_h, cnt_h,
                sb, db, wb, dlo, dli, dlc, iob, acc_o, acc_i, acc_c):
    c = lax.axis_index("c")
    s = lax.axis_index("s")
    w = s * NC + c
    pltpu.sync_copy(src_h.at[w], sb)
    pltpu.sync_copy(dst_h.at[w], db)
    pltpu.sync_copy(ew_h.at[w], wb)
    pltpu.sync_copy(zn2_h, dlo)
    pltpu.sync_copy(zn2_h, dli)
    pltpu.sync_copy(zn2_h, dlc)
    for g in range(DR // 16):
        iob[pl.ds(g * 16, 16)] = jnp.arange(16, dtype=_i32) + (g * 16)

    @pl.when(s == 0)
    def _():
        pltpu.sync_copy(zn2_h, acc_o)
        pltpu.sync_copy(zn2_h, acc_i)
        pltpu.sync_copy(zn2_h, acc_c)

    ones16 = jnp.ones((16,), _f32)

    def row(r, carry):
        for g in range(CH // 16):
            si = sb[r, pl.ds(g * 16, 16)]
            di = db[r, pl.ds(g * 16, 16)]
            wv = wb[r, pl.ds(g * 16, 16)]
            plsc.addupdate_scatter(
                dlo,
                [lax.shift_right_logical(si, 7), jnp.bitwise_and(si, 127)],
                wv)
            plsc.addupdate_scatter(
                dli,
                [lax.shift_right_logical(di, 7), jnp.bitwise_and(di, 127)],
                wv)
            plsc.addupdate_scatter(
                dlc,
                [lax.shift_right_logical(di, 7), jnp.bitwise_and(di, 127)],
                ones16)
        return carry

    lax.fori_loop(0, CPW, row, 0)
    plsc.subcore_barrier()
    pltpu.sync_copy(dlo, acc_o.at[iob], add=True)
    pltpu.sync_copy(dli, acc_i.at[iob], add=True)
    pltpu.sync_copy(dlc, acc_c.at[iob], add=True)
    plsc.subcore_barrier()

    @pl.when(s == 0)
    def _():
        pltpu.sync_copy(acc_o, dego_h.at[c])
        pltpu.sync_copy(acc_i, degi_h.at[c])
        pltpu.sync_copy(acc_c, cnt_h.at[c])


def _pre_body(x_ref, degp_ref, xo_ref, xi_ref, dgc_ref):
    do = degp_ref[0, 0] + degp_ref[0, 1]
    di = degp_ref[1, 0] + degp_ref[1, 1]
    dc = degp_ref[2, 0] + degp_ref[2, 1]
    xb = x_ref[...]
    xo_ref[...] = xb * jnp.where(do > 0, 1.0 / do, 0.0)
    xi_ref[...] = xb * jnp.where(di > 0, 1.0 / di, 0.0)
    dgc_ref[...] = lax.rsqrt(dc + 1.0)


_pre_call = pl.pallas_call(
    _pre_body,
    grid=(NBLK,),
    in_specs=[pl.BlockSpec((BR, F), lambda i: (i, 0)),
              pl.BlockSpec((3, NC, BR, 1), lambda i: (0, 0, i, 0))],
    out_specs=[pl.BlockSpec((BR, F), lambda i: (i, 0)),
               pl.BlockSpec((BR, F), lambda i: (i, 0)),
               pl.BlockSpec((BR, 1), lambda i: (i, 0))],
    out_shape=[jax.ShapeDtypeStruct((N, F), _f32),
               jax.ShapeDtypeStruct((N, F), _f32),
               jax.ShapeDtypeStruct((N, 1), _f32)],
)


@functools.partial(
    pl.kernel,
    mesh=_mesh,
    out_type=jax.ShapeDtypeStruct((NC, NPAD, F), _f32),
    compiler_params=_sc_params,
    scratch_types=[
        pltpu.VMEM((SBP, CH), _i32),
        pltpu.VMEM((SBP, CH), _i32),
        pltpu.VMEM((SBP, CH), _f32),
        pltpu.VMEM((CH,), _f32),
        pltpu.VMEM((CH, F), _f32),
        pltpu.VMEM((CH, F), _f32),
        pltpu.VMEM_SHARED((NPAD, F), _f32),
        pltpu.SemaphoreType.DMA,
        pltpu.SemaphoreType.DMA,
        pltpu.SemaphoreType.DMA,
        pltpu.SemaphoreType.DMA,
    ],
)
def _prop_kernel(xo_h, xi_h, src_h, dst_h, ew_h, zr_h, pp_h,
                 gix, six, nb, wrow, rows_a, rows_b, acc, gs_a, gs_b, ss_a,
                 ss_b):
    c = lax.axis_index("c")
    s = lax.axis_index("s")
    r0 = s * RPT
    pltpu.sync_copy(zr_h.at[pl.ds(r0, RPT)], acc.at[pl.ds(r0, RPT)])
    plsc.subcore_barrier()

    rows = (rows_a, rows_b)
    gsems = (gs_a, gs_b)
    ssems = (ss_a, ss_b)

    HF = CH // 2

    def start_gather(i, buf, sem):
        @pl.when(c == 0)
        def _():
            pltpu.async_copy(xo_h.at[gix.at[i, pl.ds(0, HF)]],
                             buf.at[pl.ds(0, HF)], sem)
            pltpu.async_copy(xo_h.at[gix.at[i, pl.ds(HF, HF)]],
                             buf.at[pl.ds(HF, HF)], sem)

        @pl.when(c == 1)
        def _():
            pltpu.async_copy(xi_h.at[gix.at[i, pl.ds(0, HF)]],
                             buf.at[pl.ds(0, HF)], sem)
            pltpu.async_copy(xi_h.at[gix.at[i, pl.ds(HF, HF)]],
                             buf.at[pl.ds(HF, HF)], sem)

    def wait_gather(i, buf, sem):
        pltpu.make_async_copy(xo_h.at[gix.at[i, pl.ds(0, HF)]],
                              buf.at[pl.ds(0, HF)], sem).wait()
        pltpu.make_async_copy(xo_h.at[gix.at[i, pl.ds(HF, HF)]],
                              buf.at[pl.ds(HF, HF)], sem).wait()

    def scale(buf, r):
        for g in range(CH // 16):
            wrow[pl.ds(g * 16, 16)] = nb[r, pl.ds(g * 16, 16)]

        def egrp(g2, carry2):
            base = g2 * 16
            for j in range(16):
                e = base + j
                nv = plsc.load_gather(wrow, [jnp.full((16,), e, _i32)])
                for sg in range(F // 16):
                    buf[e, pl.ds(sg * 16, 16)] = (
                        buf[e, pl.ds(sg * 16, 16)] * nv)
            return carry2

        lax.fori_loop(0, CH // 16, egrp, 0)

    def pairstep(p, carry):
        lp = p % PPS
        blk = s * NSBP + p // PPS

        @pl.when((lp == 0) & (p > 0))
        def _():
            pltpu.make_async_copy(rows_b, acc.at[six.at[0]], ss_b).wait()

        @pl.when((lp == 0) & (c == 0))
        def _():
            pltpu.sync_copy(src_h.at[blk], gix)
            pltpu.sync_copy(dst_h.at[blk], six)

        @pl.when((lp == 0) & (c == 1))
        def _():
            pltpu.sync_copy(dst_h.at[blk], gix)
            pltpu.sync_copy(src_h.at[blk], six)

        @pl.when(lp == 0)
        def _():
            pltpu.sync_copy(ew_h.at[blk], nb)
            start_gather(0, rows_a, gs_a)

        for b in (0, 1):
            i = 2 * lp + b
            bx, by = rows[b], rows[1 - b]

            @pl.when(i >= 1)
            def _():
                pltpu.make_async_copy(by, acc.at[six.at[i]],
                                      ssems[1 - b]).wait()

            @pl.when(i + 1 < SBP)
            def _():
                start_gather(i + 1, by, gsems[1 - b])

            wait_gather(i, bx, gsems[b])
            scale(bx, i)
            pltpu.async_copy(bx, acc.at[six.at[i]], ssems[b], add=True)
        return carry

    lax.fori_loop(0, CPT // 2, pairstep, 0)
    pltpu.make_async_copy(rows_b, acc.at[six.at[0]], ss_b).wait()
    plsc.subcore_barrier()
    pltpu.sync_copy(acc.at[pl.ds(r0, RPT)], pp_h.at[c, pl.ds(r0, RPT)])


def _gru_body(x_ref, po_ref, pi_ref, wz00_ref, wz10_ref, wz01_ref, wz11_ref,
              wh00_ref, wh10_ref, wh01_ref, wh11_ref, bz_ref, bh_ref,
              wg_ref, dinv_ref, out_ref):
    xb = x_ref[...]
    pob = po_ref[0]
    pib = pi_ref[0]
    az = wz00_ref[...] + wz10_ref[...]
    ah = wh00_ref[...] + wh10_ref[...]
    zpre = (jnp.dot(xb, az, preferred_element_type=_f32)
            + jnp.dot(pob, wz01_ref[...], preferred_element_type=_f32)
            + jnp.dot(pib, wz11_ref[...], preferred_element_type=_f32)
            + bz_ref[...])
    hpre = (jnp.dot(xb, ah, preferred_element_type=_f32)
            + jnp.dot(pob, wh01_ref[...], preferred_element_type=_f32)
            + jnp.dot(pib, wh11_ref[...], preferred_element_type=_f32)
            + bh_ref[...])
    z = jax.nn.sigmoid(zpre)
    ht = jnp.tanh(hpre)
    h = (1.0 - z) * ht
    out_ref[...] = dinv_ref[...] * jnp.dot(h, wg_ref[...],
                                           preferred_element_type=_f32)


_w_spec = pl.BlockSpec((F, F), lambda i: (0, 0))
_b_spec = pl.BlockSpec((1, F), lambda i: (0, 0))
_row_spec = pl.BlockSpec((BR, F), lambda i: (i, 0))
_col_spec = pl.BlockSpec((BR, 1), lambda i: (i, 0))

_po_spec = pl.BlockSpec((1, BR, F), lambda i: (0, i, 0))
_pi_spec = pl.BlockSpec((1, BR, F), lambda i: (1, i, 0))

_gru_call = pl.pallas_call(
    _gru_body,
    grid=(NBLK,),
    in_specs=[_row_spec, _po_spec, _pi_spec,
              _w_spec, _w_spec, _w_spec, _w_spec,
              _w_spec, _w_spec, _w_spec, _w_spec,
              _b_spec, _b_spec, _w_spec, _col_spec],
    out_specs=_row_spec,
    out_shape=jax.ShapeDtypeStruct((N, F), _f32),
)


@functools.partial(
    pl.kernel,
    mesh=_mesh,
    out_type=jax.ShapeDtypeStruct((NC, NPAD, F), _f32),
    compiler_params=_sc_params,
    scratch_types=[
        pltpu.VMEM((SB5, CH), _i32),
        pltpu.VMEM((SB5, CH), _i32),
        pltpu.VMEM((CH, F), _f32),
        pltpu.VMEM((CH, F), _f32),
        pltpu.VMEM_SHARED((NPAD, F), _f32),
        pltpu.SemaphoreType.DMA,
        pltpu.SemaphoreType.DMA,
        pltpu.SemaphoreType.DMA,
        pltpu.SemaphoreType.DMA,
    ],
)
def _gcn_kernel(hwp_h, src_h, dst_h, zr_h, agg_h,
                gix, six, rows_a, rows_b, acc, gs_a, gs_b, ss_a, ss_b):
    c = lax.axis_index("c")
    s = lax.axis_index("s")
    r0 = s * RPT
    pltpu.sync_copy(zr_h.at[pl.ds(r0, RPT)], acc.at[pl.ds(r0, RPT)])
    plsc.subcore_barrier()

    rows = (rows_a, rows_b)
    gsems = (gs_a, gs_b)
    ssems = (ss_a, ss_b)

    HF = CH // 2

    def g_start(i, buf, sem):
        pltpu.async_copy(hwp_h.at[gix.at[i, pl.ds(0, HF)]],
                         buf.at[pl.ds(0, HF)], sem)
        pltpu.async_copy(hwp_h.at[gix.at[i, pl.ds(HF, HF)]],
                         buf.at[pl.ds(HF, HF)], sem)

    def g_wait(i, buf, sem):
        pltpu.make_async_copy(hwp_h.at[gix.at[i, pl.ds(0, HF)]],
                              buf.at[pl.ds(0, HF)], sem).wait()
        pltpu.make_async_copy(hwp_h.at[gix.at[i, pl.ds(HF, HF)]],
                              buf.at[pl.ds(HF, HF)], sem).wait()

    def superblock(k, carry):
        blk = (s * NC + c) * NSB5 + k
        pltpu.sync_copy(src_h.at[blk], gix)
        pltpu.sync_copy(dst_h.at[blk], six)
        g_start(0, rows_a, gs_a)

        def pair(g, carry2):
            for b in (0, 1):
                i = 2 * g + b
                bx, by = rows[b], rows[1 - b]

                @pl.when(i >= 1)
                def _():
                    pltpu.make_async_copy(by, acc.at[six.at[i]],
                                          ssems[1 - b]).wait()

                g_start(i + 1, by, gsems[1 - b])
                g_wait(i, bx, gsems[b])
                pltpu.async_copy(bx, acc.at[six.at[i]], ssems[b], add=True)
            return carry2

        lax.fori_loop(0, SB5 // 2, pair, 0)
        t = SB5 - 1
        pltpu.make_async_copy(rows_b, acc.at[six.at[t]], ss_b).wait()
        g_wait(t, rows_a, gs_a)
        pltpu.async_copy(rows_a, acc.at[six.at[t]], ss_a, add=True)
        pltpu.make_async_copy(rows_a, acc.at[six.at[t]], ss_a).wait()
        return carry

    lax.fori_loop(0, NSB5, superblock, 0)
    plsc.subcore_barrier()
    pltpu.sync_copy(acc.at[pl.ds(r0, RPT)], agg_h.at[c, pl.ds(r0, RPT)])


def _gcnout_body(a0_ref, a1_ref, hwp_ref, dinv_ref, bg_ref,
                 h_ref, s1_ref, s2_ref):
    i = pl.program_id(0)
    hb = (a0_ref[0] + a1_ref[0] + hwp_ref[...]) * dinv_ref[...] + bg_ref[...]
    hb = jnp.maximum(hb, 0.0)
    h_ref[...] = hb

    @pl.when(i == 0)
    def _():
        s1_ref[...] = jnp.zeros_like(s1_ref)
        s2_ref[...] = jnp.zeros_like(s2_ref)

    s1_ref[...] += jnp.sum(hb, axis=0, keepdims=True)
    s2_ref[...] += jnp.sum(hb * hb, axis=0, keepdims=True)


_gcnout_call = pl.pallas_call(
    _gcnout_body,
    grid=(NBLK,),
    in_specs=[_po_spec, _pi_spec, _row_spec, _col_spec, _b_spec],
    out_specs=[_row_spec,
               pl.BlockSpec((1, F), lambda i: (0, 0)),
               pl.BlockSpec((1, F), lambda i: (0, 0))],
    out_shape=[jax.ShapeDtypeStruct((N, F), _f32),
               jax.ShapeDtypeStruct((1, F), _f32),
               jax.ShapeDtypeStruct((1, F), _f32)],
)


def _final_body(h_ref, s1_ref, s2_ref, gam_ref, bet_ref, wl_ref, bl_ref,
                y_ref):
    mu = s1_ref[...] / N
    var = s2_ref[...] / N - mu * mu
    inv = lax.rsqrt(var + 1e-5)
    gsc = gam_ref[...] * inv
    hb = h_ref[...] * gsc
    shift = bet_ref[...] - mu * gsc
    y_ref[...] = (jnp.dot(hb, wl_ref[...], preferred_element_type=_f32)
                  + jnp.dot(shift, wl_ref[...], preferred_element_type=_f32)
                  + bl_ref[...])


_final_call = pl.pallas_call(
    _final_body,
    grid=(NBLK,),
    in_specs=[_row_spec, _b_spec, _b_spec, _b_spec, _b_spec,
              pl.BlockSpec((F, 1), lambda i: (0, 0)),
              pl.BlockSpec((1, 1), lambda i: (0, 0))],
    out_specs=_col_spec,
    out_shape=jax.ShapeDtypeStruct((N, 1), _f32),
)


def kernel(x, edge_index, edge_weight, Wz, bz, Wr, br, Wh, bh, Wg, bg,
           gamma, beta, Wl, bl):
    src = edge_index[0]
    dst = edge_index[1]
    src_w = src.reshape(NW, CPW, CH)
    dst_w = dst.reshape(NW, CPW, CH)
    ew_w = edge_weight.reshape(NW, CPW, CH)
    src_t = src.reshape(NS * NSBP, SBP, CH)
    dst_t = dst.reshape(NS * NSBP, SBP, CH)
    ew_t = edge_weight.reshape(NS * NSBP, SBP, CH)
    src_5 = src.reshape(NW * NSB5, SB5, CH)
    dst_5 = dst.reshape(NW * NSB5, SB5, CH)
    zn2 = jnp.zeros((DR, F), _f32)
    zr = jnp.zeros((NPAD, F), _f32)

    dego, degi, cnt = _deg_kernel(src_w, dst_w, ew_w, zn2)
    degp = jnp.stack([dego.reshape(NC, NPAD), degi.reshape(NC, NPAD),
                      cnt.reshape(NC, NPAD)]).reshape(3, NC, NPAD, 1)
    xo, xi, dinv2 = _pre_call(x, degp)

    pp = _prop_kernel(xo, xi, src_t, dst_t, ew_t, zr)

    hwp = _gru_call(x, pp, pp,
                    Wz[0, 0, :F], Wz[1, 0, :F], Wz[0, 1, :F], Wz[1, 1, :F],
                    Wh[0, 0, :F], Wh[1, 0, :F], Wh[0, 1, :F], Wh[1, 1, :F],
                    bz.reshape(1, F), bh.reshape(1, F), Wg, dinv2)

    aggp = _gcn_kernel(hwp, src_5, dst_5, zr)

    h, s1, s2 = _gcnout_call(aggp, aggp, hwp, dinv2, bg.reshape(1, F))

    y = _final_call(h, s1, s2, gamma.reshape(1, F), beta.reshape(1, F),
                    Wl, bl.reshape(1, 1))
    return y

# --- scband reference (transcript-rebuilt; emitter-appended) ---
"""Pipeline reference for scband-dcrnnmodel-618475291217 (READ-ONLY COPY).

The authoritative reference and input builder live on the scoring server;
editing this copy changes nothing except your own understanding.
"""

import jax, jax.numpy as jnp
import numpy as np

N = 10000
E = 320000
F_IN = 128
F_H = 128
K = 2


def _glorot(key, shape):
    fan_in, fan_out = shape[-2], shape[-1]
    lim = float(np.sqrt(6.0 / (fan_in + fan_out)))
    return jax.random.uniform(key, shape, jnp.float32, -lim, lim)


def setup_inputs(seed: int = 0):
    key = jax.random.key(seed)
    ks = jax.random.split(key, 12)
    x = jax.random.normal(ks[0], (N, F_IN), jnp.float32)
    edge_index = jax.random.randint(ks[1], (2, E), 0, N, dtype=jnp.int32)
    edge_weight = jax.random.uniform(ks[2], (E,), jnp.float32, 0.0, 1.0)
    return {
        "x": x,
        "edge_index": edge_index,
        "edge_weight": edge_weight,
        "Wz": _glorot(ks[3], (2, K, F_IN + F_H, F_H)),
        "bz": jnp.zeros((F_H,), jnp.float32),
        "Wr": _glorot(ks[4], (2, K, F_IN + F_H, F_H)),
        "br": jnp.zeros((F_H,), jnp.float32),
        "Wh": _glorot(ks[5], (2, K, F_IN + F_H, F_H)),
        "bh": jnp.zeros((F_H,), jnp.float32),
        "Wg": _glorot(ks[6], (F_H, F_H)),
        "bg": jnp.zeros((F_H,), jnp.float32),
        "gamma": jnp.ones((F_H,), jnp.float32),
        "beta": jnp.zeros((F_H,), jnp.float32),
        "Wl": _glorot(ks[7], (F_H, 1)),
        "bl": jnp.zeros((1,), jnp.float32),
    }


def _dconv(X, edge_index, edge_weight, W, b):
    # Diffusion conv (DCRNN): D_O^-1 W forward walk + D_I^-1 W^T reverse walk, Chebyshev-style recursion
    n = X.shape[0]
    src, dst = edge_index[0], edge_index[1]
    deg_out = jnp.zeros((n,), X.dtype).at[src].add(edge_weight)
    deg_in = jnp.zeros((n,), X.dtype).at[dst].add(edge_weight)
    do_inv = jnp.where(deg_out > 0, 1.0 / deg_out, 0.0)
    di_inv = jnp.where(deg_in > 0, 1.0 / deg_in, 0.0)
    norm_out = edge_weight * do_inv[src]
    norm_in = edge_weight * di_inv[dst]

    def prop_out(h):
        return jnp.zeros((n, h.shape[1]), h.dtype).at[dst].add(norm_out[:, None] * h[src])

    def prop_in(h):
        return jnp.zeros((n, h.shape[1]), h.dtype).at[src].add(norm_in[:, None] * h[dst])

    Tx0 = X
    H = X @ W[0, 0] + X @ W[1, 0]
    nK = W.shape[1]
    if nK > 1:
        Tx1_o = prop_out(X)
        Tx1_i = prop_in(X)
        H = H + Tx1_o @ W[0, 1] + Tx1_i @ W[1, 1]
        for k in range(2, nK):
            Tx2_o = 2.0 * prop_out(Tx1_o) - Tx0
            Tx2_i = 2.0 * prop_in(Tx1_i) - Tx0
            H = H + Tx2_o @ W[0, k] + Tx2_i @ W[1, k]
            Tx1_o, Tx1_i = Tx2_o, Tx2_i
    return H + b


def _gcn(X, edge_index, W, b):
    n = X.shape[0]
    loop = jnp.arange(n, dtype=edge_index.dtype)
    src = jnp.concatenate([edge_index[0], loop])
    dst = jnp.concatenate([edge_index[1], loop])
    ones = jnp.ones((src.shape[0],), X.dtype)
    deg = jnp.zeros((n,), X.dtype).at[dst].add(ones)
    dinv = jnp.where(deg > 0, deg ** -0.5, 0.0)
    norm = dinv[src] * dinv[dst]
    Xw = X @ W
    out = jnp.zeros_like(Xw).at[dst].add(norm[:, None] * Xw[src])
    return out + b


def reference(x, edge_index, edge_weight, Wz, bz, Wr, br, Wh, bh, Wg, bg, gamma, beta, Wl, bl):
    # DCRNN GRU cell with H0 = zeros (single step, no hidden state passed)
    H0 = jnp.zeros((x.shape[0], Wz.shape[-1]), x.dtype)
    XH = jnp.concatenate([x, H0], axis=1)
    Z = jax.nn.sigmoid(_dconv(XH, edge_index, edge_weight, Wz, bz))
    R = jax.nn.sigmoid(_dconv(XH, edge_index, edge_weight, Wr, br))
    XRH = jnp.concatenate([x, R * H0], axis=1)
    Ht = jnp.tanh(_dconv(XRH, edge_index, edge_weight, Wh, bh))
    H = Z * H0 + (1.0 - Z) * Ht
    h = _gcn(H, edge_index, Wg, bg)
    h = jax.nn.relu(h)
    # BatchNorm1d, training-mode batch statistics (biased var), eps=1e-5
    mu = jnp.mean(h, axis=0)
    var = jnp.var(h, axis=0)
    h = (h - mu) / jnp.sqrt(var + 1e-5) * gamma + beta
    # Dropout: identity in eval mode
    return h @ Wl + bl

if __name__ == "__main__":
    import jax
    _d = setup_inputs()
    print(jax.jit(kernel)(*tuple(_d.values())))

</pallas_src>

<mosaic_0001>
#map = affine_map<(d0, d1) -> (0, 0)>
#map1 = affine_map<(d0, d1) -> (0, 0, 0)>
module attributes {stable_mosaic.version = 14 : i64} {
  func.func @_prop_kernel(%arg0: i32, %arg1: i32, %arg2: memref<10000x128xf32, #tpu.memory_space<hbm>>, %arg3: memref<10000x128xf32, #tpu.memory_space<hbm>>, %arg4: memref<80x50x80xi32, #tpu.memory_space<hbm>>, %arg5: memref<80x50x80xi32, #tpu.memory_space<hbm>>, %arg6: memref<80x50x80xf32, #tpu.memory_space<hbm>>, %arg7: memref<10240x128xf32, #tpu.memory_space<hbm>>, %arg8: memref<2x10240x128xf32, #tpu.memory_space<hbm>>, %arg9: memref<50x80xi32, #tpu.memory_space<vmem>>, %arg10: memref<50x80xi32, #tpu.memory_space<vmem>>, %arg11: memref<50x80xf32, #tpu.memory_space<vmem>>, %arg12: memref<80xf32, #tpu.memory_space<vmem>>, %arg13: memref<80x128xf32, #tpu.memory_space<vmem>>, %arg14: memref<80x128xf32, #tpu.memory_space<vmem>>, %arg15: memref<10240x128xf32, #tpu.memory_space<vmem_shared>>, %arg16: memref<!tpu.dma_semaphore, #tpu.memory_space<semaphore_mem>>, %arg17: memref<!tpu.dma_semaphore, #tpu.memory_space<semaphore_mem>>, %arg18: memref<!tpu.dma_semaphore, #tpu.memory_space<semaphore_mem>>, %arg19: memref<!tpu.dma_semaphore, #tpu.memory_space<semaphore_mem>>) attributes {dimension_semantics = [#tpu.dimension_semantics<core_parallel>, #tpu.dimension_semantics<subcore_parallel>], iteration_bounds = array<i64: 2, 16>, scalar_prefetch = 0 : i64, scratch_operands = 11 : i64, tpu.core_type = #tpu.core_type<sc_vector_subcore>, window_params = [{transform_indices = #map}, {transform_indices = #map}, {transform_indices = #map1}, {transform_indices = #map1}, {transform_indices = #map1}, {transform_indices = #map}, {transform_indices = #map1}]} {
    %mul3A = arith.constant 640 : i32
    %mul3A_0 = arith.muli %arg1, %mul3A : i32
    "tpu.region"() ({
      %run_scoped3A = tpu.sem_alloc : memref<!tpu.dma_semaphore, #tpu.memory_space<semaphore_mem>>
      %dma_start3A = arith.constant 0 : i32
      %dma_start3A_13 = tpu.memref_slice %arg15[%mul3A_0, %dma_start3A] : memref<10240x128xf32, #tpu.memory_space<vmem_shared>> -> memref<640x128xf32, #tpu.memory_space<vmem_shared>>
      %dma_start3A_14 = arith.constant 0 : i32
      %dma_start3A_15 = tpu.memref_slice %arg7[%mul3A_0, %dma_start3A_14] : memref<10240x128xf32, #tpu.memory_space<hbm>> -> memref<640x128xf32, #tpu.memory_space<hbm>>
      tpu.enqueue_dma source(%dma_start3A_15 : memref<640x128xf32, #tpu.memory_space<hbm>>) target(%dma_start3A_13 : memref<640x128xf32, #tpu.memory_space<vmem_shared>>) target_semaphore(%run_scoped3A : memref<!tpu.dma_semaphore, #tpu.memory_space<semaphore_mem>>)
      %dma_wait3A_16 = arith.constant 0 : i32
      %dma_wait3A_17 = tpu.memref_slice %arg15[%mul3A_0, %dma_wait3A_16] : memref<10240x128xf32, #tpu.memory_space<vmem_shared>> -> memref<640x128xf32, #tpu.memory_space<vmem_shared>>
      %dma_wait3A_18 = arith.constant 0 : i32
      %dma_wait3A_19 = tpu.memref_slice %arg7[%mul3A_0, %dma_wait3A_18] : memref<10240x128xf32, #tpu.memory_space<hbm>> -> memref<640x128xf32, #tpu.memory_space<hbm>>
      tpu.wait_dma2 semaphore(%run_scoped3A : memref<!tpu.dma_semaphore, #tpu.memory_space<semaphore_mem>>) src(%dma_wait3A_19 : memref<640x128xf32, #tpu.memory_space<hbm>>) dst(%dma_wait3A_17 : memref<640x128xf32, #tpu.memory_space<vmem_shared>>)
      tpu.yield
    }) : () -> ()
    %barrier3A = arith.constant 0 : index
    tpu.barrier barrier_id(%barrier3A)
    %scan3A = arith.constant 0 : i32
    %scan3A_1 = arith.constant 0 : i32
    %scan3A_2 = arith.constant 125 : i32
    %scan3A_3 = arith.addi %scan3A_1, %scan3A_2 : i32
    %scan3A_4 = arith.constant 1 : i32
    scf.for %scan3A_13 = %scan3A_1 to %scan3A_3 step %scan3A_4  : i32 {
      %jit3A = arith.constant 25 : i32
      %eq3A = arith.constant 0 : i32
      %eq3A_14 = arith.cmpi eq, %jit3A, %eq3A : i32
      %jit3A_15 = arith.constant 1 : i32
      %select_n3A = arith.select %eq3A_14, %jit3A_15, %jit3A : i32
      %rem3A = arith.remsi %scan3A_13, %select_n3A : i32
      %ne3A = arith.constant 0 : i32
      %ne3A_16 = arith.cmpi ne, %rem3A, %ne3A : i32
      %lt3A = arith.constant 0 : i32
      %lt3A_17 = arith.cmpi slt, %rem3A, %lt3A : i32
      %lt3A_18 = arith.constant 0 : i32
      %lt3A_19 = arith.cmpi slt, %select_n3A, %lt3A_18 : i32
      %ne3A_20 = arith.xori %lt3A_17, %lt3A_19 : i1
      %and3A = arith.andi %ne3A_20, %ne3A_16 : i1
      %add3A = arith.addi %rem3A, %select_n3A : i32
      %select_n3A_21 = arith.select %and3A, %add3A, %rem3A : i32
      %mul3A_22 = arith.constant 5 : i32
      %mul3A_23 = arith.muli %arg1, %mul3A_22 : i32
      %jit3A_24 = arith.constant 25 : i32
      %div3A = arith.divsi %scan3A_13, %jit3A_24 : i32
      %sign3A = arith.constant 0 : i32
      %sign3A_25 = arith.cmpi sgt, %scan3A_13, %sign3A : i32
      %sign3A_26 = arith.extui %sign3A_25 : i1 to i32
      %sign3A_27 = arith.constant 0 : i32
      %sign3A_28 = arith.cmpi slt, %scan3A_13, %sign3A_27 : i32
      %sign3A_29 = arith.extui %sign3A_28 : i1 to i32
      %sign3A_30 = arith.subi %sign3A_26, %sign3A_29 : i32
      %sign3A_31 = arith.constant 0 : i32
      %sign3A_32 = arith.cmpi sgt, %jit3A_24, %sign3A_31 : i32
      %sign3A_33 = arith.extui %sign3A_32 : i1 to i32
      %sign3A_34 = arith.constant 0 : i32
      %sign3A_35 = arith.cmpi slt, %jit3A_24, %sign3A_34 : i32
      %sign3A_36 = arith.extui %sign3A_35 : i1 to i32
      %sign3A_37 = arith.subi %sign3A_33, %sign3A_36 : i32
      %ne3A_38 = arith.cmpi ne, %sign3A_30, %sign3A_37 : i32
      %rem3A_39 = arith.remsi %scan3A_13, %jit3A_24 : i32
      %ne3A_40 = arith.constant 0 : i32
      %ne3A_41 = arith.cmpi ne, %rem3A_39, %ne3A_40 : i32
      %and3A_42 = arith.andi %ne3A_38, %ne3A_41 : i1
      %sub3A = arith.constant 1 : i32
      %sub3A_43 = arith.subi %div3A, %sub3A : i32
      %select_n3A_44 = arith.select %and3A_42, %sub3A_43, %div3A : i32
      %add3A_45 = arith.addi %mul3A_23, %select_n3A_44 : i32
      %eq3A_46 = arith.constant 0 : i32
      %eq3A_47 = arith.cmpi eq, %select_n3A_21, %eq3A_46 : i32
      %gt3A = arith.constant 0 : i32
      %gt3A_48 = arith.cmpi sgt, %scan3A_13, %gt3A : i32
      %and3A_49 = arith.andi %eq3A_47, %gt3A_48 : i1
      %convert_element_type3A = arith.extui %and3A_49 : i1 to i32
      %cond3A = arith.constant 0 : i32
      %cond3A_50 = arith.cmpi ne, %convert_element_type3A, %cond3A : i32
      scf.if %cond3A_50 {
        %dma_wait3A_210 = arith.constant 0 : i32
        %dma_wait3A_211 = arith.constant 0 : i32
        %dma_wait3A_212 = tpu.memref_slice %arg10[%dma_wait3A_210, %dma_wait3A_211] : memref<50x80xi32, #tpu.memory_space<vmem>> -> memref<1x80xi32, #tpu.memory_space<vmem>>
        %dma_wait3A_213 = tpu.memref_squeeze %dma_wait3A_212 : memref<1x80xi32, #tpu.memory_space<vmem>> -> memref<80xi32, #tpu.memory_space<vmem>>
        %dma_wait3A_214 = arith.constant 0 : i32
        %dma_wait3A_215 = arith.constant 0 : i32
        %dma_wait3A_216 = tpu.memref_slice %arg15[%dma_wait3A_214, %dma_wait3A_215] : memref<10240x128xf32, #tpu.memory_space<vmem_shared>> -> memref<10240x128xf32, #tpu.memory_space<vmem_shared>>
        tpu.wait_indirect_dma semaphore(%arg19 : memref<!tpu.dma_semaphore, #tpu.memory_space<semaphore_mem>>) src(%arg14 : memref<80x128xf32, #tpu.memory_space<vmem>>) dst(%dma_wait3A_216 : memref<10240x128xf32, #tpu.memory_space<vmem_shared>>)
      } else {
      }
      %eq3A_51 = arith.constant 0 : i32
      %eq3A_52 = arith.cmpi eq, %select_n3A_21, %eq3A_51 : i32
      %eq3A_53 = arith.constant 0 : i32
      %eq3A_54 = arith.cmpi eq, %arg0, %eq3A_53 : i32
      %and3A_55 = arith.andi %eq3A_52, %eq3A_54 : i1
      %convert_element_type3A_56 = arith.extui %and3A_55 : i1 to i32
      %cond3A_57 = arith.constant 0 : i32
      %cond3A_58 = arith.cmpi ne, %convert_element_type3A_56, %cond3A_57 : i32
      scf.if %cond3A_58 {
        "tpu.region"() ({
          %run_scoped3A = tpu.sem_alloc : memref<!tpu.dma_semaphore, #tpu.memory_space<semaphore_mem>>
          %dma_start3A_210 = arith.constant 0 : i32
          %dma_start3A_211 = arith.constant 0 : i32
          %dma_start3A_212 = tpu.memref_slice %arg4[%add3A_45, %dma_start3A_210, %dma_start3A_211] : memref<80x50x80xi32, #tpu.memory_space<hbm>> -> memref<1x50x80xi32, #tpu.memory_space<hbm>>
          %dma_start3A_213 = tpu.memref_squeeze %dma_start3A_212 : memref<1x50x80xi32, #tpu.memory_space<hbm>> -> memref<50x80xi32, #tpu.memory_space<hbm>>
          %dma_start3A_214 = arith.constant 0 : i32
          %dma_start3A_215 = arith.constant 0 : i32
          %dma_start3A_216 = tpu.memref_slice %arg4[%add3A_45, %dma_start3A_214, %dma_start3A_215] : memref<80x50x80xi32, #tpu.memory_space<hbm>> -> memref<1x50x80xi32, #tpu.memory_space<hbm>>
          %dma_start3A_217 = tpu.memref_squeeze %dma_start3A_216 : memref<1x50x80xi32, #tpu.memory_space<hbm>> -> memref<50x80xi32, #tpu.memory_space<hbm>>
          tpu.enqueue_dma source(%dma_start3A_217 : memref<50x80xi32, #tpu.memory_space<hbm>>) target(%arg9 : memref<50x80xi32, #tpu.memory_space<vmem>>) target_semaphore(%run_scoped3A : memref<!tpu.dma_semaphore, #tpu.memory_space<semaphore_mem>>)
          %dma_wait3A_218 = arith.constant 0 : i32
          %dma_wait3A_219 = arith.constant 0 : i32
          %dma_wait3A_220 = tpu.memref_slice %arg4[%add3A_45, %dma_wait3A_218, %dma_wait3A_219] : memref<80x50x80xi32, #tpu.memory_space<hbm>> -> memref<1x50x80xi32, #tpu.memory_space<hbm>>
          %dma_wait3A_221 = tpu.memref_squeeze %dma_wait3A_220 : memref<1x50x80xi32, #tpu.memory_space<hbm>> -> memref<50x80xi32, #tpu.memory_space<hbm>>
          %dma_wait3A_222 = arith.constant 0 : i32
          %dma_wait3A_223 = arith.constant 0 : i32
          %dma_wait3A_224 = tpu.memref_slice %arg4[%add3A_45, %dma_wait3A_222, %dma_wait3A_223] : memref<80x50x80xi32, #tpu.memory_space<hbm>> -> memref<1x50x80xi32, #tpu.memory_space<hbm>>
          %dma_wait3A_225 = tpu.memref_squeeze %dma_wait3A_224 : memref<1x50x80xi32, #tpu.memory_space<hbm>> -> memref<50x80xi32, #tpu.memory_space<hbm>>
          tpu.wait_dma2 semaphore(%run_scoped3A : memref<!tpu.dma_semaphore, #tpu.memory_space<semaphore_mem>>) src(%dma_wait3A_225 : memref<50x80xi32, #tpu.memory_space<hbm>>) dst(%arg9 : memref<50x80xi32, #tpu.memory_space<vmem>>)
          tpu.yield
        }) : () -> ()
        "tpu.region"() ({
          %run_scoped3A = tpu.sem_alloc : memref<!tpu.dma_semaphore, #tpu.memory_space<semaphore_mem>>
          %dma_start3A_210 = arith.constant 0 : i32
          %dma_start3A_211 = arith.constant 0 : i32
          %dma_start3A_212 = tpu.memref_slice %arg5[%add3A_45, %dma_start3A_210, %dma_start3A_211] : memref<80x50x80xi32, #tpu.memory_space<hbm>> -> memref<1x50x80xi32, #tpu.memory_space<hbm>>
          %dma_start3A_213 = tpu.memref_squeeze %dma_start3A_212 : memref<1x50x80xi32, #tpu.memory_space<hbm>> -> memref<50x80xi32, #tpu.memory_space<hbm>>
          %dma_start3A_214 = arith.constant 0 : i32
          %dma_start3A_215 = arith.constant 0 : i32
          %dma_start3A_216 = tpu.memref_slice %arg5[%add3A_45, %dma_start3A_214, %dma_start3A_215] : memref<80x50x80xi32, #tpu.memory_space<hbm>> -> memref<1x50x80xi32, #tpu.memory_space<hbm>>
          %dma_start3A_217 = tpu.memref_squeeze %dma_start3A_216 : memref<1x50x80xi32, #tpu.memory_space<hbm>> -> memref<50x80xi32, #tpu.memory_space<hbm>>
          tpu.enqueue_dma source(%dma_start3A_217 : memref<50x80xi32, #tpu.memory_space<hbm>>) target(%arg10 : memref<50x80xi32, #tpu.memory_space<vmem>>) target_semaphore(%run_scoped3A : memref<!tpu.dma_semaphore, #tpu.memory_space<semaphore_mem>>)
          %dma_wait3A_218 = arith.constant 0 : i32
          %dma_wait3A_219 = arith.constant 0 : i32
          %dma_wait3A_220 = tpu.memref_slice %arg5[%add3A_45, %dma_wait3A_218, %dma_wait3A_219] : memref<80x50x80xi32, #tpu.memory_space<hbm>> -> memref<1x50x80xi32, #tpu.memory_space<hbm>>
          %dma_wait3A_221 = tpu.memref_squeeze %dma_wait3A_220 : memref<1x50x80xi32, #tpu.memory_space<hbm>> -> memref<50x80xi32, #tpu.memory_space<hbm>>
          %dma_wait3A_222 = arith.constant 0 : i32
          %dma_wait3A_223 = arith.constant 0 : i32
          %dma_wait3A_224 = tpu.memref_slice %arg5[%add3A_45, %dma_wait3A_222, %dma_wait3A_223] : memref<80x50x80xi32, #tpu.memory_space<hbm>> -> memref<1x50x80xi32, #tpu.memory_space<hbm>>
          %dma_wait3A_225 = tpu.memref_squeeze %dma_wait3A_224 : memref<1x50x80xi32, #tpu.memory_space<hbm>> -> memref<50x80xi32, #tpu.memory_space<hbm>>
          tpu.wait_dma2 semaphore(%run_scoped3A : memref<!tpu.dma_semaphore, #tpu.memory_space<semaphore_mem>>) src(%dma_wait3A_225 : memref<50x80xi32, #tpu.memory_space<hbm>>) dst(%arg10 : memref<50x80xi32, #tpu.memory_space<vmem>>)
          tpu.yield
        }) : () -> ()
      } else {
      }
      %eq3A_59 = arith.constant 0 : i32
      %eq3A_60 = arith.cmpi eq, %select_n3A_21, %eq3A_59 : i32
      %eq3A_61 = arith.constant 1 : i32
      %eq3A_62 = arith.cmpi eq, %arg0, %eq3A_61 : i32
      %and3A_63 = arith.andi %eq3A_60, %eq3A_62 : i1
      %convert_element_type3A_64 = arith.extui %and3A_63 : i1 to i32
      %cond3A_65 = arith.constant 0 : i32
      %cond3A_66 = arith.cmpi ne, %convert_element_type3A_64, %cond3A_65 : i32
      scf.if %cond3A_66 {
        "tpu.region"() ({
          %run_scoped3A = tpu.sem_alloc : memref<!tpu.dma_semaphore, #tpu.memory_space<semaphore_mem>>
          %dma_start3A_210 = arith.constant 0 : i32
          %dma_start3A_211 = arith.constant 0 : i32
          %dma_start3A_212 = tpu.memref_slice %arg5[%add3A_45, %dma_start3A_210, %dma_start3A_211] : memref<80x50x80xi32, #tpu.memory_space<hbm>> -> memref<1x50x80xi32, #tpu.memory_space<hbm>>
          %dma_start3A_213 = tpu.memref_squeeze %dma_start3A_212 : memref<1x50x80xi32, #tpu.memory_space<hbm>> -> memref<50x80xi32, #tpu.memory_space<hbm>>
          %dma_start3A_214 = arith.constant 0 : i32
          %dma_start3A_215 = arith.constant 0 : i32
          %dma_start3A_216 = tpu.memref_slice %arg5[%add3A_45, %dma_start3A_214, %dma_start3A_215] : memref<80x50x80xi32, #tpu.memory_space<hbm>> -> memref<1x50x80xi32, #tpu.memory_space<hbm>>
          %dma_start3A_217 = tpu.memref_squeeze %dma_start3A_216 : memref<1x50x80xi32, #tpu.memory_space<hbm>> -> memref<50x80xi32, #tpu.memory_space<hbm>>
          tpu.enqueue_dma source(%dma_start3A_217 : memref<50x80xi32, #tpu.memory_space<hbm>>) target(%arg9 : memref<50x80xi32, #tpu.memory_space<vmem>>) target_semaphore(%run_scoped3A : memref<!tpu.dma_semaphore, #tpu.memory_space<semaphore_mem>>)
          %dma_wait3A_218 = arith.constant 0 : i32
          %dma_wait3A_219 = arith.constant 0 : i32
          %dma_wait3A_220 = tpu.memref_slice %arg5[%add3A_45, %dma_wait3A_218, %dma_wait3A_219] : memref<80x50x80xi32, #tpu.memory_space<hbm>> -> memref<1x50x80xi32, #tpu.memory_space<hbm>>
          %dma_wait3A_221 = tpu.memref_squeeze %dma_wait3A_220 : memref<1x50x80xi32, #tpu.memory_space<hbm>> -> memref<50x80xi32, #tpu.memory_space<hbm>>
          %dma_wait3A_222 = arith.constant 0 : i32
          %dma_wait3A_223 = arith.constant 0 : i32
          %dma_wait3A_224 = tpu.memref_slice %arg5[%add3A_45, %dma_wait3A_222, %dma_wait3A_223] : memref<80x50x80xi32, #tpu.memory_space<hbm>> -> memref<1x50x80xi32, #tpu.memory_space<hbm>>
          %dma_wait3A_225 = tpu.memref_squeeze %dma_wait3A_224 : memref<1x50x80xi32, #tpu.memory_space<hbm>> -> memref<50x80xi32, #tpu.memory_space<hbm>>
          tpu.wait_dma2 semaphore(%run_scoped3A : memref<!tpu.dma_semaphore, #tpu.memory_space<semaphore_mem>>) src(%dma_wait3A_225 : memref<50x80xi32, #tpu.memory_space<hbm>>) dst(%arg9 : memref<50x80xi32, #tpu.memory_space<vmem>>)
          tpu.yield
        }) : () -> ()
        "tpu.region"() ({
          %run_scoped3A = tpu.sem_alloc : memref<!tpu.dma_semaphore, #tpu.memory_space<semaphore_mem>>
          %dma_start3A_210 = arith.constant 0 : i32
          %dma_start3A_211 = arith.constant 0 : i32
          %dma_start3A_212 = tpu.memref_slice %arg4[%add3A_45, %dma_start3A_210, %dma_start3A_211] : memref<80x50x80xi32, #tpu.memory_space<hbm>> -> memref<1x50x80xi32, #tpu.memory_space<hbm>>
          %dma_start3A_213 = tpu.memref_squeeze %dma_start3A_212 : memref<1x50x80xi32, #tpu.memory_space<hbm>> -> memref<50x80xi32, #tpu.memory_space<hbm>>
          %dma_start3A_214 = arith.constant 0 : i32
          %dma_start3A_215 = arith.constant 0 : i32
          %dma_start3A_216 = tpu.memref_slice %arg4[%add3A_45, %dma_start3A_214, %dma_start3A_215] : memref<80x50x80xi32, #tpu.memory_space<hbm>> -> memref<1x50x80xi32, #tpu.memory_space<hbm>>
          %dma_start3A_217 = tpu.memref_squeeze %dma_start3A_216 : memref<1x50x80xi32, #tpu.memory_space<hbm>> -> memref<50x80xi32, #tpu.memory_space<hbm>>
          tpu.enqueue_dma source(%dma_start3A_217 : memref<50x80xi32, #tpu.memory_space<hbm>>) target(%arg10 : memref<50x80xi32, #tpu.memory_space<vmem>>) target_semaphore(%run_scoped3A : memref<!tpu.dma_semaphore, #tpu.memory_space<semaphore_mem>>)
          %dma_wait3A_218 = arith.constant 0 : i32
          %dma_wait3A_219 = arith.constant 0 : i32
          %dma_wait3A_220 = tpu.memref_slice %arg4[%add3A_45, %dma_wait3A_218, %dma_wait3A_219] : memref<80x50x80xi32, #tpu.memory_space<hbm>> -> memref<1x50x80xi32, #tpu.memory_space<hbm>>
          %dma_wait3A_221 = tpu.memref_squeeze %dma_wait3A_220 : memref<1x50x80xi32, #tpu.memory_space<hbm>> -> memref<50x80xi32, #tpu.memory_space<hbm>>
          %dma_wait3A_222 = arith.constant 0 : i32
          %dma_wait3A_223 = arith.constant 0 : i32
          %dma_wait3A_224 = tpu.memref_slice %arg4[%add3A_45, %dma_wait3A_222, %dma_wait3A_223] : memref<80x50x80xi32, #tpu.memory_space<hbm>> -> memref<1x50x80xi32, #tpu.memory_space<hbm>>
          %dma_wait3A_225 = tpu.memref_squeeze %dma_wait3A_224 : memref<1x50x80xi32, #tpu.memory_space<hbm>> -> memref<50x80xi32, #tpu.memory_space<hbm>>
          tpu.wait_dma2 semaphore(%run_scoped3A : memref<!tpu.dma_semaphore, #tpu.memory_space<semaphore_mem>>) src(%dma_wait3A_225 : memref<50x80xi32, #tpu.memory_space<hbm>>) dst(%arg10 : memref<50x80xi32, #tpu.memory_space<vmem>>)
          tpu.yield
        }) : () -> ()
      } else {
      }
      %eq3A_67 = arith.constant 0 : i32
      %eq3A_68 = arith.cmpi eq, %select_n3A_21, %eq3A_67 : i32
      %convert_element_type3A_69 = arith.extui %eq3A_68 : i1 to i32
      %cond3A_70 = arith.constant 0 : i32
      %cond3A_71 = arith.cmpi ne, %convert_element_type3A_69, %cond3A_70 : i32
      scf.if %cond3A_71 {
        "tpu.region"() ({
          %run_scoped3A = tpu.sem_alloc : memref<!tpu.dma_semaphore, #tpu.memory_space<semaphore_mem>>
          %dma_start3A_220 = arith.constant 0 : i32
          %dma_start3A_221 = arith.constant 0 : i32
          %dma_start3A_222 = tpu.memref_slice %arg6[%add3A_45, %dma_start3A_220, %dma_start3A_221] : memref<80x50x80xf32, #tpu.memory_space<hbm>> -> memref<1x50x80xf32, #tpu.memory_space<hbm>>
          %dma_start3A_223 = tpu.memref_squeeze %dma_start3A_222 : memref<1x50x80xf32, #tpu.memory_space<hbm>> -> memref<50x80xf32, #tpu.memory_space<hbm>>
          %dma_start3A_224 = arith.constant 0 : i32
          %dma_start3A_225 = arith.constant 0 : i32
          %dma_start3A_226 = tpu.memref_slice %arg6[%add3A_45, %dma_start3A_224, %dma_start3A_225] : memref<80x50x80xf32, #tpu.memory_space<hbm>> -> memref<1x50x80xf32, #tpu.memory_space<hbm>>
          %dma_start3A_227 = tpu.memref_squeeze %dma_start3A_226 : memref<1x50x80xf32, #tpu.memory_space<hbm>> -> memref<50x80xf32, #tpu.memory_space<hbm>>
          tpu.enqueue_dma source(%dma_start3A_227 : memref<50x80xf32, #tpu.memory_space<hbm>>) target(%arg11 : memref<50x80xf32, #tpu.memory_space<vmem>>) target_semaphore(%run_scoped3A : memref<!tpu.dma_semaphore, #tpu.memory_space<semaphore_mem>>)
          %dma_wait3A_228 = arith.constant 0 : i32
          %dma_wait3A_229 = arith.constant 0 : i32
          %dma_wait3A_230 = tpu.memref_slice %arg6[%add3A_45, %dma_wait3A_228, %dma_wait3A_229] : memref<80x50x80xf32, #tpu.memory_space<hbm>> -> memref<1x50x80xf32, #tpu.memory_space<hbm>>
          %dma_wait3A_231 = tpu.memref_squeeze %dma_wait3A_230 : memref<1x50x80xf32, #tpu.memory_space<hbm>> -> memref<50x80xf32, #tpu.memory_space<hbm>>
          %dma_wait3A_232 = arith.constant 0 : i32
          %dma_wait3A_233 = arith.constant 0 : i32
          %dma_wait3A_234 = tpu.memref_slice %arg6[%add3A_45, %dma_wait3A_232, %dma_wait3A_233] : memref<80x50x80xf32, #tpu.memory_space<hbm>> -> memref<1x50x80xf32, #tpu.memory_space<hbm>>
          %dma_wait3A_235 = tpu.memref_squeeze %dma_wait3A_234 : memref<1x50x80xf32, #tpu.memory_space<hbm>> -> memref<50x80xf32, #tpu.memory_space<hbm>>
          tpu.wait_dma2 semaphore(%run_scoped3A : memref<!tpu.dma_semaphore, #tpu.memory_space<semaphore_mem>>) src(%dma_wait3A_235 : memref<50x80xf32, #tpu.memory_space<hbm>>) dst(%arg11 : memref<50x80xf32, #tpu.memory_space<vmem>>)
          tpu.yield
        }) : () -> ()
        %eq3A_210 = arith.constant 0 : i32
        %eq3A_211 = arith.cmpi eq, %arg0, %eq3A_210 : i32
        %convert_element_type3A_212 = arith.extui %eq3A_211 : i1 to i32
        %cond3A_213 = arith.constant 0 : i32
        %cond3A_214 = arith.cmpi ne, %convert_element_type3A_212, %cond3A_213 : i32
        scf.if %cond3A_214 {
          %dma_start3A_220 = arith.constant 0 : i32
          %dma_start3A_221 = arith.constant 0 : i32
          %dma_start3A_222 = arith.constant 0 : i32
          %dma_start3A_223 = tpu.memref_slice %arg13[%dma_start3A_221, %dma_start3A_222] : memref<80x128xf32, #tpu.memory_space<vmem>> -> memref<40x128xf32, #tpu.memory_space<vmem>>
          %dma_start3A_224 = arith.constant 0 : i32
          %dma_start3A_225 = tpu.memref_slice %arg9[%dma_start3A_220, %dma_start3A_224] : memref<50x80xi32, #tpu.memory_space<vmem>> -> memref<1x40xi32, #tpu.memory_space<vmem>>
          %dma_start3A_226 = tpu.memref_squeeze %dma_start3A_225 : memref<1x40xi32, #tpu.memory_space<vmem>> -> memref<40xi32, #tpu.memory_space<vmem>>
          %dma_start3A_227 = arith.constant 0 : i32
          %dma_start3A_228 = arith.constant 0 : i32
          %dma_start3A_229 = tpu.memref_slice %arg2[%dma_start3A_227, %dma_start3A_228] : memref<10000x128xf32, #tpu.memory_space<hbm>> -> memref<10000x128xf32, #tpu.memory_space<hbm>>
          tpu.enqueue_indirect_dma source(%dma_start3A_229 : memref<10000x128xf32, #tpu.memory_space<hbm>>) target(%dma_start3A_223 : memref<40x128xf32, #tpu.memory_space<vmem>>) offsets(%dma_start3A_226 : memref<40xi32, #tpu.memory_space<vmem>>) semaphore(%arg16 : memref<!tpu.dma_semaphore, #tpu.memory_space<semaphore_mem>>)
          %dma_start3A_230 = arith.constant 0 : i32
          %dma_start3A_231 = arith.constant 40 : i32
          %dma_start3A_232 = arith.constant 0 : i32
          %dma_start3A_233 = tpu.memref_slice %arg13[%dma_start3A_231, %dma_start3A_232] : memref<80x128xf32, #tpu.memory_space<vmem>> -> memref<40x128xf32, #tpu.memory_space<vmem>>
          %dma_start3A_234 = arith.constant 40 : i32
          %dma_start3A_235 = tpu.memref_slice %arg9[%dma_start3A_230, %dma_start3A_234] : memref<50x80xi32, #tpu.memory_space<vmem>> -> memref<1x40xi32, #tpu.memory_space<vmem>>
          %dma_start3A_236 = tpu.memref_squeeze %dma_start3A_235 : memref<1x40xi32, #tpu.memory_space<vmem>> -> memref<40xi32, #tpu.memory_space<vmem>>
          %dma_start3A_237 = arith.constant 0 : i32
          %dma_start3A_238 = arith.constant 0 : i32
          %dma_start3A_239 = tpu.memref_slice %arg2[%dma_start3A_237, %dma_start3A_238] : memref<10000x128xf32, #tpu.memory_space<hbm>> -> memref<10000x128xf32, #tpu.memory_space<hbm>>
          tpu.enqueue_indirect_dma source(%dma_start3A_239 : memref<10000x128xf32, #tpu.memory_space<hbm>>) target(%dma_start3A_233 : memref<40x128xf32, #tpu.memory_space<vmem>>) offsets(%dma_start3A_236 : memref<40xi32, #tpu.memory_space<vmem>>) semaphore(%arg16 : memref<!tpu.dma_semaphore, #tpu.memory_space<semaphore_mem>>)
        } else {
        }
        %eq3A_215 = arith.constant 1 : i32
        %eq3A_216 = arith.cmpi eq, %arg0, %eq3A_215 : i32
        %convert_element_type3A_217 = arith.extui %eq3A_216 : i1 to i32
        %cond3A_218 = arith.constant 0 : i32
        %cond3A_219 = arith.cmpi ne, %convert_element_type3A_217, %cond3A_218 : i32
        scf.if %cond3A_219 {
          %dma_start3A_220 = arith.constant 0 : i32
          %dma_start3A_221 = arith.constant 0 : i32
          %dma_start3A_222 = arith.constant 0 : i32
          %dma_start3A_223 = tpu.memref_slice %arg13[%dma_start3A_221, %dma_start3A_222] : memref<80x128xf32, #tpu.memory_space<vmem>> -> memref<40x128xf32, #tpu.memory_space<vmem>>
          %dma_start3A_224 = arith.constant 0 : i32
          %dma_start3A_225 = tpu.memref_slice %arg9[%dma_start3A_220, %dma_start3A_224] : memref<50x80xi32, #tpu.memory_space<vmem>> -> memref<1x40xi32, #tpu.memory_space<vmem>>
          %dma_start3A_226 = tpu.memref_squeeze %dma_start3A_225 : memref<1x40xi32, #tpu.memory_space<vmem>> -> memref<40xi32, #tpu.memory_space<vmem>>
          %dma_start3A_227 = arith.constant 0 : i32
          %dma_start3A_228 = arith.constant 0 : i32
          %dma_start3A_229 = tpu.memref_slice %arg3[%dma_start3A_227, %dma_start3A_228] : memref<10000x128xf32, #tpu.memory_space<hbm>> -> memref<10000x128xf32, #tpu.memory_space<hbm>>
          tpu.enqueue_indirect_dma source(%dma_start3A_229 : memref<10000x128xf32, #tpu.memory_space<hbm>>) target(%dma_start3A_223 : memref<40x128xf32, #tpu.memory_space<vmem>>) offsets(%dma_start3A_226 : memref<40xi32, #tpu.memory_space<vmem>>) semaphore(%arg16 : memref<!tpu.dma_semaphore, #tpu.memory_space<semaphore_mem>>)
          %dma_start3A_230 = arith.constant 0 : i32
          %dma_start3A_231 = arith.constant 40 : i32
          %dma_start3A_232 = arith.constant 0 : i32
          %dma_start3A_233 = tpu.memref_slice %arg13[%dma_start3A_231, %dma_start3A_232] : memref<80x128xf32, #tpu.memory_space<vmem>> -> memref<40x128xf32, #tpu.memory_space<vmem>>
          %dma_start3A_234 = arith.constant 40 : i32
          %dma_start3A_235 = tpu.memref_slice %arg9[%dma_start3A_230, %dma_start3A_234] : memref<50x80xi32, #tpu.memory_space<vmem>> -> memref<1x40xi32, #tpu.memory_space<vmem>>
          %dma_start3A_236 = tpu.memref_squeeze %dma_start3A_235 : memref<1x40xi32, #tpu.memory_space<vmem>> -> memref<40xi32, #tpu.memory_space<vmem>>
          %dma_start3A_237 = arith.constant 0 : i32
          %dma_start3A_238 = arith.constant 0 : i32
          %dma_start3A_239 = tpu.memref_slice %arg3[%dma_start3A_237, %dma_start3A_238] : memref<10000x128xf32, #tpu.memory_space<hbm>> -> memref<10000x128xf32, #tpu.memory_space<hbm>>
          tpu.enqueue_indirect_dma source(%dma_start3A_239 : memref<10000x128xf32, #tpu.memory_space<hbm>>) target(%dma_start3A_233 : memref<40x128xf32, #tpu.memory_space<vmem>>) offsets(%dma_start3A_236 : memref<40xi32, #tpu.memory_space<vmem>>) semaphore(%arg16 : memref<!tpu.dma_semaphore, #tpu.memory_space<semaphore_mem>>)
        } else {
        }
      } else {
      }
      %mul3A_72 = arith.constant 2 : i32
      %mul3A_73 = arith.muli %mul3A_72, %select_n3A_21 : i32
      %add3A_74 = arith.constant 0 : i32
      %add3A_75 = arith.addi %mul3A_73, %add3A_74 : i32
      %ge3A = arith.constant 1 : i32
      %ge3A_76 = arith.cmpi sge, %add3A_75, %ge3A : i32
      %convert_element_type3A_77 = arith.extui %ge3A_76 : i1 to i32
      %cond3A_78 = arith.constant 0 : i32
      %cond3A_79 = arith.cmpi ne, %convert_element_type3A_77, %cond3A_78 : i32
      scf.if %cond3A_79 {
        %dma_wait3A_210 = arith.constant 0 : i32
        %dma_wait3A_211 = tpu.memref_slice %arg10[%add3A_75, %dma_wait3A_210] : memref<50x80xi32, #tpu.memory_space<vmem>> -> memref<1x80xi32, #tpu.memory_space<vmem>>
        %dma_wait3A_212 = tpu.memref_squeeze %dma_wait3A_211 : memref<1x80xi32, #tpu.memory_space<vmem>> -> memref<80xi32, #tpu.memory_space<vmem>>
        %dma_wait3A_213 = arith.constant 0 : i32
        %dma_wait3A_214 = arith.constant 0 : i32
        %dma_wait3A_215 = tpu.memref_slice %arg15[%dma_wait3A_213, %dma_wait3A_214] : memref<10240x128xf32, #tpu.memory_space<vmem_shared>> -> memref<10240x128xf32, #tpu.memory_space<vmem_shared>>
        tpu.wait_indirect_dma semaphore(%arg19 : memref<!tpu.dma_semaphore, #tpu.memory_space<semaphore_mem>>) src(%arg14 : memref<80x128xf32, #tpu.memory_space<vmem>>) dst(%dma_wait3A_215 : memref<10240x128xf32, #tpu.memory_space<vmem_shared>>)
      } else {
      }
      %add3A_80 = arith.constant 1 : i32
      %add3A_81 = arith.addi %add3A_75, %add3A_80 : i32
      %lt3A_82 = arith.constant 50 : i32
      %lt3A_83 = arith.cmpi slt, %add3A_81, %lt3A_82 : i32
      %convert_element_type3A_84 = arith.extui %lt3A_83 : i1 to i32
      %cond3A_85 = arith.constant 0 : i32
      %cond3A_86 = arith.cmpi ne, %convert_element_type3A_84, %cond3A_85 : i32
      scf.if %cond3A_86 {
        %add3A_210 = arith.constant 1 : i32
        %add3A_211 = arith.addi %add3A_75, %add3A_210 : i32
        %eq3A_212 = arith.constant 0 : i32
        %eq3A_213 = arith.cmpi eq, %arg0, %eq3A_212 : i32
        %convert_element_type3A_214 = arith.extui %eq3A_213 : i1 to i32
        %cond3A_215 = arith.constant 0 : i32
        %cond3A_216 = arith.cmpi ne, %convert_element_type3A_214, %cond3A_215 : i32
        scf.if %cond3A_216 {
          %dma_start3A_222 = arith.constant 0 : i32
          %dma_start3A_223 = arith.constant 0 : i32
          %dma_start3A_224 = tpu.memref_slice %arg14[%dma_start3A_222, %dma_start3A_223] : memref<80x128xf32, #tpu.memory_space<vmem>> -> memref<40x128xf32, #tpu.memory_space<vmem>>
          %dma_start3A_225 = arith.constant 0 : i32
          %dma_start3A_226 = tpu.memref_slice %arg9[%add3A_211, %dma_start3A_225] : memref<50x80xi32, #tpu.memory_space<vmem>> -> memref<1x40xi32, #tpu.memory_space<vmem>>
          %dma_start3A_227 = tpu.memref_squeeze %dma_start3A_226 : memref<1x40xi32, #tpu.memory_space<vmem>> -> memref<40xi32, #tpu.memory_space<vmem>>
          %dma_start3A_228 = arith.constant 0 : i32
          %dma_start3A_229 = arith.constant 0 : i32
          %dma_start3A_230 = tpu.memref_slice %arg2[%dma_start3A_228, %dma_start3A_229] : memref<10000x128xf32, #tpu.memory_space<hbm>> -> memref<10000x128xf32, #tpu.memory_space<hbm>>
          tpu.enqueue_indirect_dma source(%dma_start3A_230 : memref<10000x128xf32, #tpu.memory_space<hbm>>) target(%dma_start3A_224 : memref<40x128xf32, #tpu.memory_space<vmem>>) offsets(%dma_start3A_227 : memref<40xi32, #tpu.memory_space<vmem>>) semaphore(%arg17 : memref<!tpu.dma_semaphore, #tpu.memory_space<semaphore_mem>>)
          %dma_start3A_231 = arith.constant 40 : i32
          %dma_start3A_232 = arith.constant 0 : i32
          %dma_start3A_233 = tpu.memref_slice %arg14[%dma_start3A_231, %dma_start3A_232] : memref<80x128xf32, #tpu.memory_space<vmem>> -> memref<40x128xf32, #tpu.memory_space<vmem>>
          %dma_start3A_234 = arith.constant 40 : i32
          %dma_start3A_235 = tpu.memref_slice %arg9[%add3A_211, %dma_start3A_234] : memref<50x80xi32, #tpu.memory_space<vmem>> -> memref<1x40xi32, #tpu.memory_space<vmem>>
          %dma_start3A_236 = tpu.memref_squeeze %dma_start3A_235 : memref<1x40xi32, #tpu.memory_space<vmem>> -> memref<40xi32, #tpu.memory_space<vmem>>
          %dma_start3A_237 = arith.constant 0 : i32
          %dma_start3A_238 = arith.constant 0 : i32
          %dma_start3A_239 = tpu.memref_slice %arg2[%dma_start3A_237, %dma_start3A_238] : memref<10000x128xf32, #tpu.memory_space<hbm>> -> memref<10000x128xf32, #tpu.memory_space<hbm>>
          tpu.enqueue_indirect_dma source(%dma_start3A_239 : memref<10000x128xf32, #tpu.memory_space<hbm>>) target(%dma_start3A_233 : memref<40x128xf32, #tpu.memory_space<vmem>>) offsets(%dma_start3A_236 : memref<40xi32, #tpu.memory_space<vmem>>) semaphore(%arg17 : memref<!tpu.dma_semaphore, #tpu.memory_space<semaphore_mem>>)
        } else {
        }
        %eq3A_217 = arith.constant 1 : i32
        %eq3A_218 = arith.cmpi eq, %arg0, %eq3A_217 : i32
        %convert_element_type3A_219 = arith.extui %eq3A_218 : i1 to i32
        %cond3A_220 = arith.constant 0 : i32
        %cond3A_221 = arith.cmpi ne, %convert_element_type3A_219, %cond3A_220 : i32
        scf.if %cond3A_221 {
          %dma_start3A_222 = arith.constant 0 : i32
          %dma_start3A_223 = arith.constant 0 : i32
          %dma_start3A_224 = tpu.memref_slice %arg14[%dma_start3A_222, %dma_start3A_223] : memref<80x128xf32, #tpu.memory_space<vmem>> -> memref<40x128xf32, #tpu.memory_space<vmem>>
          %dma_start3A_225 = arith.constant 0 : i32
          %dma_start3A_226 = tpu.memref_slice %arg9[%add3A_211, %dma_start3A_225] : memref<50x80xi32, #tpu.memory_space<vmem>> -> memref<1x40xi32, #tpu.memory_space<vmem>>
          %dma_start3A_227 = tpu.memref_squeeze %dma_start3A_226 : memref<1x40xi32, #tpu.memory_space<vmem>> -> memref<40xi32, #tpu.memory_space<vmem>>
          %dma_start3A_228 = arith.constant 0 : i32
          %dma_start3A_229 = arith.constant 0 : i32
          %dma_start3A_230 = tpu.memref_slice %arg3[%dma_start3A_228, %dma_start3A_229] : memref<10000x128xf32, #tpu.memory_space<hbm>> -> memref<10000x128xf32, #tpu.memory_space<hbm>>
          tpu.enqueue_indirect_dma source(%dma_start3A_230 : memref<10000x128xf32, #tpu.memory_space<hbm>>) target(%dma_start3A_224 : memref<40x128xf32, #tpu.memory_space<vmem>>) offsets(%dma_start3A_227 : memref<40xi32, #tpu.memory_space<vmem>>) semaphore(%arg17 : memref<!tpu.dma_semaphore, #tpu.memory_space<semaphore_mem>>)
          %dma_start3A_231 = arith.constant 40 : i32
          %dma_start3A_232 = arith.constant 0 : i32
          %dma_start3A_233 = tpu.memref_slice %arg14[%dma_start3A_231, %dma_start3A_232] : memref<80x128xf32, #tpu.memory_space<vmem>> -> memref<40x128xf32, #tpu.memory_space<vmem>>
          %dma_start3A_234 = arith.constant 40 : i32
          %dma_start3A_235 = tpu.memref_slice %arg9[%add3A_211, %dma_start3A_234] : memref<50x80xi32, #tpu.memory_space<vmem>> -> memref<1x40xi32, #tpu.memory_space<vmem>>
          %dma_start3A_236 = tpu.memref_squeeze %dma_start3A_235 : memref<1x40xi32, #tpu.memory_space<vmem>> -> memref<40xi32, #tpu.memory_space<vmem>>
          %dma_start3A_237 = arith.constant 0 : i32
          %dma_start3A_238 = arith.constant 0 : i32
          %dma_start3A_239 = tpu.memref_slice %arg3[%dma_start3A_237, %dma_start3A_238] : memref<10000x128xf32, #tpu.memory_space<hbm>> -> memref<10000x128xf32, #tpu.memory_space<hbm>>
          tpu.enqueue_indirect_dma source(%dma_start3A_239 : memref<10000x128xf32, #tpu.memory_space<hbm>>) target(%dma_start3A_233 : memref<40x128xf32, #tpu.memory_space<vmem>>) offsets(%dma_start3A_236 : memref<40xi32, #tpu.memory_space<vmem>>) semaphore(%arg17 : memref<!tpu.dma_semaphore, #tpu.memory_space<semaphore_mem>>)
        } else {
        }
      } else {
      }
      %dma_wait3A_87 = arith.constant 0 : i32
      %dma_wait3A_88 = arith.constant 0 : i32
      %dma_wait3A_89 = tpu.memref_slice %arg13[%dma_wait3A_87, %dma_wait3A_88] : memref<80x128xf32, #tpu.memory_space<vmem>> -> memref<40x128xf32, #tpu.memory_space<vmem>>
      %dma_wait3A_90 = arith.constant 0 : i32
      %dma_wait3A_91 = tpu.memref_slice %arg9[%add3A_75, %dma_wait3A_90] : memref<50x80xi32, #tpu.memory_space<vmem>> -> memref<1x40xi32, #tpu.memory_space<vmem>>
      %dma_wait3A_92 = tpu.memref_squeeze %dma_wait3A_91 : memref<1x40xi32, #tpu.memory_space<vmem>> -> memref<40xi32, #tpu.memory_space<vmem>>
      %dma_wait3A_93 = arith.constant 0 : i32
      %dma_wait3A_94 = arith.constant 0 : i32
      %dma_wait3A_95 = tpu.memref_slice %arg2[%dma_wait3A_93, %dma_wait3A_94] : memref<10000x128xf32, #tpu.memory_space<hbm>> -> memref<10000x128xf32, #tpu.memory_space<hbm>>
      tpu.wait_indirect_dma semaphore(%arg16 : memref<!tpu.dma_semaphore, #tpu.memory_space<semaphore_mem>>) src(%dma_wait3A_95 : memref<10000x128xf32, #tpu.memory_space<hbm>>) dst(%dma_wait3A_89 : memref<40x128xf32, #tpu.memory_space<vmem>>)
      %dma_wait3A_96 = arith.constant 40 : i32
      %dma_wait3A_97 = arith.constant 0 : i32
      %dma_wait3A_98 = tpu.memref_slice %arg13[%dma_wait3A_96, %dma_wait3A_97] : memref<80x128xf32, #tpu.memory_space<vmem>> -> memref<40x128xf32, #tpu.memory_space<vmem>>
      %dma_wait3A_99 = arith.constant 40 : i32
      %dma_wait3A_100 = tpu.memref_slice %arg9[%add3A_75, %dma_wait3A_99] : memref<50x80xi32, #tpu.memory_space<vmem>> -> memref<1x40xi32, #tpu.memory_space<vmem>>
      %dma_wait3A_101 = tpu.memref_squeeze %dma_wait3A_100 : memref<1x40xi32, #tpu.memory_space<vmem>> -> memref<40xi32, #tpu.memory_space<vmem>>
      %dma_wait3A_102 = arith.constant 0 : i32
      %dma_wait3A_103 = arith.constant 0 : i32
      %dma_wait3A_104 = tpu.memref_slice %arg2[%dma_wait3A_102, %dma_wait3A_103] : memref<10000x128xf32, #tpu.memory_space<hbm>> -> memref<10000x128xf32, #tpu.memory_space<hbm>>
      tpu.wait_indirect_dma semaphore(%arg16 : memref<!tpu.dma_semaphore, #tpu.memory_space<semaphore_mem>>) src(%dma_wait3A_104 : memref<10000x128xf32, #tpu.memory_space<hbm>>) dst(%dma_wait3A_98 : memref<40x128xf32, #tpu.memory_space<vmem>>)
      %get3A = arith.index_cast %add3A_75 : i32 to index
      %get3A_105 = arith.constant 0 : index
      %get3A_106 = tpu.vector_load %arg11[%get3A, %get3A_105] {strides = array<i32>} : memref<50x80xf32, #tpu.memory_space<vmem>>, vector<16xf32>,
      %swap3A = arith.constant 0 : index
      %swap3A_107 = tpu.vector_load %arg12[%swap3A] {strides = array<i32>} : memref<80xf32, #tpu.memory_space<vmem>>, vector<16xf32>,
      tpu.vector_store %arg12[%swap3A], %get3A_106 {strides = array<i32>} : memref<80xf32, #tpu.memory_space<vmem>>, vector<16xf32>,
      %get3A_108 = arith.index_cast %add3A_75 : i32 to index
      %get3A_109 = arith.constant 16 : index
      %get3A_110 = tpu.vector_load %arg11[%get3A_108, %get3A_109] {strides = array<i32>} : memref<50x80xf32, #tpu.memory_space<vmem>>, vector<16xf32>,
      %swap3A_111 = arith.constant 16 : index
      %swap3A_112 = tpu.vector_load %arg12[%swap3A_111] {strides = array<i32>} : memref<80xf32, #tpu.memory_space<vmem>>, vector<16xf32>,
      tpu.vector_store %arg12[%swap3A_111], %get3A_110 {strides = array<i32>} : memref<80xf32, #tpu.memory_space<vmem>>, vector<16xf32>,
      %get3A_113 = arith.index_cast %add3A_75 : i32 to index
      %get3A_114 = arith.constant 32 : index
      %get3A_115 = tpu.vector_load %arg11[%get3A_113, %get3A_114] {strides = array<i32>} : memref<50x80xf32, #tpu.memory_space<vmem>>, vector<16xf32>,
      %swap3A_116 = arith.constant 32 : index
      %swap3A_117 = tpu.vector_load %arg12[%swap3A_116] {strides = array<i32>} : memref<80xf32, #tpu.memory_space<vmem>>, vector<16xf32>,
      tpu.vector_store %arg12[%swap3A_116], %get3A_115 {strides = array<i32>} : memref<80xf32, #tpu.memory_space<vmem>>, vector<16xf32>,
      %get3A_118 = arith.index_cast %add3A_75 : i32 to index
      %get3A_119 = arith.constant 48 : index
      %get3A_120 = tpu.vector_load %arg11[%get3A_118, %get3A_119] {strides = array<i32>} : memref<50x80xf32, #tpu.memory_space<vmem>>, vector<16xf32>,
      %swap3A_121 = arith.constant 48 : index
      %swap3A_122 = tpu.vector_load %arg12[%swap3A_121] {strides = array<i32>} : memref<80xf32, #tpu.memory_space<vmem>>, vector<16xf32>,
      tpu.vector_store %arg12[%swap3A_121], %get3A_120 {strides = array<i32>} : memref<80xf32, #tpu.memory_space<vmem>>, vector<16xf32>,
      %get3A_123 = arith.index_cast %add3A_75 : i32 to index
      %get3A_124 = arith.constant 64 : index
      %get3A_125 = tpu.vector_load %arg11[%get3A_123, %get3A_124] {strides = array<i32>} : memref<50x80xf32, #tpu.memory_space<vmem>>, vector<16xf32>,
      %swap3A_126 = arith.constant 64 : index
      %swap3A_127 = tpu.vector_load %arg12[%swap3A_126] {strides = array<i32>} : memref<80xf32, #tpu.memory_space<vmem>>, vector<16xf32>,
      tpu.vector_store %arg12[%swap3A_126], %get3A_125 {strides = array<i32>} : memref<80xf32, #tpu.memory_space<vmem>>, vector<16xf32>,
      %scan3A_128 = arith.constant 0 : i32
      %scan3A_129 = arith.constant 0 : i32
      %scan3A_130 = arith.constant 5 : i32
      %scan3A_131 = arith.addi %scan3A_129, %scan3A_130 : i32
      %scan3A_132 = arith.constant 1 : i32
      scf.for %scan3A_210 = %scan3A_129 to %scan3A_131 step %scan3A_132  : i32 {
        %mul3A_211 = arith.constant 16 : i32
        %mul3A_212 = arith.muli %scan3A_210, %mul3A_211 : i32
        %add3A_213 = arith.constant 0 : i32
        %add3A_214 = arith.addi %mul3A_212, %add3A_213 : i32
        %broadcast_in_dim3A = vector.broadcast %add3A_214 : i32 to vector<16xi32>
        %gather3A = tpu.vector_load_idx %arg12[%broadcast_in_dim3A] : memref<80xf32, #tpu.memory_space<vmem>>[vector<16xi32>], vector<16xf32>,
        %get3A_215 = arith.index_cast %add3A_214 : i32 to index
        %get3A_216 = arith.constant 0 : index
        %get3A_217 = tpu.vector_load %arg13[%get3A_215, %get3A_216] {strides = array<i32>} : memref<80x128xf32, #tpu.memory_space<vmem>>, vector<16xf32>,
        %mul3A_218 = arith.mulf %get3A_217, %gather3A : vector<16xf32>
        %swap3A_219 = arith.index_cast %add3A_214 : i32 to index
        %swap3A_220 = arith.constant 0 : index
        %swap3A_221 = tpu.vector_load %arg13[%swap3A_219, %swap3A_220] {strides = array<i32>} : memref<80x128xf32, #tpu.memory_space<vmem>>, vector<16xf32>,
        tpu.vector_store %arg13[%swap3A_219, %swap3A_220], %mul3A_218 {strides = array<i32>} : memref<80x128xf32, #tpu.memory_space<vmem>>, vector<16xf32>,
        %get3A_222 = arith.index_cast %add3A_214 : i32 to index
        %get3A_223 = arith.constant 16 : index
        %get3A_224 = tpu.vector_load %arg13[%get3A_222, %get3A_223] {strides = array<i32>} : memref<80x128xf32, #tpu.memory_space<vmem>>, vector<16xf32>,
        %mul3A_225 = arith.mulf %get3A_224, %gather3A : vector<16xf32>
        %swap3A_226 = arith.index_cast %add3A_214 : i32 to index
        %swap3A_227 = arith.constant 16 : index
        %swap3A_228 = tpu.vector_load %arg13[%swap3A_226, %swap3A_227] {strides = array<i32>} : memref<80x128xf32, #tpu.memory_space<vmem>>, vector<16xf32>,
        tpu.vector_store %arg13[%swap3A_226, %swap3A_227], %mul3A_225 {strides = array<i32>} : memref<80x128xf32, #tpu.memory_space<vmem>>, vector<16xf32>,
        %get3A_229 = arith.index_cast %add3A_214 : i32 to index
        %get3A_230 = arith.constant 32 : index
        %get3A_231 = tpu.vector_load %arg13[%get3A_229, %get3A_230] {strides = array<i32>} : memref<80x128xf32, #tpu.memory_space<vmem>>, vector<16xf32>,
        %mul3A_232 = arith.mulf %get3A_231, %gather3A : vector<16xf32>
        %swap3A_233 = arith.index_cast %add3A_214 : i32 to index
        %swap3A_234 = arith.constant 32 : index
        %swap3A_235 = tpu.vector_load %arg13[%swap3A_233, %swap3A_234] {strides = array<i32>} : memref<80x128xf32, #tpu.memory_space<vmem>>, vector<16xf32>,
        tpu.vector_store %arg13[%swap3A_233, %swap3A_234], %mul3A_232 {strides = array<i32>} : memref<80x128xf32, #tpu.memory_space<vmem>>, vector<16xf32>,
        %get3A_236 = arith.index_cast %add3A_214 : i32 to index
        %get3A_237 = arith.constant 48 : index
        %get3A_238 = tpu.vector_load %arg13[%get3A_236, %get3A_237] {strides = array<i32>} : memref<80x128xf32, #tpu.memory_space<vmem>>, vector<16xf32>,
        %mul3A_239 = arith.mulf %get3A_238, %gather3A : vector<16xf32>
        %swap3A_240 = arith.index_cast %add3A_214 : i32 to index
        %swap3A_241 = arith.constant 48 : index
        %swap3A_242 = tpu.vector_load %arg13[%swap3A_240, %swap3A_241] {strides = array<i32>} : memref<80x128xf32, #tpu.memory_space<vmem>>, vector<16xf32>,
        tpu.vector_store %arg13[%swap3A_240, %swap3A_241], %mul3A_239 {strides = array<i32>} : memref<80x128xf32, #tpu.memory_space<vmem>>, vector<16xf32>,
        %get3A_243 = arith.index_cast %add3A_214 : i32 to index
        %get3A_244 = arith.constant 64 : index
        %get3A_245 = tpu.vector_load %arg13[%get3A_243, %get3A_244] {strides = array<i32>} : memref<80x128xf32, #tpu.memory_space<vmem>>, vector<16xf32>,
        %mul3A_246 = arith.mulf %get3A_245, %gather3A : vector<16xf32>
        %swap3A_247 = arith.index_cast %add3A_214 : i32 to index
        %swap3A_248 = arith.constant 64 : index
        %swap3A_249 = tpu.vector_load %arg13[%swap3A_247, %swap3A_248] {strides = array<i32>} : memref<80x128xf32, #tpu.memory_space<vmem>>, vector<16xf32>,
        tpu.vector_store %arg13[%swap3A_247, %swap3A_248], %mul3A_246 {strides = array<i32>} : memref<80x128xf32, #tpu.memory_space<vmem>>, vector<16xf32>,
        %get3A_250 = arith.index_cast %add3A_214 : i32 to index
        %get3A_251 = arith.constant 80 : index
        %get3A_252 = tpu.vector_load %arg13[%get3A_250, %get3A_251] {strides = array<i32>} : memref<80x128xf32, #tpu.memory_space<vmem>>, vector<16xf32>,
        %mul3A_253 = arith.mulf %get3A_252, %gather3A : vector<16xf32>
        %swap3A_254 = arith.index_cast %add3A_214 : i32 to index
        %swap3A_255 = arith.constant 80 : index
        %swap3A_256 = tpu.vector_load %arg13[%swap3A_254, %swap3A_255] {strides = array<i32>} : memref<80x128xf32, #tpu.memory_space<vmem>>, vector<16xf32>,
        tpu.vector_store %arg13[%swap3A_254, %swap3A_255], %mul3A_253 {strides = array<i32>} : memref<80x128xf32, #tpu.memory_space<vmem>>, vector<16xf32>,
        %get3A_257 = arith.index_cast %add3A_214 : i32 to index
        %get3A_258 = arith.constant 96 : index
        %get3A_259 = tpu.vector_load %arg13[%get3A_257, %get3A_258] {strides = array<i32>} : memref<80x128xf32, #tpu.memory_space<vmem>>, vector<16xf32>,
        %mul3A_260 = arith.mulf %get3A_259, %gather3A : vector<16xf32>
        %swap3A_261 = arith.index_cast %add3A_214 : i32 to index
        %swap3A_262 = arith.constant 96 : index
        %swap3A_263 = tpu.vector_load %arg13[%swap3A_261, %swap3A_262] {strides = array<i32>} : memref<80x128xf32, #tpu.memory_space<vmem>>, vector<16xf32>,
        tpu.vector_store %arg13[%swap3A_261, %swap3A_262], %mul3A_260 {strides = array<i32>} : memref<80x128xf32, #tpu.memory_space<vmem>>, vector<16xf32>,
        %get3A_264 = arith.index_cast %add3A_214 : i32 to index
        %get3A_265 = arith.constant 112 : index
        %get3A_266 = tpu.vector_load %arg13[%get3A_264, %get3A_265] {strides = array<i32>} : memref<80x128xf32, #tpu.memory_space<vmem>>, vector<16xf32>,
        %mul3A_267 = arith.mulf %get3A_266, %gather3A : vector<16xf32>
        %swap3A_268 = arith.index_cast %add3A_214 : i32 to index
        %swap3A_269 = arith.constant 112 : index
        %swap3A_270 = tpu.vector_load %arg13[%swap3A_268, %swap3A_269] {strides = array<i32>} : memref<80x128xf32, #tpu.memory_space<vmem>>, vector<16xf32>,
        tpu.vector_store %arg13[%swap3A_268, %swap3A_269], %mul3A_267 {strides = array<i32>} : memref<80x128xf32, #tpu.memory_space<vmem>>, vector<16xf32>,
        %add3A_271 = arith.constant 1 : i32
        %add3A_272 = arith.addi %mul3A_212, %add3A_271 : i32
        %broadcast_in_dim3A_273 = vector.broadcast %add3A_272 : i32 to vector<16xi32>
        %gather3A_274 = tpu.vector_load_idx %arg12[%broadcast_in_dim3A_273] : memref<80xf32, #tpu.memory_space<vmem>>[vector<16xi32>], vector<16xf32>,
        %get3A_275 = arith.index_cast %add3A_272 : i32 to index
        %get3A_276 = arith.constant 0 : index
        %get3A_277 = tpu.vector_load %arg13[%get3A_275, %get3A_276] {strides = array<i32>} : memref<80x128xf32, #tpu.memory_space<vmem>>, vector<16xf32>,
        %mul3A_278 = arith.mulf %get3A_277, %gather3A_274 : vector<16xf32>
        %swap3A_279 = arith.index_cast %add3A_272 : i32 to index
        %swap3A_280 = arith.constant 0 : index
        %swap3A_281 = tpu.vector_load %arg13[%swap3A_279, %swap3A_280] {strides = array<i32>} : memref<80x128xf32, #tpu.memory_space<vmem>>, vector<16xf32>,
        tpu.vector_store %arg13[%swap3A_279, %swap3A_280], %mul3A_278 {strides = array<i32>} : memref<80x128xf32, #tpu.memory_space<vmem>>, vector<16xf32>,
        %get3A_282 = arith.index_cast %add3A_272 : i32 to index
        %get3A_283 = arith.constant 16 : index
        %get3A_284 = tpu.vector_load %arg13[%get3A_282, %get3A_283] {strides = array<i32>} : memref<80x128xf32, #tpu.memory_space<vmem>>, vector<16xf32>,
        %mul3A_285 = arith.mulf %get3A_284, %gather3A_274 : vector<16xf32>
        %swap3A_286 = arith.index_cast %add3A_272 : i32 to index
        %swap3A_287 = arith.constant 16 : index
        %swap3A_288 = tpu.vector_load %arg13[%swap3A_286, %swap3A_287] {strides = array<i32>} : memref<80x128xf32, #tpu.memory_space<vmem>>, vector<16xf32>,
        tpu.vector_store %arg13[%swap3A_286, %swap3A_287], %mul3A_285 {strides = array<i32>} : memref<80x128xf32, #tpu.memory_space<vmem>>, vector<16xf32>,
        %get3A_289 = arith.index_cast %add3A_272 : i32 to index
        %get3A_290 = arith.constant 32 : index
        %get3A_291 = tpu.vector_load %arg13[%get3A_289, %get3A_290] {strides = array<i32>} : memref<80x128xf32, #tpu.memory_space<vmem>>, vector<16xf32>,
        %mul3A_292 = arith.mulf %get3A_291, %gather3A_274 : vector<16xf32>
        %swap3A_293 = arith.index_cast %add3A_272 : i32 to index
        %swap3A_294 = arith.constant 32 : index
        %swap3A_295 = tpu.vector_load %arg13[%swap3A_293, %swap3A_294] {strides = array<i32>} : memref<80x128xf32, #tpu.memory_space<vmem>>, vector<16xf32>,
        tpu.vector_store %arg13[%swap3A_293, %swap3A_294], %mul3A_292 {strides = array<i32>} : memref<80x128xf32, #tpu.memory_space<vmem>>, vector<16xf32>,
        %get3A_296 = arith.index_cast %add3A_272 : i32 to index
        %get3A_297 = arith.constant 48 : index
        %get3A_298 = tpu.vector_load %arg13[%get3A_296, %get3A_297] {strides = array<i32>} : memref<80x128xf32, #tpu.memory_space<vmem>>, vector<16xf32>,
        %mul3A_299 = arith.mulf %get3A_298, %gather3A_274 : vector<16xf32>
        %swap3A_300 = arith.index_cast %add3A_272 : i32 to index
        %swap3A_301 = arith.constant 48 : index
        %swap3A_302 = tpu.vector_load %arg13[%swap3A_300, %swap3A_301] {strides = array<i32>} : memref<80x128xf32, #tpu.memory_space<vmem>>, vector<16xf32>,
        tpu.vector_store %arg13[%swap3A_300, %swap3A_301], %mul3A_299 {strides = array<i32>} : memref<80x128xf32, #tpu.memory_space<vmem>>, vector<16xf32>,
        %get3A_303 = arith.index_cast %add3A_272 : i32 to index
        %get3A_304 = arith.constant 64 : index
        %get3A_305 = tpu.vector_load %arg13[%get3A_303, %get3A_304] {strides = array<i32>} : memref<80x128xf32, #tpu.memory_space<vmem>>, vector<16xf32>,
        %mul3A_306 = arith.mulf %get3A_305, %gather3A_274 : vector<16xf32>
        %swap3A_307 = arith.index_cast %add3A_272 : i32 to index
        %swap3A_308 = arith.constant 64 : index
        %swap3A_309 = tpu.vector_load %arg13[%swap3A_307, %swap3A_308] {strides = array<i32>} : memref<80x128xf32, #tpu.memory_space<vmem>>, vector<16xf32>,
        tpu.vector_store %arg13[%swap3A_307, %swap3A_308], %mul3A_306 {strides = array<i32>} : memref<80x128xf32, #tpu.memory_space<vmem>>, vector<16xf32>,
        %get3A_310 = arith.index_cast %add3A_272 : i32 to index
        %get3A_311 = arith.constant 80 : index
        %get3A_312 = tpu.vector_load %arg13[%get3A_310, %get3A_311] {strides = array<i32>} : memref<80x128xf32, #tpu.memory_space<vmem>>, vector<16xf32>,
        %mul3A_313 = arith.mulf %get3A_312, %gather3A_274 : vector<16xf32>
        %swap3A_314 = arith.index_cast %add3A_272 : i32 to index
        %swap3A_315 = arith.constant 80 : index
        %swap3A_316 = tpu.vector_load %arg13[%swap3A_314, %swap3A_315] {strides = array<i32>} : memref<80x128xf32, #tpu.memory_space<vmem>>, vector<16xf32>,
        tpu.vector_store %arg13[%swap3A_314, %swap3A_315], %mul3A_313 {strides = array<i32>} : memref<80x128xf32, #tpu.memory_space<vmem>>, vector<16xf32>,
        %get3A_317 = arith.index_cast %add3A_272 : i32 to index
        %get3A_318 = arith.constant 96 : index
        %get3A_319 = tpu.vector_load %arg13[%get3A_317, %get3A_318] {strides = array<i32>} : memref<80x128xf32, #tpu.memory_space<vmem>>, vector<16xf32>,
        %mul3A_320 = arith.mulf %get3A_319, %gather3A_274 : vector<16xf32>
        %swap3A_321 = arith.index_cast %add3A_272 : i32 to index
        %swap3A_322 = arith.constant 96 : index
        %swap3A_323 = tpu.vector_load %arg13[%swap3A_321, %swap3A_322] {strides = array<i32>} : memref<80x128xf32, #tpu.memory_space<vmem>>, vector<16xf32>,
        tpu.vector_store %arg13[%swap3A_321, %swap3A_322], %mul3A_320 {strides = array<i32>} : memref<80x128xf32, #tpu.memory_space<vmem>>, vector<16xf32>,
        %get3A_324 = arith.index_cast %add3A_272 : i32 to index
        %get3A_325 = arith.constant 112 : index
        %get3A_326 = tpu.vector_load %arg13[%get3A_324, %get3A_325] {strides = array<i32>} : memref<80x128xf32, #tpu.memory_space<vmem>>, vector<16xf32>,
        %mul3A_327 = arith.mulf %get3A_326, %gather3A_274 : vector<16xf32>
        %swap3A_328 = arith.index_cast %add3A_272 : i32 to index
        %swap3A_329 = arith.constant 112 : index
        %swap3A_330 = tpu.vector_load %arg13[%swap3A_328, %swap3A_329] {strides = array<i32>} : memref<80x128xf32, #tpu.memory_space<vmem>>, vector<16xf32>,
        tpu.vector_store %arg13[%swap3A_328, %swap3A_329], %mul3A_327 {strides = array<i32>} : memref<80x128xf32, #tpu.memory_space<vmem>>, vector<16xf32>,
        %add3A_331 = arith.constant 2 : i32
        %add3A_332 = arith.addi %mul3A_212, %add3A_331 : i32
        %broadcast_in_dim3A_333 = vector.broadcast %add3A_332 : i32 to vector<16xi32>
        %gather3A_334 = tpu.vector_load_idx %arg12[%broadcast_in_dim3A_333] : memref<80xf32, #tpu.memory_space<vmem>>[vector<16xi32>], vector<16xf32>,
        %get3A_335 = arith.index_cast %add3A_332 : i32 to index
        %get3A_336 = arith.constant 0 : index
        %get3A_337 = tpu.vector_load %arg13[%get3A_335, %get3A_336] {strides = array<i32>} : memref<80x128xf32, #tpu.memory_space<vmem>>, vector<16xf32>,
        %mul3A_338 = arith.mulf %get3A_337, %gather3A_334 : vector<16xf32>
        %swap3A_339 = arith.index_cast %add3A_332 : i32 to index
        %swap3A_340 = arith.constant 0 : index
        %swap3A_341 = tpu.vector_load %arg13[%swap3A_339, %swap3A_340] {strides = array<i32>} : memref<80x128xf32, #tpu.memory_space<vmem>>, vector<16xf32>,
        tpu.vector_store %arg13[%swap3A_339, %swap3A_340], %mul3A_338 {strides = array<i32>} : memref<80x128xf32, #tpu.memory_space<vmem>>, vector<16xf32>,
        %get3A_342 = arith.index_cast %add3A_332 : i32 to index
        %get3A_343 = arith.constant 16 : index
        %get3A_344 = tpu.vector_load %arg13[%get3A_342, %get3A_343] {strides = array<i32>} : memref<80x128xf32, #tpu.memory_space<vmem>>, vector<16xf32>,
        %mul3A_345 = arith.mulf %get3A_344, %gather3A_334 : vector<16xf32>
        %swap3A_346 = arith.index_cast %add3A_332 : i32 to index
        %swap3A_347 = arith.constant 16 : index
        %swap3A_348 = tpu.vector_load %arg13[%swap3A_346, %swap3A_347] {strides = array<i32>} : memref<80x128xf32, #tpu.memory_space<vmem>>, vector<16xf32>,
        tpu.vector_store %arg13[%swap3A_346, %swap3A_347], %mul3A_345 {strides = array<i32>} : memref<80x128xf32, #tpu.memory_space<vmem>>, vector<16xf32>,
        %get3A_349 = arith.index_cast %add3A_332 : i32 to index
        %get3A_350 = arith.constant 32 : index
        %get3A_351 = tpu.vector_load %arg13[%get3A_349, %get3A_350] {strides = array<i32>} : memref<80x128xf32, #tpu.memory_space<vmem>>, vector<16xf32>,
        %mul3A_352 = arith.mulf %get3A_351, %gather3A_334 : vector<16xf32>
        %swap3A_353 = arith.index_cast %add3A_332 : i32 to index
        %swap3A_354 = arith.constant 32 : index
        %swap3A_355 = tpu.vector_load %arg13[%swap3A_353, %swap3A_354] {strides = array<i32>} : memref<80x128xf32, #tpu.memory_space<vmem>>, vector<16xf32>,
        tpu.vector_store %arg13[%swap3A_353, %swap3A_354], %mul3A_352 {strides = array<i32>} : memref<80x128xf32, #tpu.memory_space<vmem>>, vector<16xf32>,
        %get3A_356 = arith.index_cast %add3A_332 : i32 to index
        %get3A_357 = arith.constant 48 : index
        %get3A_358 = tpu.vector_load %arg13[%get3A_356, %get3A_357] {strides = array<i32>} : memref<80x128xf32, #tpu.memory_space<vmem>>, vector<16xf32>,
        %mul3A_359 = arith.mulf %get3A_358, %gather3A_334 : vector<16xf32>
        %swap3A_360 = arith.index_cast %add3A_332 : i32 to index
        %swap3A_361 = arith.constant 48 : index
        %swap3A_362 = tpu.vector_load %arg13[%swap3A_360, %swap3A_361] {strides = array<i32>} : memref<80x128xf32, #tpu.memory_space<vmem>>, vector<16xf32>,
        tpu.vector_store %arg13[%swap3A_360, %swap3A_361], %mul3A_359 {strides = array<i32>} : memref<80x128xf32, #tpu.memory_space<vmem>>, vector<16xf32>,
        %get3A_363 = arith.index_cast %add3A_332 : i32 to index
        %get3A_364 = arith.constant 64 : index
        %get3A_365 = tpu.vector_load %arg13[%get3A_363, %get3A_364] {strides = array<i32>} : memref<80x128xf32, #tpu.memory_space<vmem>>, vector<16xf32>,
        %mul3A_366 = arith.mulf %get3A_365, %gather3A_334 : vector<16xf32>
        %swap3A_367 = arith.index_cast %add3A_332 : i32 to index
        %swap3A_368 = arith.constant 64 : index
        %swap3A_369 = tpu.vector_load %arg13[%swap3A_367, %swap3A_368] {strides = array<i32>} : memref<80x128xf32, #tpu.memory_space<vmem>>, vector<16xf32>,
        tpu.vector_store %arg13[%swap3A_367, %swap3A_368], %mul3A_366 {strides = array<i32>} : memref<80x128xf32, #tpu.memory_space<vmem>>, vector<16xf32>,
        %get3A_370 = arith.index_cast %add3A_332 : i32 to index
        %get3A_371 = arith.constant 80 : index
        %get3A_372 = tpu.vector_load %arg13[%get3A_370, %get3A_371] {strides = array<i32>} : memref<80x128xf32, #tpu.memory_space<vmem>>, vector<16xf32>,
        %mul3A_373 = arith.mulf %get3A_372, %gather3A_334 : vector<16xf32>
        %swap3A_374 = arith.index_cast %add3A_332 : i32 to index
        %swap3A_375 = arith.constant 80 : index
        %swap3A_376 = tpu.vector_load %arg13[%swap3A_374, %swap3A_375] {strides = array<i32>} : memref<80x128xf32, #tpu.memory_space<vmem>>, vector<16xf32>,
        tpu.vector_store %arg13[%swap3A_374, %swap3A_375], %mul3A_373 {strides = array<i32>} : memref<80x128xf32, #tpu.memory_space<vmem>>, vector<16xf32>,
        %get3A_377 = arith.index_cast %add3A_332 : i32 to index
        %get3A_378 = arith.constant 96 : index
        %get3A_379 = tpu.vector_load %arg13[%get3A_377, %get3A_378] {strides = array<i32>} : memref<80x128xf32, #tpu.memory_space<vmem>>, vector<16xf32>,
        %mul3A_380 = arith.mulf %get3A_379, %gather3A_334 : vector<16xf32>
        %swap3A_381 = arith.index_cast %add3A_332 : i32 to index
        %swap3A_382 = arith.constant 96 : index
        %swap3A_383 = tpu.vector_load %arg13[%swap3A_381, %swap3A_382] {strides = array<i32>} : memref<80x128xf32, #tpu.memory_space<vmem>>, vector<16xf32>,
        tpu.vector_store %arg13[%swap3A_381, %swap3A_382], %mul3A_380 {strides = array<i32>} : memref<80x128xf32, #tpu.memory_space<vmem>>, vector<16xf32>,
        %get3A_384 = arith.index_cast %add3A_332 : i32 to index
        %get3A_385 = arith.constant 112 : index
        %get3A_386 = tpu.vector_load %arg13[%get3A_384, %get3A_385] {strides = array<i32>} : memref<80x128xf32, #tpu.memory_space<vmem>>, vector<16xf32>,
        %mul3A_387 = arith.mulf %get3A_386, %gather3A_334 : vector<16xf32>
        %swap3A_388 = arith.index_cast %add3A_332 : i32 to index
        %swap3A_389 = arith.constant 112 : index
        %swap3A_390 = tpu.vector_load %arg13[%swap3A_388, %swap3A_389] {strides = array<i32>} : memref<80x128xf32, #tpu.memory_space<vmem>>, vector<16xf32>,
        tpu.vector_store %arg13[%swap3A_388, %swap3A_389], %mul3A_387 {strides = array<i32>} : memref<80x128xf32, #tpu.memory_space<vmem>>, vector<16xf32>,
        %add3A_391 = arith.constant 3 : i32
        %add3A_392 = arith.addi %mul3A_212, %add3A_391 : i32
        %broadcast_in_dim3A_393 = vector.broadcast %add3A_392 : i32 to vector<16xi32>
        %gather3A_394 = tpu.vector_load_idx %arg12[%broadcast_in_dim3A_393] : memref<80xf32, #tpu.memory_space<vmem>>[vector<16xi32>], vector<16xf32>,
        %get3A_395 = arith.index_cast %add3A_392 : i32 to index
        %get3A_396 = arith.constant 0 : index
        %get3A_397 = tpu.vector_load %arg13[%get3A_395, %get3A_396] {strides = array<i32>} : memref<80x128xf32, #tpu.memory_space<vmem>>, vector<16xf32>,
        %mul3A_398 = arith.mulf %get3A_397, %gather3A_394 : vector<16xf32>
        %swap3A_399 = arith.index_cast %add3A_392 : i32 to index
        %swap3A_400 = arith.constant 0 : index
        %swap3A_401 = tpu.vector_load %arg13[%swap3A_399, %swap3A_400] {strides = array<i32>} : memref<80x128xf32, #tpu.memory_space<vmem>>, vector<16xf32>,
        tpu.vector_store %arg13[%swap3A_399, %swap3A_400], %mul3A_398 {strides = array<i32>} : memref<80x128xf32, #tpu.memory_space<vmem>>, vector<16xf32>,
        %get3A_402 = arith.index_cast %add3A_392 : i32 to index
        %get3A_403 = arith.constant 16 : index
        %get3A_404 = tpu.vector_load %arg13[%get3A_402, %get3A_403] {strides = array<i32>} : memref<80x128xf32, #tpu.memory_space<vmem>>, vector<16xf32>,
        %mul3A_405 = arith.mulf %get3A_404, %gather3A_394 : vector<16xf32>
        %swap3A_406 = arith.index_cast %add3A_392 : i32 to index
        %swap3A_407 = arith.constant 16 : index
        %swap3A_408 = tpu.vector_load %arg13[%swap3A_406, %swap3A_407] {strides = array<i32>} : memref<80x128xf32, #tpu.memory_space<vmem>>, vector<16xf32>,
        tpu.vector_store %arg13[%swap3A_406, %swap3A_407], %mul3A_405 {strides = array<i32>} : memref<80x128xf32, #tpu.memory_space<vmem>>, vector<16xf32>,
        %get3A_409 = arith.index_cast %add3A_392 : i32 to index
        %get3A_410 = arith.constant 32 : index
        %get3A_411 = tpu.vector_load %arg13[%get3A_409, %get3A_410] {strides = array<i32>} : memref<80x128xf32, #tpu.memory_space<vmem>>, vector<16xf32>,
        %mul3A_412 = arith.mulf %get3A_411, %gather3A_394 : vector<16xf32>
        %swap3A_413 = arith.index_cast %add3A_392 : i32 to index
        %swap3A_414 = arith.constant 32 : index
        %swap3A_415 = tpu.vector_load %arg13[%swap3A_413, %swap3A_414] {strides = array<i32>} : memref<80x128xf32, #tpu.memory_space<vmem>>, vector<16xf32>,
        tpu.vector_store %arg13[%swap3A_413, %swap3A_414], %mul3A_412 {strides = array<i32>} : memref<80x128xf32, #tpu.memory_space<vmem>>, vector<16xf32>,
        %get3A_416 = arith.index_cast %add3A_392 : i32 to index
        %get3A_417 = arith.constant 48 : index
        %get3A_418 = tpu.vector_load %arg13[%get3A_416, %get3A_417] {strides = array<i32>} : memref<80x128xf32, #tpu.memory_space<vmem>>, vector<16xf32>,
        %mul3A_419 = arith.mulf %get3A_418, %gather3A_394 : vector<16xf32>
        %swap3A_420 = arith.index_cast %add3A_392 : i32 to index
        %swap3A_421 = arith.constant 48 : index
        %swap3A_422 = tpu.vector_load %arg13[%swap3A_420, %swap3A_421] {strides = array<i32>} : memref<80x128xf32, #tpu.memory_space<vmem>>, vector<16xf32>,
        tpu.vector_store %arg13[%swap3A_420, %swap3A_421], %mul3A_419 {strides = array<i32>} : memref<80x128xf32, #tpu.memory_space<vmem>>, vector<16xf32>,
        %get3A_423 = arith.index_cast %add3A_392 : i32 to index
        %get3A_424 = arith.constant 64 : index
        %get3A_425 = tpu.vector_load %arg13[%get3A_423, %get3A_424] {strides = array<i32>} : memref<80x128xf32, #tpu.memory_space<vmem>>, vector<16xf32>,
        %mul3A_426 = arith.mulf %get3A_425, %gather3A_394 : vector<16xf32>
        %swap3A_427 = arith.index_cast %add3A_392 : i32 to index
        %swap3A_428 = arith.constant 64 : index
        %swap3A_429 = tpu.vector_load %arg13[%swap3A_427, %swap3A_428] {strides = array<i32>} : memref<80x128xf32, #tpu.memory_space<vmem>>, vector<16xf32>,
        tpu.vector_store %arg13[%swap3A_427, %swap3A_428], %mul3A_426 {strides = array<i32>} : memref<80x128xf32, #tpu.memory_space<vmem>>, vector<16xf32>,
        %get3A_430 = arith.index_cast %add3A_392 : i32 to index
        %get3A_431 = arith.constant 80 : index
        %get3A_432 = tpu.vector_load %arg13[%get3A_430, %get3A_431] {strides = array<i32>} : memref<80x128xf32, #tpu.memory_space<vmem>>, vector<16xf32>,
        %mul3A_433 = arith.mulf %get3A_432, %gather3A_394 : vector<16xf32>
        %swap3A_434 = arith.index_cast %add3A_392 : i32 to index
        %swap3A_435 = arith.constant 80 : index
        %swap3A_436 = tpu.vector_load %arg13[%swap3A_434, %swap3A_435] {strides = array<i32>} : memref<80x128xf32, #tpu.memory_space<vmem>>, vector<16xf32>,
        tpu.vector_store %arg13[%swap3A_434, %swap3A_435], %mul3A_433 {strides = array<i32>} : memref<80x128xf32, #tpu.memory_space<vmem>>, vector<16xf32>,
        %get3A_437 = arith.index_cast %add3A_392 : i32 to index
        %get3A_438 = arith.constant 96 : index
        %get3A_439 = tpu.vector_load %arg13[%get3A_437, %get3A_438] {strides = array<i32>} : memref<80x128xf32, #tpu.memory_space<vmem>>, vector<16xf32>,
        %mul3A_440 = arith.mulf %get3A_439, %gather3A_394 : vector<16xf32>
        %swap3A_441 = arith.index_cast %add3A_392 : i32 to index
        %swap3A_442 = arith.constant 96 : index
        %swap3A_443 = tpu.vector_load %arg13[%swap3A_441, %swap3A_442] {strides = array<i32>} : memref<80x128xf32, #tpu.memory_space<vmem>>, vector<16xf32>,
        tpu.vector_store %arg13[%swap3A_441, %swap3A_442], %mul3A_440 {strides = array<i32>} : memref<80x128xf32, #tpu.memory_space<vmem>>, vector<16xf32>,
        %get3A_444 = arith.index_cast %add3A_392 : i32 to index
        %get3A_445 = arith.constant 112 : index
        %get3A_446 = tpu.vector_load %arg13[%get3A_444, %get3A_445] {strides = array<i32>} : memref<80x128xf32, #tpu.memory_space<vmem>>, vector<16xf32>,
        %mul3A_447 = arith.mulf %get3A_446, %gather3A_394 : vector<16xf32>
        %swap3A_448 = arith.index_cast %add3A_392 : i32 to index
        %swap3A_449 = arith.constant 112 : index
        %swap3A_450 = tpu.vector_load %arg13[%swap3A_448, %swap3A_449] {strides = array<i32>} : memref<80x128xf32, #tpu.memory_space<vmem>>, vector<16xf32>,
        tpu.vector_store %arg13[%swap3A_448, %swap3A_449], %mul3A_447 {strides = array<i32>} : memref<80x128xf32, #tpu.memory_space<vmem>>, vector<16xf32>,
        %add3A_451 = arith.constant 4 : i32
        %add3A_452 = arith.addi %mul3A_212, %add3A_451 : i32
        %broadcast_in_dim3A_453 = vector.broadcast %add3A_452 : i32 to vector<16xi32>
        %gather3A_454 = tpu.vector_load_idx %arg12[%broadcast_in_dim3A_453] : memref<80xf32, #tpu.memory_space<vmem>>[vector<16xi32>], vector<16xf32>,
        %get3A_455 = arith.index_cast %add3A_452 : i32 to index
        %get3A_456 = arith.constant 0 : index
        %get3A_457 = tpu.vector_load %arg13[%get3A_455, %get3A_456] {strides = array<i32>} : memref<80x128xf32, #tpu.memory_space<vmem>>, vector<16xf32>,
        %mul3A_458 = arith.mulf %get3A_457, %gather3A_454 : vector<16xf32>
        %swap3A_459 = arith.index_cast %add3A_452 : i32 to index
        %swap3A_460 = arith.constant 0 : index
        %swap3A_461 = tpu.vector_load %arg13[%swap3A_459, %swap3A_460] {strides = array<i32>} : memref<80x128xf32, #tpu.memory_space<vmem>>, vector<16xf32>,
        tpu.vector_store %arg13[%swap3A_459, %swap3A_460], %mul3A_458 {strides = array<i32>} : memref<80x128xf32, #tpu.memory_space<vmem>>, vector<16xf32>,
        %get3A_462 = arith.index_cast %add3A_452 : i32 to index
        %get3A_463 = arith.constant 16 : index
        %get3A_464 = tpu.vector_load %arg13[%get3A_462, %get3A_463] {strides = array<i32>} : memref<80x128xf32, #tpu.memory_space<vmem>>, vector<16xf32>,
        %mul3A_465 = arith.mulf %get3A_464, %gather3A_454 : vector<16xf32>
        %swap3A_466 = arith.index_cast %add3A_452 : i32 to index
        %swap3A_467 = arith.constant 16 : index
        %swap3A_468 = tpu.vector_load %arg13[%swap3A_466, %swap3A_467] {strides = array<i32>} : memref<80x128xf32, #tpu.memory_space<vmem>>, vector<16xf32>,
        tpu.vector_store %arg13[%swap3A_466, %swap3A_467], %mul3A_465 {strides = array<i32>} : memref<80x128xf32, #tpu.memory_space<vmem>>, vector<16xf32>,
        %get3A_469 = arith.index_cast %add3A_452 : i32 to index
        %get3A_470 = arith.constant 32 : index
        %get3A_471 = tpu.vector_load %arg13[%get3A_469, %get3A_470] {strides = array<i32>} : memref<80x128xf32, #tpu.memory_space<vmem>>, vector<16xf32>,
        %mul3A_472 = arith.mulf %get3A_471, %gather3A_454 : vector<16xf32>
        %swap3A_473 = arith.index_cast %add3A_452 : i32 to index
        %swap3A_474 = arith.constant 32 : index
        %swap3A_475 = tpu.vector_load %arg13[%swap3A_473, %swap3A_474] {strides = array<i32>} : memref<80x128xf32, #tpu.memory_space<vmem>>, vector<16xf32>,
        tpu.vector_store %arg13[%swap3A_473, %swap3A_474], %mul3A_472 {strides = array<i32>} : memref<80x128xf32, #tpu.memory_space<vmem>>, vector<16xf32>,
        %get3A_476 = arith.index_cast %add3A_452 : i32 to index
        %get3A_477 = arith.constant 48 : index
        %get3A_478 = tpu.vector_load %arg13[%get3A_476, %get3A_477] {strides = array<i32>} : memref<80x128xf32, #tpu.memory_space<vmem>>, vector<16xf32>,
        %mul3A_479 = arith.mulf %get3A_478, %gather3A_454 : vector<16xf32>
        %swap3A_480 = arith.index_cast %add3A_452 : i32 to index
        %swap3A_481 = arith.constant 48 : index
        %swap3A_482 = tpu.vector_load %arg13[%swap3A_480, %swap3A_481] {strides = array<i32>} : memref<80x128xf32, #tpu.memory_space<vmem>>, vector<16xf32>,
        tpu.vector_store %arg13[%swap3A_480, %swap3A_481], %mul3A_479 {strides = array<i32>} : memref<80x128xf32, #tpu.memory_space<vmem>>, vector<16xf32>,
        %get3A_483 = arith.index_cast %add3A_452 : i32 to index
        %get3A_484 = arith.constant 64 : index
        %get3A_485 = tpu.vector_load %arg13[%get3A_483, %get3A_484] {strides = array<i32>} : memref<80x128xf32, #tpu.memory_space<vmem>>, vector<16xf32>,
        %mul3A_486 = arith.mulf %get3A_485, %gather3A_454 : vector<16xf32>
        %swap3A_487 = arith.index_cast %add3A_452 : i32 to index
        %swap3A_488 = arith.constant 64 : index
        %swap3A_489 = tpu.vector_load %arg13[%swap3A_487, %swap3A_488] {strides = array<i32>} : memref<80x128xf32, #tpu.memory_space<vmem>>, vector<16xf32>,
        tpu.vector_store %arg13[%swap3A_487, %swap3A_488], %mul3A_486 {strides = array<i32>} : memref<80x128xf32, #tpu.memory_space<vmem>>, vector<16xf32>,
        %get3A_490 = arith.index_cast %add3A_452 : i32 to index
        %get3A_491 = arith.constant 80 : index
        %get3A_492 = tpu.vector_load %arg13[%get3A_490, %get3A_491] {strides = array<i32>} : memref<80x128xf32, #tpu.memory_space<vmem>>, vector<16xf32>,
        %mul3A_493 = arith.mulf %get3A_492, %gather3A_454 : vector<16xf32>
        %swap3A_494 = arith.index_cast %add3A_452 : i32 to index
        %swap3A_495 = arith.constant 80 : index
        %swap3A_496 = tpu.vector_load %arg13[%swap3A_494, %swap3A_495] {strides = array<i32>} : memref<80x128xf32, #tpu.memory_space<vmem>>, vector<16xf32>,
        tpu.vector_store %arg13[%swap3A_494, %swap3A_495], %mul3A_493 {strides = array<i32>} : memref<80x128xf32, #tpu.memory_space<vmem>>, vector<16xf32>,
        %get3A_497 = arith.index_cast %add3A_452 : i32 to index
        %get3A_498 = arith.constant 96 : index
        %get3A_499 = tpu.vector_load %arg13[%get3A_497, %get3A_498] {strides = array<i32>} : memref<80x128xf32, #tpu.memory_space<vmem>>, vector<16xf32>,
        %mul3A_500 = arith.mulf %get3A_499, %gather3A_454 : vector<16xf32>
        %swap3A_501 = arith.index_cast %add3A_452 : i32 to index
        %swap3A_502 = arith.constant 96 : index
        %swap3A_503 = tpu.vector_load %arg13[%swap3A_501, %swap3A_502] {strides = array<i32>} : memref<80x128xf32, #tpu.memory_space<vmem>>, vector<16xf32>,
        tpu.vector_store %arg13[%swap3A_501, %swap3A_502], %mul3A_500 {strides = array<i32>} : memref<80x128xf32, #tpu.memory_space<vmem>>, vector<16xf32>,
        %get3A_504 = arith.index_cast %add3A_452 : i32 to index
        %get3A_505 = arith.constant 112 : index
        %get3A_506 = tpu.vector_load %arg13[%get3A_504, %get3A_505] {strides = array<i32>} : memref<80x128xf32, #tpu.memory_space<vmem>>, vector<16xf32>,
        %mul3A_507 = arith.mulf %get3A_506, %gather3A_454 : vector<16xf32>
        %swap3A_508 = arith.index_cast %add3A_452 : i32 to index
        %swap3A_509 = arith.constant 112 : index
        %swap3A_510 = tpu.vector_load %arg13[%swap3A_508, %swap3A_509] {strides = array<i32>} : memref<80x128xf32, #tpu.memory_space<vmem>>, vector<16xf32>,
        tpu.vector_store %arg13[%swap3A_508, %swap3A_509], %mul3A_507 {strides = array<i32>} : memref<80x128xf32, #tpu.memory_space<vmem>>, vector<16xf32>,
        %add3A_511 = arith.constant 5 : i32
        %add3A_512 = arith.addi %mul3A_212, %add3A_511 : i32
        %broadcast_in_dim3A_513 = vector.broadcast %add3A_512 : i32 to vector<16xi32>
        %gather3A_514 = tpu.vector_load_idx %arg12[%broadcast_in_dim3A_513] : memref<80xf32, #tpu.memory_space<vmem>>[vector<16xi32>], vector<16xf32>,
        %get3A_515 = arith.index_cast %add3A_512 : i32 to index
        %get3A_516 = arith.constant 0 : index
        %get3A_517 = tpu.vector_load %arg13[%get3A_515, %get3A_516] {strides = array<i32>} : memref<80x128xf32, #tpu.memory_space<vmem>>, vector<16xf32>,
        %mul3A_518 = arith.mulf %get3A_517, %gather3A_514 : vector<16xf32>
        %swap3A_519 = arith.index_cast %add3A_512 : i32 to index
        %swap3A_520 = arith.constant 0 : index
        %swap3A_521 = tpu.vector_load %arg13[%swap3A_519, %swap3A_520] {strides = array<i32>} : memref<80x128xf32, #tpu.memory_space<vmem>>, vector<16xf32>,
        tpu.vector_store %arg13[%swap3A_519, %swap3A_520], %mul3A_518 {strides = array<i32>} : memref<80x128xf32, #tpu.memory_space<vmem>>, vector<16xf32>,
        %get3A_522 = arith.index_cast %add3A_512 : i32 to index
        %get3A_523 = arith.constant 16 : index
        %get3A_524 = tpu.vector_load %arg13[%get3A_522, %get3A_523] {strides = array<i32>} : memref<80x128xf32, #tpu.memory_space<vmem>>, vector<16xf32>,
        %mul3A_525 = arith.mulf %get3A_524, %gather3A_514 : vector<16xf32>
        %swap3A_526 = arith.index_cast %add3A_512 : i32 to index
        %swap3A_527 = arith.constant 16 : index
        %swap3A_528 = tpu.vector_load %arg13[%swap3A_526, %swap3A_527] {strides = array<i32>} : memref<80x128xf32, #tpu.memory_space<vmem>>, vector<16xf32>,
        tpu.vector_store %arg13[%swap3A_526, %swap3A_527], %mul3A_525 {strides = array<i32>} : memref<80x128xf32, #tpu.memory_space<vmem>>, vector<16xf32>,
        %get3A_529 = arith.index_cast %add3A_512 : i32 to index
        %get3A_530 = arith.constant 32 : index
        %get3A_531 = tpu.vector_load %arg13[%get3A_529, %get3A_530] {strides = array<i32>} : memref<80x128xf32, #tpu.memory_space<vmem>>, vector<16xf32>,
        %mul3A_532 = arith.mulf %get3A_531, %gather3A_514 : vector<16xf32>
        %swap3A_533 = arith.index_cast %add3A_512 : i32 to index
        %swap3A_534 = arith.constant 32 : index
        %swap3A_535 = tpu.vector_load %arg13[%swap3A_533, %swap3A_534] {strides = array<i32>} : memref<80x128xf32, #tpu.memory_space<vmem>>, vector<16xf32>,
        tpu.vector_store %arg13[%swap3A_533, %swap3A_534], %mul3A_532 {strides = array<i32>} : memref<80x128xf32, #tpu.memory_space<vmem>>, vector<16xf32>,
        %get3A_536 = arith.index_cast %add3A_512 : i32 to index
        %get3A_537 = arith.constant 48 : index
        %get3A_538 = tpu.vector_load %arg13[%get3A_536, %get3A_537] {strides = array<i32>} : memref<80x128xf32, #tpu.memory_space<vmem>>, vector<16xf32>,
        %mul3A_539 = arith.mulf %get3A_538, %gather3A_514 : vector<16xf32>
        %swap3A_540 = arith.index_cast %add3A_512 : i32 to index
        %swap3A_541 = arith.constant 48 : index
        %swap3A_542 = tpu.vector_load %arg13[%swap3A_540, %swap3A_541] {strides = array<i32>} : memref<80x128xf32, #tpu.memory_space<vmem>>, vector<16xf32>,
        tpu.vector_store %arg13[%swap3A_540, %swap3A_541], %mul3A_539 {strides = array<i32>} : memref<80x128xf32, #tpu.memory_space<vmem>>, vector<16xf32>,
        %get3A_543 = arith.index_cast %add3A_512 : i32 to index
        %get3A_544 = arith.constant 64 : index
        %get3A_545 = tpu.vector_load %arg13[%get3A_543, %get3A_544] {strides = array<i32>} : memref<80x128xf32, #tpu.memory_space<vmem>>, vector<16xf32>,
        %mul3A_546 = arith.mulf %get3A_545, %gather3A_514 : vector<16xf32>
        %swap3A_547 = arith.index_cast %add3A_512 : i32 to index
        %swap3A_548 = arith.constant 64 : index
        %swap3A_549 = tpu.vector_load %arg13[%swap3A_547, %swap3A_548] {strides = array<i32>} : memref<80x128xf32, #tpu.memory_space<vmem>>, vector<16xf32>,
        tpu.vector_store %arg13[%swap3A_547, %swap3A_548], %mul3A_546 {strides = array<i32>} : memref<80x128xf32, #tpu.memory_space<vmem>>, vector<16xf32>,
        %get3A_550 = arith.index_cast %add3A_512 : i32 to index
        %get3A_551 = arith.constant 80 : index
        %get3A_552 = tpu.vector_load %arg13[%get3A_550, %get3A_551] {strides = array<i32>} : memref<80x128xf32, #tpu.memory_space<vmem>>, vector<16xf32>,
        %mul3A_553 = arith.mulf %get3A_552, %gather3A_514 : vector<16xf32>
        %swap3A_554 = arith.index_cast %add3A_512 : i32 to index
        %swap3A_555 = arith.constant 80 : index
        %swap3A_556 = tpu.vector_load %arg13[%swap3A_554, %swap3A_555] {strides = array<i32>} : memref<80x128xf32, #tpu.memory_space<vmem>>, vector<16xf32>,
        tpu.vector_store %arg13[%swap3A_554, %swap3A_555], %mul3A_553 {strides = array<i32>} : memref<80x128xf32, #tpu.memory_space<vmem>>, vector<16xf32>,
        %get3A_557 = arith.index_cast %add3A_512 : i32 to index
        %get3A_558 = arith.constant 96 : index
        %get3A_559 = tpu.vector_load %arg13[%get3A_557, %get3A_558] {strides = array<i32>} : memref<80x128xf32, #tpu.memory_space<vmem>>, vector<16xf32>,
        %mul3A_560 = arith.mulf %get3A_559, %gather3A_514 : vector<16xf32>
        %swap3A_561 = arith.index_cast %add3A_512 : i32 to index
        %swap3A_562 = arith.constant 96 : index
        %swap3A_563 = tpu.vector_load %arg13[%swap3A_561, %swap3A_562] {strides = array<i32>} : memref<80x128xf32, #tpu.memory_space<vmem>>, vector<16xf32>,
        tpu.vector_store %arg13[%swap3A_561, %swap3A_562], %mul3A_560 {strides = array<i32>} : memref<80x128xf32, #tpu.memory_space<vmem>>, vector<16xf32>,
        %get3A_564 = arith.index_cast %add3A_512 : i32 to index
        %get3A_565 = arith.constant 112 : index
        %get3A_566 = tpu.vector_load %arg13[%get3A_564, %get3A_565] {strides = array<i32>} : memref<80x128xf32, #tpu.memory_space<vmem>>, vector<16xf32>,
        %mul3A_567 = arith.mulf %get3A_566, %gather3A_514 : vector<16xf32>
        %swap3A_568 = arith.index_cast %add3A_512 : i32 to index
        %swap3A_569 = arith.constant 112 : index
        %swap3A_570 = tpu.vector_load %arg13[%swap3A_568, %swap3A_569] {strides = array<i32>} : memref<80x128xf32, #tpu.memory_space<vmem>>, vector<16xf32>,
        tpu.vector_store %arg13[%swap3A_568, %swap3A_569], %mul3A_567 {strides = array<i32>} : memref<80x128xf32, #tpu.memory_space<vmem>>, vector<16xf32>,
        %add3A_571 = arith.constant 6 : i32
        %add3A_572 = arith.addi %mul3A_212, %add3A_571 : i32
        %broadcast_in_dim3A_573 = vector.broadcast %add3A_572 : i32 to vector<16xi32>
        %gather3A_574 = tpu.vector_load_idx %arg12[%broadcast_in_dim3A_573] : memref<80xf32, #tpu.memory_space<vmem>>[vector<16xi32>], vector<16xf32>,
        %get3A_575 = arith.index_cast %add3A_572 : i32 to index
        %get3A_576 = arith.constant 0 : index
        %get3A_577 = tpu.vector_load %arg13[%get3A_575, %get3A_576] {strides = array<i32>} : memref<80x128xf32, #tpu.memory_space<vmem>>, vector<16xf32>,
        %mul3A_578 = arith.mulf %get3A_577, %gather3A_574 : vector<16xf32>
        %swap3A_579 = arith.index_cast %add3A_572 : i32 to index
        %swap3A_580 = arith.constant 0 : index
        %swap3A_581 = tpu.vector_load %arg13[%swap3A_579, %swap3A_580] {strides = array<i32>} : memref<80x128xf32, #tpu.memory_space<vmem>>, vector<16xf32>,
        tpu.vector_store %arg13[%swap3A_579, %swap3A_580], %mul3A_578 {strides = array<i32>} : memref<80x128xf32, #tpu.memory_space<vmem>>, vector<16xf32>,
        %get3A_582 = arith.index_cast %add3A_572 : i32 to index
        %get3A_583 = arith.constant 16 : index
        %get3A_584 = tpu.vector_load %arg13[%get3A_582, %get3A_583] {strides = array<i32>} : memref<80x128xf32, #tpu.memory_space<vmem>>, vector<16xf32>,
        %mul3A_585 = arith.mulf %get3A_584, %gather3A_574 : vector<16xf32>
        %swap3A_586 = arith.index_cast %add3A_572 : i32 to index
        %swap3A_587 = arith.constant 16 : index
        %swap3A_588 = tpu.vector_load %arg13[%swap3A_586, %swap3A_587] {strides = array<i32>} : memref<80x128xf32, #tpu.memory_space<vmem>>, vector<16xf32>,
        tpu.vector_store %arg13[%swap3A_586, %swap3A_587], %mul3A_585 {strides = array<i32>} : memref<80x128xf32, #tpu.memory_space<vmem>>, vector<16xf32>,
        %get3A_589 = arith.index_cast %add3A_572 : i32 to index
        %get3A_590 = arith.constant 32 : index
        %get3A_591 = tpu.vector_load %arg13[%get3A_589, %get3A_590] {strides = array<i32>} : memref<80x128xf32, #tpu.memory_space<vmem>>, vector<16xf32>,
        %mul3A_592 = arith.mulf %get3A_591, %gather3A_574 : vector<16xf32>
        %swap3A_593 = arith.index_cast %add3A_572 : i32 to index
        %swap3A_594 = arith.constant 32 : index
        %swap3A_595 = tpu.vector_load %arg13[%swap3A_593, %swap3A_594] {strides = array<i32>} : memref<80x128xf32, #tpu.memory_space<vmem>>, vector<16xf32>,
        tpu.vector_store %arg13[%swap3A_593, %swap3A_594], %mul3A_592 {strides = array<i32>} : memref<80x128xf32, #tpu.memory_space<vmem>>, vector<16xf32>,
        %get3A_596 = arith.index_cast %add3A_572 : i32 to index
        %get3A_597 = arith.constant 48 : index
        %get3A_598 = tpu.vector_load %arg13[%get3A_596, %get3A_597] {strides = array<i32>} : memref<80x128xf32, #tpu.memory_space<vmem>>, vector<16xf32>,
        %mul3A_599 = arith.mulf %get3A_598, %gather3A_574 : vector<16xf32>
        %swap3A_600 = arith.index_cast %add3A_572 : i32 to index
        %swap3A_601 = arith.constant 48 : index
        %swap3A_602 = tpu.vector_load %arg13[%swap3A_600, %swap3A_601] {strides = array<i32>} : memref<80x128xf32, #tpu.memory_space<vmem>>, vector<16xf32>,
        tpu.vector_store %arg13[%swap3A_600, %swap3A_601], %mul3A_599 {strides = array<i32>} : memref<80x128xf32, #tpu.memory_space<vmem>>, vector<16xf32>,
        %get3A_603 = arith.index_cast %add3A_572 : i32 to index
        %get3A_604 = arith.constant 64 : index
        %get3A_605 = tpu.vector_load %arg13[%get3A_603, %get3A_604] {strides = array<i32>} : memref<80x128xf32, #tpu.memory_space<vmem>>, vector<16xf32>,
        %mul3A_606 = arith.mulf %get3A_605, %gather3A_574 : vector<16xf32>
        %swap3A_607 = arith.index_cast %add3A_572 : i32 to index
        %swap3A_608 = arith.constant 64 : index
        %swap3A_609 = tpu.vector_load %arg13[%swap3A_607, %swap3A_608] {strides = array<i32>} : memref<80x128xf32, #tpu.memory_space<vmem>>, vector<16xf32>,
        tpu.vector_store %arg13[%swap3A_607, %swap3A_608], %mul3A_606 {strides = array<i32>} : memref<80x128xf32, #tpu.memory_space<vmem>>, vector<16xf32>,
        %get3A_610 = arith.index_cast %add3A_572 : i32 to index
        %get3A_611 = arith.constant 80 : index
        %get3A_612 = tpu.vector_load %arg13[%get3A_610, %get3A_611] {strides = array<i32>} : memref<80x128xf32, #tpu.memory_space<vmem>>, vector<16xf32>,
        %mul3A_613 = arith.mulf %get3A_612, %gather3A_574 : vector<16xf32>
        %swap3A_614 = arith.index_cast %add3A_572 : i32 to index
        %swap3A_615 = arith.constant 80 : index
        %swap3A_616 = tpu.vector_load %arg13[%swap3A_614, %swap3A_615] {strides = array<i32>} : memref<80x128xf32, #tpu.memory_space<vmem>>, vector<16xf32>,
        tpu.vector_store %arg13[%swap3A_614, %swap3A_615], %mul3A_613 {strides = array<i32>} : memref<80x128xf32, #tpu.memory_space<vmem>>, vector<16xf32>,
        %get3A_617 = arith.index_cast %add3A_572 : i32 to index
        %get3A_618 = arith.constant 96 : index
        %get3A_619 = tpu.vector_load %arg13[%get3A_617, %get3A_618] {strides = array<i32>} : memref<80x128xf32, #tpu.memory_space<vmem>>, vector<16xf32>,
        %mul3A_620 = arith.mulf %get3A_619, %gather3A_574 : vector<16xf32>
        %swap3A_621 = arith.index_cast %add3A_572 : i32 to index
        %swap3A_622 = arith.constant 96 : index
        %swap3A_623 = tpu.vector_load %arg13[%swap3A_621, %swap3A_622] {strides = array<i32>} : memref<80x128xf32, #tpu.memory_space<vmem>>, vector<16xf32>,
        tpu.vector_store %arg13[%swap3A_621, %swap3A_622], %mul3A_620 {strides = array<i32>} : memref<80x128xf32, #tpu.memory_space<vmem>>, vector<16xf32>,
        %get3A_624 = arith.index_cast %add3A_572 : i32 to index
        %get3A_625 = arith.constant 112 : index
        %get3A_626 = tpu.vector_load %arg13[%get3A_624, %get3A_625] {strides = array<i32>} : memref<80x128xf32, #tpu.memory_space<vmem>>, vector<16xf32>,
        %mul3A_627 = arith.mulf %get3A_626, %gather3A_574 : vector<16xf32>
        %swap3A_628 = arith.index_cast %add3A_572 : i32 to index
        %swap3A_629 = arith.constant 112 : index
        %swap3A_630 = tpu.vector_load %arg13[%swap3A_628, %swap3A_629] {strides = array<i32>} : memref<80x128xf32, #tpu.memory_space<vmem>>, vector<16xf32>,
        tpu.vector_store %arg13[%swap3A_628, %swap3A_629], %mul3A_627 {strides = array<i32>} : memref<80x128xf32, #tpu.memory_space<vmem>>, vector<16xf32>,
        %add3A_631 = arith.constant 7 : i32
        %add3A_632 = arith.addi %mul3A_212, %add3A_631 : i32
        %broadcast_in_dim3A_633 = vector.broadcast %add3A_632 : i32 to vector<16xi32>
        %gather3A_634 = tpu.vector_load_idx %arg12[%broadcast_in_dim3A_633] : memref<80xf32, #tpu.memory_space<vmem>>[vector<16xi32>], vector<16xf32>,
        %get3A_635 = arith.index_cast %add3A_632 : i32 to index
        %get3A_636 = arith.constant 0 : index
        %get3A_637 = tpu.vector_load %arg13[%get3A_635, %get3A_636] {strides = array<i32>} : memref<80x128xf32, #tpu.memory_space<vmem>>, vector<16xf32>,
        %mul3A_638 = arith.mulf %get3A_637, %gather3A_634 : vector<16xf32>
        %swap3A_639 = arith.index_cast %add3A_632 : i32 to index
        %swap3A_640 = arith.constant 0 : index
        %swap3A_641 = tpu.vector_load %arg13[%swap3A_639, %swap3A_640] {strides = array<i32>} : memref<80x128xf32, #tpu.memory_space<vmem>>, vector<16xf32>,
        tpu.vector_store %arg13[%swap3A_639, %swap3A_640], %mul3A_638 {strides = array<i32>} : memref<80x128xf32, #tpu.memory_space<vmem>>, vector<16xf32>,
        %get3A_642 = arith.index_cast %add3A_632 : i32 to index
        %get3A_643 = arith.constant 16 : index
        %get3A_644 = tpu.vector_load %arg13[%get3A_642, %get3A_643] {strides = array<i32>} : memref<80x128xf32, #tpu.memory_space<vmem>>, vector<16xf32>,
        %mul3A_645 = arith.mulf %get3A_644, %gather3A_634 : vector<16xf32>
        %swap3A_646 = arith.index_cast %add3A_632 : i32 to index
        %swap3A_647 = arith.constant 16 : index
        %swap3A_648 = tpu.vector_load %arg13[%swap3A_646, %swap3A_647] {strides = array<i32>} : memref<80x128xf32, #tpu.memory_space<vmem>>, vector<16xf32>,
        tpu.vector_store %arg13[%swap3A_646, %swap3A_647], %mul3A_645 {strides = array<i32>} : memref<80x128xf32, #tpu.memory_space<vmem>>, vector<16xf32>,
        %get3A_649 = arith.index_cast %add3A_632 : i32 to index
        %get3A_650 = arith.constant 32 : index
        %get3A_651 = tpu.vector_load %arg13[%get3A_649, %get3A_650] {strides = array<i32>} : memref<80x128xf32, #tpu.memory_space<vmem>>, vector<16xf32>,
        %mul3A_652 = arith.mulf %get3A_651, %gather3A_634 : vector<16xf32>
        %swap3A_653 = arith.index_cast %add3A_632 : i32 to index
        %swap3A_654 = arith.constant 32 : index
        %swap3A_655 = tpu.vector_load %arg13[%swap3A_653, %swap3A_654] {strides = array<i32>} : memref<80x128xf32, #tpu.memory_space<vmem>>, vector<16xf32>,
        tpu.vector_store %arg13[%swap3A_653, %swap3A_654], %mul3A_652 {strides = array<i32>} : memref<80x128xf32, #tpu.memory_space<vmem>>, vector<16xf32>,
        %get3A_656 = arith.index_cast %add3A_632 : i32 to index
        %get3A_657 = arith.constant 48 : index
        %get3A_658 = tpu.vector_load %arg13[%get3A_656, %get3A_657] {strides = array<i32>} : memref<80x128xf32, #tpu.memory_space<vmem>>, vector<16xf32>,
        %mul3A_659 = arith.mulf %get3A_658, %gather3A_634 : vector<16xf32>
        %swap3A_660 = arith.index_cast %add3A_632 : i32 to index
        %swap3A_661 = arith.constant 48 : index
        %swap3A_662 = tpu.vector_load %arg13[%swap3A_660, %swap3A_661] {strides = array<i32>} : memref<80x128xf32, #tpu.memory_space<vmem>>, vector<16xf32>,
        tpu.vector_store %arg13[%swap3A_660, %swap3A_661], %mul3A_659 {strides = array<i32>} : memref<80x128xf32, #tpu.memory_space<vmem>>, vector<16xf32>,
        %get3A_663 = arith.index_cast %add3A_632 : i32 to index
        %get3A_664 = arith.constant 64 : index
        %get3A_665 = tpu.vector_load %arg13[%get3A_663, %get3A_664] {strides = array<i32>} : memref<80x128xf32, #tpu.memory_space<vmem>>, vector<16xf32>,
        %mul3A_666 = arith.mulf %get3A_665, %gather3A_634 : vector<16xf32>
        %swap3A_667 = arith.index_cast %add3A_632 : i32 to index
        %swap3A_668 = arith.constant 64 : index
        %swap3A_669 = tpu.vector_load %arg13[%swap3A_667, %swap3A_668] {strides = array<i32>} : memref<80x128xf32, #tpu.memory_space<vmem>>, vector<16xf32>,
        tpu.vector_store %arg13[%swap3A_667, %swap3A_668], %mul3A_666 {strides = array<i32>} : memref<80x128xf32, #tpu.memory_space<vmem>>, vector<16xf32>,
        %get3A_670 = arith.index_cast %add3A_632 : i32 to index
        %get3A_671 = arith.constant 80 : index
        %get3A_672 = tpu.vector_load %arg13[%get3A_670, %get3A_671] {strides = array<i32>} : memref<80x128xf32, #tpu.memory_space<vmem>>, vector<16xf32>,
        %mul3A_673 = arith.mulf %get3A_672, %gather3A_634 : vector<16xf32>
        %swap3A_674 = arith.index_cast %add3A_632 : i32 to index
        %swap3A_675 = arith.constant 80 : index
        %swap3A_676 = tpu.vector_load %arg13[%swap3A_674, %swap3A_675] {strides = array<i32>} : memref<80x128xf32, #tpu.memory_space<vmem>>, vector<16xf32>,
        tpu.vector_store %arg13[%swap3A_674, %swap3A_675], %mul3A_673 {strides = array<i32>} : memref<80x128xf32, #tpu.memory_space<vmem>>, vector<16xf32>,
        %get3A_677 = arith.index_cast %add3A_632 : i32 to index
        %get3A_678 = arith.constant 96 : index
        %get3A_679 = tpu.vector_load %arg13[%get3A_677, %get3A_678] {strides = array<i32>} : memref<80x128xf32, #tpu.memory_space<vmem>>, vector<16xf32>,
        %mul3A_680 = arith.mulf %get3A_679, %gather3A_634 : vector<16xf32>
        %swap3A_681 = arith.index_cast %add3A_632 : i32 to index
        %swap3A_682 = arith.constant 96 : index
        %swap3A_683 = tpu.vector_load %arg13[%swap3A_681, %swap3A_682] {strides = array<i32>} : memref<80x128xf32, #tpu.memory_space<vmem>>, vector<16xf32>,
        tpu.vector_store %arg13[%swap3A_681, %swap3A_682], %mul3A_680 {strides = array<i32>} : memref<80x128xf32, #tpu.memory_space<vmem>>, vector<16xf32>,
        %get3A_684 = arith.index_cast %add3A_632 : i32 to index
        %get3A_685 = arith.constant 112 : index
        %get3A_686 = tpu.vector_load %arg13[%get3A_684, %get3A_685] {strides = array<i32>} : memref<80x128xf32, #tpu.memory_space<vmem>>, vector<16xf32>,
        %mul3A_687 = arith.mulf %get3A_686, %gather3A_634 : vector<16xf32>
        %swap3A_688 = arith.index_cast %add3A_632 : i32 to index
        %swap3A_689 = arith.constant 112 : index
        %swap3A_690 = tpu.vector_load %arg13[%swap3A_688, %swap3A_689] {strides = array<i32>} : memref<80x128xf32, #tpu.memory_space<vmem>>, vector<16xf32>,
        tpu.vector_store %arg13[%swap3A_688, %swap3A_689], %mul3A_687 {strides = array<i32>} : memref<80x128xf32, #tpu.memory_space<vmem>>, vector<16xf32>,
        %add3A_691 = arith.constant 8 : i32
        %add3A_692 = arith.addi %mul3A_212, %add3A_691 : i32
        %broadcast_in_dim3A_693 = vector.broadcast %add3A_692 : i32 to vector<16xi32>
        %gather3A_694 = tpu.vector_load_idx %arg12[%broadcast_in_dim3A_693] : memref<80xf32, #tpu.memory_space<vmem>>[vector<16xi32>], vector<16xf32>,
        %get3A_695 = arith.index_cast %add3A_692 : i32 to index
        %get3A_696 = arith.constant 0 : index
        %get3A_697 = tpu.vector_load %arg13[%get3A_695, %get3A_696] {strides = array<i32>} : memref<80x128xf32, #tpu.memory_space<vmem>>, vector<16xf32>,
        %mul3A_698 = arith.mulf %get3A_697, %gather3A_694 : vector<16xf32>
        %swap3A_699 = arith.index_cast %add3A_692 : i32 to index
        %swap3A_700 = arith.constant 0 : index
        %swap3A_701 = tpu.vector_load %arg13[%swap3A_699, %swap3A_700] {strides = array<i32>} : memref<80x128xf32, #tpu.memory_space<vmem>>, vector<16xf32>,
        tpu.vector_store %arg13[%swap3A_699, %swap3A_700], %mul3A_698 {strides = array<i32>} : memref<80x128xf32, #tpu.memory_space<vmem>>, vector<16xf32>,
        %get3A_702 = arith.index_cast %add3A_692 : i32 to index
        %get3A_703 = arith.constant 16 : index
        %get3A_704 = tpu.vector_load %arg13[%get3A_702, %get3A_703] {strides = array<i32>} : memref<80x128xf32, #tpu.memory_space<vmem>>, vector<16xf32>,
        %mul3A_705 = arith.mulf %get3A_704, %gather3A_694 : vector<16xf32>
        %swap3A_706 = arith.index_cast %add3A_692 : i32 to index
        %swap3A_707 = arith.constant 16 : index
        %swap3A_708 = tpu.vector_load %arg13[%swap3A_706, %swap3A_707] {strides = array<i32>} : memref<80x128xf32, #tpu.memory_space<vmem>>, vector<16xf32>,
        tpu.vector_store %arg13[%swap3A_706, %swap3A_707], %mul3A_705 {strides = array<i32>} : memref<80x128xf32, #tpu.memory_space<vmem>>, vector<16xf32>,
        %get3A_709 = arith.index_cast %add3A_692 : i32 to index
        %get3A_710 = arith.constant 32 : index
        %get3A_711 = tpu.vector_load %arg13[%get3A_709, %get3A_710] {strides = array<i32>} : memref<80x128xf32, #tpu.memory_space<vmem>>, vector<16xf32>,
        %mul3A_712 = arith.mulf %get3A_711, %gather3A_694 : vector<16xf32>
        %swap3A_713 = arith.index_cast %add3A_692 : i32 to index
        %swap3A_714 = arith.constant 32 : index
        %swap3A_715 = tpu.vector_load %arg13[%swap3A_713, %swap3A_714] {strides = array<i32>} : memref<80x128xf32, #tpu.memory_space<vmem>>, vector<16xf32>,
        tpu.vector_store %arg13[%swap3A_713, %swap3A_714], %mul3A_712 {strides = array<i32>} : memref<80x128xf32, #tpu.memory_space<vmem>>, vector<16xf32>,
        %get3A_716 = arith.index_cast %add3A_692 : i32 to index
        %get3A_717 = arith.constant 48 : index
        %get3A_718 = tpu.vector_load %arg13[%get3A_716, %get3A_717] {strides = array<i32>} : memref<80x128xf32, #tpu.memory_space<vmem>>, vector<16xf32>,
        %mul3A_719 = arith.mulf %get3A_718, %gather3A_694 : vector<16xf32>
        %swap3A_720 = arith.index_cast %add3A_692 : i32 to index
        %swap3A_721 = arith.constant 48 : index
        %swap3A_722 = tpu.vector_load %arg13[%swap3A_720, %swap3A_721] {strides = array<i32>} : memref<80x128xf32, #tpu.memory_space<vmem>>, vector<16xf32>,
        tpu.vector_store %arg13[%swap3A_720, %swap3A_721], %mul3A_719 {strides = array<i32>} : memref<80x128xf32, #tpu.memory_space<vmem>>, vector<16xf32>,
        %get3A_723 = arith.index_cast %add3A_692 : i32 to index
        %get3A_724 = arith.constant 64 : index
        %get3A_725 = tpu.vector_load %arg13[%get3A_723, %get3A_724] {strides = array<i32>} : memref<80x128xf32, #tpu.memory_space<vmem>>, vector<16xf32>,
        %mul3A_726 = arith.mulf %get3A_725, %gather3A_694 : vector<16xf32>
        %swap3A_727 = arith.index_cast %add3A_692 : i32 to index
        %swap3A_728 = arith.constant 64 : index
        %swap3A_729 = tpu.vector_load %arg13[%swap3A_727, %swap3A_728] {strides = array<i32>} : memref<80x128xf32, #tpu.memory_space<vmem>>, vector<16xf32>,
        tpu.vector_store %arg13[%swap3A_727, %swap3A_728], %mul3A_726 {strides = array<i32>} : memref<80x128xf32, #tpu.memory_space<vmem>>, vector<16xf32>,
        %get3A_730 = arith.index_cast %add3A_692 : i32 to index
        %get3A_731 = arith.constant 80 : index
        %get3A_732 = tpu.vector_load %arg13[%get3A_730, %get3A_731] {strides = array<i32>} : memref<80x128xf32, #tpu.memory_space<vmem>>, vector<16xf32>,
        %mul3A_733 = arith.mulf %get3A_732, %gather3A_694 : vector<16xf32>
        %swap3A_734 = arith.index_cast %add3A_692 : i32 to index
        %swap3A_735 = arith.constant 80 : index
        %swap3A_736 = tpu.vector_load %arg13[%swap3A_734, %swap3A_735] {strides = array<i32>} : memref<80x128xf32, #tpu.memory_space<vmem>>, vector<16xf32>,
        tpu.vector_store %arg13[%swap3A_734, %swap3A_735], %mul3A_733 {strides = array<i32>} : memref<80x128xf32, #tpu.memory_space<vmem>>, vector<16xf32>,
        %get3A_737 = arith.index_cast %add3A_692 : i32 to index
        %get3A_738 = arith.constant 96 : index
        %get3A_739 = tpu.vector_load %arg13[%get3A_737, %get3A_738] {strides = array<i32>} : memref<80x128xf32, #tpu.memory_space<vmem>>, vector<16xf32>,
        %mul3A_740 = arith.mulf %get3A_739, %gather3A_694 : vector<16xf32>
        %swap3A_741 = arith.index_cast %add3A_692 : i32 to index
        %swap3A_742 = arith.constant 96 : index
        %swap3A_743 = tpu.vector_load %arg13[%swap3A_741, %swap3A_742] {strides = array<i32>} : memref<80x128xf32, #tpu.memory_space<vmem>>, vector<16xf32>,
        tpu.vector_store %arg13[%swap3A_741, %swap3A_742], %mul3A_740 {strides = array<i32>} : memref<80x128xf32, #tpu.memory_space<vmem>>, vector<16xf32>,
        %get3A_744 = arith.index_cast %add3A_692 : i32 to index
        %get3A_745 = arith.constant 112 : index
        %get3A_746 = tpu.vector_load %arg13[%get3A_744, %get3A_745] {strides = array<i32>} : memref<80x128xf32, #tpu.memory_space<vmem>>, vector<16xf32>,
        %mul3A_747 = arith.mulf %get3A_746, %gather3A_694 : vector<16xf32>
        %swap3A_748 = arith.index_cast %add3A_692 : i32 to index
        %swap3A_749 = arith.constant 112 : index
        %swap3A_750 = tpu.vector_load %arg13[%swap3A_748, %swap3A_749] {strides = array<i32>} : memref<80x128xf32, #tpu.memory_space<vmem>>, vector<16xf32>,
        tpu.vector_store %arg13[%swap3A_748, %swap3A_749], %mul3A_747 {strides = array<i32>} : memref<80x128xf32, #tpu.memory_space<vmem>>, vector<16xf32>,
        %add3A_751 = arith.constant 9 : i32
        %add3A_752 = arith.addi %mul3A_212, %add3A_751 : i32
        %broadcast_in_dim3A_753 = vector.broadcast %add3A_752 : i32 to vector<16xi32>
        %gather3A_754 = tpu.vector_load_idx %arg12[%broadcast_in_dim3A_753] : memref<80xf32, #tpu.memory_space<vmem>>[vector<16xi32>], vector<16xf32>,
        %get3A_755 = arith.index_cast %add3A_752 : i32 to index
        %get3A_756 = arith.constant 0 : index
        %get3A_757 = tpu.vector_load %arg13[%get3A_755, %get3A_756] {strides = array<i32>} : memref<80x128xf32, #tpu.memory_space<vmem>>, vector<16xf32>,
        %mul3A_758 = arith.mulf %get3A_757, %gather3A_754 : vector<16xf32>
        %swap3A_759 = arith.index_cast %add3A_752 : i32 to index
        %swap3A_760 = arith.constant 0 : index
        %swap3A_761 = tpu.vector_load %arg13[%swap3A_759, %swap3A_760] {strides = array<i32>} : memref<80x128xf32, #tpu.memory_space<vmem>>, vector<16xf32>,
        tpu.vector_store %arg13[%swap3A_759, %swap3A_760], %mul3A_758 {strides = array<i32>} : memref<80x128xf32, #tpu.memory_space<vmem>>, vector<16xf32>,
        %get3A_762 = arith.index_cast %add3A_752 : i32 to index
        %get3A_763 = arith.constant 16 : index
        %get3A_764 = tpu.vector_load %arg13[%get3A_762, %get3A_763] {strides = array<i32>} : memref<80x128xf32, #tpu.memory_space<vmem>>, vector<16xf32>,
        %mul3A_765 = arith.mulf %get3A_764, %gather3A_754 : vector<16xf32>
        %swap3A_766 = arith.index_cast %add3A_752 : i32 to index
        %swap3A_767 = arith.constant 16 : index
        %swap3A_768 = tpu.vector_load %arg13[%swap3A_766, %swap3A_767] {strides = array<i32>} : memref<80x128xf32, #tpu.memory_space<vmem>>, vector<16xf32>,
        tpu.vector_store %arg13[%swap3A_766, %swap3A_767], %mul3A_765 {strides = array<i32>} : memref<80x128xf32, #tpu.memory_space<vmem>>, vector<16xf32>,
        %get3A_769 = arith.index_cast %add3A_752 : i32 to index
        %get3A_770 = arith.constant 32 : index
        %get3A_771 = tpu.vector_load %arg13[%get3A_769, %get3A_770] {strides = array<i32>} : memref<80x128xf32, #tpu.memory_space<vmem>>, vector<16xf32>,
        %mul3A_772 = arith.mulf %get3A_771, %gather3A_754 : vector<16xf32>
        %swap3A_773 = arith.index_cast %add3A_752 : i32 to index
        %swap3A_774 = arith.constant 32 : index
        %swap3A_775 = tpu.vector_load %arg13[%swap3A_773, %swap3A_774] {strides = array<i32>} : memref<80x128xf32, #tpu.memory_space<vmem>>, vector<16xf32>,
        tpu.vector_store %arg13[%swap3A_773, %swap3A_774], %mul3A_772 {strides = array<i32>} : memref<80x128xf32, #tpu.memory_space<vmem>>, vector<16xf32>,
        %get3A_776 = arith.index_cast %add3A_752 : i32 to index
        %get3A_777 = arith.constant 48 : index
        %get3A_778 = tpu.vector_load %arg13[%get3A_776, %get3A_777] {strides = array<i32>} : memref<80x128xf32, #tpu.memory_space<vmem>>, vector<16xf32>,
        %mul3A_779 = arith.mulf %get3A_778, %gather3A_754 : vector<16xf32>
        %swap3A_780 = arith.index_cast %add3A_752 : i32 to index
        %swap3A_781 = arith.constant 48 : index
        %swap3A_782 = tpu.vector_load %arg13[%swap3A_780, %swap3A_781] {strides = array<i32>} : memref<80x128xf32, #tpu.memory_space<vmem>>, vector<16xf32>,
        tpu.vector_store %arg13[%swap3A_780, %swap3A_781], %mul3A_779 {strides = array<i32>} : memref<80x128xf32, #tpu.memory_space<vmem>>, vector<16xf32>,
        %get3A_783 = arith.index_cast %add3A_752 : i32 to index
        %get3A_784 = arith.constant 64 : index
        %get3A_785 = tpu.vector_load %arg13[%get3A_783, %get3A_784] {strides = array<i32>} : memref<80x128xf32, #tpu.memory_space<vmem>>, vector<16xf32>,
        %mul3A_786 = arith.mulf %get3A_785, %gather3A_754 : vector<16xf32>
        %swap3A_787 = arith.index_cast %add3A_752 : i32 to index
        %swap3A_788 = arith.constant 64 : index
        %swap3A_789 = tpu.vector_load %arg13[%swap3A_787, %swap3A_788] {strides = array<i32>} : memref<80x128xf32, #tpu.memory_space<vmem>>, vector<16xf32>,
        tpu.vector_store %arg13[%swap3A_787, %swap3A_788], %mul3A_786 {strides = array<i32>} : memref<80x128xf32, #tpu.memory_space<vmem>>, vector<16xf32>,
        %get3A_790 = arith.index_cast %add3A_752 : i32 to index
        %get3A_791 = arith.constant 80 : index
        %get3A_792 = tpu.vector_load %arg13[%get3A_790, %get3A_791] {strides = array<i32>} : memref<80x128xf32, #tpu.memory_space<vmem>>, vector<16xf32>,
        %mul3A_793 = arith.mulf %get3A_792, %gather3A_754 : vector<16xf32>
        %swap3A_794 = arith.index_cast %add3A_752 : i32 to index
        %swap3A_795 = arith.constant 80 : index
        %swap3A_796 = tpu.vector_load %arg13[%swap3A_794, %swap3A_795] {strides = array<i32>} : memref<80x128xf32, #tpu.memory_space<vmem>>, vector<16xf32>,
        tpu.vector_store %arg13[%swap3A_794, %swap3A_795], %mul3A_793 {strides = array<i32>} : memref<80x128xf32, #tpu.memory_space<vmem>>, vector<16xf32>,
        %get3A_797 = arith.index_cast %add3A_752 : i32 to index
        %get3A_798 = arith.constant 96 : index
        %get3A_799 = tpu.vector_load %arg13[%get3A_797, %get3A_798] {strides = array<i32>} : memref<80x128xf32, #tpu.memory_space<vmem>>, vector<16xf32>,
        %mul3A_800 = arith.mulf %get3A_799, %gather3A_754 : vector<16xf32>
        %swap3A_801 = arith.index_cast %add3A_752 : i32 to index
        %swap3A_802 = arith.constant 96 : index
        %swap3A_803 = tpu.vector_load %arg13[%swap3A_801, %swap3A_802] {strides = array<i32>} : memref<80x128xf32, #tpu.memory_space<vmem>>, vector<16xf32>,
        tpu.vector_store %arg13[%swap3A_801, %swap3A_802], %mul3A_800 {strides = array<i32>} : memref<80x128xf32, #tpu.memory_space<vmem>>, vector<16xf32>,
        %get3A_804 = arith.index_cast %add3A_752 : i32 to index
        %get3A_805 = arith.constant 112 : index
        %get3A_806 = tpu.vector_load %arg13[%get3A_804, %get3A_805] {strides = array<i32>} : memref<80x128xf32, #tpu.memory_space<vmem>>, vector<16xf32>,
        %mul3A_807 = arith.mulf %get3A_806, %gather3A_754 : vector<16xf32>
        %swap3A_808 = arith.index_cast %add3A_752 : i32 to index
        %swap3A_809 = arith.constant 112 : index
        %swap3A_810 = tpu.vector_load %arg13[%swap3A_808, %swap3A_809] {strides = array<i32>} : memref<80x128xf32, #tpu.memory_space<vmem>>, vector<16xf32>,
        tpu.vector_store %arg13[%swap3A_808, %swap3A_809], %mul3A_807 {strides = array<i32>} : memref<80x128xf32, #tpu.memory_space<vmem>>, vector<16xf32>,
        %add3A_811 = arith.constant 10 : i32
        %add3A_812 = arith.addi %mul3A_212, %add3A_811 : i32
        %broadcast_in_dim3A_813 = vector.broadcast %add3A_812 : i32 to vector<16xi32>
        %gather3A_814 = tpu.vector_load_idx %arg12[%broadcast_in_dim3A_813] : memref<80xf32, #tpu.memory_space<vmem>>[vector<16xi32>], vector<16xf32>,
        %get3A_815 = arith.index_cast %add3A_812 : i32 to index
        %get3A_816 = arith.constant 0 : index
        %get3A_817 = tpu.vector_load %arg13[%get3A_815, %get3A_816] {strides = array<i32>} : memref<80x128xf32, #tpu.memory_space<vmem>>, vector<16xf32>,
        %mul3A_818 = arith.mulf %get3A_817, %gather3A_814 : vector<16xf32>
        %swap3A_819 = arith.index_cast %add3A_812 : i32 to index
        %swap3A_820 = arith.constant 0 : index
        %swap3A_821 = tpu.vector_load %arg13[%swap3A_819, %swap3A_820] {strides = array<i32>} : memref<80x128xf32, #tpu.memory_space<vmem>>, vector<16xf32>,
        tpu.vector_store %arg13[%swap3A_819, %swap3A_820], %mul3A_818 {strides = array<i32>} : memref<80x128xf32, #tpu.memory_space<vmem>>, vector<16xf32>,
        %get3A_822 = arith.index_cast %add3A_812 : i32 to index
        %get3A_823 = arith.constant 16 : index
        %get3A_824 = tpu.vector_load %arg13[%get3A_822, %get3A_823] {strides = array<i32>} : memref<80x128xf32, #tpu.memory_space<vmem>>, vector<16xf32>,
        %mul3A_825 = arith.mulf %get3A_824, %gather3A_814 : vector<16xf32>
        %swap3A_826 = arith.index_cast %add3A_812 : i32 to index
        %swap3A_827 = arith.constant 16 : index
        %swap3A_828 = tpu.vector_load %arg13[%swap3A_826, %swap3A_827] {strides = array<i32>} : memref<80x128xf32, #tpu.memory_space<vmem>>, vector<16xf32>,
        tpu.vector_store %arg13[%swap3A_826, %swap3A_827], %mul3A_825 {strides = array<i32>} : memref<80x128xf32, #tpu.memory_space<vmem>>, vector<16xf32>,
        %get3A_829 = arith.index_cast %add3A_812 : i32 to index
        %get3A_830 = arith.constant 32 : index
        %get3A_831 = tpu.vector_load %arg13[%get3A_829, %get3A_830] {strides = array<i32>} : memref<80x128xf32, #tpu.memory_space<vmem>>, vector<16xf32>,
        %mul3A_832 = arith.mulf %get3A_831, %gather3A_814 : vector<16xf32>
        %swap3A_833 = arith.index_cast %add3A_812 : i32 to index
        %swap3A_834 = arith.constant 32 : index
        %swap3A_835 = tpu.vector_load %arg13[%swap3A_833, %swap3A_834] {strides = array<i32>} : memref<80x128xf32, #tpu.memory_space<vmem>>, vector<16xf32>,
        tpu.vector_store %arg13[%swap3A_833, %swap3A_834], %mul3A_832 {strides = array<i32>} : memref<80x128xf32, #tpu.memory_space<vmem>>, vector<16xf32>,
        %get3A_836 = arith.index_cast %add3A_812 : i32 to index
        %get3A_837 = arith.constant 48 : index
        %get3A_838 = tpu.vector_load %arg13[%get3A_836, %get3A_837] {strides = array<i32>} : memref<80x128xf32, #tpu.memory_space<vmem>>, vector<16xf32>,
        %mul3A_839 = arith.mulf %get3A_838, %gather3A_814 : vector<16xf32>
        %swap3A_840 = arith.index_cast %add3A_812 : i32 to index
        %swap3A_841 = arith.constant 48 : index
        %swap3A_842 = tpu.vector_load %arg13[%swap3A_840, %swap3A_841] {strides = array<i32>} : memref<80x128xf32, #tpu.memory_space<vmem>>, vector<16xf32>,
        tpu.vector_store %arg13[%swap3A_840, %swap3A_841], %mul3A_839 {strides = array<i32>} : memref<80x128xf32, #tpu.memory_space<vmem>>, vector<16xf32>,
        %get3A_843 = arith.index_cast %add3A_812 : i32 to index
        %get3A_844 = arith.constant 64 : index
        %get3A_845 = tpu.vector_load %arg13[%get3A_843, %get3A_844] {strides = array<i32>} : memref<80x128xf32, #tpu.memory_space<vmem>>, vector<16xf32>,
        %mul3A_846 = arith.mulf %get3A_845, %gather3A_814 : vector<16xf32>
        %swap3A_847 = arith.index_cast %add3A_812 : i32 to index
        %swap3A_848 = arith.constant 64 : index
        %swap3A_849 = tpu.vector_load %arg13[%swap3A_847, %swap3A_848] {strides = array<i32>} : memref<80x128xf32, #tpu.memory_space<vmem>>, vector<16xf32>,
        tpu.vector_store %arg13[%swap3A_847, %swap3A_848], %mul3A_846 {strides = array<i32>} : memref<80x128xf32, #tpu.memory_space<vmem>>, vector<16xf32>,
        %get3A_850 = arith.index_cast %add3A_812 : i32 to index
        %get3A_851 = arith.constant 80 : index
        %get3A_852 = tpu.vector_load %arg13[%get3A_850, %get3A_851] {strides = array<i32>} : memref<80x128xf32, #tpu.memory_space<vmem>>, vector<16xf32>,
        %mul3A_853 = arith.mulf %get3A_852, %gather3A_814 : vector<16xf32>
        %swap3A_854 = arith.index_cast %add3A_812 : i32 to index
        %swap3A_855 = arith.constant 80 : index
        %swap3A_856 = tpu.vector_load %arg13[%swap3A_854, %swap3A_855] {strides = array<i32>} : memref<80x128xf32, #tpu.memory_space<vmem>>, vector<16xf32>,
        tpu.vector_store %arg13[%swap3A_854, %swap3A_855], %mul3A_853 {strides = array<i32>} : memref<80x128xf32, #tpu.memory_space<vmem>>, vector<16xf32>,
        %get3A_857 = arith.index_cast %add3A_812 : i32 to index
        %get3A_858 = arith.constant 96 : index
        %get3A_859 = tpu.vector_load %arg13[%get3A_857, %get3A_858] {strides = array<i32>} : memref<80x128xf32, #tpu.memory_space<vmem>>, vector<16xf32>,
        %mul3A_860 = arith.mulf %get3A_859, %gather3A_814 : vector<16xf32>
        %swap3A_861 = arith.index_cast %add3A_812 : i32 to index
        %swap3A_862 = arith.constant 96 : index
        %swap3A_863 = tpu.vector_load %arg13[%swap3A_861, %swap3A_862] {strides = array<i32>} : memref<80x128xf32, #tpu.memory_space<vmem>>, vector<16xf32>,
        tpu.vector_store %arg13[%swap3A_861, %swap3A_862], %mul3A_860 {strides = array<i32>} : memref<80x128xf32, #tpu.memory_space<vmem>>, vector<16xf32>,
        %get3A_864 = arith.index_cast %add3A_812 : i32 to index
        %get3A_865 = arith.constant 112 : index
        %get3A_866 = tpu.vector_load %arg13[%get3A_864, %get3A_865] {strides = array<i32>} : memref<80x128xf32, #tpu.memory_space<vmem>>, vector<16xf32>,
        %mul3A_867 = arith.mulf %get3A_866, %gather3A_814 : vector<16xf32>
        %swap3A_868 = arith.index_cast %add3A_812 : i32 to index
        %swap3A_869 = arith.constant 112 : index
        %swap3A_870 = tpu.vector_load %arg13[%swap3A_868, %swap3A_869] {strides = array<i32>} : memref<80x128xf32, #tpu.memory_space<vmem>>, vector<16xf32>,
        tpu.vector_store %arg13[%swap3A_868, %swap3A_869], %mul3A_867 {strides = array<i32>} : memref<80x128xf32, #tpu.memory_space<vmem>>, vector<16xf32>,
        %add3A_871 = arith.constant 11 : i32
        %add3A_872 = arith.addi %mul3A_212, %add3A_871 : i32
        %broadcast_in_dim3A_873 = vector.broadcast %add3A_872 : i32 to vector<16xi32>
        %gather3A_874 = tpu.vector_load_idx %arg12[%broadcast_in_dim3A_873] : memref<80xf32, #tpu.memory_space<vmem>>[vector<16xi32>], vector<16xf32>,
        %get3A_875 = arith.index_cast %add3A_872 : i32 to index
        %get3A_876 = arith.constant 0 : index
        %get3A_877 = tpu.vector_load %arg13[%get3A_875, %get3A_876] {strides = array<i32>} : memref<80x128xf32, #tpu.memory_space<vmem>>, vector<16xf32>,
        %mul3A_878 = arith.mulf %get3A_877, %gather3A_874 : vector<16xf32>
        %swap3A_879 = arith.index_cast %add3A_872 : i32 to index
        %swap3A_880 = arith.constant 0 : index
        %swap3A_881 = tpu.vector_load %arg13[%swap3A_879, %swap3A_880] {strides = array<i32>} : memref<80x128xf32, #tpu.memory_space<vmem>>, vector<16xf32>,
        tpu.vector_store %arg13[%swap3A_879, %swap3A_880], %mul3A_878 {strides = array<i32>} : memref<80x128xf32, #tpu.memory_space<vmem>>, vector<16xf32>,
        %get3A_882 = arith.index_cast %add3A_872 : i32 to index
        %get3A_883 = arith.constant 16 : index
        %get3A_884 = tpu.vector_load %arg13[%get3A_882, %get3A_883] {strides = array<i32>} : memref<80x128xf32, #tpu.memory_space<vmem>>, vector<16xf32>,
        %mul3A_885 = arith.mulf %get3A_884, %gather3A_874 : vector<16xf32>
        %swap3A_886 = arith.index_cast %add3A_872 : i32 to index
        %swap3A_887 = arith.constant 16 : index
        %swap3A_888 = tpu.vector_load %arg13[%swap3A_886, %swap3A_887] {strides = array<i32>} : memref<80x128xf32, #tpu.memory_space<vmem>>, vector<16xf32>,
        tpu.vector_store %arg13[%swap3A_886, %swap3A_887], %mul3A_885 {strides = array<i32>} : memref<80x128xf32, #tpu.memory_space<vmem>>, vector<16xf32>,
        %get3A_889 = arith.index_cast %add3A_872 : i32 to index
        %get3A_890 = arith.constant 32 : index
        %get3A_891 = tpu.vector_load %arg13[%get3A_889, %get3A_890] {strides = array<i32>} : memref<80x128xf32, #tpu.memory_space<vmem>>, vector<16xf32>,
        %mul3A_892 = arith.mulf %get3A_891, %gather3A_874 : vector<16xf32>
        %swap3A_893 = arith.index_cast %add3A_872 : i32 to index
        %swap3A_894 = arith.constant 32 : index
        %swap3A_895 = tpu.vector_load %arg13[%swap3A_893, %swap3A_894] {strides = array<i32>} : memref<80x128xf32, #tpu.memory_space<vmem>>, vector<16xf32>,
        tpu.vector_store %arg13[%swap3A_893, %swap3A_894], %mul3A_892 {strides = array<i32>} : memref<80x128xf32, #tpu.memory_space<vmem>>, vector<16xf32>,
        %get3A_896 = arith.index_cast %add3A_872 : i32 to index
        %get3A_897 = arith.constant 48 : index
        %get3A_898 = tpu.vector_load %arg13[%get3A_896, %get3A_897] {strides = array<i32>} : memref<80x128xf32, #tpu.memory_space<vmem>>, vector<16xf32>,
        %mul3A_899 = arith.mulf %get3A_898, %gather3A_874 : vector<16xf32>
        %swap3A_900 = arith.index_cast %add3A_872 : i32 to index
        %swap3A_901 = arith.constant 48 : index
        %swap3A_902 = tpu.vector_load %arg13[%swap3A_900, %swap3A_901] {strides = array<i32>} : memref<80x128xf32, #tpu.memory_space<vmem>>, vector<16xf32>,
        tpu.vector_store %arg13[%swap3A_900, %swap3A_901], %mul3A_899 {strides = array<i32>} : memref<80x128xf32, #tpu.memory_space<vmem>>, vector<16xf32>,
        %get3A_903 = arith.index_cast %add3A_872 : i32 to index
        %get3A_904 = arith.constant 64 : index
        %get3A_905 = tpu.vector_load %arg13[%get3A_903, %get3A_904] {strides = array<i32>} : memref<80x128xf32, #tpu.memory_space<vmem>>, vector<16xf32>,
        %mul3A_906 = arith.mulf %get3A_905, %gather3A_874 : vector<16xf32>
        %swap3A_907 = arith.index_cast %add3A_872 : i32 to index
        %swap3A_908 = arith.constant 64 : index
        %swap3A_909 = tpu.vector_load %arg13[%swap3A_907, %swap3A_908] {strides = array<i32>} : memref<80x128xf32, #tpu.memory_space<vmem>>, vector<16xf32>,
        tpu.vector_store %arg13[%swap3A_907, %swap3A_908], %mul3A_906 {strides = array<i32>} : memref<80x128xf32, #tpu.memory_space<vmem>>, vector<16xf32>,
        %get3A_910 = arith.index_cast %add3A_872 : i32 to index
        %get3A_911 = arith.constant 80 : index
        %get3A_912 = tpu.vector_load %arg13[%get3A_910, %get3A_911] {strides = array<i32>} : memref<80x128xf32, #tpu.memory_space<vmem>>, vector<16xf32>,
        %mul3A_913 = arith.mulf %get3A_912, %gather3A_874 : vector<16xf32>
        %swap3A_914 = arith.index_cast %add3A_872 : i32 to index
        %swap3A_915 = arith.constant 80 : index
        %swap3A_916 = tpu.vector_load %arg13[%swap3A_914, %swap3A_915] {strides = array<i32>} : memref<80x128xf32, #tpu.memory_space<vmem>>, vector<16xf32>,
        tpu.vector_store %arg13[%swap3A_914, %swap3A_915], %mul3A_913 {strides = array<i32>} : memref<80x128xf32, #tpu.memory_space<vmem>>, vector<16xf32>,
        %get3A_917 = arith.index_cast %add3A_872 : i32 to index
        %get3A_918 = arith.constant 96 : index
        %get3A_919 = tpu.vector_load %arg13[%get3A_917, %get3A_918] {strides = array<i32>} : memref<80x128xf32, #tpu.memory_space<vmem>>, vector<16xf32>,
        %mul3A_920 = arith.mulf %get3A_919, %gather3A_874 : vector<16xf32>
        %swap3A_921 = arith.index_cast %add3A_872 : i32 to index
        %swap3A_922 = arith.constant 96 : index
        %swap3A_923 = tpu.vector_load %arg13[%swap3A_921, %swap3A_922] {strides = array<i32>} : memref<80x128xf32, #tpu.memory_space<vmem>>, vector<16xf32>,
        tpu.vector_store %arg13[%swap3A_921, %swap3A_922], %mul3A_920 {strides = array<i32>} : memref<80x128xf32, #tpu.memory_space<vmem>>, vector<16xf32>,
        %get3A_924 = arith.index_cast %add3A_872 : i32 to index
        %get3A_925 = arith.constant 112 : index
        %get3A_926 = tpu.vector_load %arg13[%get3A_924, %get3A_925] {strides = array<i32>} : memref<80x128xf32, #tpu.memory_space<vmem>>, vector<16xf32>,
        %mul3A_927 = arith.mulf %get3A_926, %gather3A_874 : vector<16xf32>
        %swap3A_928 = arith.index_cast %add3A_872 : i32 to index
        %swap3A_929 = arith.constant 112 : index
        %swap3A_930 = tpu.vector_load %arg13[%swap3A_928, %swap3A_929] {strides = array<i32>} : memref<80x128xf32, #tpu.memory_space<vmem>>, vector<16xf32>,
        tpu.vector_store %arg13[%swap3A_928, %swap3A_929], %mul3A_927 {strides = array<i32>} : memref<80x128xf32, #tpu.memory_space<vmem>>, vector<16xf32>,
        %add3A_931 = arith.constant 12 : i32
        %add3A_932 = arith.addi %mul3A_212, %add3A_931 : i32
        %broadcast_in_dim3A_933 = vector.broadcast %add3A_932 : i32 to vector<16xi32>
        %gather3A_934 = tpu.vector_load_idx %arg12[%broadcast_in_dim3A_933] : memref<80xf32, #tpu.memory_space<vmem>>[vector<16xi32>], vector<16xf32>,
        %get3A_935 = arith.index_cast %add3A_932 : i32 to index
        %get3A_936 = arith.constant 0 : index
        %get3A_937 = tpu.vector_load %arg13[%get3A_935, %get3A_936] {strides = array<i32>} : memref<80x128xf32, #tpu.memory_space<vmem>>, vector<16xf32>,
        %mul3A_938 = arith.mulf %get3A_937, %gather3A_934 : vector<16xf32>
        %swap3A_939 = arith.index_cast %add3A_932 : i32 to index
        %swap3A_940 = arith.constant 0 : index
        %swap3A_941 = tpu.vector_load %arg13[%swap3A_939, %swap3A_940] {strides = array<i32>} : memref<80x128xf32, #tpu.memory_space<vmem>>, vector<16xf32>,
        tpu.vector_store %arg13[%swap3A_939, %swap3A_940], %mul3A_938 {strides = array<i32>} : memref<80x128xf32, #tpu.memory_space<vmem>>, vector<16xf32>,
        %get3A_942 = arith.index_cast %add3A_932 : i32 to index
        %get3A_943 = arith.constant 16 : index
        %get3A_944 = tpu.vector_load %arg13[%get3A_942, %get3A_943] {strides = array<i32>} : memref<80x128xf32, #tpu.memory_space<vmem>>, vector<16xf32>,
        %mul3A_945 = arith.mulf %get3A_944, %gather3A_934 : vector<16xf32>
        %swap3A_946 = arith.index_cast %add3A_932 : i32 to index
        %swap3A_947 = arith.constant 16 : index
        %swap3A_948 = tpu.vector_load %arg13[%swap3A_946, %swap3A_947] {strides = array<i32>} : memref<80x128xf32, #tpu.memory_space<vmem>>, vector<16xf32>,
        tpu.vector_store %arg13[%swap3A_946, %swap3A_947], %mul3A_945 {strides = array<i32>} : memref<80x128xf32, #tpu.memory_space<vmem>>, vector<16xf32>,
        %get3A_949 = arith.index_cast %add3A_932 : i32 to index
        %get3A_950 = arith.constant 32 : index
        %get3A_951 = tpu.vector_load %arg13[%get3A_949, %get3A_950] {strides = array<i32>} : memref<80x128xf32, #tpu.memory_space<vmem>>, vector<16xf32>,
        %mul3A_952 = arith.mulf %get3A_951, %gather3A_934 : vector<16xf32>
        %swap3A_953 = arith.index_cast %add3A_932 : i32 to index
        %swap3A_954 = arith.constant 32 : index
        %swap3A_955 = tpu.vector_load %arg13[%swap3A_953, %swap3A_954] {strides = array<i32>} : memref<80x128xf32, #tpu.memory_space<vmem>>, vector<16xf32>,
        tpu.vector_store %arg13[%swap3A_953, %swap3A_954], %mul3A_952 {strides = array<i32>} : memref<80x128xf32, #tpu.memory_space<vmem>>, vector<16xf32>,
        %get3A_956 = arith.index_cast %add3A_932 : i32 to index
        %get3A_957 = arith.constant 48 : index
        %get3A_958 = tpu.vector_load %arg13[%get3A_956, %get3A_957] {strides = array<i32>} : memref<80x128xf32, #tpu.memory_space<vmem>>, vector<16xf32>,
        %mul3A_959 = arith.mulf %get3A_958, %gather3A_934 : vector<16xf32>
        %swap3A_960 = arith.index_cast %add3A_932 : i32 to index
        %swap3A_961 = arith.constant 48 : index
        %swap3A_962 = tpu.vector_load %arg13[%swap3A_960, %swap3A_961] {strides = array<i32>} : memref<80x128xf32, #tpu.memory_space<vmem>>, vector<16xf32>,
        tpu.vector_store %arg13[%swap3A_960, %swap3A_961], %mul3A_959 {strides = array<i32>} : memref<80x128xf32, #tpu.memory_space<vmem>>, vector<16xf32>,
        %get3A_963 = arith.index_cast %add3A_932 : i32 to index
        %get3A_964 = arith.constant 64 : index
        %get3A_965 = tpu.vector_load %arg13[%get3A_963, %get3A_964] {strides = array<i32>} : memref<80x128xf32, #tpu.memory_space<vmem>>, vector<16xf32>,
        %mul3A_966 = arith.mulf %get3A_965, %gather3A_934 : vector<16xf32>
        %swap3A_967 = arith.index_cast %add3A_932 : i32 to index
        %swap3A_968 = arith.constant 64 : index
        %swap3A_969 = tpu.vector_load %arg13[%swap3A_967, %swap3A_968] {strides = array<i32>} : memref<80x128xf32, #tpu.memory_space<vmem>>, vector<16xf32>,
        tpu.vector_store %arg13[%swap3A_967, %swap3A_968], %mul3A_966 {strides = array<i32>} : memref<80x128xf32, #tpu.memory_space<vmem>>, vector<16xf32>,
        %get3A_970 = arith.index_cast %add3A_932 : i32 to index
        %get3A_971 = arith.constant 80 : index
        %get3A_972 = tpu.vector_load %arg13[%get3A_970, %get3A_971] {strides = array<i32>} : memref<80x128xf32, #tpu.memory_space<vmem>>, vector<16xf32>,
        %mul3A_973 = arith.mulf %get3A_972, %gather3A_934 : vector<16xf32>
        %swap3A_974 = arith.index_cast %add3A_932 : i32 to index
        %swap3A_975 = arith.constant 80 : index
        %swap3A_976 = tpu.vector_load %arg13[%swap3A_974, %swap3A_975] {strides = array<i32>} : memref<80x128xf32, #tpu.memory_space<vmem>>, vector<16xf32>,
        tpu.vector_store %arg13[%swap3A_974, %swap3A_975], %mul3A_973 {strides = array<i32>} : memref<80x128xf32, #tpu.memory_space<vmem>>, vector<16xf32>,
        %get3A_977 = arith.index_cast %add3A_932 : i32 to index
        %get3A_978 = arith.constant 96 : index
        %get3A_979 = tpu.vector_load %arg13[%get3A_977, %get3A_978] {strides = array<i32>} : memref<80x128xf32, #tpu.memory_space<vmem>>, vector<16xf32>,
        %mul3A_980 = arith.mulf %get3A_979, %gather3A_934 : vector<16xf32>
        %swap3A_981 = arith.index_cast %add3A_932 : i32 to index
        %swap3A_982 = arith.constant 96 : index
        %swap3A_983 = tpu.vector_load %arg13[%swap3A_981, %swap3A_982] {strides = array<i32>} : memref<80x128xf32, #tpu.memory_space<vmem>>, vector<16xf32>,
        tpu.vector_store %arg13[%swap3A_981, %swap3A_982], %mul3A_980 {strides = array<i32>} : memref<80x128xf32, #tpu.memory_space<vmem>>, vector<16xf32>,
        %get3A_984 = arith.index_cast %add3A_932 : i32 to index
        %get3A_985 = arith.constant 112 : index
        %get3A_986 = tpu.vector_load %arg13[%get3A_984, %get3A_985] {strides = array<i32>} : memref<80x128xf32, #tpu.memory_space<vmem>>, vector<16xf32>,
        %mul3A_987 = arith.mulf %get3A_986, %gather3A_934 : vector<16xf32>
        %swap3A_988 = arith.index_cast %add3A_932 : i32 to index
        %swap3A_989 = arith.constant 112 : index
        %swap3A_990 = tpu.vector_load %arg13[%swap3A_988, %swap3A_989] {strides = array<i32>} : memref<80x128xf32, #tpu.memory_space<vmem>>, vector<16xf32>,
        tpu.vector_store %arg13[%swap3A_988, %swap3A_989], %mul3A_987 {strides = array<i32>} : memref<80x128xf32, #tpu.memory_space<vmem>>, vector<16xf32>,
        %add3A_991 = arith.constant 13 : i32
        %add3A_992 = arith.addi %mul3A_212, %add3A_991 : i32
        %broadcast_in_dim3A_993 = vector.broadcast %add3A_992 : i32 to vector<16xi32>
        %gather3A_994 = tpu.vector_load_idx %arg12[%broadcast_in_dim3A_993] : memref<80xf32, #tpu.memory_space<vmem>>[vector<16xi32>], vector<16xf32>,
        %get3A_995 = arith.index_cast %add3A_992 : i32 to index
        %get3A_996 = arith.constant 0 : index
        %get3A_997 = tpu.vector_load %arg13[%get3A_995, %get3A_996] {strides = array<i32>} : memref<80x128xf32, #tpu.memory_space<vmem>>, vector<16xf32>,
        %mul3A_998 = arith.mulf %get3A_997, %gather3A_994 : vector<16xf32>
        %swap3A_999 = arith.index_cast %add3A_992 : i32 to index
        %swap3A_1000 = arith.constant 0 : index
        %swap3A_1001 = tpu.vector_load %arg13[%swap3A_999, %swap3A_1000] {strides = array<i32>} : memref<80x128xf32, #tpu.memory_space<vmem>>, vector<16xf32>,
        tpu.vector_store %arg13[%swap3A_999, %swap3A_1000], %mul3A_998 {strides = array<i32>} : memref<80x128xf32, #tpu.memory_space<vmem>>, vector<16xf32>,
        %get3A_1002 = arith.index_cast %add3A_992 : i32 to index
        %get3A_1003 = arith.constant 16 : index
        %get3A_1004 = tpu.vector_load %arg13[%get3A_1002, %get3A_1003] {strides = array<i32>} : memref<80x128xf32, #tpu.memory_space<vmem>>, vector<16xf32>,
        %mul3A_1005 = arith.mulf %get3A_1004, %gather3A_994 : vector<16xf32>
        %swap3A_1006 = arith.index_cast %add3A_992 : i32 to index
        %swap3A_1007 = arith.constant 16 : index
        %swap3A_1008 = tpu.vector_load %arg13[%swap3A_1006, %swap3A_1007] {strides = array<i32>} : memref<80x128xf32, #tpu.memory_space<vmem>>, vector<16xf32>,
        tpu.vector_store %arg13[%swap3A_1006, %swap3A_1007], %mul3A_1005 {strides = array<i32>} : memref<80x128xf32, #tpu.memory_space<vmem>>, vector<16xf32>,
        %get3A_1009 = arith.index_cast %add3A_992 : i32 to index
        %get3A_1010 = arith.constant 32 : index
        %get3A_1011 = tpu.vector_load %arg13[%get3A_1009, %get3A_1010] {strides = array<i32>} : memref<80x128xf32, #tpu.memory_space<vmem>>, vector<16xf32>,
        %mul3A_1012 = arith.mulf %get3A_1011, %gather3A_994 : vector<16xf32>
        %swap3A_1013 = arith.index_cast %add3A_992 : i32 to index
        %swap3A_1014 = arith.constant 32 : index
        %swap3A_1015 = tpu.vector_load %arg13[%swap3A_1013, %swap3A_1014] {strides = array<i32>} : memref<80x128xf32, #tpu.memory_space<vmem>>, vector<16xf32>,
        tpu.vector_store %arg13[%swap3A_1013, %swap3A_1014], %mul3A_1012 {strides = array<i32>} : memref<80x128xf32, #tpu.memory_space<vmem>>, vector<16xf32>,
        %get3A_1016 = arith.index_cast %add3A_992 : i32 to index
        %get3A_1017 = arith.constant 48 : index
        %get3A_1018 = tpu.vector_load %arg13[%get3A_1016, %get3A_1017] {strides = array<i32>} : memref<80x128xf32, #tpu.memory_space<vmem>>, vector<16xf32>,
        %mul3A_1019 = arith.mulf %get3A_1018, %gather3A_994 : vector<16xf32>
        %swap3A_1020 = arith.index_cast %add3A_992 : i32 to index
        %swap3A_1021 = arith.constant 48 : index
        %swap3A_1022 = tpu.vector_load %arg13[%swap3A_1020, %swap3A_1021] {strides = array<i32>} : memref<80x128xf32, #tpu.memory_space<vmem>>, vector<16xf32>,
        tpu.vector_store %arg13[%swap3A_1020, %swap3A_1021], %mul3A_1019 {strides = array<i32>} : memref<80x128xf32, #tpu.memory_space<vmem>>, vector<16xf32>,
        %get3A_1023 = arith.index_cast %add3A_992 : i32 to index
        %get3A_1024 = arith.constant 64 : index
        %get3A_1025 = tpu.vector_load %arg13[%get3A_1023, %get3A_1024] {strides = array<i32>} : memref<80x128xf32, #tpu.memory_space<vmem>>, vector<16xf32>,
        %mul3A_1026 = arith.mulf %get3A_1025, %gather3A_994 : vector<16xf32>
        %swap3A_1027 = arith.index_cast %add3A_992 : i32 to index
        %swap3A_1028 = arith.constant 64 : index
        %swap3A_1029 = tpu.vector_load %arg13[%swap3A_1027, %swap3A_1028] {strides = array<i32>} : memref<80x128xf32, #tpu.memory_space<vmem>>, vector<16xf32>,
        tpu.vector_store %arg13[%swap3A_1027, %swap3A_1028], %mul3A_1026 {strides = array<i32>} : memref<80x128xf32, #tpu.memory_space<vmem>>, vector<16xf32>,
        %get3A_1030 = arith.index_cast %add3A_992 : i32 to index
        %get3A_1031 = arith.constant 80 : index
        %get3A_1032 = tpu.vector_load %arg13[%get3A_1030, %get3A_1031] {strides = array<i32>} : memref<80x128xf32, #tpu.memory_space<vmem>>, vector<16xf32>,
        %mul3A_1033 = arith.mulf %get3A_1032, %gather3A_994 : vector<16xf32>
        %swap3A_1034 = arith.index_cast %add3A_992 : i32 to index
        %swap3A_1035 = arith.constant 80 : index
        %swap3A_1036 = tpu.vector_load %arg13[%swap3A_1034, %swap3A_1035] {strides = array<i32>} : memref<80x128xf32, #tpu.memory_space<vmem>>, vector<16xf32>,
        tpu.vector_store %arg13[%swap3A_1034, %swap3A_1035], %mul3A_1033 {strides = array<i32>} : memref<80x128xf32, #tpu.memory_space<vmem>>, vector<16xf32>,
        %get3A_1037 = arith.index_cast %add3A_992 : i32 to index
        %get3A_1038 = arith.constant 96 : index
        %get3A_1039 = tpu.vector_load %arg13[%get3A_1037, %get3A_1038] {strides = array<i32>} : memref<80x128xf32, #tpu.memory_space<vmem>>, vector<16xf32>,
        %mul3A_1040 = arith.mulf %get3A_1039, %gather3A_994 : vector<16xf32>
        %swap3A_1041 = arith.index_cast %add3A_992 : i32 to index
        %swap3A_1042 = arith.constant 96 : index
        %swap3A_1043 = tpu.vector_load %arg13[%swap3A_1041, %swap3A_1042] {strides = array<i32>} : memref<80x128xf32, #tpu.memory_space<vmem>>, vector<16xf32>,
        tpu.vector_store %arg13[%swap3A_1041, %swap3A_1042], %mul3A_1040 {strides = array<i32>} : memref<80x128xf32, #tpu.memory_space<vmem>>, vector<16xf32>,
        %get3A_1044 = arith.index_cast %add3A_992 : i32 to index
        %get3A_1045 = arith.constant 112 : index
        %get3A_1046 = tpu.vector_load %arg13[%get3A_1044, %get3A_1045] {strides = array<i32>} : memref<80x128xf32, #tpu.memory_space<vmem>>, vector<16xf32>,
        %mul3A_1047 = arith.mulf %get3A_1046, %gather3A_994 : vector<16xf32>
        %swap3A_1048 = arith.index_cast %add3A_992 : i32 to index
        %swap3A_1049 = arith.constant 112 : index
        %swap3A_1050 = tpu.vector_load %arg13[%swap3A_1048, %swap3A_1049] {strides = array<i32>} : memref<80x128xf32, #tpu.memory_space<vmem>>, vector<16xf32>,
        tpu.vector_store %arg13[%swap3A_1048, %swap3A_1049], %mul3A_1047 {strides = array<i32>} : memref<80x128xf32, #tpu.memory_space<vmem>>, vector<16xf32>,
        %add3A_1051 = arith.constant 14 : i32
        %add3A_1052 = arith.addi %mul3A_212, %add3A_1051 : i32
        %broadcast_in_dim3A_1053 = vector.broadcast %add3A_1052 : i32 to vector<16xi32>
        %gather3A_1054 = tpu.vector_load_idx %arg12[%broadcast_in_dim3A_1053] : memref<80xf32, #tpu.memory_space<vmem>>[vector<16xi32>], vector<16xf32>,
        %get3A_1055 = arith.index_cast %add3A_1052 : i32 to index
        %get3A_1056 = arith.constant 0 : index
        %get3A_1057 = tpu.vector_load %arg13[%get3A_1055, %get3A_1056] {strides = array<i32>} : memref<80x128xf32, #tpu.memory_space<vmem>>, vector<16xf32>,
        %mul3A_1058 = arith.mulf %get3A_1057, %gather3A_1054 : vector<16xf32>
        %swap3A_1059 = arith.index_cast %add3A_1052 : i32 to index
        %swap3A_1060 = arith.constant 0 : index
        %swap3A_1061 = tpu.vector_load %arg13[%swap3A_1059, %swap3A_1060] {strides = array<i32>} : memref<80x128xf32, #tpu.memory_space<vmem>>, vector<16xf32>,
        tpu.vector_store %arg13[%swap3A_1059, %swap3A_1060], %mul3A_1058 {strides = array<i32>} : memref<80x128xf32, #tpu.memory_space<vmem>>, vector<16xf32>,
        %get3A_1062 = arith.index_cast %add3A_1052 : i32 to index
        %get3A_1063 = arith.constant 16 : index
        %get3A_1064 = tpu.vector_load %arg13[%get3A_1062, %get3A_1063] {strides = array<i32>} : memref<80x128xf32, #tpu.memory_space<vmem>>, vector<16xf32>,
        %mul3A_1065 = arith.mulf %get3A_1064, %gather3A_1054 : vector<16xf32>
        %swap3A_1066 = arith.index_cast %add3A_1052 : i32 to index
        %swap3A_1067 = arith.constant 16 : index
        %swap3A_1068 = tpu.vector_load %arg13[%swap3A_1066, %swap3A_1067] {strides = array<i32>} : memref<80x128xf32, #tpu.memory_space<vmem>>, vector<16xf32>,
        tpu.vector_store %arg13[%swap3A_1066, %swap3A_1067], %mul3A_1065 {strides = array<i32>} : memref<80x128xf32, #tpu.memory_space<vmem>>, vector<16xf32>,
        %get3A_1069 = arith.index_cast %add3A_1052 : i32 to index
        %get3A_1070 = arith.constant 32 : index
        %get3A_1071 = tpu.vector_load %arg13[%get3A_1069, %get3A_1070] {strides = array<i32>} : memref<80x128xf32, #tpu.memory_space<vmem>>, vector<16xf32>,
        %mul3A_1072 = arith.mulf %get3A_1071, %gather3A_1054 : vector<16xf32>
        %swap3A_1073 = arith.index_cast %add3A_1052 : i32 to index
        %swap3A_1074 = arith.constant 32 : index
        %swap3A_1075 = tpu.vector_load %arg13[%swap3A_1073, %swap3A_1074] {strides = array<i32>} : memref<80x128xf32, #tpu.memory_space<vmem>>, vector<16xf32>,
        tpu.vector_store %arg13[%swap3A_1073, %swap3A_1074], %mul3A_1072 {strides = array<i32>} : memref<80x128xf32, #tpu.memory_space<vmem>>, vector<16xf32>,
        %get3A_1076 = arith.index_cast %add3A_1052 : i32 to index
        %get3A_1077 = arith.constant 48 : index
        %get3A_1078 = tpu.vector_load %arg13[%get3A_1076, %get3A_1077] {strides = array<i32>} : memref<80x128xf32, #tpu.memory_space<vmem>>, vector<16xf32>,
        %mul3A_1079 = arith.mulf %get3A_1078, %gather3A_1054 : vector<16xf32>
        %swap3A_1080 = arith.index_cast %add3A_1052 : i32 to index
        %swap3A_1081 = arith.constant 48 : index
        %swap3A_1082 = tpu.vector_load %arg13[%swap3A_1080, %swap3A_1081] {strides = array<i32>} : memref<80x128xf32, #tpu.memory_space<vmem>>, vector<16xf32>,
        tpu.vector_store %arg13[%swap3A_1080, %swap3A_1081], %mul3A_1079 {strides = array<i32>} : memref<80x128xf32, #tpu.memory_space<vmem>>, vector<16xf32>,
        %get3A_1083 = arith.index_cast %add3A_1052 : i32 to index
        %get3A_1084 = arith.constant 64 : index
        %get3A_1085 = tpu.vector_load %arg13[%get3A_1083, %get3A_1084] {strides = array<i32>} : memref<80x128xf32, #tpu.memory_space<vmem>>, vector<16xf32>,
        %mul3A_1086 = arith.mulf %get3A_1085, %gather3A_1054 : vector<16xf32>
        %swap3A_1087 = arith.index_cast %add3A_1052 : i32 to index
        %swap3A_1088 = arith.constant 64 : index
        %swap3A_1089 = tpu.vector_load %arg13[%swap3A_1087, %swap3A_1088] {strides = array<i32>} : memref<80x128xf32, #tpu.memory_space<vmem>>, vector<16xf32>,
        tpu.vector_store %arg13[%swap3A_1087, %swap3A_1088], %mul3A_1086 {strides = array<i32>} : memref<80x128xf32, #tpu.memory_space<vmem>>, vector<16xf32>,
        %get3A_1090 = arith.index_cast %add3A_1052 : i32 to index
        %get3A_1091 = arith.constant 80 : index
        %get3A_1092 = tpu.vector_load %arg13[%get3A_1090, %get3A_1091] {strides = array<i32>} : memref<80x128xf32, #tpu.memory_space<vmem>>, vector<16xf32>,
        %mul3A_1093 = arith.mulf %get3A_1092, %gather3A_1054 : vector<16xf32>
        %swap3A_1094 = arith.index_cast %add3A_1052 : i32 to index
        %swap3A_1095 = arith.constant 80 : index
        %swap3A_1096 = tpu.vector_load %arg13[%swap3A_1094, %swap3A_1095] {strides = array<i32>} : memref<80x128xf32, #tpu.memory_space<vmem>>, vector<16xf32>,
        tpu.vector_store %arg13[%swap3A_1094, %swap3A_1095], %mul3A_1093 {strides = array<i32>} : memref<80x128xf32, #tpu.memory_space<vmem>>, vector<16xf32>,
        %get3A_1097 = arith.index_cast %add3A_1052 : i32 to index
        %get3A_1098 = arith.constant 96 : index
        %get3A_1099 = tpu.vector_load %arg13[%get3A_1097, %get3A_1098] {strides = array<i32>} : memref<80x128xf32, #tpu.memory_space<vmem>>, vector<16xf32>,
        %mul3A_1100 = arith.mulf %get3A_1099, %gather3A_1054 : vector<16xf32>
        %swap3A_1101 = arith.index_cast %add3A_1052 : i32 to index
        %swap3A_1102 = arith.constant 96 : index
        %swap3A_1103 = tpu.vector_load %arg13[%swap3A_1101, %swap3A_1102] {strides = array<i32>} : memref<80x128xf32, #tpu.memory_space<vmem>>, vector<16xf32>,
        tpu.vector_store %arg13[%swap3A_1101, %swap3A_1102], %mul3A_1100 {strides = array<i32>} : memref<80x128xf32, #tpu.memory_space<vmem>>, vector<16xf32>,
        %get3A_1104 = arith.index_cast %add3A_1052 : i32 to index
        %get3A_1105 = arith.constant 112 : index
        %get3A_1106 = tpu.vector_load %arg13[%get3A_1104, %get3A_1105] {strides = array<i32>} : memref<80x128xf32, #tpu.memory_space<vmem>>, vector<16xf32>,
        %mul3A_1107 = arith.mulf %get3A_1106, %gather3A_1054 : vector<16xf32>
        %swap3A_1108 = arith.index_cast %add3A_1052 : i32 to index
        %swap3A_1109 = arith.constant 112 : index
        %swap3A_1110 = tpu.vector_load %arg13[%swap3A_1108, %swap3A_1109] {strides = array<i32>} : memref<80x128xf32, #tpu.memory_space<vmem>>, vector<16xf32>,
        tpu.vector_store %arg13[%swap3A_1108, %swap3A_1109], %mul3A_1107 {strides = array<i32>} : memref<80x128xf32, #tpu.memory_space<vmem>>, vector<16xf32>,
        %add3A_1111 = arith.constant 15 : i32
        %add3A_1112 = arith.addi %mul3A_212, %add3A_1111 : i32
        %broadcast_in_dim3A_1113 = vector.broadcast %add3A_1112 : i32 to vector<16xi32>
        %gather3A_1114 = tpu.vector_load_idx %arg12[%broadcast_in_dim3A_1113] : memref<80xf32, #tpu.memory_space<vmem>>[vector<16xi32>], vector<16xf32>,
        %get3A_1115 = arith.index_cast %add3A_1112 : i32 to index
        %get3A_1116 = arith.constant 0 : index
        %get3A_1117 = tpu.vector_load %arg13[%get3A_1115, %get3A_1116] {strides = array<i32>} : memref<80x128xf32, #tpu.memory_space<vmem>>, vector<16xf32>,
        %mul3A_1118 = arith.mulf %get3A_1117, %gather3A_1114 : vector<16xf32>
        %swap3A_1119 = arith.index_cast %add3A_1112 : i32 to index
        %swap3A_1120 = arith.constant 0 : index
        %swap3A_1121 = tpu.vector_load %arg13[%swap3A_1119, %swap3A_1120] {strides = array<i32>} : memref<80x128xf32, #tpu.memory_space<vmem>>, vector<16xf32>,
        tpu.vector_store %arg13[%swap3A_1119, %swap3A_1120], %mul3A_1118 {strides = array<i32>} : memref<80x128xf32, #tpu.memory_space<vmem>>, vector<16xf32>,
        %get3A_1122 = arith.index_cast %add3A_1112 : i32 to index
        %get3A_1123 = arith.constant 16 : index
        %get3A_1124 = tpu.vector_load %arg13[%get3A_1122, %get3A_1123] {strides = array<i32>} : memref<80x128xf32, #tpu.memory_space<vmem>>, vector<16xf32>,
        %mul3A_1125 = arith.mulf %get3A_1124, %gather3A_1114 : vector<16xf32>
        %swap3A_1126 = arith.index_cast %add3A_1112 : i32 to index
        %swap3A_1127 = arith.constant 16 : index
        %swap3A_1128 = tpu.vector_load %arg13[%swap3A_1126, %swap3A_1127] {strides = array<i32>} : memref<80x128xf32, #tpu.memory_space<vmem>>, vector<16xf32>,
        tpu.vector_store %arg13[%swap3A_1126, %swap3A_1127], %mul3A_1125 {strides = array<i32>} : memref<80x128xf32, #tpu.memory_space<vmem>>, vector<16xf32>,
        %get3A_1129 = arith.index_cast %add3A_1112 : i32 to index
        %get3A_1130 = arith.constant 32 : index
        %get3A_1131 = tpu.vector_load %arg13[%get3A_1129, %get3A_1130] {strides = array<i32>} : memref<80x128xf32, #tpu.memory_space<vmem>>, vector<16xf32>,
        %mul3A_1132 = arith.mulf %get3A_1131, %gather3A_1114 : vector<16xf32>
        %swap3A_1133 = arith.index_cast %add3A_1112 : i32 to index
        %swap3A_1134 = arith.constant 32 : index
        %swap3A_1135 = tpu.vector_load %arg13[%swap3A_1133, %swap3A_1134] {strides = array<i32>} : memref<80x128xf32, #tpu.memory_space<vmem>>, vector<16xf32>,
        tpu.vector_store %arg13[%swap3A_1133, %swap3A_1134], %mul3A_1132 {strides = array<i32>} : memref<80x128xf32, #tpu.memory_space<vmem>>, vector<16xf32>,
        %get3A_1136 = arith.index_cast %add3A_1112 : i32 to index
        %get3A_1137 = arith.constant 48 : index
        %get3A_1138 = tpu.vector_load %arg13[%get3A_1136, %get3A_1137] {strides = array<i32>} : memref<80x128xf32, #tpu.memory_space<vmem>>, vector<16xf32>,
        %mul3A_1139 = arith.mulf %get3A_1138, %gather3A_1114 : vector<16xf32>
        %swap3A_1140 = arith.index_cast %add3A_1112 : i32 to index
        %swap3A_1141 = arith.constant 48 : index
        %swap3A_1142 = tpu.vector_load %arg13[%swap3A_1140, %swap3A_1141] {strides = array<i32>} : memref<80x128xf32, #tpu.memory_space<vmem>>, vector<16xf32>,
        tpu.vector_store %arg13[%swap3A_1140, %swap3A_1141], %mul3A_1139 {strides = array<i32>} : memref<80x128xf32, #tpu.memory_space<vmem>>, vector<16xf32>,
        %get3A_1143 = arith.index_cast %add3A_1112 : i32 to index
        %get3A_1144 = arith.constant 64 : index
        %get3A_1145 = tpu.vector_load %arg13[%get3A_1143, %get3A_1144] {strides = array<i32>} : memref<80x128xf32, #tpu.memory_space<vmem>>, vector<16xf32>,
        %mul3A_1146 = arith.mulf %get3A_1145, %gather3A_1114 : vector<16xf32>
        %swap3A_1147 = arith.index_cast %add3A_1112 : i32 to index
        %swap3A_1148 = arith.constant 64 : index
        %swap3A_1149 = tpu.vector_load %arg13[%swap3A_1147, %swap3A_1148] {strides = array<i32>} : memref<80x128xf32, #tpu.memory_space<vmem>>, vector<16xf32>,
        tpu.vector_store %arg13[%swap3A_1147, %swap3A_1148], %mul3A_1146 {strides = array<i32>} : memref<80x128xf32, #tpu.memory_space<vmem>>, vector<16xf32>,
        %get3A_1150 = arith.index_cast %add3A_1112 : i32 to index
        %get3A_1151 = arith.constant 80 : index
        %get3A_1152 = tpu.vector_load %arg13[%get3A_1150, %get3A_1151] {strides = array<i32>} : memref<80x128xf32, #tpu.memory_space<vmem>>, vector<16xf32>,
        %mul3A_1153 = arith.mulf %get3A_1152, %gather3A_1114 : vector<16xf32>
        %swap3A_1154 = arith.index_cast %add3A_1112 : i32 to index
        %swap3A_1155 = arith.constant 80 : index
        %swap3A_1156 = tpu.vector_load %arg13[%swap3A_1154, %swap3A_1155] {strides = array<i32>} : memref<80x128xf32, #tpu.memory_space<vmem>>, vector<16xf32>,
        tpu.vector_store %arg13[%swap3A_1154, %swap3A_1155], %mul3A_1153 {strides = array<i32>} : memref<80x128xf32, #tpu.memory_space<vmem>>, vector<16xf32>,
        %get3A_1157 = arith.index_cast %add3A_1112 : i32 to index
        %get3A_1158 = arith.constant 96 : index
        %get3A_1159 = tpu.vector_load %arg13[%get3A_1157, %get3A_1158] {strides = array<i32>} : memref<80x128xf32, #tpu.memory_space<vmem>>, vector<16xf32>,
        %mul3A_1160 = arith.mulf %get3A_1159, %gather3A_1114 : vector<16xf32>
        %swap3A_1161 = arith.index_cast %add3A_1112 : i32 to index
        %swap3A_1162 = arith.constant 96 : index
        %swap3A_1163 = tpu.vector_load %arg13[%swap3A_1161, %swap3A_1162] {strides = array<i32>} : memref<80x128xf32, #tpu.memory_space<vmem>>, vector<16xf32>,
        tpu.vector_store %arg13[%swap3A_1161, %swap3A_1162], %mul3A_1160 {strides = array<i32>} : memref<80x128xf32, #tpu.memory_space<vmem>>, vector<16xf32>,
        %get3A_1164 = arith.index_cast %add3A_1112 : i32 to index
        %get3A_1165 = arith.constant 112 : index
        %get3A_1166 = tpu.vector_load %arg13[%get3A_1164, %get3A_1165] {strides = array<i32>} : memref<80x128xf32, #tpu.memory_space<vmem>>, vector<16xf32>,
        %mul3A_1167 = arith.mulf %get3A_1166, %gather3A_1114 : vector<16xf32>
        %swap3A_1168 = arith.index_cast %add3A_1112 : i32 to index
        %swap3A_1169 = arith.constant 112 : index
        %swap3A_1170 = tpu.vector_load %arg13[%swap3A_1168, %swap3A_1169] {strides = array<i32>} : memref<80x128xf32, #tpu.memory_space<vmem>>, vector<16xf32>,
        tpu.vector_store %arg13[%swap3A_1168, %swap3A_1169], %mul3A_1167 {strides = array<i32>} : memref<80x128xf32, #tpu.memory_space<vmem>>, vector<16xf32>,
      }
      %scan3A_133 = arith.constant 5 : i32
      %dma_start3A = arith.constant 0 : i32
      %dma_start3A_134 = tpu.memref_slice %arg10[%add3A_75, %dma_start3A] : memref<50x80xi32, #tpu.memory_space<vmem>> -> memref<1x80xi32, #tpu.memory_space<vmem>>
      %dma_start3A_135 = tpu.memref_squeeze %dma_start3A_134 : memref<1x80xi32, #tpu.memory_space<vmem>> -> memref<80xi32, #tpu.memory_space<vmem>>
      %dma_start3A_136 = arith.constant 0 : i32
      %dma_start3A_137 = arith.constant 0 : i32
      %dma_start3A_138 = tpu.memref_slice %arg15[%dma_start3A_136, %dma_start3A_137] : memref<10240x128xf32, #tpu.memory_space<vmem_shared>> -> memref<10240x128xf32, #tpu.memory_space<vmem_shared>>
      tpu.enqueue_indirect_dma source(%arg13 : memref<80x128xf32, #tpu.memory_space<vmem>>) target(%dma_start3A_138 : memref<10240x128xf32, #tpu.memory_space<vmem_shared>>) offsets(%dma_start3A_135 : memref<80xi32, #tpu.memory_space<vmem>>) semaphore(%arg18 : memref<!tpu.dma_semaphore, #tpu.memory_space<semaphore_mem>>) {add = true}
      %mul3A_139 = arith.constant 2 : i32
      %mul3A_140 = arith.muli %mul3A_139, %select_n3A_21 : i32
      %add3A_141 = arith.constant 1 : i32
      %add3A_142 = arith.addi %mul3A_140, %add3A_141 : i32
      %ge3A_143 = arith.constant 1 : i32
      %ge3A_144 = arith.cmpi sge, %add3A_142, %ge3A_143 : i32
      %convert_element_type3A_145 = arith.extui %ge3A_144 : i1 to i32
      %cond3A_146 = arith.constant 0 : i32
      %cond3A_147 = arith.cmpi ne, %convert_element_type3A_145, %cond3A_146 : i32
      scf.if %cond3A_147 {
        %dma_wait3A_210 = arith.constant 0 : i32
        %dma_wait3A_211 = tpu.memref_slice %arg10[%add3A_142, %dma_wait3A_210] : memref<50x80xi32, #tpu.memory_space<vmem>> -> memref<1x80xi32, #tpu.memory_space<vmem>>
        %dma_wait3A_212 = tpu.memref_squeeze %dma_wait3A_211 : memref<1x80xi32, #tpu.memory_space<vmem>> -> memref<80xi32, #tpu.memory_space<vmem>>
        %dma_wait3A_213 = arith.constant 0 : i32
        %dma_wait3A_214 = arith.constant 0 : i32
        %dma_wait3A_215 = tpu.memref_slice %arg15[%dma_wait3A_213, %dma_wait3A_214] : memref<10240x128xf32, #tpu.memory_space<vmem_shared>> -> memref<10240x128xf32, #tpu.memory_space<vmem_shared>>
        tpu.wait_indirect_dma semaphore(%arg18 : memref<!tpu.dma_semaphore, #tpu.memory_space<semaphore_mem>>) src(%arg13 : memref<80x128xf32, #tpu.memory_space<vmem>>) dst(%dma_wait3A_215 : memref<10240x128xf32, #tpu.memory_space<vmem_shared>>)
      } else {
      }
      %add3A_148 = arith.constant 1 : i32
      %add3A_149 = arith.addi %add3A_142, %add3A_148 : i32
      %lt3A_150 = arith.constant 50 : i32
      %lt3A_151 = arith.cmpi slt, %add3A_149, %lt3A_150 : i32
      %convert_element_type3A_152 = arith.extui %lt3A_151 : i1 to i32
      %cond3A_153 = arith.constant 0 : i32
      %cond3A_154 = arith.cmpi ne, %convert_element_type3A_152, %cond3A_153 : i32
      scf.if %cond3A_154 {
        %add3A_210 = arith.constant 1 : i32
        %add3A_211 = arith.addi %add3A_142, %add3A_210 : i32
        %eq3A_212 = arith.constant 0 : i32
        %eq3A_213 = arith.cmpi eq, %arg0, %eq3A_212 : i32
        %convert_element_type3A_214 = arith.extui %eq3A_213 : i1 to i32
        %cond3A_215 = arith.constant 0 : i32
        %cond3A_216 = arith.cmpi ne, %convert_element_type3A_214, %cond3A_215 : i32
        scf.if %cond3A_216 {
          %dma_start3A_222 = arith.constant 0 : i32
          %dma_start3A_223 = arith.constant 0 : i32
          %dma_start3A_224 = tpu.memref_slice %arg13[%dma_start3A_222, %dma_start3A_223] : memref<80x128xf32, #tpu.memory_space<vmem>> -> memref<40x128xf32, #tpu.memory_space<vmem>>
          %dma_start3A_225 = arith.constant 0 : i32
          %dma_start3A_226 = tpu.memref_slice %arg9[%add3A_211, %dma_start3A_225] : memref<50x80xi32, #tpu.memory_space<vmem>> -> memref<1x40xi32, #tpu.memory_space<vmem>>
          %dma_start3A_227 = tpu.memref_squeeze %dma_start3A_226 : memref<1x40xi32, #tpu.memory_space<vmem>> -> memref<40xi32, #tpu.memory_space<vmem>>
          %dma_start3A_228 = arith.constant 0 : i32
          %dma_start3A_229 = arith.constant 0 : i32
          %dma_start3A_230 = tpu.memref_slice %arg2[%dma_start3A_228, %dma_start3A_229] : memref<10000x128xf32, #tpu.memory_space<hbm>> -> memref<10000x128xf32, #tpu.memory_space<hbm>>
          tpu.enqueue_indirect_dma source(%dma_start3A_230 : memref<10000x128xf32, #tpu.memory_space<hbm>>) target(%dma_start3A_224 : memref<40x128xf32, #tpu.memory_space<vmem>>) offsets(%dma_start3A_227 : memref<40xi32, #tpu.memory_space<vmem>>) semaphore(%arg16 : memref<!tpu.dma_semaphore, #tpu.memory_space<semaphore_mem>>)
          %dma_start3A_231 = arith.constant 40 : i32
          %dma_start3A_232 = arith.constant 0 : i32
          %dma_start3A_233 = tpu.memref_slice %arg13[%dma_start3A_231, %dma_start3A_232] : memref<80x128xf32, #tpu.memory_space<vmem>> -> memref<40x128xf32, #tpu.memory_space<vmem>>
          %dma_start3A_234 = arith.constant 40 : i32
          %dma_start3A_235 = tpu.memref_slice %arg9[%add3A_211, %dma_start3A_234] : memref<50x80xi32, #tpu.memory_space<vmem>> -> memref<1x40xi32, #tpu.memory_space<vmem>>
          %dma_start3A_236 = tpu.memref_squeeze %dma_start3A_235 : memref<1x40xi32, #tpu.memory_space<vmem>> -> memref<40xi32, #tpu.memory_space<vmem>>
          %dma_start3A_237 = arith.constant 0 : i32
          %dma_start3A_238 = arith.constant 0 : i32
          %dma_start3A_239 = tpu.memref_slice %arg2[%dma_start3A_237, %dma_start3A_238] : memref<10000x128xf32, #tpu.memory_space<hbm>> -> memref<10000x128xf32, #tpu.memory_space<hbm>>
          tpu.enqueue_indirect_dma source(%dma_start3A_239 : memref<10000x128xf32, #tpu.memory_space<hbm>>) target(%dma_start3A_233 : memref<40x128xf32, #tpu.memory_space<vmem>>) offsets(%dma_start3A_236 : memref<40xi32, #tpu.memory_space<vmem>>) semaphore(%arg16 : memref<!tpu.dma_semaphore, #tpu.memory_space<semaphore_mem>>)
        } else {
        }
        %eq3A_217 = arith.constant 1 : i32
        %eq3A_218 = arith.cmpi eq, %arg0, %eq3A_217 : i32
        %convert_element_type3A_219 = arith.extui %eq3A_218 : i1 to i32
        %cond3A_220 = arith.constant 0 : i32
        %cond3A_221 = arith.cmpi ne, %convert_element_type3A_219, %cond3A_220 : i32
        scf.if %cond3A_221 {
          %dma_start3A_222 = arith.constant 0 : i32
          %dma_start3A_223 = arith.constant 0 : i32
          %dma_start3A_224 = tpu.memref_slice %arg13[%dma_start3A_222, %dma_start3A_223] : memref<80x128xf32, #tpu.memory_space<vmem>> -> memref<40x128xf32, #tpu.memory_space<vmem>>
          %dma_start3A_225 = arith.constant 0 : i32
          %dma_start3A_226 = tpu.memref_slice %arg9[%add3A_211, %dma_start3A_225] : memref<50x80xi32, #tpu.memory_space<vmem>> -> memref<1x40xi32, #tpu.memory_space<vmem>>
          %dma_start3A_227 = tpu.memref_squeeze %dma_start3A_226 : memref<1x40xi32, #tpu.memory_space<vmem>> -> memref<40xi32, #tpu.memory_space<vmem>>
          %dma_start3A_228 = arith.constant 0 : i32
          %dma_start3A_229 = arith.constant 0 : i32
          %dma_start3A_230 = tpu.memref_slice %arg3[%dma_start3A_228, %dma_start3A_229] : memref<10000x128xf32, #tpu.memory_space<hbm>> -> memref<10000x128xf32, #tpu.memory_space<hbm>>
          tpu.enqueue_indirect_dma source(%dma_start3A_230 : memref<10000x128xf32, #tpu.memory_space<hbm>>) target(%dma_start3A_224 : memref<40x128xf32, #tpu.memory_space<vmem>>) offsets(%dma_start3A_227 : memref<40xi32, #tpu.memory_space<vmem>>) semaphore(%arg16 : memref<!tpu.dma_semaphore, #tpu.memory_space<semaphore_mem>>)
          %dma_start3A_231 = arith.constant 40 : i32
          %dma_start3A_232 = arith.constant 0 : i32
          %dma_start3A_233 = tpu.memref_slice %arg13[%dma_start3A_231, %dma_start3A_232] : memref<80x128xf32, #tpu.memory_space<vmem>> -> memref<40x128xf32, #tpu.memory_space<vmem>>
          %dma_start3A_234 = arith.constant 40 : i32
          %dma_start3A_235 = tpu.memref_slice %arg9[%add3A_211, %dma_start3A_234] : memref<50x80xi32, #tpu.memory_space<vmem>> -> memref<1x40xi32, #tpu.memory_space<vmem>>
          %dma_start3A_236 = tpu.memref_squeeze %dma_start3A_235 : memref<1x40xi32, #tpu.memory_space<vmem>> -> memref<40xi32, #tpu.memory_space<vmem>>
          %dma_start3A_237 = arith.constant 0 : i32
          %dma_start3A_238 = arith.constant 0 : i32
          %dma_start3A_239 = tpu.memref_slice %arg3[%dma_start3A_237, %dma_start3A_238] : memref<10000x128xf32, #tpu.memory_space<hbm>> -> memref<10000x128xf32, #tpu.memory_space<hbm>>
          tpu.enqueue_indirect_dma source(%dma_start3A_239 : memref<10000x128xf32, #tpu.memory_space<hbm>>) target(%dma_start3A_233 : memref<40x128xf32, #tpu.memory_space<vmem>>) offsets(%dma_start3A_236 : memref<40xi32, #tpu.memory_space<vmem>>) semaphore(%arg16 : memref<!tpu.dma_semaphore, #tpu.memory_space<semaphore_mem>>)
        } else {
        }
      } else {
      }
      %dma_wait3A_155 = arith.constant 0 : i32
      %dma_wait3A_156 = arith.constant 0 : i32
      %dma_wait3A_157 = tpu.memref_slice %arg14[%dma_wait3A_155, %dma_wait3A_156] : memref<80x128xf32, #tpu.memory_space<vmem>> -> memref<40x128xf32, #tpu.memory_space<vmem>>
      %dma_wait3A_158 = arith.constant 0 : i32
      %dma_wait3A_159 = tpu.memref_slice %arg9[%add3A_142, %dma_wait3A_158] : memref<50x80xi32, #tpu.memory_space<vmem>> -> memref<1x40xi32, #tpu.memory_space<vmem>>
      %dma_wait3A_160 = tpu.memref_squeeze %dma_wait3A_159 : memref<1x40xi32, #tpu.memory_space<vmem>> -> memref<40xi32, #tpu.memory_space<vmem>>
      %dma_wait3A_161 = arith.constant 0 : i32
      %dma_wait3A_162 = arith.constant 0 : i32
      %dma_wait3A_163 = tpu.memref_slice %arg2[%dma_wait3A_161, %dma_wait3A_162] : memref<10000x128xf32, #tpu.memory_space<hbm>> -> memref<10000x128xf32, #tpu.memory_space<hbm>>
      tpu.wait_indirect_dma semaphore(%arg17 : memref<!tpu.dma_semaphore, #tpu.memory_space<semaphore_mem>>) src(%dma_wait3A_163 : memref<10000x128xf32, #tpu.memory_space<hbm>>) dst(%dma_wait3A_157 : memref<40x128xf32, #tpu.memory_space<vmem>>)
      %dma_wait3A_164 = arith.constant 40 : i32
      %dma_wait3A_165 = arith.constant 0 : i32
      %dma_wait3A_166 = tpu.memref_slice %arg14[%dma_wait3A_164, %dma_wait3A_165] : memref<80x128xf32, #tpu.memory_space<vmem>> -> memref<40x128xf32, #tpu.memory_space<vmem>>
      %dma_wait3A_167 = arith.constant 40 : i32
      %dma_wait3A_168 = tpu.memref_slice %arg9[%add3A_142, %dma_wait3A_167] : memref<50x80xi32, #tpu.memory_space<vmem>> -> memref<1x40xi32, #tpu.memory_space<vmem>>
      %dma_wait3A_169 = tpu.memref_squeeze %dma_wait3A_168 : memref<1x40xi32, #tpu.memory_space<vmem>> -> memref<40xi32, #tpu.memory_space<vmem>>
      %dma_wait3A_170 = arith.constant 0 : i32
      %dma_wait3A_171 = arith.constant 0 : i32
      %dma_wait3A_172 = tpu.memref_slice %arg2[%dma_wait3A_170, %dma_wait3A_171] : memref<10000x128xf32, #tpu.memory_space<hbm>> -> memref<10000x128xf32, #tpu.memory_space<hbm>>
      tpu.wait_indirect_dma semaphore(%arg17 : memref<!tpu.dma_semaphore, #tpu.memory_space<semaphore_mem>>) src(%dma_wait3A_172 : memref<10000x128xf32, #tpu.memory_space<hbm>>) dst(%dma_wait3A_166 : memref<40x128xf32, #tpu.memory_space<vmem>>)
      %get3A_173 = arith.index_cast %add3A_142 : i32 to index
      %get3A_174 = arith.constant 0 : index
      %get3A_175 = tpu.vector_load %arg11[%get3A_173, %get3A_174] {strides = array<i32>} : memref<50x80xf32, #tpu.memory_space<vmem>>, vector<16xf32>,
      %swap3A_176 = arith.constant 0 : index
      %swap3A_177 = tpu.vector_load %arg12[%swap3A_176] {strides = array<i32>} : memref<80xf32, #tpu.memory_space<vmem>>, vector<16xf32>,
      tpu.vector_store %arg12[%swap3A_176], %get3A_175 {strides = array<i32>} : memref<80xf32, #tpu.memory_space<vmem>>, vector<16xf32>,
      %get3A_178 = arith.index_cast %add3A_142 : i32 to index
      %get3A_179 = arith.constant 16 : index
      %get3A_180 = tpu.vector_load %arg11[%get3A_178, %get3A_179] {strides = array<i32>} : memref<50x80xf32, #tpu.memory_space<vmem>>, vector<16xf32>,
      %swap3A_181 = arith.constant 16 : index
      %swap3A_182 = tpu.vector_load %arg12[%swap3A_181] {strides = array<i32>} : memref<80xf32, #tpu.memory_space<vmem>>, vector<16xf32>,
      tpu.vector_store %arg12[%swap3A_181], %get3A_180 {strides = array<i32>} : memref<80xf32, #tpu.memory_space<vmem>>, vector<16xf32>,
      %get3A_183 = arith.index_cast %add3A_142 : i32 to index
      %get3A_184 = arith.constant 32 : index
      %get3A_185 = tpu.vector_load %arg11[%get3A_183, %get3A_184] {strides = array<i32>} : memref<50x80xf32, #tpu.memory_space<vmem>>, vector<16xf32>,
      %swap3A_186 = arith.constant 32 : index
      %swap3A_187 = tpu.vector_load %arg12[%swap3A_186] {strides = array<i32>} : memref<80xf32, #tpu.memory_space<vmem>>, vector<16xf32>,
      tpu.vector_store %arg12[%swap3A_186], %get3A_185 {strides = array<i32>} : memref<80xf32, #tpu.memory_space<vmem>>, vector<16xf32>,
      %get3A_188 = arith.index_cast %add3A_142 : i32 to index
      %get3A_189 = arith.constant 48 : index
      %get3A_190 = tpu.vector_load %arg11[%get3A_188, %get3A_189] {strides = array<i32>} : memref<50x80xf32, #tpu.memory_space<vmem>>, vector<16xf32>,
      %swap3A_191 = arith.constant 48 : index
      %swap3A_192 = tpu.vector_load %arg12[%swap3A_191] {strides = array<i32>} : memref<80xf32, #tpu.memory_space<vmem>>, vector<16xf32>,
      tpu.vector_store %arg12[%swap3A_191], %get3A_190 {strides = array<i32>} : memref<80xf32, #tpu.memory_space<vmem>>, vector<16xf32>,
      %get3A_193 = arith.index_cast %add3A_142 : i32 to index
      %get3A_194 = arith.constant 64 : index
      %get3A_195 = tpu.vector_load %arg11[%get3A_193, %get3A_194] {strides = array<i32>} : memref<50x80xf32, #tpu.memory_space<vmem>>, vector<16xf32>,
      %swap3A_196 = arith.constant 64 : index
      %swap3A_197 = tpu.vector_load %arg12[%swap3A_196] {strides = array<i32>} : memref<80xf32, #tpu.memory_space<vmem>>, vector<16xf32>,
      tpu.vector_store %arg12[%swap3A_196], %get3A_195 {strides = array<i32>} : memref<80xf32, #tpu.memory_space<vmem>>, vector<16xf32>,
      %scan3A_198 = arith.constant 0 : i32
      %scan3A_199 = arith.constant 0 : i32
      %scan3A_200 = arith.constant 5 : i32
      %scan3A_201 = arith.addi %scan3A_199, %scan3A_200 : i32
      %scan3A_202 = arith.constant 1 : i32
      scf.for %scan3A_210 = %scan3A_199 to %scan3A_201 step %scan3A_202  : i32 {
        %mul3A_211 = arith.constant 16 : i32
        %mul3A_212 = arith.muli %scan3A_210, %mul3A_211 : i32
        %add3A_213 = arith.constant 0 : i32
        %add3A_214 = arith.addi %mul3A_212, %add3A_213 : i32
        %broadcast_in_dim3A = vector.broadcast %add3A_214 : i32 to vector<16xi32>
        %gather3A = tpu.vector_load_idx %arg12[%broadcast_in_dim3A] : memref<80xf32, #tpu.memory_space<vmem>>[vector<16xi32>], vector<16xf32>,
        %get3A_215 = arith.index_cast %add3A_214 : i32 to index
        %get3A_216 = arith.constant 0 : index
        %get3A_217 = tpu.vector_load %arg14[%get3A_215, %get3A_216] {strides = array<i32>} : memref<80x128xf32, #tpu.memory_space<vmem>>, vector<16xf32>,
        %mul3A_218 = arith.mulf %get3A_217, %gather3A : vector<16xf32>
        %swap3A_219 = arith.index_cast %add3A_214 : i32 to index
        %swap3A_220 = arith.constant 0 : index
        %swap3A_221 = tpu.vector_load %arg14[%swap3A_219, %swap3A_220] {strides = array<i32>} : memref<80x128xf32, #tpu.memory_space<vmem>>, vector<16xf32>,
        tpu.vector_store %arg14[%swap3A_219, %swap3A_220], %mul3A_218 {strides = array<i32>} : memref<80x128xf32, #tpu.memory_space<vmem>>, vector<16xf32>,
        %get3A_222 = arith.index_cast %add3A_214 : i32 to index
        %get3A_223 = arith.constant 16 : index
        %get3A_224 = tpu.vector_load %arg14[%get3A_222, %get3A_223] {strides = array<i32>} : memref<80x128xf32, #tpu.memory_space<vmem>>, vector<16xf32>,
        %mul3A_225 = arith.mulf %get3A_224, %gather3A : vector<16xf32>
        %swap3A_226 = arith.index_cast %add3A_214 : i32 to index
        %swap3A_227 = arith.constant 16 : index
        %swap3A_228 = tpu.vector_load %arg14[%swap3A_226, %swap3A_227] {strides = array<i32>} : memref<80x128xf32, #tpu.memory_space<vmem>>, vector<16xf32>,
        tpu.vector_store %arg14[%swap3A_226, %swap3A_227], %mul3A_225 {strides = array<i32>} : memref<80x128xf32, #tpu.memory_space<vmem>>, vector<16xf32>,
        %get3A_229 = arith.index_cast %add3A_214 : i32 to index
        %get3A_230 = arith.constant 32 : index
        %get3A_231 = tpu.vector_load %arg14[%get3A_229, %get3A_230] {strides = array<i32>} : memref<80x128xf32, #tpu.memory_space<vmem>>, vector<16xf32>,
        %mul3A_232 = arith.mulf %get3A_231, %gather3A : vector<16xf32>
        %swap3A_233 = arith.index_cast %add3A_214 : i32 to index
        %swap3A_234 = arith.constant 32 : index
        %swap3A_235 = tpu.vector_load %arg14[%swap3A_233, %swap3A_234] {strides = array<i32>} : memref<80x128xf32, #tpu.memory_space<vmem>>, vector<16xf32>,
        tpu.vector_store %arg14[%swap3A_233, %swap3A_234], %mul3A_232 {strides = array<i32>} : memref<80x128xf32, #tpu.memory_space<vmem>>, vector<16xf32>,
        %get3A_236 = arith.index_cast %add3A_214 : i32 to index
        %get3A_237 = arith.constant 48 : index
        %get3A_238 = tpu.vector_load %arg14[%get3A_236, %get3A_237] {strides = array<i32>} : memref<80x128xf32, #tpu.memory_space<vmem>>, vector<16xf32>,
        %mul3A_239 = arith.mulf %get3A_238, %gather3A : vector<16xf32>
        %swap3A_240 = arith.index_cast %add3A_214 : i32 to index
        %swap3A_241 = arith.constant 48 : index
        %swap3A_242 = tpu.vector_load %arg14[%swap3A_240, %swap3A_241] {strides = array<i32>} : memref<80x128xf32, #tpu.memory_space<vmem>>, vector<16xf32>,
        tpu.vector_store %arg14[%swap3A_240, %swap3A_241], %mul3A_239 {strides = array<i32>} : memref<80x128xf32, #tpu.memory_space<vmem>>, vector<16xf32>,
        %get3A_243 = arith.index_cast %add3A_214 : i32 to index
        %get3A_244 = arith.constant 64 : index
        %get3A_245 = tpu.vector_load %arg14[%get3A_243, %get3A_244] {strides = array<i32>} : memref<80x128xf32, #tpu.memory_space<vmem>>, vector<16xf32>,
        %mul3A_246 = arith.mulf %get3A_245, %gather3A : vector<16xf32>
        %swap3A_247 = arith.index_cast %add3A_214 : i32 to index
        %swap3A_248 = arith.constant 64 : index
        %swap3A_249 = tpu.vector_load %arg14[%swap3A_247, %swap3A_248] {strides = array<i32>} : memref<80x128xf32, #tpu.memory_space<vmem>>, vector<16xf32>,
        tpu.vector_store %arg14[%swap3A_247, %swap3A_248], %mul3A_246 {strides = array<i32>} : memref<80x128xf32, #tpu.memory_space<vmem>>, vector<16xf32>,
        %get3A_250 = arith.index_cast %add3A_214 : i32 to index
        %get3A_251 = arith.constant 80 : index
        %get3A_252 = tpu.vector_load %arg14[%get3A_250, %get3A_251] {strides = array<i32>} : memref<80x128xf32, #tpu.memory_space<vmem>>, vector<16xf32>,
        %mul3A_253 = arith.mulf %get3A_252, %gather3A : vector<16xf32>
        %swap3A_254 = arith.index_cast %add3A_214 : i32 to index
        %swap3A_255 = arith.constant 80 : index
        %swap3A_256 = tpu.vector_load %arg14[%swap3A_254, %swap3A_255] {strides = array<i32>} : memref<80x128xf32, #tpu.memory_space<vmem>>, vector<16xf32>,
        tpu.vector_store %arg14[%swap3A_254, %swap3A_255], %mul3A_253 {strides = array<i32>} : memref<80x128xf32, #tpu.memory_space<vmem>>, vector<16xf32>,
        %get3A_257 = arith.index_cast %add3A_214 : i32 to index
        %get3A_258 = arith.constant 96 : index
        %get3A_259 = tpu.vector_load %arg14[%get3A_257, %get3A_258] {strides = array<i32>} : memref<80x128xf32, #tpu.memory_space<vmem>>, vector<16xf32>,
        %mul3A_260 = arith.mulf %get3A_259, %gather3A : vector<16xf32>
        %swap3A_261 = arith.index_cast %add3A_214 : i32 to index
        %swap3A_262 = arith.constant 96 : index
        %swap3A_263 = tpu.vector_load %arg14[%swap3A_261, %swap3A_262] {strides = array<i32>} : memref<80x128xf32, #tpu.memory_space<vmem>>, vector<16xf32>,
        tpu.vector_store %arg14[%swap3A_261, %swap3A_262], %mul3A_260 {strides = array<i32>} : memref<80x128xf32, #tpu.memory_space<vmem>>, vector<16xf32>,
        %get3A_264 = arith.index_cast %add3A_214 : i32 to index
        %get3A_265 = arith.constant 112 : index
        %get3A_266 = tpu.vector_load %arg14[%get3A_264, %get3A_265] {strides = array<i32>} : memref<80x128xf32, #tpu.memory_space<vmem>>, vector<16xf32>,
        %mul3A_267 = arith.mulf %get3A_266, %gather3A : vector<16xf32>
        %swap3A_268 = arith.index_cast %add3A_214 : i32 to index
        %swap3A_269 = arith.constant 112 : index
        %swap3A_270 = tpu.vector_load %arg14[%swap3A_268, %swap3A_269] {strides = array<i32>} : memref<80x128xf32, #tpu.memory_space<vmem>>, vector<16xf32>,
        tpu.vector_store %arg14[%swap3A_268, %swap3A_269], %mul3A_267 {strides = array<i32>} : memref<80x128xf32, #tpu.memory_space<vmem>>, vector<16xf32>,
        %add3A_271 = arith.constant 1 : i32
        %add3A_272 = arith.addi %mul3A_212, %add3A_271 : i32
        %broadcast_in_dim3A_273 = vector.broadcast %add3A_272 : i32 to vector<16xi32>
        %gather3A_274 = tpu.vector_load_idx %arg12[%broadcast_in_dim3A_273] : memref<80xf32, #tpu.memory_space<vmem>>[vector<16xi32>], vector<16xf32>,
        %get3A_275 = arith.index_cast %add3A_272 : i32 to index
        %get3A_276 = arith.constant 0 : index
        %get3A_277 = tpu.vector_load %arg14[%get3A_275, %get3A_276] {strides = array<i32>} : memref<80x128xf32, #tpu.memory_space<vmem>>, vector<16xf32>,
        %mul3A_278 = arith.mulf %get3A_277, %gather3A_274 : vector<16xf32>
        %swap3A_279 = arith.index_cast %add3A_272 : i32 to index
        %swap3A_280 = arith.constant 0 : index
        %swap3A_281 = tpu.vector_load %arg14[%swap3A_279, %swap3A_280] {strides = array<i32>} : memref<80x128xf32, #tpu.memory_space<vmem>>, vector<16xf32>,
        tpu.vector_store %arg14[%swap3A_279, %swap3A_280], %mul3A_278 {strides = array<i32>} : memref<80x128xf32, #tpu.memory_space<vmem>>, vector<16xf32>,
        %get3A_282 = arith.index_cast %add3A_272 : i32 to index
        %get3A_283 = arith.constant 16 : index
        %get3A_284 = tpu.vector_load %arg14[%get3A_282, %get3A_283] {strides = array<i32>} : memref<80x128xf32, #tpu.memory_space<vmem>>, vector<16xf32>,
        %mul3A_285 = arith.mulf %get3A_284, %gather3A_274 : vector<16xf32>
        %swap3A_286 = arith.index_cast %add3A_272 : i32 to index
        %swap3A_287 = arith.constant 16 : index
        %swap3A_288 = tpu.vector_load %arg14[%swap3A_286, %swap3A_287] {strides = array<i32>} : memref<80x128xf32, #tpu.memory_space<vmem>>, vector<16xf32>,
        tpu.vector_store %arg14[%swap3A_286, %swap3A_287], %mul3A_285 {strides = array<i32>} : memref<80x128xf32, #tpu.memory_space<vmem>>, vector<16xf32>,
        %get3A_289 = arith.index_cast %add3A_272 : i32 to index
        %get3A_290 = arith.constant 32 : index
        %get3A_291 = tpu.vector_load %arg14[%get3A_289, %get3A_290] {strides = array<i32>} : memref<80x128xf32, #tpu.memory_space<vmem>>, vector<16xf32>,
        %mul3A_292 = arith.mulf %get3A_291, %gather3A_274 : vector<16xf32>
        %swap3A_293 = arith.index_cast %add3A_272 : i32 to index
        %swap3A_294 = arith.constant 32 : index
        %swap3A_295 = tpu.vector_load %arg14[%swap3A_293, %swap3A_294] {strides = array<i32>} : memref<80x128xf32, #tpu.memory_space<vmem>>, vector<16xf32>,
        tpu.vector_store %arg14[%swap3A_293, %swap3A_294], %mul3A_292 {strides = array<i32>} : memref<80x128xf32, #tpu.memory_space<vmem>>, vector<16xf32>,
        %get3A_296 = arith.index_cast %add3A_272 : i32 to index
        %get3A_297 = arith.constant 48 : index
        %get3A_298 = tpu.vector_load %arg14[%get3A_296, %get3A_297] {strides = array<i32>} : memref<80x128xf32, #tpu.memory_space<vmem>>, vector<16xf32>,
        %mul3A_299 = arith.mulf %get3A_298, %gather3A_274 : vector<16xf32>
        %swap3A_300 = arith.index_cast %add3A_272 : i32 to index
        %swap3A_301 = arith.constant 48 : index
        %swap3A_302 = tpu.vector_load %arg14[%swap3A_300, %swap3A_301] {strides = array<i32>} : memref<80x128xf32, #tpu.memory_space<vmem>>, vector<16xf32>,
        tpu.vector_store %arg14[%swap3A_300, %swap3A_301], %mul3A_299 {strides = array<i32>} : memref<80x128xf32, #tpu.memory_space<vmem>>, vector<16xf32>,
        %get3A_303 = arith.index_cast %add3A_272 : i32 to index
        %get3A_304 = arith.constant 64 : index
        %get3A_305 = tpu.vector_load %arg14[%get3A_303, %get3A_304] {strides = array<i32>} : memref<80x128xf32, #tpu.memory_space<vmem>>, vector<16xf32>,
        %mul3A_306 = arith.mulf %get3A_305, %gather3A_274 : vector<16xf32>
        %swap3A_307 = arith.index_cast %add3A_272 : i32 to index
        %swap3A_308 = arith.constant 64 : index
        %swap3A_309 = tpu.vector_load %arg14[%swap3A_307, %swap3A_308] {strides = array<i32>} : memref<80x128xf32, #tpu.memory_space<vmem>>, vector<16xf32>,
        tpu.vector_store %arg14[%swap3A_307, %swap3A_308], %mul3A_306 {strides = array<i32>} : memref<80x128xf32, #tpu.memory_space<vmem>>, vector<16xf32>,
        %get3A_310 = arith.index_cast %add3A_272 : i32 to index
        %get3A_311 = arith.constant 80 : index
        %get3A_312 = tpu.vector_load %arg14[%get3A_310, %get3A_311] {strides = array<i32>} : memref<80x128xf32, #tpu.memory_space<vmem>>, vector<16xf32>,
        %mul3A_313 = arith.mulf %get3A_312, %gather3A_274 : vector<16xf32>
        %swap3A_314 = arith.index_cast %add3A_272 : i32 to index
        %swap3A_315 = arith.constant 80 : index
        %swap3A_316 = tpu.vector_load %arg14[%swap3A_314, %swap3A_315] {strides = array<i32>} : memref<80x128xf32, #tpu.memory_space<vmem>>, vector<16xf32>,
        tpu.vector_store %arg14[%swap3A_314, %swap3A_315], %mul3A_313 {strides = array<i32>} : memref<80x128xf32, #tpu.memory_space<vmem>>, vector<16xf32>,
        %get3A_317 = arith.index_cast %add3A_272 : i32 to index
        %get3A_318 = arith.constant 96 : index
        %get3A_319 = tpu.vector_load %arg14[%get3A_317, %get3A_318] {strides = array<i32>} : memref<80x128xf32, #tpu.memory_space<vmem>>, vector<16xf32>,
        %mul3A_320 = arith.mulf %get3A_319, %gather3A_274 : vector<16xf32>
        %swap3A_321 = arith.index_cast %add3A_272 : i32 to index
        %swap3A_322 = arith.constant 96 : index
        %swap3A_323 = tpu.vector_load %arg14[%swap3A_321, %swap3A_322] {strides = array<i32>} : memref<80x128xf32, #tpu.memory_space<vmem>>, vector<16xf32>,
        tpu.vector_store %arg14[%swap3A_321, %swap3A_322], %mul3A_320 {strides = array<i32>} : memref<80x128xf32, #tpu.memory_space<vmem>>, vector<16xf32>,
        %get3A_324 = arith.index_cast %add3A_272 : i32 to index
        %get3A_325 = arith.constant 112 : index
        %get3A_326 = tpu.vector_load %arg14[%get3A_324, %get3A_325] {strides = array<i32>} : memref<80x128xf32, #tpu.memory_space<vmem>>, vector<16xf32>,
        %mul3A_327 = arith.mulf %get3A_326, %gather3A_274 : vector<16xf32>
        %swap3A_328 = arith.index_cast %add3A_272 : i32 to index
        %swap3A_329 = arith.constant 112 : index
        %swap3A_330 = tpu.vector_load %arg14[%swap3A_328, %swap3A_329] {strides = array<i32>} : memref<80x128xf32, #tpu.memory_space<vmem>>, vector<16xf32>,
        tpu.vector_store %arg14[%swap3A_328, %swap3A_329], %mul3A_327 {strides = array<i32>} : memref<80x128xf32, #tpu.memory_space<vmem>>, vector<16xf32>,
        %add3A_331 = arith.constant 2 : i32
        %add3A_332 = arith.addi %mul3A_212, %add3A_331 : i32
        %broadcast_in_dim3A_333 = vector.broadcast %add3A_332 : i32 to vector<16xi32>
        %gather3A_334 = tpu.vector_load_idx %arg12[%broadcast_in_dim3A_333] : memref<80xf32, #tpu.memory_space<vmem>>[vector<16xi32>], vector<16xf32>,
        %get3A_335 = arith.index_cast %add3A_332 : i32 to index
        %get3A_336 = arith.constant 0 : index
        %get3A_337 = tpu.vector_load %arg14[%get3A_335, %get3A_336] {strides = array<i32>} : memref<80x128xf32, #tpu.memory_space<vmem>>, vector<16xf32>,
        %mul3A_338 = arith.mulf %get3A_337, %gather3A_334 : vector<16xf32>
        %swap3A_339 = arith.index_cast %add3A_332 : i32 to index
        %swap3A_340 = arith.constant 0 : index
        %swap3A_341 = tpu.vector_load %arg14[%swap3A_339, %swap3A_340] {strides = array<i32>} : memref<80x128xf32, #tpu.memory_space<vmem>>, vector<16xf32>,
        tpu.vector_store %arg14[%swap3A_339, %swap3A_340], %mul3A_338 {strides = array<i32>} : memref<80x128xf32, #tpu.memory_space<vmem>>, vector<16xf32>,
        %get3A_342 = arith.index_cast %add3A_332 : i32 to index
        %get3A_343 = arith.constant 16 : index
        %get3A_344 = tpu.vector_load %arg14[%get3A_342, %get3A_343] {strides = array<i32>} : memref<80x128xf32, #tpu.memory_space<vmem>>, vector<16xf32>,
        %mul3A_345 = arith.mulf %get3A_344, %gather3A_334 : vector<16xf32>
        %swap3A_346 = arith.index_cast %add3A_332 : i32 to index
        %swap3A_347 = arith.constant 16 : index
        %swap3A_348 = tpu.vector_load %arg14[%swap3A_346, %swap3A_347] {strides = array<i32>} : memref<80x128xf32, #tpu.memory_space<vmem>>, vector<16xf32>,
        tpu.vector_store %arg14[%swap3A_346, %swap3A_347], %mul3A_345 {strides = array<i32>} : memref<80x128xf32, #tpu.memory_space<vmem>>, vector<16xf32>,
        %get3A_349 = arith.index_cast %add3A_332 : i32 to index
        %get3A_350 = arith.constant 32 : index
        %get3A_351 = tpu.vector_load %arg14[%get3A_349, %get3A_350] {strides = array<i32>} : memref<80x128xf32, #tpu.memory_space<vmem>>, vector<16xf32>,
        %mul3A_352 = arith.mulf %get3A_351, %gather3A_334 : vector<16xf32>
        %swap3A_353 = arith.index_cast %add3A_332 : i32 to index
        %swap3A_354 = arith.constant 32 : index
        %swap3A_355 = tpu.vector_load %arg14[%swap3A_353, %swap3A_354] {strides = array<i32>} : memref<80x128xf32, #tpu.memory_space<vmem>>, vector<16xf32>,
        tpu.vector_store %arg14[%swap3A_353, %swap3A_354], %mul3A_352 {strides = array<i32>} : memref<80x128xf32, #tpu.memory_space<vmem>>, vector<16xf32>,
        %get3A_356 = arith.index_cast %add3A_332 : i32 to index
        %get3A_357 = arith.constant 48 : index
        %get3A_358 = tpu.vector_load %arg14[%get3A_356, %get3A_357] {strides = array<i32>} : memref<80x128xf32, #tpu.memory_space<vmem>>, vector<16xf32>,
        %mul3A_359 = arith.mulf %get3A_358, %gather3A_334 : vector<16xf32>
        %swap3A_360 = arith.index_cast %add3A_332 : i32 to index
        %swap3A_361 = arith.constant 48 : index
        %swap3A_362 = tpu.vector_load %arg14[%swap3A_360, %swap3A_361] {strides = array<i32>} : memref<80x128xf32, #tpu.memory_space<vmem>>, vector<16xf32>,
        tpu.vector_store %arg14[%swap3A_360, %swap3A_361], %mul3A_359 {strides = array<i32>} : memref<80x128xf32, #tpu.memory_space<vmem>>, vector<16xf32>,
        %get3A_363 = arith.index_cast %add3A_332 : i32 to index
        %get3A_364 = arith.constant 64 : index
        %get3A_365 = tpu.vector_load %arg14[%get3A_363, %get3A_364] {strides = array<i32>} : memref<80x128xf32, #tpu.memory_space<vmem>>, vector<16xf32>,
        %mul3A_366 = arith.mulf %get3A_365, %gather3A_334 : vector<16xf32>
        %swap3A_367 = arith.index_cast %add3A_332 : i32 to index
        %swap3A_368 = arith.constant 64 : index
        %swap3A_369 = tpu.vector_load %arg14[%swap3A_367, %swap3A_368] {strides = array<i32>} : memref<80x128xf32, #tpu.memory_space<vmem>>, vector<16xf32>,
        tpu.vector_store %arg14[%swap3A_367, %swap3A_368], %mul3A_366 {strides = array<i32>} : memref<80x128xf32, #tpu.memory_space<vmem>>, vector<16xf32>,
        %get3A_370 = arith.index_cast %add3A_332 : i32 to index
        %get3A_371 = arith.constant 80 : index
        %get3A_372 = tpu.vector_load %arg14[%get3A_370, %get3A_371] {strides = array<i32>} : memref<80x128xf32, #tpu.memory_space<vmem>>, vector<16xf32>,
        %mul3A_373 = arith.mulf %get3A_372, %gather3A_334 : vector<16xf32>
        %swap3A_374 = arith.index_cast %add3A_332 : i32 to index
        %swap3A_375 = arith.constant 80 : index
        %swap3A_376 = tpu.vector_load %arg14[%swap3A_374, %swap3A_375] {strides = array<i32>} : memref<80x128xf32, #tpu.memory_space<vmem>>, vector<16xf32>,
        tpu.vector_store %arg14[%swap3A_374, %swap3A_375], %mul3A_373 {strides = array<i32>} : memref<80x128xf32, #tpu.memory_space<vmem>>, vector<16xf32>,
        %get3A_377 = arith.index_cast %add3A_332 : i32 to index
        %get3A_378 = arith.constant 96 : index
        %get3A_379 = tpu.vector_load %arg14[%get3A_377, %get3A_378] {strides = array<i32>} : memref<80x128xf32, #tpu.memory_space<vmem>>, vector<16xf32>,
        %mul3A_380 = arith.mulf %get3A_379, %gather3A_334 : vector<16xf32>
        %swap3A_381 = arith.index_cast %add3A_332 : i32 to index
        %swap3A_382 = arith.constant 96 : index
        %swap3A_383 = tpu.vector_load %arg14[%swap3A_381, %swap3A_382] {strides = array<i32>} : memref<80x128xf32, #tpu.memory_space<vmem>>, vector<16xf32>,
        tpu.vector_store %arg14[%swap3A_381, %swap3A_382], %mul3A_380 {strides = array<i32>} : memref<80x128xf32, #tpu.memory_space<vmem>>, vector<16xf32>,
        %get3A_384 = arith.index_cast %add3A_332 : i32 to index
        %get3A_385 = arith.constant 112 : index
        %get3A_386 = tpu.vector_load %arg14[%get3A_384, %get3A_385] {strides = array<i32>} : memref<80x128xf32, #tpu.memory_space<vmem>>, vector<16xf32>,
        %mul3A_387 = arith.mulf %get3A_386, %gather3A_334 : vector<16xf32>
        %swap3A_388 = arith.index_cast %add3A_332 : i32 to index
        %swap3A_389 = arith.constant 112 : index
        %swap3A_390 = tpu.vector_load %arg14[%swap3A_388, %swap3A_389] {strides = array<i32>} : memref<80x128xf32, #tpu.memory_space<vmem>>, vector<16xf32>,
        tpu.vector_store %arg14[%swap3A_388, %swap3A_389], %mul3A_387 {strides = array<i32>} : memref<80x128xf32, #tpu.memory_space<vmem>>, vector<16xf32>,
        %add3A_391 = arith.constant 3 : i32
        %add3A_392 = arith.addi %mul3A_212, %add3A_391 : i32
        %broadcast_in_dim3A_393 = vector.broadcast %add3A_392 : i32 to vector<16xi32>
        %gather3A_394 = tpu.vector_load_idx %arg12[%broadcast_in_dim3A_393] : memref<80xf32, #tpu.memory_space<vmem>>[vector<16xi32>], vector<16xf32>,
        %get3A_395 = arith.index_cast %add3A_392 : i32 to index
        %get3A_396 = arith.constant 0 : index
        %get3A_397 = tpu.vector_load %arg14[%get3A_395, %get3A_396] {strides = array<i32>} : memref<80x128xf32, #tpu.memory_space<vmem>>, vector<16xf32>,
        %mul3A_398 = arith.mulf %get3A_397, %gather3A_394 : vector<16xf32>
        %swap3A_399 = arith.index_cast %add3A_392 : i32 to index
        %swap3A_400 = arith.constant 0 : index
        %swap3A_401 = tpu.vector_load %arg14[%swap3A_399, %swap3A_400] {strides = array<i32>} : memref<80x128xf32, #tpu.memory_space<vmem>>, vector<16xf32>,
        tpu.vector_store %arg14[%swap3A_399, %swap3A_400], %mul3A_398 {strides = array<i32>} : memref<80x128xf32, #tpu.memory_space<vmem>>, vector<16xf32>,
        %get3A_402 = arith.index_cast %add3A_392 : i32 to index
        %get3A_403 = arith.constant 16 : index
        %get3A_404 = tpu.vector_load %arg14[%get3A_402, %get3A_403] {strides = array<i32>} : memref<80x128xf32, #tpu.memory_space<vmem>>, vector<16xf32>,
        %mul3A_405 = arith.mulf %get3A_404, %gather3A_394 : vector<16xf32>
        %swap3A_406 = arith.index_cast %add3A_392 : i32 to index
        %swap3A_407 = arith.constant 16 : index
        %swap3A_408 = tpu.vector_load %arg14[%swap3A_406, %swap3A_407] {strides = array<i32>} : memref<80x128xf32, #tpu.memory_space<vmem>>, vector<16xf32>,
        tpu.vector_store %arg14[%swap3A_406, %swap3A_407], %mul3A_405 {strides = array<i32>} : memref<80x128xf32, #tpu.memory_space<vmem>>, vector<16xf32>,
        %get3A_409 = arith.index_cast %add3A_392 : i32 to index
        %get3A_410 = arith.constant 32 : index
        %get3A_411 = tpu.vector_load %arg14[%get3A_409, %get3A_410] {strides = array<i32>} : memref<80x128xf32, #tpu.memory_space<vmem>>, vector<16xf32>,
        %mul3A_412 = arith.mulf %get3A_411, %gather3A_394 : vector<16xf32>
        %swap3A_413 = arith.index_cast %add3A_392 : i32 to index
        %swap3A_414 = arith.constant 32 : index
        %swap3A_415 = tpu.vector_load %arg14[%swap3A_413, %swap3A_414] {strides = array<i32>} : memref<80x128xf32, #tpu.memory_space<vmem>>, vector<16xf32>,
        tpu.vector_store %arg14[%swap3A_413, %swap3A_414], %mul3A_412 {strides = array<i32>} : memref<80x128xf32, #tpu.memory_space<vmem>>, vector<16xf32>,
        %get3A_416 = arith.index_cast %add3A_392 : i32 to index
        %get3A_417 = arith.constant 48 : index
        %get3A_418 = tpu.vector_load %arg14[%get3A_416, %get3A_417] {strides = array<i32>} : memref<80x128xf32, #tpu.memory_space<vmem>>, vector<16xf32>,
        %mul3A_419 = arith.mulf %get3A_418, %gather3A_394 : vector<16xf32>
        %swap3A_420 = arith.index_cast %add3A_392 : i32 to index
        %swap3A_421 = arith.constant 48 : index
        %swap3A_422 = tpu.vector_load %arg14[%swap3A_420, %swap3A_421] {strides = array<i32>} : memref<80x128xf32, #tpu.memory_space<vmem>>, vector<16xf32>,
        tpu.vector_store %arg14[%swap3A_420, %swap3A_421], %mul3A_419 {strides = array<i32>} : memref<80x128xf32, #tpu.memory_space<vmem>>, vector<16xf32>,
        %get3A_423 = arith.index_cast %add3A_392 : i32 to index
        %get3A_424 = arith.constant 64 : index
        %get3A_425 = tpu.vector_load %arg14[%get3A_423, %get3A_424] {strides = array<i32>} : memref<80x128xf32, #tpu.memory_space<vmem>>, vector<16xf32>,
        %mul3A_426 = arith.mulf %get3A_425, %gather3A_394 : vector<16xf32>
        %swap3A_427 = arith.index_cast %add3A_392 : i32 to index
        %swap3A_428 = arith.constant 64 : index
        %swap3A_429 = tpu.vector_load %arg14[%swap3A_427, %swap3A_428] {strides = array<i32>} : memref<80x128xf32, #tpu.memory_space<vmem>>, vector<16xf32>,
        tpu.vector_store %arg14[%swap3A_427, %swap3A_428], %mul3A_426 {strides = array<i32>} : memref<80x128xf32, #tpu.memory_space<vmem>>, vector<16xf32>,
        %get3A_430 = arith.index_cast %add3A_392 : i32 to index
        %get3A_431 = arith.constant 80 : index
        %get3A_432 = tpu.vector_load %arg14[%get3A_430, %get3A_431] {strides = array<i32>} : memref<80x128xf32, #tpu.memory_space<vmem>>, vector<16xf32>,
        %mul3A_433 = arith.mulf %get3A_432, %gather3A_394 : vector<16xf32>
        %swap3A_434 = arith.index_cast %add3A_392 : i32 to index
        %swap3A_435 = arith.constant 80 : index
        %swap3A_436 = tpu.vector_load %arg14[%swap3A_434, %swap3A_435] {strides = array<i32>} : memref<80x128xf32, #tpu.memory_space<vmem>>, vector<16xf32>,
        tpu.vector_store %arg14[%swap3A_434, %swap3A_435], %mul3A_433 {strides = array<i32>} : memref<80x128xf32, #tpu.memory_space<vmem>>, vector<16xf32>,
        %get3A_437 = arith.index_cast %add3A_392 : i32 to index
        %get3A_438 = arith.constant 96 : index
        %get3A_439 = tpu.vector_load %arg14[%get3A_437, %get3A_438] {strides = array<i32>} : memref<80x128xf32, #tpu.memory_space<vmem>>, vector<16xf32>,
        %mul3A_440 = arith.mulf %get3A_439, %gather3A_394 : vector<16xf32>
        %swap3A_441 = arith.index_cast %add3A_392 : i32 to index
        %swap3A_442 = arith.constant 96 : index
        %swap3A_443 = tpu.vector_load %arg14[%swap3A_441, %swap3A_442] {strides = array<i32>} : memref<80x128xf32, #tpu.memory_space<vmem>>, vector<16xf32>,
        tpu.vector_store %arg14[%swap3A_441, %swap3A_442], %mul3A_440 {strides = array<i32>} : memref<80x128xf32, #tpu.memory_space<vmem>>, vector<16xf32>,
        %get3A_444 = arith.index_cast %add3A_392 : i32 to index
        %get3A_445 = arith.constant 112 : index
        %get3A_446 = tpu.vector_load %arg14[%get3A_444, %get3A_445] {strides = array<i32>} : memref<80x128xf32, #tpu.memory_space<vmem>>, vector<16xf32>,
        %mul3A_447 = arith.mulf %get3A_446, %gather3A_394 : vector<16xf32>
        %swap3A_448 = arith.index_cast %add3A_392 : i32 to index
        %swap3A_449 = arith.constant 112 : index
        %swap3A_450 = tpu.vector_load %arg14[%swap3A_448, %swap3A_449] {strides = array<i32>} : memref<80x128xf32, #tpu.memory_space<vmem>>, vector<16xf32>,
        tpu.vector_store %arg14[%swap3A_448, %swap3A_449], %mul3A_447 {strides = array<i32>} : memref<80x128xf32, #tpu.memory_space<vmem>>, vector<16xf32>,
        %add3A_451 = arith.constant 4 : i32
        %add3A_452 = arith.addi %mul3A_212, %add3A_451 : i32
        %broadcast_in_dim3A_453 = vector.broadcast %add3A_452 : i32 to vector<16xi32>
        %gather3A_454 = tpu.vector_load_idx %arg12[%broadcast_in_dim3A_453] : memref<80xf32, #tpu.memory_space<vmem>>[vector<16xi32>], vector<16xf32>,
        %get3A_455 = arith.index_cast %add3A_452 : i32 to index
        %get3A_456 = arith.constant 0 : index
        %get3A_457 = tpu.vector_load %arg14[%get3A_455, %get3A_456] {strides = array<i32>} : memref<80x128xf32, #tpu.memory_space<vmem>>, vector<16xf32>,
        %mul3A_458 = arith.mulf %get3A_457, %gather3A_454 : vector<16xf32>
        %swap3A_459 = arith.index_cast %add3A_452 : i32 to index
        %swap3A_460 = arith.constant 0 : index
        %swap3A_461 = tpu.vector_load %arg14[%swap3A_459, %swap3A_460] {strides = array<i32>} : memref<80x128xf32, #tpu.memory_space<vmem>>, vector<16xf32>,
        tpu.vector_store %arg14[%swap3A_459, %swap3A_460], %mul3A_458 {strides = array<i32>} : memref<80x128xf32, #tpu.memory_space<vmem>>, vector<16xf32>,
        %get3A_462 = arith.index_cast %add3A_452 : i32 to index
        %get3A_463 = arith.constant 16 : index
        %get3A_464 = tpu.vector_load %arg14[%get3A_462, %get3A_463] {strides = array<i32>} : memref<80x128xf32, #tpu.memory_space<vmem>>, vector<16xf32>,
        %mul3A_465 = arith.mulf %get3A_464, %gather3A_454 : vector<16xf32>
        %swap3A_466 = arith.index_cast %add3A_452 : i32 to index
        %swap3A_467 = arith.constant 16 : index
        %swap3A_468 = tpu.vector_load %arg14[%swap3A_466, %swap3A_467] {strides = array<i32>} : memref<80x128xf32, #tpu.memory_space<vmem>>, vector<16xf32>,
        tpu.vector_store %arg14[%swap3A_466, %swap3A_467], %mul3A_465 {strides = array<i32>} : memref<80x128xf32, #tpu.memory_space<vmem>>, vector<16xf32>,
        %get3A_469 = arith.index_cast %add3A_452 : i32 to index
        %get3A_470 = arith.constant 32 : index
        %get3A_471 = tpu.vector_load %arg14[%get3A_469, %get3A_470] {strides = array<i32>} : memref<80x128xf32, #tpu.memory_space<vmem>>, vector<16xf32>,
        %mul3A_472 = arith.mulf %get3A_471, %gather3A_454 : vector<16xf32>
        %swap3A_473 = arith.index_cast %add3A_452 : i32 to index
        %swap3A_474 = arith.constant 32 : index
        %swap3A_475 = tpu.vector_load %arg14[%swap3A_473, %swap3A_474] {strides = array<i32>} : memref<80x128xf32, #tpu.memory_space<vmem>>, vector<16xf32>,
        tpu.vector_store %arg14[%swap3A_473, %swap3A_474], %mul3A_472 {strides = array<i32>} : memref<80x128xf32, #tpu.memory_space<vmem>>, vector<16xf32>,
        %get3A_476 = arith.index_cast %add3A_452 : i32 to index
        %get3A_477 = arith.constant 48 : index
        %get3A_478 = tpu.vector_load %arg14[%get3A_476, %get3A_477] {strides = array<i32>} : memref<80x128xf32, #tpu.memory_space<vmem>>, vector<16xf32>,
        %mul3A_479 = arith.mulf %get3A_478, %gather3A_454 : vector<16xf32>
        %swap3A_480 = arith.index_cast %add3A_452 : i32 to index
        %swap3A_481 = arith.constant 48 : index
        %swap3A_482 = tpu.vector_load %arg14[%swap3A_480, %swap3A_481] {strides = array<i32>} : memref<80x128xf32, #tpu.memory_space<vmem>>, vector<16xf32>,
        tpu.vector_store %arg14[%swap3A_480, %swap3A_481], %mul3A_479 {strides = array<i32>} : memref<80x128xf32, #tpu.memory_space<vmem>>, vector<16xf32>,
        %get3A_483 = arith.index_cast %add3A_452 : i32 to index
        %get3A_484 = arith.constant 64 : index
        %get3A_485 = tpu.vector_load %arg14[%get3A_483, %get3A_484] {strides = array<i32>} : memref<80x128xf32, #tpu.memory_space<vmem>>, vector<16xf32>,
        %mul3A_486 = arith.mulf %get3A_485, %gather3A_454 : vector<16xf32>
        %swap3A_487 = arith.index_cast %add3A_452 : i32 to index
        %swap3A_488 = arith.constant 64 : index
        %swap3A_489 = tpu.vector_load %arg14[%swap3A_487, %swap3A_488] {strides = array<i32>} : memref<80x128xf32, #tpu.memory_space<vmem>>, vector<16xf32>,
        tpu.vector_store %arg14[%swap3A_487, %swap3A_488], %mul3A_486 {strides = array<i32>} : memref<80x128xf32, #tpu.memory_space<vmem>>, vector<16xf32>,
        %get3A_490 = arith.index_cast %add3A_452 : i32 to index
        %get3A_491 = arith.constant 80 : index
        %get3A_492 = tpu.vector_load %arg14[%get3A_490, %get3A_491] {strides = array<i32>} : memref<80x128xf32, #tpu.memory_space<vmem>>, vector<16xf32>,
        %mul3A_493 = arith.mulf %get3A_492, %gather3A_454 : vector<16xf32>
        %swap3A_494 = arith.index_cast %add3A_452 : i32 to index
        %swap3A_495 = arith.constant 80 : index
        %swap3A_496 = tpu.vector_load %arg14[%swap3A_494, %swap3A_495] {strides = array<i32>} : memref<80x128xf32, #tpu.memory_space<vmem>>, vector<16xf32>,
        tpu.vector_store %arg14[%swap3A_494, %swap3A_495], %mul3A_493 {strides = array<i32>} : memref<80x128xf32, #tpu.memory_space<vmem>>, vector<16xf32>,
        %get3A_497 = arith.index_cast %add3A_452 : i32 to index
        %get3A_498 = arith.constant 96 : index
        %get3A_499 = tpu.vector_load %arg14[%get3A_497, %get3A_498] {strides = array<i32>} : memref<80x128xf32, #tpu.memory_space<vmem>>, vector<16xf32>,
        %mul3A_500 = arith.mulf %get3A_499, %gather3A_454 : vector<16xf32>
        %swap3A_501 = arith.index_cast %add3A_452 : i32 to index
        %swap3A_502 = arith.constant 96 : index
        %swap3A_503 = tpu.vector_load %arg14[%swap3A_501, %swap3A_502] {strides = array<i32>} : memref<80x128xf32, #tpu.memory_space<vmem>>, vector<16xf32>,
        tpu.vector_store %arg14[%swap3A_501, %swap3A_502], %mul3A_500 {strides = array<i32>} : memref<80x128xf32, #tpu.memory_space<vmem>>, vector<16xf32>,
        %get3A_504 = arith.index_cast %add3A_452 : i32 to index
        %get3A_505 = arith.constant 112 : index
        %get3A_506 = tpu.vector_load %arg14[%get3A_504, %get3A_505] {strides = array<i32>} : memref<80x128xf32, #tpu.memory_space<vmem>>, vector<16xf32>,
        %mul3A_507 = arith.mulf %get3A_506, %gather3A_454 : vector<16xf32>
        %swap3A_508 = arith.index_cast %add3A_452 : i32 to index
        %swap3A_509 = arith.constant 112 : index
        %swap3A_510 = tpu.vector_load %arg14[%swap3A_508, %swap3A_509] {strides = array<i32>} : memref<80x128xf32, #tpu.memory_space<vmem>>, vector<16xf32>,
        tpu.vector_store %arg14[%swap3A_508, %swap3A_509], %mul3A_507 {strides = array<i32>} : memref<80x128xf32, #tpu.memory_space<vmem>>, vector<16xf32>,
        %add3A_511 = arith.constant 5 : i32
        %add3A_512 = arith.addi %mul3A_212, %add3A_511 : i32
        %broadcast_in_dim3A_513 = vector.broadcast %add3A_512 : i32 to vector<16xi32>
        %gather3A_514 = tpu.vector_load_idx %arg12[%broadcast_in_dim3A_513] : memref<80xf32, #tpu.memory_space<vmem>>[vector<16xi32>], vector<16xf32>,
        %get3A_515 = arith.index_cast %add3A_512 : i32 to index
        %get3A_516 = arith.constant 0 : index
        %get3A_517 = tpu.vector_load %arg14[%get3A_515, %get3A_516] {strides = array<i32>} : memref<80x128xf32, #tpu.memory_space<vmem>>, vector<16xf32>,
        %mul3A_518 = arith.mulf %get3A_517, %gather3A_514 : vector<16xf32>
        %swap3A_519 = arith.index_cast %add3A_512 : i32 to index
        %swap3A_520 = arith.constant 0 : index
        %swap3A_521 = tpu.vector_load %arg14[%swap3A_519, %swap3A_520] {strides = array<i32>} : memref<80x128xf32, #tpu.memory_space<vmem>>, vector<16xf32>,
        tpu.vector_store %arg14[%swap3A_519, %swap3A_520], %mul3A_518 {strides = array<i32>} : memref<80x128xf32, #tpu.memory_space<vmem>>, vector<16xf32>,
        %get3A_522 = arith.index_cast %add3A_512 : i32 to index
        %get3A_523 = arith.constant 16 : index
        %get3A_524 = tpu.vector_load %arg14[%get3A_522, %get3A_523] {strides = array<i32>} : memref<80x128xf32, #tpu.memory_space<vmem>>, vector<16xf32>,
        %mul3A_525 = arith.mulf %get3A_524, %gather3A_514 : vector<16xf32>
        %swap3A_526 = arith.index_cast %add3A_512 : i32 to index
        %swap3A_527 = arith.constant 16 : index
        %swap3A_528 = tpu.vector_load %arg14[%swap3A_526, %swap3A_527] {strides = array<i32>} : memref<80x128xf32, #tpu.memory_space<vmem>>, vector<16xf32>,
        tpu.vector_store %arg14[%swap3A_526, %swap3A_527], %mul3A_525 {strides = array<i32>} : memref<80x128xf32, #tpu.memory_space<vmem>>, vector<16xf32>,
        %get3A_529 = arith.index_cast %add3A_512 : i32 to index
        %get3A_530 = arith.constant 32 : index
        %get3A_531 = tpu.vector_load %arg14[%get3A_529, %get3A_530] {strides = array<i32>} : memref<80x128xf32, #tpu.memory_space<vmem>>, vector<16xf32>,
        %mul3A_532 = arith.mulf %get3A_531, %gather3A_514 : vector<16xf32>
        %swap3A_533 = arith.index_cast %add3A_512 : i32 to index
        %swap3A_534 = arith.constant 32 : index
        %swap3A_535 = tpu.vector_load %arg14[%swap3A_533, %swap3A_534] {strides = array<i32>} : memref<80x128xf32, #tpu.memory_space<vmem>>, vector<16xf32>,
        tpu.vector_store %arg14[%swap3A_533, %swap3A_534], %mul3A_532 {strides = array<i32>} : memref<80x128xf32, #tpu.memory_space<vmem>>, vector<16xf32>,
        %get3A_536 = arith.index_cast %add3A_512 : i32 to index
        %get3A_537 = arith.constant 48 : index
        %get3A_538 = tpu.vector_load %arg14[%get3A_536, %get3A_537] {strides = array<i32>} : memref<80x128xf32, #tpu.memory_space<vmem>>, vector<16xf32>,
        %mul3A_539 = arith.mulf %get3A_538, %gather3A_514 : vector<16xf32>
        %swap3A_540 = arith.index_cast %add3A_512 : i32 to index
        %swap3A_541 = arith.constant 48 : index
        %swap3A_542 = tpu.vector_load %arg14[%swap3A_540, %swap3A_541] {strides = array<i32>} : memref<80x128xf32, #tpu.memory_space<vmem>>, vector<16xf32>,
        tpu.vector_store %arg14[%swap3A_540, %swap3A_541], %mul3A_539 {strides = array<i32>} : memref<80x128xf32, #tpu.memory_space<vmem>>, vector<16xf32>,
        %get3A_543 = arith.index_cast %add3A_512 : i32 to index
        %get3A_544 = arith.constant 64 : index
        %get3A_545 = tpu.vector_load %arg14[%get3A_543, %get3A_544] {strides = array<i32>} : memref<80x128xf32, #tpu.memory_space<vmem>>, vector<16xf32>,
        %mul3A_546 = arith.mulf %get3A_545, %gather3A_514 : vector<16xf32>
        %swap3A_547 = arith.index_cast %add3A_512 : i32 to index
        %swap3A_548 = arith.constant 64 : index
        %swap3A_549 = tpu.vector_load %arg14[%swap3A_547, %swap3A_548] {strides = array<i32>} : memref<80x128xf32, #tpu.memory_space<vmem>>, vector<16xf32>,
        tpu.vector_store %arg14[%swap3A_547, %swap3A_548], %mul3A_546 {strides = array<i32>} : memref<80x128xf32, #tpu.memory_space<vmem>>, vector<16xf32>,
        %get3A_550 = arith.index_cast %add3A_512 : i32 to index
        %get3A_551 = arith.constant 80 : index
        %get3A_552 = tpu.vector_load %arg14[%get3A_550, %get3A_551] {strides = array<i32>} : memref<80x128xf32, #tpu.memory_space<vmem>>, vector<16xf32>,
        %mul3A_553 = arith.mulf %get3A_552, %gather3A_514 : vector<16xf32>
        %swap3A_554 = arith.index_cast %add3A_512 : i32 to index
        %swap3A_555 = arith.constant 80 : index
        %swap3A_556 = tpu.vector_load %arg14[%swap3A_554, %swap3A_555] {strides = array<i32>} : memref<80x128xf32, #tpu.memory_space<vmem>>, vector<16xf32>,
        tpu.vector_store %arg14[%swap3A_554, %swap3A_555], %mul3A_553 {strides = array<i32>} : memref<80x128xf32, #tpu.memory_space<vmem>>, vector<16xf32>,
        %get3A_557 = arith.index_cast %add3A_512 : i32 to index
        %get3A_558 = arith.constant 96 : index
        %get3A_559 = tpu.vector_load %arg14[%get3A_557, %get3A_558] {strides = array<i32>} : memref<80x128xf32, #tpu.memory_space<vmem>>, vector<16xf32>,
        %mul3A_560 = arith.mulf %get3A_559, %gather3A_514 : vector<16xf32>
        %swap3A_561 = arith.index_cast %add3A_512 : i32 to index
        %swap3A_562 = arith.constant 96 : index
        %swap3A_563 = tpu.vector_load %arg14[%swap3A_561, %swap3A_562] {strides = array<i32>} : memref<80x128xf32, #tpu.memory_space<vmem>>, vector<16xf32>,
        tpu.vector_store %arg14[%swap3A_561, %swap3A_562], %mul3A_560 {strides = array<i32>} : memref<80x128xf32, #tpu.memory_space<vmem>>, vector<16xf32>,
        %get3A_564 = arith.index_cast %add3A_512 : i32 to index
        %get3A_565 = arith.constant 112 : index
        %get3A_566 = tpu.vector_load %arg14[%get3A_564, %get3A_565] {strides = array<i32>} : memref<80x128xf32, #tpu.memory_space<vmem>>, vector<16xf32>,
        %mul3A_567 = arith.mulf %get3A_566, %gather3A_514 : vector<16xf32>
        %swap3A_568 = arith.index_cast %add3A_512 : i32 to index
        %swap3A_569 = arith.constant 112 : index
        %swap3A_570 = tpu.vector_load %arg14[%swap3A_568, %swap3A_569] {strides = array<i32>} : memref<80x128xf32, #tpu.memory_space<vmem>>, vector<16xf32>,
        tpu.vector_store %arg14[%swap3A_568, %swap3A_569], %mul3A_567 {strides = array<i32>} : memref<80x128xf32, #tpu.memory_space<vmem>>, vector<16xf32>,
        %add3A_571 = arith.constant 6 : i32
        %add3A_572 = arith.addi %mul3A_212, %add3A_571 : i32
        %broadcast_in_dim3A_573 = vector.broadcast %add3A_572 : i32 to vector<16xi32>
        %gather3A_574 = tpu.vector_load_idx %arg12[%broadcast_in_dim3A_573] : memref<80xf32, #tpu.memory_space<vmem>>[vector<16xi32>], vector<16xf32>,
        %get3A_575 = arith.index_cast %add3A_572 : i32 to index
        %get3A_576 = arith.constant 0 : index
        %get3A_577 = tpu.vector_load %arg14[%get3A_575, %get3A_576] {strides = array<i32>} : memref<80x128xf32, #tpu.memory_space<vmem>>, vector<16xf32>,
        %mul3A_578 = arith.mulf %get3A_577, %gather3A_574 : vector<16xf32>
        %swap3A_579 = arith.index_cast %add3A_572 : i32 to index
        %swap3A_580 = arith.constant 0 : index
        %swap3A_581 = tpu.vector_load %arg14[%swap3A_579, %swap3A_580] {strides = array<i32>} : memref<80x128xf32, #tpu.memory_space<vmem>>, vector<16xf32>,
        tpu.vector_store %arg14[%swap3A_579, %swap3A_580], %mul3A_578 {strides = array<i32>} : memref<80x128xf32, #tpu.memory_space<vmem>>, vector<16xf32>,
        %get3A_582 = arith.index_cast %add3A_572 : i32 to index
        %get3A_583 = arith.constant 16 : index
        %get3A_584 = tpu.vector_load %arg14[%get3A_582, %get3A_583] {strides = array<i32>} : memref<80x128xf32, #tpu.memory_space<vmem>>, vector<16xf32>,
        %mul3A_585 = arith.mulf %get3A_584, %gather3A_574 : vector<16xf32>
        %swap3A_586 = arith.index_cast %add3A_572 : i32 to index
        %swap3A_587 = arith.constant 16 : index
        %swap3A_588 = tpu.vector_load %arg14[%swap3A_586, %swap3A_587] {strides = array<i32>} : memref<80x128xf32, #tpu.memory_space<vmem>>, vector<16xf32>,
        tpu.vector_store %arg14[%swap3A_586, %swap3A_587], %mul3A_585 {strides = array<i32>} : memref<80x128xf32, #tpu.memory_space<vmem>>, vector<16xf32>,
        %get3A_589 = arith.index_cast %add3A_572 : i32 to index
        %get3A_590 = arith.constant 32 : index
        %get3A_591 = tpu.vector_load %arg14[%get3A_589, %get3A_590] {strides = array<i32>} : memref<80x128xf32, #tpu.memory_space<vmem>>, vector<16xf32>,
        %mul3A_592 = arith.mulf %get3A_591, %gather3A_574 : vector<16xf32>
        %swap3A_593 = arith.index_cast %add3A_572 : i32 to index
        %swap3A_594 = arith.constant 32 : index
        %swap3A_595 = tpu.vector_load %arg14[%swap3A_593, %swap3A_594] {strides = array<i32>} : memref<80x128xf32, #tpu.memory_space<vmem>>, vector<16xf32>,
        tpu.vector_store %arg14[%swap3A_593, %swap3A_594], %mul3A_592 {strides = array<i32>} : memref<80x128xf32, #tpu.memory_space<vmem>>, vector<16xf32>,
        %get3A_596 = arith.index_cast %add3A_572 : i32 to index
        %get3A_597 = arith.constant 48 : index
        %get3A_598 = tpu.vector_load %arg14[%get3A_596, %get3A_597] {strides = array<i32>} : memref<80x128xf32, #tpu.memory_space<vmem>>, vector<16xf32>,
        %mul3A_599 = arith.mulf %get3A_598, %gather3A_574 : vector<16xf32>
        %swap3A_600 = arith.index_cast %add3A_572 : i32 to index
        %swap3A_601 = arith.constant 48 : index
        %swap3A_602 = tpu.vector_load %arg14[%swap3A_600, %swap3A_601] {strides = array<i32>} : memref<80x128xf32, #tpu.memory_space<vmem>>, vector<16xf32>,
        tpu.vector_store %arg14[%swap3A_600, %swap3A_601], %mul3A_599 {strides = array<i32>} : memref<80x128xf32, #tpu.memory_space<vmem>>, vector<16xf32>,
        %get3A_603 = arith.index_cast %add3A_572 : i32 to index
        %get3A_604 = arith.constant 64 : index
        %get3A_605 = tpu.vector_load %arg14[%get3A_603, %get3A_604] {strides = array<i32>} : memref<80x128xf32, #tpu.memory_space<vmem>>, vector<16xf32>,
        %mul3A_606 = arith.mulf %get3A_605, %gather3A_574 : vector<16xf32>
        %swap3A_607 = arith.index_cast %add3A_572 : i32 to index
        %swap3A_608 = arith.constant 64 : index
        %swap3A_609 = tpu.vector_load %arg14[%swap3A_607, %swap3A_608] {strides = array<i32>} : memref<80x128xf32, #tpu.memory_space<vmem>>, vector<16xf32>,
        tpu.vector_store %arg14[%swap3A_607, %swap3A_608], %mul3A_606 {strides = array<i32>} : memref<80x128xf32, #tpu.memory_space<vmem>>, vector<16xf32>,
        %get3A_610 = arith.index_cast %add3A_572 : i32 to index
        %get3A_611 = arith.constant 80 : index
        %get3A_612 = tpu.vector_load %arg14[%get3A_610, %get3A_611] {strides = array<i32>} : memref<80x128xf32, #tpu.memory_space<vmem>>, vector<16xf32>,
        %mul3A_613 = arith.mulf %get3A_612, %gather3A_574 : vector<16xf32>
        %swap3A_614 = arith.index_cast %add3A_572 : i32 to index
        %swap3A_615 = arith.constant 80 : index
        %swap3A_616 = tpu.vector_load %arg14[%swap3A_614, %swap3A_615] {strides = array<i32>} : memref<80x128xf32, #tpu.memory_space<vmem>>, vector<16xf32>,
        tpu.vector_store %arg14[%swap3A_614, %swap3A_615], %mul3A_613 {strides = array<i32>} : memref<80x128xf32, #tpu.memory_space<vmem>>, vector<16xf32>,
        %get3A_617 = arith.index_cast %add3A_572 : i32 to index
        %get3A_618 = arith.constant 96 : index
        %get3A_619 = tpu.vector_load %arg14[%get3A_617, %get3A_618] {strides = array<i32>} : memref<80x128xf32, #tpu.memory_space<vmem>>, vector<16xf32>,
        %mul3A_620 = arith.mulf %get3A_619, %gather3A_574 : vector<16xf32>
        %swap3A_621 = arith.index_cast %add3A_572 : i32 to index
        %swap3A_622 = arith.constant 96 : index
        %swap3A_623 = tpu.vector_load %arg14[%swap3A_621, %swap3A_622] {strides = array<i32>} : memref<80x128xf32, #tpu.memory_space<vmem>>, vector<16xf32>,
        tpu.vector_store %arg14[%swap3A_621, %swap3A_622], %mul3A_620 {strides = array<i32>} : memref<80x128xf32, #tpu.memory_space<vmem>>, vector<16xf32>,
        %get3A_624 = arith.index_cast %add3A_572 : i32 to index
        %get3A_625 = arith.constant 112 : index
        %get3A_626 = tpu.vector_load %arg14[%get3A_624, %get3A_625] {strides = array<i32>} : memref<80x128xf32, #tpu.memory_space<vmem>>, vector<16xf32>,
        %mul3A_627 = arith.mulf %get3A_626, %gather3A_574 : vector<16xf32>
        %swap3A_628 = arith.index_cast %add3A_572 : i32 to index
        %swap3A_629 = arith.constant 112 : index
        %swap3A_630 = tpu.vector_load %arg14[%swap3A_628, %swap3A_629] {strides = array<i32>} : memref<80x128xf32, #tpu.memory_space<vmem>>, vector<16xf32>,
        tpu.vector_store %arg14[%swap3A_628, %swap3A_629], %mul3A_627 {strides = array<i32>} : memref<80x128xf32, #tpu.memory_space<vmem>>, vector<16xf32>,
        %add3A_631 = arith.constant 7 : i32
        %add3A_632 = arith.addi %mul3A_212, %add3A_631 : i32
        %broadcast_in_dim3A_633 = vector.broadcast %add3A_632 : i32 to vector<16xi32>
        %gather3A_634 = tpu.vector_load_idx %arg12[%broadcast_in_dim3A_633] : memref<80xf32, #tpu.memory_space<vmem>>[vector<16xi32>], vector<16xf32>,
        %get3A_635 = arith.index_cast %add3A_632 : i32 to index
        %get3A_636 = arith.constant 0 : index
        %get3A_637 = tpu.vector_load %arg14[%get3A_635, %get3A_636] {strides = array<i32>} : memref<80x128xf32, #tpu.memory_space<vmem>>, vector<16xf32>,
        %mul3A_638 = arith.mulf %get3A_637, %gather3A_634 : vector<16xf32>
        %swap3A_639 = arith.index_cast %add3A_632 : i32 to index
        %swap3A_640 = arith.constant 0 : index
        %swap3A_641 = tpu.vector_load %arg14[%swap3A_639, %swap3A_640] {strides = array<i32>} : memref<80x128xf32, #tpu.memory_space<vmem>>, vector<16xf32>,
        tpu.vector_store %arg14[%swap3A_639, %swap3A_640], %mul3A_638 {strides = array<i32>} : memref<80x128xf32, #tpu.memory_space<vmem>>, vector<16xf32>,
        %get3A_642 = arith.index_cast %add3A_632 : i32 to index
        %get3A_643 = arith.constant 16 : index
        %get3A_644 = tpu.vector_load %arg14[%get3A_642, %get3A_643] {strides = array<i32>} : memref<80x128xf32, #tpu.memory_space<vmem>>, vector<16xf32>,
        %mul3A_645 = arith.mulf %get3A_644, %gather3A_634 : vector<16xf32>
        %swap3A_646 = arith.index_cast %add3A_632 : i32 to index
        %swap3A_647 = arith.constant 16 : index
        %swap3A_648 = tpu.vector_load %arg14[%swap3A_646, %swap3A_647] {strides = array<i32>} : memref<80x128xf32, #tpu.memory_space<vmem>>, vector<16xf32>,
        tpu.vector_store %arg14[%swap3A_646, %swap3A_647], %mul3A_645 {strides = array<i32>} : memref<80x128xf32, #tpu.memory_space<vmem>>, vector<16xf32>,
        %get3A_649 = arith.index_cast %add3A_632 : i32 to index
        %get3A_650 = arith.constant 32 : index
        %get3A_651 = tpu.vector_load %arg14[%get3A_649, %get3A_650] {strides = array<i32>} : memref<80x128xf32, #tpu.memory_space<vmem>>, vector<16xf32>,
        %mul3A_652 = arith.mulf %get3A_651, %gather3A_634 : vector<16xf32>
        %swap3A_653 = arith.index_cast %add3A_632 : i32 to index
        %swap3A_654 = arith.constant 32 : index
        %swap3A_655 = tpu.vector_load %arg14[%swap3A_653, %swap3A_654] {strides = array<i32>} : memref<80x128xf32, #tpu.memory_space<vmem>>, vector<16xf32>,
        tpu.vector_store %arg14[%swap3A_653, %swap3A_654], %mul3A_652 {strides = array<i32>} : memref<80x128xf32, #tpu.memory_space<vmem>>, vector<16xf32>,
        %get3A_656 = arith.index_cast %add3A_632 : i32 to index
        %get3A_657 = arith.constant 48 : index
        %get3A_658 = tpu.vector_load %arg14[%get3A_656, %get3A_657] {strides = array<i32>} : memref<80x128xf32, #tpu.memory_space<vmem>>, vector<16xf32>,
        %mul3A_659 = arith.mulf %get3A_658, %gather3A_634 : vector<16xf32>
        %swap3A_660 = arith.index_cast %add3A_632 : i32 to index
        %swap3A_661 = arith.constant 48 : index
        %swap3A_662 = tpu.vector_load %arg14[%swap3A_660, %swap3A_661] {strides = array<i32>} : memref<80x128xf32, #tpu.memory_space<vmem>>, vector<16xf32>,
        tpu.vector_store %arg14[%swap3A_660, %swap3A_661], %mul3A_659 {strides = array<i32>} : memref<80x128xf32, #tpu.memory_space<vmem>>, vector<16xf32>,
        %get3A_663 = arith.index_cast %add3A_632 : i32 to index
        %get3A_664 = arith.constant 64 : index
        %get3A_665 = tpu.vector_load %arg14[%get3A_663, %get3A_664] {strides = array<i32>} : memref<80x128xf32, #tpu.memory_space<vmem>>, vector<16xf32>,
        %mul3A_666 = arith.mulf %get3A_665, %gather3A_634 : vector<16xf32>
        %swap3A_667 = arith.index_cast %add3A_632 : i32 to index
        %swap3A_668 = arith.constant 64 : index
        %swap3A_669 = tpu.vector_load %arg14[%swap3A_667, %swap3A_668] {strides = array<i32>} : memref<80x128xf32, #tpu.memory_space<vmem>>, vector<16xf32>,
        tpu.vector_store %arg14[%swap3A_667, %swap3A_668], %mul3A_666 {strides = array<i32>} : memref<80x128xf32, #tpu.memory_space<vmem>>, vector<16xf32>,
        %get3A_670 = arith.index_cast %add3A_632 : i32 to index
        %get3A_671 = arith.constant 80 : index
        %get3A_672 = tpu.vector_load %arg14[%get3A_670, %get3A_671] {strides = array<i32>} : memref<80x128xf32, #tpu.memory_space<vmem>>, vector<16xf32>,
        %mul3A_673 = arith.mulf %get3A_672, %gather3A_634 : vector<16xf32>
        %swap3A_674 = arith.index_cast %add3A_632 : i32 to index
        %swap3A_675 = arith.constant 80 : index
        %swap3A_676 = tpu.vector_load %arg14[%swap3A_674, %swap3A_675] {strides = array<i32>} : memref<80x128xf32, #tpu.memory_space<vmem>>, vector<16xf32>,
        tpu.vector_store %arg14[%swap3A_674, %swap3A_675], %mul3A_673 {strides = array<i32>} : memref<80x128xf32, #tpu.memory_space<vmem>>, vector<16xf32>,
        %get3A_677 = arith.index_cast %add3A_632 : i32 to index
        %get3A_678 = arith.constant 96 : index
        %get3A_679 = tpu.vector_load %arg14[%get3A_677, %get3A_678] {strides = array<i32>} : memref<80x128xf32, #tpu.memory_space<vmem>>, vector<16xf32>,
        %mul3A_680 = arith.mulf %get3A_679, %gather3A_634 : vector<16xf32>
        %swap3A_681 = arith.index_cast %add3A_632 : i32 to index
        %swap3A_682 = arith.constant 96 : index
        %swap3A_683 = tpu.vector_load %arg14[%swap3A_681, %swap3A_682] {strides = array<i32>} : memref<80x128xf32, #tpu.memory_space<vmem>>, vector<16xf32>,
        tpu.vector_store %arg14[%swap3A_681, %swap3A_682], %mul3A_680 {strides = array<i32>} : memref<80x128xf32, #tpu.memory_space<vmem>>, vector<16xf32>,
        %get3A_684 = arith.index_cast %add3A_632 : i32 to index
        %get3A_685 = arith.constant 112 : index
        %get3A_686 = tpu.vector_load %arg14[%get3A_684, %get3A_685] {strides = array<i32>} : memref<80x128xf32, #tpu.memory_space<vmem>>, vector<16xf32>,
        %mul3A_687 = arith.mulf %get3A_686, %gather3A_634 : vector<16xf32>
        %swap3A_688 = arith.index_cast %add3A_632 : i32 to index
        %swap3A_689 = arith.constant 112 : index
        %swap3A_690 = tpu.vector_load %arg14[%swap3A_688, %swap3A_689] {strides = array<i32>} : memref<80x128xf32, #tpu.memory_space<vmem>>, vector<16xf32>,
        tpu.vector_store %arg14[%swap3A_688, %swap3A_689], %mul3A_687 {strides = array<i32>} : memref<80x128xf32, #tpu.memory_space<vmem>>, vector<16xf32>,
        %add3A_691 = arith.constant 8 : i32
        %add3A_692 = arith.addi %mul3A_212, %add3A_691 : i32
        %broadcast_in_dim3A_693 = vector.broadcast %add3A_692 : i32 to vector<16xi32>
        %gather3A_694 = tpu.vector_load_idx %arg12[%broadcast_in_dim3A_693] : memref<80xf32, #tpu.memory_space<vmem>>[vector<16xi32>], vector<16xf32>,
        %get3A_695 = arith.index_cast %add3A_692 : i32 to index
        %get3A_696 = arith.constant 0 : index
        %get3A_697 = tpu.vector_load %arg14[%get3A_695, %get3A_696] {strides = array<i32>} : memref<80x128xf32, #tpu.memory_space<vmem>>, vector<16xf32>,
        %mul3A_698 = arith.mulf %get3A_697, %gather3A_694 : vector<16xf32>
        %swap3A_699 = arith.index_cast %add3A_692 : i32 to index
        %swap3A_700 = arith.constant 0 : index
        %swap3A_701 = tpu.vector_load %arg14[%swap3A_699, %swap3A_700] {strides = array<i32>} : memref<80x128xf32, #tpu.memory_space<vmem>>, vector<16xf32>,
        tpu.vector_store %arg14[%swap3A_699, %swap3A_700], %mul3A_698 {strides = array<i32>} : memref<80x128xf32, #tpu.memory_space<vmem>>, vector<16xf32>,
        %get3A_702 = arith.index_cast %add3A_692 : i32 to index
        %get3A_703 = arith.constant 16 : index
        %get3A_704 = tpu.vector_load %arg14[%get3A_702, %get3A_703] {strides = array<i32>} : memref<80x128xf32, #tpu.memory_space<vmem>>, vector<16xf32>,
        %mul3A_705 = arith.mulf %get3A_704, %gather3A_694 : vector<16xf32>
        %swap3A_706 = arith.index_cast %add3A_692 : i32 to index
        %swap3A_707 = arith.constant 16 : index
        %swap3A_708 = tpu.vector_load %arg14[%swap3A_706, %swap3A_707] {strides = array<i32>} : memref<80x128xf32, #tpu.memory_space<vmem>>, vector<16xf32>,
        tpu.vector_store %arg14[%swap3A_706, %swap3A_707], %mul3A_705 {strides = array<i32>} : memref<80x128xf32, #tpu.memory_space<vmem>>, vector<16xf32>,
        %get3A_709 = arith.index_cast %add3A_692 : i32 to index
        %get3A_710 = arith.constant 32 : index
        %get3A_711 = tpu.vector_load %arg14[%get3A_709, %get3A_710] {strides = array<i32>} : memref<80x128xf32, #tpu.memory_space<vmem>>, vector<16xf32>,
        %mul3A_712 = arith.mulf %get3A_711, %gather3A_694 : vector<16xf32>
        %swap3A_713 = arith.index_cast %add3A_692 : i32 to index
        %swap3A_714 = arith.constant 32 : index
        %swap3A_715 = tpu.vector_load %arg14[%swap3A_713, %swap3A_714] {strides = array<i32>} : memref<80x128xf32, #tpu.memory_space<vmem>>, vector<16xf32>,
        tpu.vector_store %arg14[%swap3A_713, %swap3A_714], %mul3A_712 {strides = array<i32>} : memref<80x128xf32, #tpu.memory_space<vmem>>, vector<16xf32>,
        %get3A_716 = arith.index_cast %add3A_692 : i32 to index
        %get3A_717 = arith.constant 48 : index
        %get3A_718 = tpu.vector_load %arg14[%get3A_716, %get3A_717] {strides = array<i32>} : memref<80x128xf32, #tpu.memory_space<vmem>>, vector<16xf32>,
        %mul3A_719 = arith.mulf %get3A_718, %gather3A_694 : vector<16xf32>
        %swap3A_720 = arith.index_cast %add3A_692 : i32 to index
        %swap3A_721 = arith.constant 48 : index
        %swap3A_722 = tpu.vector_load %arg14[%swap3A_720, %swap3A_721] {strides = array<i32>} : memref<80x128xf32, #tpu.memory_space<vmem>>, vector<16xf32>,
        tpu.vector_store %arg14[%swap3A_720, %swap3A_721], %mul3A_719 {strides = array<i32>} : memref<80x128xf32, #tpu.memory_space<vmem>>, vector<16xf32>,
        %get3A_723 = arith.index_cast %add3A_692 : i32 to index
        %get3A_724 = arith.constant 64 : index
        %get3A_725 = tpu.vector_load %arg14[%get3A_723, %get3A_724] {strides = array<i32>} : memref<80x128xf32, #tpu.memory_space<vmem>>, vector<16xf32>,
        %mul3A_726 = arith.mulf %get3A_725, %gather3A_694 : vector<16xf32>
        %swap3A_727 = arith.index_cast %add3A_692 : i32 to index
        %swap3A_728 = arith.constant 64 : index
        %swap3A_729 = tpu.vector_load %arg14[%swap3A_727, %swap3A_728] {strides = array<i32>} : memref<80x128xf32, #tpu.memory_space<vmem>>, vector<16xf32>,
        tpu.vector_store %arg14[%swap3A_727, %swap3A_728], %mul3A_726 {strides = array<i32>} : memref<80x128xf32, #tpu.memory_space<vmem>>, vector<16xf32>,
        %get3A_730 = arith.index_cast %add3A_692 : i32 to index
        %get3A_731 = arith.constant 80 : index
        %get3A_732 = tpu.vector_load %arg14[%get3A_730, %get3A_731] {strides = array<i32>} : memref<80x128xf32, #tpu.memory_space<vmem>>, vector<16xf32>,
        %mul3A_733 = arith.mulf %get3A_732, %gather3A_694 : vector<16xf32>
        %swap3A_734 = arith.index_cast %add3A_692 : i32 to index
        %swap3A_735 = arith.constant 80 : index
        %swap3A_736 = tpu.vector_load %arg14[%swap3A_734, %swap3A_735] {strides = array<i32>} : memref<80x128xf32, #tpu.memory_space<vmem>>, vector<16xf32>,
        tpu.vector_store %arg14[%swap3A_734, %swap3A_735], %mul3A_733 {strides = array<i32>} : memref<80x128xf32, #tpu.memory_space<vmem>>, vector<16xf32>,
        %get3A_737 = arith.index_cast %add3A_692 : i32 to index
        %get3A_738 = arith.constant 96 : index
        %get3A_739 = tpu.vector_load %arg14[%get3A_737, %get3A_738] {strides = array<i32>} : memref<80x128xf32, #tpu.memory_space<vmem>>, vector<16xf32>,
        %mul3A_740 = arith.mulf %get3A_739, %gather3A_694 : vector<16xf32>
        %swap3A_741 = arith.index_cast %add3A_692 : i32 to index
        %swap3A_742 = arith.constant 96 : index
        %swap3A_743 = tpu.vector_load %arg14[%swap3A_741, %swap3A_742] {strides = array<i32>} : memref<80x128xf32, #tpu.memory_space<vmem>>, vector<16xf32>,
        tpu.vector_store %arg14[%swap3A_741, %swap3A_742], %mul3A_740 {strides = array<i32>} : memref<80x128xf32, #tpu.memory_space<vmem>>, vector<16xf32>,
        %get3A_744 = arith.index_cast %add3A_692 : i32 to index
        %get3A_745 = arith.constant 112 : index
        %get3A_746 = tpu.vector_load %arg14[%get3A_744, %get3A_745] {strides = array<i32>} : memref<80x128xf32, #tpu.memory_space<vmem>>, vector<16xf32>,
        %mul3A_747 = arith.mulf %get3A_746, %gather3A_694 : vector<16xf32>
        %swap3A_748 = arith.index_cast %add3A_692 : i32 to index
        %swap3A_749 = arith.constant 112 : index
        %swap3A_750 = tpu.vector_load %arg14[%swap3A_748, %swap3A_749] {strides = array<i32>} : memref<80x128xf32, #tpu.memory_space<vmem>>, vector<16xf32>,
        tpu.vector_store %arg14[%swap3A_748, %swap3A_749], %mul3A_747 {strides = array<i32>} : memref<80x128xf32, #tpu.memory_space<vmem>>, vector<16xf32>,
        %add3A_751 = arith.constant 9 : i32
        %add3A_752 = arith.addi %mul3A_212, %add3A_751 : i32
        %broadcast_in_dim3A_753 = vector.broadcast %add3A_752 : i32 to vector<16xi32>
        %gather3A_754 = tpu.vector_load_idx %arg12[%broadcast_in_dim3A_753] : memref<80xf32, #tpu.memory_space<vmem>>[vector<16xi32>], vector<16xf32>,
        %get3A_755 = arith.index_cast %add3A_752 : i32 to index
        %get3A_756 = arith.constant 0 : index
        %get3A_757 = tpu.vector_load %arg14[%get3A_755, %get3A_756] {strides = array<i32>} : memref<80x128xf32, #tpu.memory_space<vmem>>, vector<16xf32>,
        %mul3A_758 = arith.mulf %get3A_757, %gather3A_754 : vector<16xf32>
        %swap3A_759 = arith.index_cast %add3A_752 : i32 to index
        %swap3A_760 = arith.constant 0 : index
        %swap3A_761 = tpu.vector_load %arg14[%swap3A_759, %swap3A_760] {strides = array<i32>} : memref<80x128xf32, #tpu.memory_space<vmem>>, vector<16xf32>,
        tpu.vector_store %arg14[%swap3A_759, %swap3A_760], %mul3A_758 {strides = array<i32>} : memref<80x128xf32, #tpu.memory_space<vmem>>, vector<16xf32>,
        %get3A_762 = arith.index_cast %add3A_752 : i32 to index
        %get3A_763 = arith.constant 16 : index
        %get3A_764 = tpu.vector_load %arg14[%get3A_762, %get3A_763] {strides = array<i32>} : memref<80x128xf32, #tpu.memory_space<vmem>>, vector<16xf32>,
        %mul3A_765 = arith.mulf %get3A_764, %gather3A_754 : vector<16xf32>
        %swap3A_766 = arith.index_cast %add3A_752 : i32 to index
        %swap3A_767 = arith.constant 16 : index
        %swap3A_768 = tpu.vector_load %arg14[%swap3A_766, %swap3A_767] {strides = array<i32>} : memref<80x128xf32, #tpu.memory_space<vmem>>, vector<16xf32>,
        tpu.vector_store %arg14[%swap3A_766, %swap3A_767], %mul3A_765 {strides = array<i32>} : memref<80x128xf32, #tpu.memory_space<vmem>>, vector<16xf32>,
        %get3A_769 = arith.index_cast %add3A_752 : i32 to index
        %get3A_770 = arith.constant 32 : index
        %get3A_771 = tpu.vector_load %arg14[%get3A_769, %get3A_770] {strides = array<i32>} : memref<80x128xf32, #tpu.memory_space<vmem>>, vector<16xf32>,
        %mul3A_772 = arith.mulf %get3A_771, %gather3A_754 : vector<16xf32>
        %swap3A_773 = arith.index_cast %add3A_752 : i32 to index
        %swap3A_774 = arith.constant 32 : index
        %swap3A_775 = tpu.vector_load %arg14[%swap3A_773, %swap3A_774] {strides = array<i32>} : memref<80x128xf32, #tpu.memory_space<vmem>>, vector<16xf32>,
        tpu.vector_store %arg14[%swap3A_773, %swap3A_774], %mul3A_772 {strides = array<i32>} : memref<80x128xf32, #tpu.memory_space<vmem>>, vector<16xf32>,
        %get3A_776 = arith.index_cast %add3A_752 : i32 to index
        %get3A_777 = arith.constant 48 : index
        %get3A_778 = tpu.vector_load %arg14[%get3A_776, %get3A_777] {strides = array<i32>} : memref<80x128xf32, #tpu.memory_space<vmem>>, vector<16xf32>,
        %mul3A_779 = arith.mulf %get3A_778, %gather3A_754 : vector<16xf32>
        %swap3A_780 = arith.index_cast %add3A_752 : i32 to index
        %swap3A_781 = arith.constant 48 : index
        %swap3A_782 = tpu.vector_load %arg14[%swap3A_780, %swap3A_781] {strides = array<i32>} : memref<80x128xf32, #tpu.memory_space<vmem>>, vector<16xf32>,
        tpu.vector_store %arg14[%swap3A_780, %swap3A_781], %mul3A_779 {strides = array<i32>} : memref<80x128xf32, #tpu.memory_space<vmem>>, vector<16xf32>,
        %get3A_783 = arith.index_cast %add3A_752 : i32 to index
        %get3A_784 = arith.constant 64 : index
        %get3A_785 = tpu.vector_load %arg14[%get3A_783, %get3A_784] {strides = array<i32>} : memref<80x128xf32, #tpu.memory_space<vmem>>, vector<16xf32>,
        %mul3A_786 = arith.mulf %get3A_785, %gather3A_754 : vector<16xf32>
        %swap3A_787 = arith.index_cast %add3A_752 : i32 to index
        %swap3A_788 = arith.constant 64 : index
        %swap3A_789 = tpu.vector_load %arg14[%swap3A_787, %swap3A_788] {strides = array<i32>} : memref<80x128xf32, #tpu.memory_space<vmem>>, vector<16xf32>,
        tpu.vector_store %arg14[%swap3A_787, %swap3A_788], %mul3A_786 {strides = array<i32>} : memref<80x128xf32, #tpu.memory_space<vmem>>, vector<16xf32>,
        %get3A_790 = arith.index_cast %add3A_752 : i32 to index
        %get3A_791 = arith.constant 80 : index
        %get3A_792 = tpu.vector_load %arg14[%get3A_790, %get3A_791] {strides = array<i32>} : memref<80x128xf32, #tpu.memory_space<vmem>>, vector<16xf32>,
        %mul3A_793 = arith.mulf %get3A_792, %gather3A_754 : vector<16xf32>
        %swap3A_794 = arith.index_cast %add3A_752 : i32 to index
        %swap3A_795 = arith.constant 80 : index
        %swap3A_796 = tpu.vector_load %arg14[%swap3A_794, %swap3A_795] {strides = array<i32>} : memref<80x128xf32, #tpu.memory_space<vmem>>, vector<16xf32>,
        tpu.vector_store %arg14[%swap3A_794, %swap3A_795], %mul3A_793 {strides = array<i32>} : memref<80x128xf32, #tpu.memory_space<vmem>>, vector<16xf32>,
        %get3A_797 = arith.index_cast %add3A_752 : i32 to index
        %get3A_798 = arith.constant 96 : index
        %get3A_799 = tpu.vector_load %arg14[%get3A_797, %get3A_798] {strides = array<i32>} : memref<80x128xf32, #tpu.memory_space<vmem>>, vector<16xf32>,
        %mul3A_800 = arith.mulf %get3A_799, %gather3A_754 : vector<16xf32>
        %swap3A_801 = arith.index_cast %add3A_752 : i32 to index
        %swap3A_802 = arith.constant 96 : index
        %swap3A_803 = tpu.vector_load %arg14[%swap3A_801, %swap3A_802] {strides = array<i32>} : memref<80x128xf32, #tpu.memory_space<vmem>>, vector<16xf32>,
        tpu.vector_store %arg14[%swap3A_801, %swap3A_802], %mul3A_800 {strides = array<i32>} : memref<80x128xf32, #tpu.memory_space<vmem>>, vector<16xf32>,
        %get3A_804 = arith.index_cast %add3A_752 : i32 to index
        %get3A_805 = arith.constant 112 : index
        %get3A_806 = tpu.vector_load %arg14[%get3A_804, %get3A_805] {strides = array<i32>} : memref<80x128xf32, #tpu.memory_space<vmem>>, vector<16xf32>,
        %mul3A_807 = arith.mulf %get3A_806, %gather3A_754 : vector<16xf32>
        %swap3A_808 = arith.index_cast %add3A_752 : i32 to index
        %swap3A_809 = arith.constant 112 : index
        %swap3A_810 = tpu.vector_load %arg14[%swap3A_808, %swap3A_809] {strides = array<i32>} : memref<80x128xf32, #tpu.memory_space<vmem>>, vector<16xf32>,
        tpu.vector_store %arg14[%swap3A_808, %swap3A_809], %mul3A_807 {strides = array<i32>} : memref<80x128xf32, #tpu.memory_space<vmem>>, vector<16xf32>,
        %add3A_811 = arith.constant 10 : i32
        %add3A_812 = arith.addi %mul3A_212, %add3A_811 : i32
        %broadcast_in_dim3A_813 = vector.broadcast %add3A_812 : i32 to vector<16xi32>
        %gather3A_814 = tpu.vector_load_idx %arg12[%broadcast_in_dim3A_813] : memref<80xf32, #tpu.memory_space<vmem>>[vector<16xi32>], vector<16xf32>,
        %get3A_815 = arith.index_cast %add3A_812 : i32 to index
        %get3A_816 = arith.constant 0 : index
        %get3A_817 = tpu.vector_load %arg14[%get3A_815, %get3A_816] {strides = array<i32>} : memref<80x128xf32, #tpu.memory_space<vmem>>, vector<16xf32>,
        %mul3A_818 = arith.mulf %get3A_817, %gather3A_814 : vector<16xf32>
        %swap3A_819 = arith.index_cast %add3A_812 : i32 to index
        %swap3A_820 = arith.constant 0 : index
        %swap3A_821 = tpu.vector_load %arg14[%swap3A_819, %swap3A_820] {strides = array<i32>} : memref<80x128xf32, #tpu.memory_space<vmem>>, vector<16xf32>,
        tpu.vector_store %arg14[%swap3A_819, %swap3A_820], %mul3A_818 {strides = array<i32>} : memref<80x128xf32, #tpu.memory_space<vmem>>, vector<16xf32>,
        %get3A_822 = arith.index_cast %add3A_812 : i32 to index
        %get3A_823 = arith.constant 16 : index
        %get3A_824 = tpu.vector_load %arg14[%get3A_822, %get3A_823] {strides = array<i32>} : memref<80x128xf32, #tpu.memory_space<vmem>>, vector<16xf32>,
        %mul3A_825 = arith.mulf %get3A_824, %gather3A_814 : vector<16xf32>
        %swap3A_826 = arith.index_cast %add3A_812 : i32 to index
        %swap3A_827 = arith.constant 16 : index
        %swap3A_828 = tpu.vector_load %arg14[%swap3A_826, %swap3A_827] {strides = array<i32>} : memref<80x128xf32, #tpu.memory_space<vmem>>, vector<16xf32>,
        tpu.vector_store %arg14[%swap3A_826, %swap3A_827], %mul3A_825 {strides = array<i32>} : memref<80x128xf32, #tpu.memory_space<vmem>>, vector<16xf32>,
        %get3A_829 = arith.index_cast %add3A_812 : i32 to index
        %get3A_830 = arith.constant 32 : index
        %get3A_831 = tpu.vector_load %arg14[%get3A_829, %get3A_830] {strides = array<i32>} : memref<80x128xf32, #tpu.memory_space<vmem>>, vector<16xf32>,
        %mul3A_832 = arith.mulf %get3A_831, %gather3A_814 : vector<16xf32>
        %swap3A_833 = arith.index_cast %add3A_812 : i32 to index
        %swap3A_834 = arith.constant 32 : index
        %swap3A_835 = tpu.vector_load %arg14[%swap3A_833, %swap3A_834] {strides = array<i32>} : memref<80x128xf32, #tpu.memory_space<vmem>>, vector<16xf32>,
        tpu.vector_store %arg14[%swap3A_833, %swap3A_834], %mul3A_832 {strides = array<i32>} : memref<80x128xf32, #tpu.memory_space<vmem>>, vector<16xf32>,
        %get3A_836 = arith.index_cast %add3A_812 : i32 to index
        %get3A_837 = arith.constant 48 : index
        %get3A_838 = tpu.vector_load %arg14[%get3A_836, %get3A_837] {strides = array<i32>} : memref<80x128xf32, #tpu.memory_space<vmem>>, vector<16xf32>,
        %mul3A_839 = arith.mulf %get3A_838, %gather3A_814 : vector<16xf32>
        %swap3A_840 = arith.index_cast %add3A_812 : i32 to index
        %swap3A_841 = arith.constant 48 : index
        %swap3A_842 = tpu.vector_load %arg14[%swap3A_840, %swap3A_841] {strides = array<i32>} : memref<80x128xf32, #tpu.memory_space<vmem>>, vector<16xf32>,
        tpu.vector_store %arg14[%swap3A_840, %swap3A_841], %mul3A_839 {strides = array<i32>} : memref<80x128xf32, #tpu.memory_space<vmem>>, vector<16xf32>,
        %get3A_843 = arith.index_cast %add3A_812 : i32 to index
        %get3A_844 = arith.constant 64 : index
        %get3A_845 = tpu.vector_load %arg14[%get3A_843, %get3A_844] {strides = array<i32>} : memref<80x128xf32, #tpu.memory_space<vmem>>, vector<16xf32>,
        %mul3A_846 = arith.mulf %get3A_845, %gather3A_814 : vector<16xf32>
        %swap3A_847 = arith.index_cast %add3A_812 : i32 to index
        %swap3A_848 = arith.constant 64 : index
        %swap3A_849 = tpu.vector_load %arg14[%swap3A_847, %swap3A_848] {strides = array<i32>} : memref<80x128xf32, #tpu.memory_space<vmem>>, vector<16xf32>,
        tpu.vector_store %arg14[%swap3A_847, %swap3A_848], %mul3A_846 {strides = array<i32>} : memref<80x128xf32, #tpu.memory_space<vmem>>, vector<16xf32>,
        %get3A_850 = arith.index_cast %add3A_812 : i32 to index
        %get3A_851 = arith.constant 80 : index
        %get3A_852 = tpu.vector_load %arg14[%get3A_850, %get3A_851] {strides = array<i32>} : memref<80x128xf32, #tpu.memory_space<vmem>>, vector<16xf32>,
        %mul3A_853 = arith.mulf %get3A_852, %gather3A_814 : vector<16xf32>
        %swap3A_854 = arith.index_cast %add3A_812 : i32 to index
        %swap3A_855 = arith.constant 80 : index
        %swap3A_856 = tpu.vector_load %arg14[%swap3A_854, %swap3A_855] {strides = array<i32>} : memref<80x128xf32, #tpu.memory_space<vmem>>, vector<16xf32>,
        tpu.vector_store %arg14[%swap3A_854, %swap3A_855], %mul3A_853 {strides = array<i32>} : memref<80x128xf32, #tpu.memory_space<vmem>>, vector<16xf32>,
        %get3A_857 = arith.index_cast %add3A_812 : i32 to index
        %get3A_858 = arith.constant 96 : index
        %get3A_859 = tpu.vector_load %arg14[%get3A_857, %get3A_858] {strides = array<i32>} : memref<80x128xf32, #tpu.memory_space<vmem>>, vector<16xf32>,
        %mul3A_860 = arith.mulf %get3A_859, %gather3A_814 : vector<16xf32>
        %swap3A_861 = arith.index_cast %add3A_812 : i32 to index
        %swap3A_862 = arith.constant 96 : index
        %swap3A_863 = tpu.vector_load %arg14[%swap3A_861, %swap3A_862] {strides = array<i32>} : memref<80x128xf32, #tpu.memory_space<vmem>>, vector<16xf32>,
        tpu.vector_store %arg14[%swap3A_861, %swap3A_862], %mul3A_860 {strides = array<i32>} : memref<80x128xf32, #tpu.memory_space<vmem>>, vector<16xf32>,
        %get3A_864 = arith.index_cast %add3A_812 : i32 to index
        %get3A_865 = arith.constant 112 : index
        %get3A_866 = tpu.vector_load %arg14[%get3A_864, %get3A_865] {strides = array<i32>} : memref<80x128xf32, #tpu.memory_space<vmem>>, vector<16xf32>,
        %mul3A_867 = arith.mulf %get3A_866, %gather3A_814 : vector<16xf32>
        %swap3A_868 = arith.index_cast %add3A_812 : i32 to index
        %swap3A_869 = arith.constant 112 : index
        %swap3A_870 = tpu.vector_load %arg14[%swap3A_868, %swap3A_869] {strides = array<i32>} : memref<80x128xf32, #tpu.memory_space<vmem>>, vector<16xf32>,
        tpu.vector_store %arg14[%swap3A_868, %swap3A_869], %mul3A_867 {strides = array<i32>} : memref<80x128xf32, #tpu.memory_space<vmem>>, vector<16xf32>,
        %add3A_871 = arith.constant 11 : i32
        %add3A_872 = arith.addi %mul3A_212, %add3A_871 : i32
        %broadcast_in_dim3A_873 = vector.broadcast %add3A_872 : i32 to vector<16xi32>
        %gather3A_874 = tpu.vector_load_idx %arg12[%broadcast_in_dim3A_873] : memref<80xf32, #tpu.memory_space<vmem>>[vector<16xi32>], vector<16xf32>,
        %get3A_875 = arith.index_cast %add3A_872 : i32 to index
        %get3A_876 = arith.constant 0 : index
        %get3A_877 = tpu.vector_load %arg14[%get3A_875, %get3A_876] {strides = array<i32>} : memref<80x128xf32, #tpu.memory_space<vmem>>, vector<16xf32>,
        %mul3A_878 = arith.mulf %get3A_877, %gather3A_874 : vector<16xf32>
        %swap3A_879 = arith.index_cast %add3A_872 : i32 to index
        %swap3A_880 = arith.constant 0 : index
        %swap3A_881 = tpu.vector_load %arg14[%swap3A_879, %swap3A_880] {strides = array<i32>} : memref<80x128xf32, #tpu.memory_space<vmem>>, vector<16xf32>,
        tpu.vector_store %arg14[%swap3A_879, %swap3A_880], %mul3A_878 {strides = array<i32>} : memref<80x128xf32, #tpu.memory_space<vmem>>, vector<16xf32>,
        %get3A_882 = arith.index_cast %add3A_872 : i32 to index
        %get3A_883 = arith.constant 16 : index
        %get3A_884 = tpu.vector_load %arg14[%get3A_882, %get3A_883] {strides = array<i32>} : memref<80x128xf32, #tpu.memory_space<vmem>>, vector<16xf32>,
        %mul3A_885 = arith.mulf %get3A_884, %gather3A_874 : vector<16xf32>
        %swap3A_886 = arith.index_cast %add3A_872 : i32 to index
        %swap3A_887 = arith.constant 16 : index
        %swap3A_888 = tpu.vector_load %arg14[%swap3A_886, %swap3A_887] {strides = array<i32>} : memref<80x128xf32, #tpu.memory_space<vmem>>, vector<16xf32>,
        tpu.vector_store %arg14[%swap3A_886, %swap3A_887], %mul3A_885 {strides = array<i32>} : memref<80x128xf32, #tpu.memory_space<vmem>>, vector<16xf32>,
        %get3A_889 = arith.index_cast %add3A_872 : i32 to index
        %get3A_890 = arith.constant 32 : index
        %get3A_891 = tpu.vector_load %arg14[%get3A_889, %get3A_890] {strides = array<i32>} : memref<80x128xf32, #tpu.memory_space<vmem>>, vector<16xf32>,
        %mul3A_892 = arith.mulf %get3A_891, %gather3A_874 : vector<16xf32>
        %swap3A_893 = arith.index_cast %add3A_872 : i32 to index
        %swap3A_894 = arith.constant 32 : index
        %swap3A_895 = tpu.vector_load %arg14[%swap3A_893, %swap3A_894] {strides = array<i32>} : memref<80x128xf32, #tpu.memory_space<vmem>>, vector<16xf32>,
        tpu.vector_store %arg14[%swap3A_893, %swap3A_894], %mul3A_892 {strides = array<i32>} : memref<80x128xf32, #tpu.memory_space<vmem>>, vector<16xf32>,
        %get3A_896 = arith.index_cast %add3A_872 : i32 to index
        %get3A_897 = arith.constant 48 : index
        %get3A_898 = tpu.vector_load %arg14[%get3A_896, %get3A_897] {strides = array<i32>} : memref<80x128xf32, #tpu.memory_space<vmem>>, vector<16xf32>,
        %mul3A_899 = arith.mulf %get3A_898, %gather3A_874 : vector<16xf32>
        %swap3A_900 = arith.index_cast %add3A_872 : i32 to index
        %swap3A_901 = arith.constant 48 : index
        %swap3A_902 = tpu.vector_load %arg14[%swap3A_900, %swap3A_901] {strides = array<i32>} : memref<80x128xf32, #tpu.memory_space<vmem>>, vector<16xf32>,
        tpu.vector_store %arg14[%swap3A_900, %swap3A_901], %mul3A_899 {strides = array<i32>} : memref<80x128xf32, #tpu.memory_space<vmem>>, vector<16xf32>,
        %get3A_903 = arith.index_cast %add3A_872 : i32 to index
        %get3A_904 = arith.constant 64 : index
        %get3A_905 = tpu.vector_load %arg14[%get3A_903, %get3A_904] {strides = array<i32>} : memref<80x128xf32, #tpu.memory_space<vmem>>, vector<16xf32>,
        %mul3A_906 = arith.mulf %get3A_905, %gather3A_874 : vector<16xf32>
        %swap3A_907 = arith.index_cast %add3A_872 : i32 to index
        %swap3A_908 = arith.constant 64 : index
        %swap3A_909 = tpu.vector_load %arg14[%swap3A_907, %swap3A_908] {strides = array<i32>} : memref<80x128xf32, #tpu.memory_space<vmem>>, vector<16xf32>,
        tpu.vector_store %arg14[%swap3A_907, %swap3A_908], %mul3A_906 {strides = array<i32>} : memref<80x128xf32, #tpu.memory_space<vmem>>, vector<16xf32>,
        %get3A_910 = arith.index_cast %add3A_872 : i32 to index
        %get3A_911 = arith.constant 80 : index
        %get3A_912 = tpu.vector_load %arg14[%get3A_910, %get3A_911] {strides = array<i32>} : memref<80x128xf32, #tpu.memory_space<vmem>>, vector<16xf32>,
        %mul3A_913 = arith.mulf %get3A_912, %gather3A_874 : vector<16xf32>
        %swap3A_914 = arith.index_cast %add3A_872 : i32 to index
        %swap3A_915 = arith.constant 80 : index
        %swap3A_916 = tpu.vector_load %arg14[%swap3A_914, %swap3A_915] {strides = array<i32>} : memref<80x128xf32, #tpu.memory_space<vmem>>, vector<16xf32>,
        tpu.vector_store %arg14[%swap3A_914, %swap3A_915], %mul3A_913 {strides = array<i32>} : memref<80x128xf32, #tpu.memory_space<vmem>>, vector<16xf32>,
        %get3A_917 = arith.index_cast %add3A_872 : i32 to index
        %get3A_918 = arith.constant 96 : index
        %get3A_919 = tpu.vector_load %arg14[%get3A_917, %get3A_918] {strides = array<i32>} : memref<80x128xf32, #tpu.memory_space<vmem>>, vector<16xf32>,
        %mul3A_920 = arith.mulf %get3A_919, %gather3A_874 : vector<16xf32>
        %swap3A_921 = arith.index_cast %add3A_872 : i32 to index
        %swap3A_922 = arith.constant 96 : index
        %swap3A_923 = tpu.vector_load %arg14[%swap3A_921, %swap3A_922] {strides = array<i32>} : memref<80x128xf32, #tpu.memory_space<vmem>>, vector<16xf32>,
        tpu.vector_store %arg14[%swap3A_921, %swap3A_922], %mul3A_920 {strides = array<i32>} : memref<80x128xf32, #tpu.memory_space<vmem>>, vector<16xf32>,
        %get3A_924 = arith.index_cast %add3A_872 : i32 to index
        %get3A_925 = arith.constant 112 : index
        %get3A_926 = tpu.vector_load %arg14[%get3A_924, %get3A_925] {strides = array<i32>} : memref<80x128xf32, #tpu.memory_space<vmem>>, vector<16xf32>,
        %mul3A_927 = arith.mulf %get3A_926, %gather3A_874 : vector<16xf32>
        %swap3A_928 = arith.index_cast %add3A_872 : i32 to index
        %swap3A_929 = arith.constant 112 : index
        %swap3A_930 = tpu.vector_load %arg14[%swap3A_928, %swap3A_929] {strides = array<i32>} : memref<80x128xf32, #tpu.memory_space<vmem>>, vector<16xf32>,
        tpu.vector_store %arg14[%swap3A_928, %swap3A_929], %mul3A_927 {strides = array<i32>} : memref<80x128xf32, #tpu.memory_space<vmem>>, vector<16xf32>,
        %add3A_931 = arith.constant 12 : i32
        %add3A_932 = arith.addi %mul3A_212, %add3A_931 : i32
        %broadcast_in_dim3A_933 = vector.broadcast %add3A_932 : i32 to vector<16xi32>
        %gather3A_934 = tpu.vector_load_idx %arg12[%broadcast_in_dim3A_933] : memref<80xf32, #tpu.memory_space<vmem>>[vector<16xi32>], vector<16xf32>,
        %get3A_935 = arith.index_cast %add3A_932 : i32 to index
        %get3A_936 = arith.constant 0 : index
        %get3A_937 = tpu.vector_load %arg14[%get3A_935, %get3A_936] {strides = array<i32>} : memref<80x128xf32, #tpu.memory_space<vmem>>, vector<16xf32>,
        %mul3A_938 = arith.mulf %get3A_937, %gather3A_934 : vector<16xf32>
        %swap3A_939 = arith.index_cast %add3A_932 : i32 to index
        %swap3A_940 = arith.constant 0 : index
        %swap3A_941 = tpu.vector_load %arg14[%swap3A_939, %swap3A_940] {strides = array<i32>} : memref<80x128xf32, #tpu.memory_space<vmem>>, vector<16xf32>,
        tpu.vector_store %arg14[%swap3A_939, %swap3A_940], %mul3A_938 {strides = array<i32>} : memref<80x128xf32, #tpu.memory_space<vmem>>, vector<16xf32>,
        %get3A_942 = arith.index_cast %add3A_932 : i32 to index
        %get3A_943 = arith.constant 16 : index
        %get3A_944 = tpu.vector_load %arg14[%get3A_942, %get3A_943] {strides = array<i32>} : memref<80x128xf32, #tpu.memory_space<vmem>>, vector<16xf32>,
        %mul3A_945 = arith.mulf %get3A_944, %gather3A_934 : vector<16xf32>
        %swap3A_946 = arith.index_cast %add3A_932 : i32 to index
        %swap3A_947 = arith.constant 16 : index
        %swap3A_948 = tpu.vector_load %arg14[%swap3A_946, %swap3A_947] {strides = array<i32>} : memref<80x128xf32, #tpu.memory_space<vmem>>, vector<16xf32>,
        tpu.vector_store %arg14[%swap3A_946, %swap3A_947], %mul3A_945 {strides = array<i32>} : memref<80x128xf32, #tpu.memory_space<vmem>>, vector<16xf32>,
        %get3A_949 = arith.index_cast %add3A_932 : i32 to index
        %get3A_950 = arith.constant 32 : index
        %get3A_951 = tpu.vector_load %arg14[%get3A_949, %get3A_950] {strides = array<i32>} : memref<80x128xf32, #tpu.memory_space<vmem>>, vector<16xf32>,
        %mul3A_952 = arith.mulf %get3A_951, %gather3A_934 : vector<16xf32>
        %swap3A_953 = arith.index_cast %add3A_932 : i32 to index
        %swap3A_954 = arith.constant 32 : index
        %swap3A_955 = tpu.vector_load %arg14[%swap3A_953, %swap3A_954] {strides = array<i32>} : memref<80x128xf32, #tpu.memory_space<vmem>>, vector<16xf32>,
        tpu.vector_store %arg14[%swap3A_953, %swap3A_954], %mul3A_952 {strides = array<i32>} : memref<80x128xf32, #tpu.memory_space<vmem>>, vector<16xf32>,
        %get3A_956 = arith.index_cast %add3A_932 : i32 to index
        %get3A_957 = arith.constant 48 : index
        %get3A_958 = tpu.vector_load %arg14[%get3A_956, %get3A_957] {strides = array<i32>} : memref<80x128xf32, #tpu.memory_space<vmem>>, vector<16xf32>,
        %mul3A_959 = arith.mulf %get3A_958, %gather3A_934 : vector<16xf32>
        %swap3A_960 = arith.index_cast %add3A_932 : i32 to index
        %swap3A_961 = arith.constant 48 : index
        %swap3A_962 = tpu.vector_load %arg14[%swap3A_960, %swap3A_961] {strides = array<i32>} : memref<80x128xf32, #tpu.memory_space<vmem>>, vector<16xf32>,
        tpu.vector_store %arg14[%swap3A_960, %swap3A_961], %mul3A_959 {strides = array<i32>} : memref<80x128xf32, #tpu.memory_space<vmem>>, vector<16xf32>,
        %get3A_963 = arith.index_cast %add3A_932 : i32 to index
        %get3A_964 = arith.constant 64 : index
        %get3A_965 = tpu.vector_load %arg14[%get3A_963, %get3A_964] {strides = array<i32>} : memref<80x128xf32, #tpu.memory_space<vmem>>, vector<16xf32>,
        %mul3A_966 = arith.mulf %get3A_965, %gather3A_934 : vector<16xf32>
        %swap3A_967 = arith.index_cast %add3A_932 : i32 to index
        %swap3A_968 = arith.constant 64 : index
        %swap3A_969 = tpu.vector_load %arg14[%swap3A_967, %swap3A_968] {strides = array<i32>} : memref<80x128xf32, #tpu.memory_space<vmem>>, vector<16xf32>,
        tpu.vector_store %arg14[%swap3A_967, %swap3A_968], %mul3A_966 {strides = array<i32>} : memref<80x128xf32, #tpu.memory_space<vmem>>, vector<16xf32>,
        %get3A_970 = arith.index_cast %add3A_932 : i32 to index
        %get3A_971 = arith.constant 80 : index
        %get3A_972 = tpu.vector_load %arg14[%get3A_970, %get3A_971] {strides = array<i32>} : memref<80x128xf32, #tpu.memory_space<vmem>>, vector<16xf32>,
        %mul3A_973 = arith.mulf %get3A_972, %gather3A_934 : vector<16xf32>
        %swap3A_974 = arith.index_cast %add3A_932 : i32 to index
        %swap3A_975 = arith.constant 80 : index
        %swap3A_976 = tpu.vector_load %arg14[%swap3A_974, %swap3A_975] {strides = array<i32>} : memref<80x128xf32, #tpu.memory_space<vmem>>, vector<16xf32>,
        tpu.vector_store %arg14[%swap3A_974, %swap3A_975], %mul3A_973 {strides = array<i32>} : memref<80x128xf32, #tpu.memory_space<vmem>>, vector<16xf32>,
        %get3A_977 = arith.index_cast %add3A_932 : i32 to index
        %get3A_978 = arith.constant 96 : index
        %get3A_979 = tpu.vector_load %arg14[%get3A_977, %get3A_978] {strides = array<i32>} : memref<80x128xf32, #tpu.memory_space<vmem>>, vector<16xf32>,
        %mul3A_980 = arith.mulf %get3A_979, %gather3A_934 : vector<16xf32>
        %swap3A_981 = arith.index_cast %add3A_932 : i32 to index
        %swap3A_982 = arith.constant 96 : index
        %swap3A_983 = tpu.vector_load %arg14[%swap3A_981, %swap3A_982] {strides = array<i32>} : memref<80x128xf32, #tpu.memory_space<vmem>>, vector<16xf32>,
        tpu.vector_store %arg14[%swap3A_981, %swap3A_982], %mul3A_980 {strides = array<i32>} : memref<80x128xf32, #tpu.memory_space<vmem>>, vector<16xf32>,
        %get3A_984 = arith.index_cast %add3A_932 : i32 to index
        %get3A_985 = arith.constant 112 : index
        %get3A_986 = tpu.vector_load %arg14[%get3A_984, %get3A_985] {strides = array<i32>} : memref<80x128xf32, #tpu.memory_space<vmem>>, vector<16xf32>,
        %mul3A_987 = arith.mulf %get3A_986, %gather3A_934 : vector<16xf32>
        %swap3A_988 = arith.index_cast %add3A_932 : i32 to index
        %swap3A_989 = arith.constant 112 : index
        %swap3A_990 = tpu.vector_load %arg14[%swap3A_988, %swap3A_989] {strides = array<i32>} : memref<80x128xf32, #tpu.memory_space<vmem>>, vector<16xf32>,
        tpu.vector_store %arg14[%swap3A_988, %swap3A_989], %mul3A_987 {strides = array<i32>} : memref<80x128xf32, #tpu.memory_space<vmem>>, vector<16xf32>,
        %add3A_991 = arith.constant 13 : i32
        %add3A_992 = arith.addi %mul3A_212, %add3A_991 : i32
        %broadcast_in_dim3A_993 = vector.broadcast %add3A_992 : i32 to vector<16xi32>
        %gather3A_994 = tpu.vector_load_idx %arg12[%broadcast_in_dim3A_993] : memref<80xf32, #tpu.memory_space<vmem>>[vector<16xi32>], vector<16xf32>,
        %get3A_995 = arith.index_cast %add3A_992 : i32 to index
        %get3A_996 = arith.constant 0 : index
        %get3A_997 = tpu.vector_load %arg14[%get3A_995, %get3A_996] {strides = array<i32>} : memref<80x128xf32, #tpu.memory_space<vmem>>, vector<16xf32>,
        %mul3A_998 = arith.mulf %get3A_997, %gather3A_994 : vector<16xf32>
        %swap3A_999 = arith.index_cast %add3A_992 : i32 to index
        %swap3A_1000 = arith.constant 0 : index
        %swap3A_1001 = tpu.vector_load %arg14[%swap3A_999, %swap3A_1000] {strides = array<i32>} : memref<80x128xf32, #tpu.memory_space<vmem>>, vector<16xf32>,
        tpu.vector_store %arg14[%swap3A_999, %swap3A_1000], %mul3A_998 {strides = array<i32>} : memref<80x128xf32, #tpu.memory_space<vmem>>, vector<16xf32>,
        %get3A_1002 = arith.index_cast %add3A_992 : i32 to index
        %get3A_1003 = arith.constant 16 : index
        %get3A_1004 = tpu.vector_load %arg14[%get3A_1002, %get3A_1003] {strides = array<i32>} : memref<80x128xf32, #tpu.memory_space<vmem>>, vector<16xf32>,
        %mul3A_1005 = arith.mulf %get3A_1004, %gather3A_994 : vector<16xf32>
        %swap3A_1006 = arith.index_cast %add3A_992 : i32 to index
        %swap3A_1007 = arith.constant 16 : index
        %swap3A_1008 = tpu.vector_load %arg14[%swap3A_1006, %swap3A_1007] {strides = array<i32>} : memref<80x128xf32, #tpu.memory_space<vmem>>, vector<16xf32>,
        tpu.vector_store %arg14[%swap3A_1006, %swap3A_1007], %mul3A_1005 {strides = array<i32>} : memref<80x128xf32, #tpu.memory_space<vmem>>, vector<16xf32>,
        %get3A_1009 = arith.index_cast %add3A_992 : i32 to index
        %get3A_1010 = arith.constant 32 : index
        %get3A_1011 = tpu.vector_load %arg14[%get3A_1009, %get3A_1010] {strides = array<i32>} : memref<80x128xf32, #tpu.memory_space<vmem>>, vector<16xf32>,
        %mul3A_1012 = arith.mulf %get3A_1011, %gather3A_994 : vector<16xf32>
        %swap3A_1013 = arith.index_cast %add3A_992 : i32 to index
        %swap3A_1014 = arith.constant 32 : index
        %swap3A_1015 = tpu.vector_load %arg14[%swap3A_1013, %swap3A_1014] {strides = array<i32>} : memref<80x128xf32, #tpu.memory_space<vmem>>, vector<16xf32>,
        tpu.vector_store %arg14[%swap3A_1013, %swap3A_1014], %mul3A_1012 {strides = array<i32>} : memref<80x128xf32, #tpu.memory_space<vmem>>, vector<16xf32>,
        %get3A_1016 = arith.index_cast %add3A_992 : i32 to index
        %get3A_1017 = arith.constant 48 : index
        %get3A_1018 = tpu.vector_load %arg14[%get3A_1016, %get3A_1017] {strides = array<i32>} : memref<80x128xf32, #tpu.memory_space<vmem>>, vector<16xf32>,
        %mul3A_1019 = arith.mulf %get3A_1018, %gather3A_994 : vector<16xf32>
        %swap3A_1020 = arith.index_cast %add3A_992 : i32 to index
        %swap3A_1021 = arith.constant 48 : index
        %swap3A_1022 = tpu.vector_load %arg14[%swap3A_1020, %swap3A_1021] {strides = array<i32>} : memref<80x128xf32, #tpu.memory_space<vmem>>, vector<16xf32>,
        tpu.vector_store %arg14[%swap3A_1020, %swap3A_1021], %mul3A_1019 {strides = array<i32>} : memref<80x128xf32, #tpu.memory_space<vmem>>, vector<16xf32>,
        %get3A_1023 = arith.index_cast %add3A_992 : i32 to index
        %get3A_1024 = arith.constant 64 : index
        %get3A_1025 = tpu.vector_load %arg14[%get3A_1023, %get3A_1024] {strides = array<i32>} : memref<80x128xf32, #tpu.memory_space<vmem>>, vector<16xf32>,
        %mul3A_1026 = arith.mulf %get3A_1025, %gather3A_994 : vector<16xf32>
        %swap3A_1027 = arith.index_cast %add3A_992 : i32 to index
        %swap3A_1028 = arith.constant 64 : index
        %swap3A_1029 = tpu.vector_load %arg14[%swap3A_1027, %swap3A_1028] {strides = array<i32>} : memref<80x128xf32, #tpu.memory_space<vmem>>, vector<16xf32>,
        tpu.vector_store %arg14[%swap3A_1027, %swap3A_1028], %mul3A_1026 {strides = array<i32>} : memref<80x128xf32, #tpu.memory_space<vmem>>, vector<16xf32>,
        %get3A_1030 = arith.index_cast %add3A_992 : i32 to index
        %get3A_1031 = arith.constant 80 : index
        %get3A_1032 = tpu.vector_load %arg14[%get3A_1030, %get3A_1031] {strides = array<i32>} : memref<80x128xf32, #tpu.memory_space<vmem>>, vector<16xf32>,
        %mul3A_1033 = arith.mulf %get3A_1032, %gather3A_994 : vector<16xf32>
        %swap3A_1034 = arith.index_cast %add3A_992 : i32 to index
        %swap3A_1035 = arith.constant 80 : index
        %swap3A_1036 = tpu.vector_load %arg14[%swap3A_1034, %swap3A_1035] {strides = array<i32>} : memref<80x128xf32, #tpu.memory_space<vmem>>, vector<16xf32>,
        tpu.vector_store %arg14[%swap3A_1034, %swap3A_1035], %mul3A_1033 {strides = array<i32>} : memref<80x128xf32, #tpu.memory_space<vmem>>, vector<16xf32>,
        %get3A_1037 = arith.index_cast %add3A_992 : i32 to index
        %get3A_1038 = arith.constant 96 : index
        %get3A_1039 = tpu.vector_load %arg14[%get3A_1037, %get3A_1038] {strides = array<i32>} : memref<80x128xf32, #tpu.memory_space<vmem>>, vector<16xf32>,
        %mul3A_1040 = arith.mulf %get3A_1039, %gather3A_994 : vector<16xf32>
        %swap3A_1041 = arith.index_cast %add3A_992 : i32 to index
        %swap3A_1042 = arith.constant 96 : index
        %swap3A_1043 = tpu.vector_load %arg14[%swap3A_1041, %swap3A_1042] {strides = array<i32>} : memref<80x128xf32, #tpu.memory_space<vmem>>, vector<16xf32>,
        tpu.vector_store %arg14[%swap3A_1041, %swap3A_1042], %mul3A_1040 {strides = array<i32>} : memref<80x128xf32, #tpu.memory_space<vmem>>, vector<16xf32>,
        %get3A_1044 = arith.index_cast %add3A_992 : i32 to index
        %get3A_1045 = arith.constant 112 : index
        %get3A_1046 = tpu.vector_load %arg14[%get3A_1044, %get3A_1045] {strides = array<i32>} : memref<80x128xf32, #tpu.memory_space<vmem>>, vector<16xf32>,
        %mul3A_1047 = arith.mulf %get3A_1046, %gather3A_994 : vector<16xf32>
        %swap3A_1048 = arith.index_cast %add3A_992 : i32 to index
        %swap3A_1049 = arith.constant 112 : index
        %swap3A_1050 = tpu.vector_load %arg14[%swap3A_1048, %swap3A_1049] {strides = array<i32>} : memref<80x128xf32, #tpu.memory_space<vmem>>, vector<16xf32>,
        tpu.vector_store %arg14[%swap3A_1048, %swap3A_1049], %mul3A_1047 {strides = array<i32>} : memref<80x128xf32, #tpu.memory_space<vmem>>, vector<16xf32>,
        %add3A_1051 = arith.constant 14 : i32
        %add3A_1052 = arith.addi %mul3A_212, %add3A_1051 : i32
        %broadcast_in_dim3A_1053 = vector.broadcast %add3A_1052 : i32 to vector<16xi32>
        %gather3A_1054 = tpu.vector_load_idx %arg12[%broadcast_in_dim3A_1053] : memref<80xf32, #tpu.memory_space<vmem>>[vector<16xi32>], vector<16xf32>,
        %get3A_1055 = arith.index_cast %add3A_1052 : i32 to index
        %get3A_1056 = arith.constant 0 : index
        %get3A_1057 = tpu.vector_load %arg14[%get3A_1055, %get3A_1056] {strides = array<i32>} : memref<80x128xf32, #tpu.memory_space<vmem>>, vector<16xf32>,
        %mul3A_1058 = arith.mulf %get3A_1057, %gather3A_1054 : vector<16xf32>
        %swap3A_1059 = arith.index_cast %add3A_1052 : i32 to index
        %swap3A_1060 = arith.constant 0 : index
        %swap3A_1061 = tpu.vector_load %arg14[%swap3A_1059, %swap3A_1060] {strides = array<i32>} : memref<80x128xf32, #tpu.memory_space<vmem>>, vector<16xf32>,
        tpu.vector_store %arg14[%swap3A_1059, %swap3A_1060], %mul3A_1058 {strides = array<i32>} : memref<80x128xf32, #tpu.memory_space<vmem>>, vector<16xf32>,
        %get3A_1062 = arith.index_cast %add3A_1052 : i32 to index
        %get3A_1063 = arith.constant 16 : index
        %get3A_1064 = tpu.vector_load %arg14[%get3A_1062, %get3A_1063] {strides = array<i32>} : memref<80x128xf32, #tpu.memory_space<vmem>>, vector<16xf32>,
        %mul3A_1065 = arith.mulf %get3A_1064, %gather3A_1054 : vector<16xf32>
        %swap3A_1066 = arith.index_cast %add3A_1052 : i32 to index
        %swap3A_1067 = arith.constant 16 : index
        %swap3A_1068 = tpu.vector_load %arg14[%swap3A_1066, %swap3A_1067] {strides = array<i32>} : memref<80x128xf32, #tpu.memory_space<vmem>>, vector<16xf32>,
        tpu.vector_store %arg14[%swap3A_1066, %swap3A_1067], %mul3A_1065 {strides = array<i32>} : memref<80x128xf32, #tpu.memory_space<vmem>>, vector<16xf32>,
        %get3A_1069 = arith.index_cast %add3A_1052 : i32 to index
        %get3A_1070 = arith.constant 32 : index
        %get3A_1071 = tpu.vector_load %arg14[%get3A_1069, %get3A_1070] {strides = array<i32>} : memref<80x128xf32, #tpu.memory_space<vmem>>, vector<16xf32>,
        %mul3A_1072 = arith.mulf %get3A_1071, %gather3A_1054 : vector<16xf32>
        %swap3A_1073 = arith.index_cast %add3A_1052 : i32 to index
        %swap3A_1074 = arith.constant 32 : index
        %swap3A_1075 = tpu.vector_load %arg14[%swap3A_1073, %swap3A_1074] {strides = array<i32>} : memref<80x128xf32, #tpu.memory_space<vmem>>, vector<16xf32>,
        tpu.vector_store %arg14[%swap3A_1073, %swap3A_1074], %mul3A_1072 {strides = array<i32>} : memref<80x128xf32, #tpu.memory_space<vmem>>, vector<16xf32>,
        %get3A_1076 = arith.index_cast %add3A_1052 : i32 to index
        %get3A_1077 = arith.constant 48 : index
        %get3A_1078 = tpu.vector_load %arg14[%get3A_1076, %get3A_1077] {strides = array<i32>} : memref<80x128xf32, #tpu.memory_space<vmem>>, vector<16xf32>,
        %mul3A_1079 = arith.mulf %get3A_1078, %gather3A_1054 : vector<16xf32>
        %swap3A_1080 = arith.index_cast %add3A_1052 : i32 to index
        %swap3A_1081 = arith.constant 48 : index
        %swap3A_1082 = tpu.vector_load %arg14[%swap3A_1080, %swap3A_1081] {strides = array<i32>} : memref<80x128xf32, #tpu.memory_space<vmem>>, vector<16xf32>,
        tpu.vector_store %arg14[%swap3A_1080, %swap3A_1081], %mul3A_1079 {strides = array<i32>} : memref<80x128xf32, #tpu.memory_space<vmem>>, vector<16xf32>,
        %get3A_1083 = arith.index_cast %add3A_1052 : i32 to index
        %get3A_1084 = arith.constant 64 : index
        %get3A_1085 = tpu.vector_load %arg14[%get3A_1083, %get3A_1084] {strides = array<i32>} : memref<80x128xf32, #tpu.memory_space<vmem>>, vector<16xf32>,
        %mul3A_1086 = arith.mulf %get3A_1085, %gather3A_1054 : vector<16xf32>
        %swap3A_1087 = arith.index_cast %add3A_1052 : i32 to index
        %swap3A_1088 = arith.constant 64 : index
        %swap3A_1089 = tpu.vector_load %arg14[%swap3A_1087, %swap3A_1088] {strides = array<i32>} : memref<80x128xf32, #tpu.memory_space<vmem>>, vector<16xf32>,
        tpu.vector_store %arg14[%swap3A_1087, %swap3A_1088], %mul3A_1086 {strides = array<i32>} : memref<80x128xf32, #tpu.memory_space<vmem>>, vector<16xf32>,
        %get3A_1090 = arith.index_cast %add3A_1052 : i32 to index
        %get3A_1091 = arith.constant 80 : index
        %get3A_1092 = tpu.vector_load %arg14[%get3A_1090, %get3A_1091] {strides = array<i32>} : memref<80x128xf32, #tpu.memory_space<vmem>>, vector<16xf32>,
        %mul3A_1093 = arith.mulf %get3A_1092, %gather3A_1054 : vector<16xf32>
        %swap3A_1094 = arith.index_cast %add3A_1052 : i32 to index
        %swap3A_1095 = arith.constant 80 : index
        %swap3A_1096 = tpu.vector_load %arg14[%swap3A_1094, %swap3A_1095] {strides = array<i32>} : memref<80x128xf32, #tpu.memory_space<vmem>>, vector<16xf32>,
        tpu.vector_store %arg14[%swap3A_1094, %swap3A_1095], %mul3A_1093 {strides = array<i32>} : memref<80x128xf32, #tpu.memory_space<vmem>>, vector<16xf32>,
        %get3A_1097 = arith.index_cast %add3A_1052 : i32 to index
        %get3A_1098 = arith.constant 96 : index
        %get3A_1099 = tpu.vector_load %arg14[%get3A_1097, %get3A_1098] {strides = array<i32>} : memref<80x128xf32, #tpu.memory_space<vmem>>, vector<16xf32>,
        %mul3A_1100 = arith.mulf %get3A_1099, %gather3A_1054 : vector<16xf32>
        %swap3A_1101 = arith.index_cast %add3A_1052 : i32 to index
        %swap3A_1102 = arith.constant 96 : index
        %swap3A_1103 = tpu.vector_load %arg14[%swap3A_1101, %swap3A_1102] {strides = array<i32>} : memref<80x128xf32, #tpu.memory_space<vmem>>, vector<16xf32>,
        tpu.vector_store %arg14[%swap3A_1101, %swap3A_1102], %mul3A_1100 {strides = array<i32>} : memref<80x128xf32, #tpu.memory_space<vmem>>, vector<16xf32>,
        %get3A_1104 = arith.index_cast %add3A_1052 : i32 to index
        %get3A_1105 = arith.constant 112 : index
        %get3A_1106 = tpu.vector_load %arg14[%get3A_1104, %get3A_1105] {strides = array<i32>} : memref<80x128xf32, #tpu.memory_space<vmem>>, vector<16xf32>,
        %mul3A_1107 = arith.mulf %get3A_1106, %gather3A_1054 : vector<16xf32>
        %swap3A_1108 = arith.index_cast %add3A_1052 : i32 to index
        %swap3A_1109 = arith.constant 112 : index
        %swap3A_1110 = tpu.vector_load %arg14[%swap3A_1108, %swap3A_1109] {strides = array<i32>} : memref<80x128xf32, #tpu.memory_space<vmem>>, vector<16xf32>,
        tpu.vector_store %arg14[%swap3A_1108, %swap3A_1109], %mul3A_1107 {strides = array<i32>} : memref<80x128xf32, #tpu.memory_space<vmem>>, vector<16xf32>,
        %add3A_1111 = arith.constant 15 : i32
        %add3A_1112 = arith.addi %mul3A_212, %add3A_1111 : i32
        %broadcast_in_dim3A_1113 = vector.broadcast %add3A_1112 : i32 to vector<16xi32>
        %gather3A_1114 = tpu.vector_load_idx %arg12[%broadcast_in_dim3A_1113] : memref<80xf32, #tpu.memory_space<vmem>>[vector<16xi32>], vector<16xf32>,
        %get3A_1115 = arith.index_cast %add3A_1112 : i32 to index
        %get3A_1116 = arith.constant 0 : index
        %get3A_1117 = tpu.vector_load %arg14[%get3A_1115, %get3A_1116] {strides = array<i32>} : memref<80x128xf32, #tpu.memory_space<vmem>>, vector<16xf32>,
        %mul3A_1118 = arith.mulf %get3A_1117, %gather3A_1114 : vector<16xf32>
        %swap3A_1119 = arith.index_cast %add3A_1112 : i32 to index
        %swap3A_1120 = arith.constant 0 : index
        %swap3A_1121 = tpu.vector_load %arg14[%swap3A_1119, %swap3A_1120] {strides = array<i32>} : memref<80x128xf32, #tpu.memory_space<vmem>>, vector<16xf32>,
        tpu.vector_store %arg14[%swap3A_1119, %swap3A_1120], %mul3A_1118 {strides = array<i32>} : memref<80x128xf32, #tpu.memory_space<vmem>>, vector<16xf32>,
        %get3A_1122 = arith.index_cast %add3A_1112 : i32 to index
        %get3A_1123 = arith.constant 16 : index
        %get3A_1124 = tpu.vector_load %arg14[%get3A_1122, %get3A_1123] {strides = array<i32>} : memref<80x128xf32, #tpu.memory_space<vmem>>, vector<16xf32>,
        %mul3A_1125 = arith.mulf %get3A_1124, %gather3A_1114 : vector<16xf32>
        %swap3A_1126 = arith.index_cast %add3A_1112 : i32 to index
        %swap3A_1127 = arith.constant 16 : index
        %swap3A_1128 = tpu.vector_load %arg14[%swap3A_1126, %swap3A_1127] {strides = array<i32>} : memref<80x128xf32, #tpu.memory_space<vmem>>, vector<16xf32>,
        tpu.vector_store %arg14[%swap3A_1126, %swap3A_1127], %mul3A_1125 {strides = array<i32>} : memref<80x128xf32, #tpu.memory_space<vmem>>, vector<16xf32>,
        %get3A_1129 = arith.index_cast %add3A_1112 : i32 to index
        %get3A_1130 = arith.constant 32 : index
        %get3A_1131 = tpu.vector_load %arg14[%get3A_1129, %get3A_1130] {strides = array<i32>} : memref<80x128xf32, #tpu.memory_space<vmem>>, vector<16xf32>,
        %mul3A_1132 = arith.mulf %get3A_1131, %gather3A_1114 : vector<16xf32>
        %swap3A_1133 = arith.index_cast %add3A_1112 : i32 to index
        %swap3A_1134 = arith.constant 32 : index
        %swap3A_1135 = tpu.vector_load %arg14[%swap3A_1133, %swap3A_1134] {strides = array<i32>} : memref<80x128xf32, #tpu.memory_space<vmem>>, vector<16xf32>,
        tpu.vector_store %arg14[%swap3A_1133, %swap3A_1134], %mul3A_1132 {strides = array<i32>} : memref<80x128xf32, #tpu.memory_space<vmem>>, vector<16xf32>,
        %get3A_1136 = arith.index_cast %add3A_1112 : i32 to index
        %get3A_1137 = arith.constant 48 : index
        %get3A_1138 = tpu.vector_load %arg14[%get3A_1136, %get3A_1137] {strides = array<i32>} : memref<80x128xf32, #tpu.memory_space<vmem>>, vector<16xf32>,
        %mul3A_1139 = arith.mulf %get3A_1138, %gather3A_1114 : vector<16xf32>
        %swap3A_1140 = arith.index_cast %add3A_1112 : i32 to index
        %swap3A_1141 = arith.constant 48 : index
        %swap3A_1142 = tpu.vector_load %arg14[%swap3A_1140, %swap3A_1141] {strides = array<i32>} : memref<80x128xf32, #tpu.memory_space<vmem>>, vector<16xf32>,
        tpu.vector_store %arg14[%swap3A_1140, %swap3A_1141], %mul3A_1139 {strides = array<i32>} : memref<80x128xf32, #tpu.memory_space<vmem>>, vector<16xf32>,
        %get3A_1143 = arith.index_cast %add3A_1112 : i32 to index
        %get3A_1144 = arith.constant 64 : index
        %get3A_1145 = tpu.vector_load %arg14[%get3A_1143, %get3A_1144] {strides = array<i32>} : memref<80x128xf32, #tpu.memory_space<vmem>>, vector<16xf32>,
        %mul3A_1146 = arith.mulf %get3A_1145, %gather3A_1114 : vector<16xf32>
        %swap3A_1147 = arith.index_cast %add3A_1112 : i32 to index
        %swap3A_1148 = arith.constant 64 : index
        %swap3A_1149 = tpu.vector_load %arg14[%swap3A_1147, %swap3A_1148] {strides = array<i32>} : memref<80x128xf32, #tpu.memory_space<vmem>>, vector<16xf32>,
        tpu.vector_store %arg14[%swap3A_1147, %swap3A_1148], %mul3A_1146 {strides = array<i32>} : memref<80x128xf32, #tpu.memory_space<vmem>>, vector<16xf32>,
        %get3A_1150 = arith.index_cast %add3A_1112 : i32 to index
        %get3A_1151 = arith.constant 80 : index
        %get3A_1152 = tpu.vector_load %arg14[%get3A_1150, %get3A_1151] {strides = array<i32>} : memref<80x128xf32, #tpu.memory_space<vmem>>, vector<16xf32>,
        %mul3A_1153 = arith.mulf %get3A_1152, %gather3A_1114 : vector<16xf32>
        %swap3A_1154 = arith.index_cast %add3A_1112 : i32 to index
        %swap3A_1155 = arith.constant 80 : index
        %swap3A_1156 = tpu.vector_load %arg14[%swap3A_1154, %swap3A_1155] {strides = array<i32>} : memref<80x128xf32, #tpu.memory_space<vmem>>, vector<16xf32>,
        tpu.vector_store %arg14[%swap3A_1154, %swap3A_1155], %mul3A_1153 {strides = array<i32>} : memref<80x128xf32, #tpu.memory_space<vmem>>, vector<16xf32>,
        %get3A_1157 = arith.index_cast %add3A_1112 : i32 to index
        %get3A_1158 = arith.constant 96 : index
        %get3A_1159 = tpu.vector_load %arg14[%get3A_1157, %get3A_1158] {strides = array<i32>} : memref<80x128xf32, #tpu.memory_space<vmem>>, vector<16xf32>,
        %mul3A_1160 = arith.mulf %get3A_1159, %gather3A_1114 : vector<16xf32>
        %swap3A_1161 = arith.index_cast %add3A_1112 : i32 to index
        %swap3A_1162 = arith.constant 96 : index
        %swap3A_1163 = tpu.vector_load %arg14[%swap3A_1161, %swap3A_1162] {strides = array<i32>} : memref<80x128xf32, #tpu.memory_space<vmem>>, vector<16xf32>,
        tpu.vector_store %arg14[%swap3A_1161, %swap3A_1162], %mul3A_1160 {strides = array<i32>} : memref<80x128xf32, #tpu.memory_space<vmem>>, vector<16xf32>,
        %get3A_1164 = arith.index_cast %add3A_1112 : i32 to index
        %get3A_1165 = arith.constant 112 : index
        %get3A_1166 = tpu.vector_load %arg14[%get3A_1164, %get3A_1165] {strides = array<i32>} : memref<80x128xf32, #tpu.memory_space<vmem>>, vector<16xf32>,
        %mul3A_1167 = arith.mulf %get3A_1166, %gather3A_1114 : vector<16xf32>
        %swap3A_1168 = arith.index_cast %add3A_1112 : i32 to index
        %swap3A_1169 = arith.constant 112 : index
        %swap3A_1170 = tpu.vector_load %arg14[%swap3A_1168, %swap3A_1169] {strides = array<i32>} : memref<80x128xf32, #tpu.memory_space<vmem>>, vector<16xf32>,
        tpu.vector_store %arg14[%swap3A_1168, %swap3A_1169], %mul3A_1167 {strides = array<i32>} : memref<80x128xf32, #tpu.memory_space<vmem>>, vector<16xf32>,
      }
      %scan3A_203 = arith.constant 5 : i32
      %dma_start3A_204 = arith.constant 0 : i32
      %dma_start3A_205 = tpu.memref_slice %arg10[%add3A_142, %dma_start3A_204] : memref<50x80xi32, #tpu.memory_space<vmem>> -> memref<1x80xi32, #tpu.memory_space<vmem>>
      %dma_start3A_206 = tpu.memref_squeeze %dma_start3A_205 : memref<1x80xi32, #tpu.memory_space<vmem>> -> memref<80xi32, #tpu.memory_space<vmem>>
      %dma_start3A_207 = arith.constant 0 : i32
      %dma_start3A_208 = arith.constant 0 : i32
      %dma_start3A_209 = tpu.memref_slice %arg15[%dma_start3A_207, %dma_start3A_208] : memref<10240x128xf32, #tpu.memory_space<vmem_shared>> -> memref<10240x128xf32, #tpu.memory_space<vmem_shared>>
      tpu.enqueue_indirect_dma source(%arg14 : memref<80x128xf32, #tpu.memory_space<vmem>>) target(%dma_start3A_209 : memref<10240x128xf32, #tpu.memory_space<vmem_shared>>) offsets(%dma_start3A_206 : memref<80xi32, #tpu.memory_space<vmem>>) semaphore(%arg19 : memref<!tpu.dma_semaphore, #tpu.memory_space<semaphore_mem>>) {add = true}
    }
    %scan3A_5 = arith.constant 125 : i32
    %dma_wait3A = arith.constant 0 : i32
    %dma_wait3A_6 = arith.constant 0 : i32
    %dma_wait3A_7 = tpu.memref_slice %arg10[%dma_wait3A, %dma_wait3A_6] : memref<50x80xi32, #tpu.memory_space<vmem>> -> memref<1x80xi32, #tpu.memory_space<vmem>>
    %dma_wait3A_8 = tpu.memref_squeeze %dma_wait3A_7 : memref<1x80xi32, #tpu.memory_space<vmem>> -> memref<80xi32, #tpu.memory_space<vmem>>
    %dma_wait3A_9 = arith.constant 0 : i32
    %dma_wait3A_10 = arith.constant 0 : i32
    %dma_wait3A_11 = tpu.memref_slice %arg15[%dma_wait3A_9, %dma_wait3A_10] : memref<10240x128xf32, #tpu.memory_space<vmem_shared>> -> memref<10240x128xf32, #tpu.memory_space<vmem_shared>>
    tpu.wait_indirect_dma semaphore(%arg19 : memref<!tpu.dma_semaphore, #tpu.memory_space<semaphore_mem>>) src(%arg14 : memref<80x128xf32, #tpu.memory_space<vmem>>) dst(%dma_wait3A_11 : memref<10240x128xf32, #tpu.memory_space<vmem_shared>>)
    %barrier3A_12 = arith.constant 0 : index
    tpu.barrier barrier_id(%barrier3A_12)
    "tpu.region"() ({
      %run_scoped3A = tpu.sem_alloc : memref<!tpu.dma_semaphore, #tpu.memory_space<semaphore_mem>>
      %dma_start3A = arith.constant 0 : i32
      %dma_start3A_13 = tpu.memref_slice %arg8[%arg0, %mul3A_0, %dma_start3A] : memref<2x10240x128xf32, #tpu.memory_space<hbm>> -> memref<1x640x128xf32, #tpu.memory_space<hbm>>
      %dma_start3A_14 = tpu.memref_squeeze %dma_start3A_13 : memref<1x640x128xf32, #tpu.memory_space<hbm>> -> memref<640x128xf32, #tpu.memory_space<hbm>>
      %dma_start3A_15 = arith.constant 0 : i32
      %dma_start3A_16 = tpu.memref_slice %arg15[%mul3A_0, %dma_start3A_15] : memref<10240x128xf32, #tpu.memory_space<vmem_shared>> -> memref<640x128xf32, #tpu.memory_space<vmem_shared>>
      tpu.enqueue_dma source(%dma_start3A_16 : memref<640x128xf32, #tpu.memory_space<vmem_shared>>) target(%dma_start3A_14 : memref<640x128xf32, #tpu.memory_space<hbm>>) target_semaphore(%run_scoped3A : memref<!tpu.dma_semaphore, #tpu.memory_space<semaphore_mem>>)
      %dma_wait3A_17 = arith.constant 0 : i32
      %dma_wait3A_18 = tpu.memref_slice %arg8[%arg0, %mul3A_0, %dma_wait3A_17] : memref<2x10240x128xf32, #tpu.memory_space<hbm>> -> memref<1x640x128xf32, #tpu.memory_space<hbm>>
      %dma_wait3A_19 = tpu.memref_squeeze %dma_wait3A_18 : memref<1x640x128xf32, #tpu.memory_space<hbm>> -> memref<640x128xf32, #tpu.memory_space<hbm>>
      %dma_wait3A_20 = arith.constant 0 : i32
      %dma_wait3A_21 = tpu.memref_slice %arg15[%mul3A_0, %dma_wait3A_20] : memref<10240x128xf32, #tpu.memory_space<vmem_shared>> -> memref<640x128xf32, #tpu.memory_space<vmem_shared>>
      tpu.wait_dma2 semaphore(%run_scoped3A : memref<!tpu.dma_semaphore, #tpu.memory_space<semaphore_mem>>) src(%dma_wait3A_21 : memref<640x128xf32, #tpu.memory_space<vmem_shared>>) dst(%dma_wait3A_19 : memref<640x128xf32, #tpu.memory_space<hbm>>)
      tpu.yield
    }) : () -> ()
    return
  }
}

#map = affine_map<(d0, d1) -> (0, 0, 0)>
#map1 = affine_map<(d0, d1) -> (0, 0)>
module attributes {stable_mosaic.version = 14 : i64} {
  func.func @_deg_kernel(%arg0: i32, %arg1: i32, %arg2: memref<32x125x80xi32, #tpu.memory_space<hbm>>, %arg3: memref<32x125x80xi32, #tpu.memory_space<hbm>>, %arg4: memref<32x125x80xf32, #tpu.memory_space<hbm>>, %arg5: memref<80x128xf32, #tpu.memory_space<hbm>>, %arg6: memref<2x80x128xf32, #tpu.memory_space<hbm>>, %arg7: memref<2x80x128xf32, #tpu.memory_space<hbm>>, %arg8: memref<2x80x128xf32, #tpu.memory_space<hbm>>, %arg9: memref<125x80xi32, #tpu.memory_space<vmem>>, %arg10: memref<125x80xi32, #tpu.memory_space<vmem>>, %arg11: memref<125x80xf32, #tpu.memory_space<vmem>>, %arg12: memref<80x128xf32, #tpu.memory_space<vmem>>, %arg13: memref<80x128xf32, #tpu.memory_space<vmem>>, %arg14: memref<80x128xf32, #tpu.memory_space<vmem>>, %arg15: memref<80xi32, #tpu.memory_space<vmem>>, %arg16: memref<80x128xf32, #tpu.memory_space<vmem_shared>>, %arg17: memref<80x128xf32, #tpu.memory_space<vmem_shared>>, %arg18: memref<80x128xf32, #tpu.memory_space<vmem_shared>>) attributes {dimension_semantics = [#tpu.dimension_semantics<core_parallel>, #tpu.dimension_semantics<subcore_parallel>], iteration_bounds = array<i64: 2, 16>, scalar_prefetch = 0 : i64, scratch_operands = 10 : i64, tpu.core_type = #tpu.core_type<sc_vector_subcore>, window_params = [{transform_indices = #map}, {transform_indices = #map}, {transform_indices = #map}, {transform_indices = #map1}, {transform_indices = #map}, {transform_indices = #map}, {transform_indices = #map}]} {
    %mul3A = arith.constant 2 : i32
    %mul3A_0 = arith.muli %arg1, %mul3A : i32
    %add3A = arith.addi %mul3A_0, %arg0 : i32
    "tpu.region"() ({
      %run_scoped3A = tpu.sem_alloc : memref<!tpu.dma_semaphore, #tpu.memory_space<semaphore_mem>>
      %dma_start3A = arith.constant 0 : i32
      %dma_start3A_43 = arith.constant 0 : i32
      %dma_start3A_44 = tpu.memref_slice %arg2[%add3A, %dma_start3A, %dma_start3A_43] : memref<32x125x80xi32, #tpu.memory_space<hbm>> -> memref<1x125x80xi32, #tpu.memory_space<hbm>>
      %dma_start3A_45 = tpu.memref_squeeze %dma_start3A_44 : memref<1x125x80xi32, #tpu.memory_space<hbm>> -> memref<125x80xi32, #tpu.memory_space<hbm>>
      %dma_start3A_46 = arith.constant 0 : i32
      %dma_start3A_47 = arith.constant 0 : i32
      %dma_start3A_48 = tpu.memref_slice %arg2[%add3A, %dma_start3A_46, %dma_start3A_47] : memref<32x125x80xi32, #tpu.memory_space<hbm>> -> memref<1x125x80xi32, #tpu.memory_space<hbm>>
      %dma_start3A_49 = tpu.memref_squeeze %dma_start3A_48 : memref<1x125x80xi32, #tpu.memory_space<hbm>> -> memref<125x80xi32, #tpu.memory_space<hbm>>
      tpu.enqueue_dma source(%dma_start3A_49 : memref<125x80xi32, #tpu.memory_space<hbm>>) target(%arg9 : memref<125x80xi32, #tpu.memory_space<vmem>>) target_semaphore(%run_scoped3A : memref<!tpu.dma_semaphore, #tpu.memory_space<semaphore_mem>>)
      %dma_wait3A = arith.constant 0 : i32
      %dma_wait3A_50 = arith.constant 0 : i32
      %dma_wait3A_51 = tpu.memref_slice %arg2[%add3A, %dma_wait3A, %dma_wait3A_50] : memref<32x125x80xi32, #tpu.memory_space<hbm>> -> memref<1x125x80xi32, #tpu.memory_space<hbm>>
      %dma_wait3A_52 = tpu.memref_squeeze %dma_wait3A_51 : memref<1x125x80xi32, #tpu.memory_space<hbm>> -> memref<125x80xi32, #tpu.memory_space<hbm>>
      %dma_wait3A_53 = arith.constant 0 : i32
      %dma_wait3A_54 = arith.constant 0 : i32
      %dma_wait3A_55 = tpu.memref_slice %arg2[%add3A, %dma_wait3A_53, %dma_wait3A_54] : memref<32x125x80xi32, #tpu.memory_space<hbm>> -> memref<1x125x80xi32, #tpu.memory_space<hbm>>
      %dma_wait3A_56 = tpu.memref_squeeze %dma_wait3A_55 : memref<1x125x80xi32, #tpu.memory_space<hbm>> -> memref<125x80xi32, #tpu.memory_space<hbm>>
      tpu.wait_dma2 semaphore(%run_scoped3A : memref<!tpu.dma_semaphore, #tpu.memory_space<semaphore_mem>>) src(%dma_wait3A_56 : memref<125x80xi32, #tpu.memory_space<hbm>>) dst(%arg9 : memref<125x80xi32, #tpu.memory_space<vmem>>)
      tpu.yield
    }) : () -> ()
    "tpu.region"() ({
      %run_scoped3A = tpu.sem_alloc : memref<!tpu.dma_semaphore, #tpu.memory_space<semaphore_mem>>
      %dma_start3A = arith.constant 0 : i32
      %dma_start3A_43 = arith.constant 0 : i32
      %dma_start3A_44 = tpu.memref_slice %arg3[%add3A, %dma_start3A, %dma_start3A_43] : memref<32x125x80xi32, #tpu.memory_space<hbm>> -> memref<1x125x80xi32, #tpu.memory_space<hbm>>
      %dma_start3A_45 = tpu.memref_squeeze %dma_start3A_44 : memref<1x125x80xi32, #tpu.memory_space<hbm>> -> memref<125x80xi32, #tpu.memory_space<hbm>>
      %dma_start3A_46 = arith.constant 0 : i32
      %dma_start3A_47 = arith.constant 0 : i32
      %dma_start3A_48 = tpu.memref_slice %arg3[%add3A, %dma_start3A_46, %dma_start3A_47] : memref<32x125x80xi32, #tpu.memory_space<hbm>> -> memref<1x125x80xi32, #tpu.memory_space<hbm>>
      %dma_start3A_49 = tpu.memref_squeeze %dma_start3A_48 : memref<1x125x80xi32, #tpu.memory_space<hbm>> -> memref<125x80xi32, #tpu.memory_space<hbm>>
      tpu.enqueue_dma source(%dma_start3A_49 : memref<125x80xi32, #tpu.memory_space<hbm>>) target(%arg10 : memref<125x80xi32, #tpu.memory_space<vmem>>) target_semaphore(%run_scoped3A : memref<!tpu.dma_semaphore, #tpu.memory_space<semaphore_mem>>)
      %dma_wait3A = arith.constant 0 : i32
      %dma_wait3A_50 = arith.constant 0 : i32
      %dma_wait3A_51 = tpu.memref_slice %arg3[%add3A, %dma_wait3A, %dma_wait3A_50] : memref<32x125x80xi32, #tpu.memory_space<hbm>> -> memref<1x125x80xi32, #tpu.memory_space<hbm>>
      %dma_wait3A_52 = tpu.memref_squeeze %dma_wait3A_51 : memref<1x125x80xi32, #tpu.memory_space<hbm>> -> memref<125x80xi32, #tpu.memory_space<hbm>>
      %dma_wait3A_53 = arith.constant 0 : i32
      %dma_wait3A_54 = arith.constant 0 : i32
      %dma_wait3A_55 = tpu.memref_slice %arg3[%add3A, %dma_wait3A_53, %dma_wait3A_54] : memref<32x125x80xi32, #tpu.memory_space<hbm>> -> memref<1x125x80xi32, #tpu.memory_space<hbm>>
      %dma_wait3A_56 = tpu.memref_squeeze %dma_wait3A_55 : memref<1x125x80xi32, #tpu.memory_space<hbm>> -> memref<125x80xi32, #tpu.memory_space<hbm>>
      tpu.wait_dma2 semaphore(%run_scoped3A : memref<!tpu.dma_semaphore, #tpu.memory_space<semaphore_mem>>) src(%dma_wait3A_56 : memref<125x80xi32, #tpu.memory_space<hbm>>) dst(%arg10 : memref<125x80xi32, #tpu.memory_space<vmem>>)
      tpu.yield
    }) : () -> ()
    "tpu.region"() ({
      %run_scoped3A = tpu.sem_alloc : memref<!tpu.dma_semaphore, #tpu.memory_space<semaphore_mem>>
      %dma_start3A = arith.constant 0 : i32
      %dma_start3A_43 = arith.constant 0 : i32
      %dma_start3A_44 = tpu.memref_slice %arg4[%add3A, %dma_start3A, %dma_start3A_43] : memref<32x125x80xf32, #tpu.memory_space<hbm>> -> memref<1x125x80xf32, #tpu.memory_space<hbm>>
      %dma_start3A_45 = tpu.memref_squeeze %dma_start3A_44 : memref<1x125x80xf32, #tpu.memory_space<hbm>> -> memref<125x80xf32, #tpu.memory_space<hbm>>
      %dma_start3A_46 = arith.constant 0 : i32
      %dma_start3A_47 = arith.constant 0 : i32
      %dma_start3A_48 = tpu.memref_slice %arg4[%add3A, %dma_start3A_46, %dma_start3A_47] : memref<32x125x80xf32, #tpu.memory_space<hbm>> -> memref<1x125x80xf32, #tpu.memory_space<hbm>>
      %dma_start3A_49 = tpu.memref_squeeze %dma_start3A_48 : memref<1x125x80xf32, #tpu.memory_space<hbm>> -> memref<125x80xf32, #tpu.memory_space<hbm>>
      tpu.enqueue_dma source(%dma_start3A_49 : memref<125x80xf32, #tpu.memory_space<hbm>>) target(%arg11 : memref<125x80xf32, #tpu.memory_space<vmem>>) target_semaphore(%run_scoped3A : memref<!tpu.dma_semaphore, #tpu.memory_space<semaphore_mem>>)
      %dma_wait3A = arith.constant 0 : i32
      %dma_wait3A_50 = arith.constant 0 : i32
      %dma_wait3A_51 = tpu.memref_slice %arg4[%add3A, %dma_wait3A, %dma_wait3A_50] : memref<32x125x80xf32, #tpu.memory_space<hbm>> -> memref<1x125x80xf32, #tpu.memory_space<hbm>>
      %dma_wait3A_52 = tpu.memref_squeeze %dma_wait3A_51 : memref<1x125x80xf32, #tpu.memory_space<hbm>> -> memref<125x80xf32, #tpu.memory_space<hbm>>
      %dma_wait3A_53 = arith.constant 0 : i32
      %dma_wait3A_54 = arith.constant 0 : i32
      %dma_wait3A_55 = tpu.memref_slice %arg4[%add3A, %dma_wait3A_53, %dma_wait3A_54] : memref<32x125x80xf32, #tpu.memory_space<hbm>> -> memref<1x125x80xf32, #tpu.memory_space<hbm>>
      %dma_wait3A_56 = tpu.memref_squeeze %dma_wait3A_55 : memref<1x125x80xf32, #tpu.memory_space<hbm>> -> memref<125x80xf32, #tpu.memory_space<hbm>>
      tpu.wait_dma2 semaphore(%run_scoped3A : memref<!tpu.dma_semaphore, #tpu.memory_space<semaphore_mem>>) src(%dma_wait3A_56 : memref<125x80xf32, #tpu.memory_space<hbm>>) dst(%arg11 : memref<125x80xf32, #tpu.memory_space<vmem>>)
      tpu.yield
    }) : () -> ()
    "tpu.region"() ({
      %run_scoped3A = tpu.sem_alloc : memref<!tpu.dma_semaphore, #tpu.memory_space<semaphore_mem>>
      tpu.enqueue_dma source(%arg5 : memref<80x128xf32, #tpu.memory_space<hbm>>) target(%arg12 : memref<80x128xf32, #tpu.memory_space<vmem>>) target_semaphore(%run_scoped3A : memref<!tpu.dma_semaphore, #tpu.memory_space<semaphore_mem>>)
      tpu.wait_dma2 semaphore(%run_scoped3A : memref<!tpu.dma_semaphore, #tpu.memory_space<semaphore_mem>>) src(%arg5 : memref<80x128xf32, #tpu.memory_space<hbm>>) dst(%arg12 : memref<80x128xf32, #tpu.memory_space<vmem>>)
      tpu.yield
    }) : () -> ()
    "tpu.region"() ({
      %run_scoped3A = tpu.sem_alloc : memref<!tpu.dma_semaphore, #tpu.memory_space<semaphore_mem>>
      tpu.enqueue_dma source(%arg5 : memref<80x128xf32, #tpu.memory_space<hbm>>) target(%arg13 : memref<80x128xf32, #tpu.memory_space<vmem>>) target_semaphore(%run_scoped3A : memref<!tpu.dma_semaphore, #tpu.memory_space<semaphore_mem>>)
      tpu.wait_dma2 semaphore(%run_scoped3A : memref<!tpu.dma_semaphore, #tpu.memory_space<semaphore_mem>>) src(%arg5 : memref<80x128xf32, #tpu.memory_space<hbm>>) dst(%arg13 : memref<80x128xf32, #tpu.memory_space<vmem>>)
      tpu.yield
    }) : () -> ()
    "tpu.region"() ({
      %run_scoped3A = tpu.sem_alloc : memref<!tpu.dma_semaphore, #tpu.memory_space<semaphore_mem>>
      tpu.enqueue_dma source(%arg5 : memref<80x128xf32, #tpu.memory_space<hbm>>) target(%arg14 : memref<80x128xf32, #tpu.memory_space<vmem>>) target_semaphore(%run_scoped3A : memref<!tpu.dma_semaphore, #tpu.memory_space<semaphore_mem>>)
      tpu.wait_dma2 semaphore(%run_scoped3A : memref<!tpu.dma_semaphore, #tpu.memory_space<semaphore_mem>>) src(%arg5 : memref<80x128xf32, #tpu.memory_space<hbm>>) dst(%arg14 : memref<80x128xf32, #tpu.memory_space<vmem>>)
      tpu.yield
    }) : () -> ()
    %iota3A = tpu.iota {dimensions = array<i32: 0>} : vector<16xi32>
    %add3A_1 = arith.constant 0 : i32
    %add3A_2 = vector.broadcast %add3A_1 : i32 to vector<16xi32>
    %add3A_3 = arith.addi %iota3A, %add3A_2 : vector<16xi32>
    %swap3A = arith.constant 0 : index
    %swap3A_4 = tpu.vector_load %arg15[%swap3A] {strides = array<i32>} : memref<80xi32, #tpu.memory_space<vmem>>, vector<16xi32>,
    tpu.vector_store %arg15[%swap3A], %add3A_3 {strides = array<i32>} : memref<80xi32, #tpu.memory_space<vmem>>, vector<16xi32>,
    %iota3A_5 = tpu.iota {dimensions = array<i32: 0>} : vector<16xi32>
    %add3A_6 = arith.constant 16 : i32
    %add3A_7 = vector.broadcast %add3A_6 : i32 to vector<16xi32>
    %add3A_8 = arith.addi %iota3A_5, %add3A_7 : vector<16xi32>
    %swap3A_9 = arith.constant 16 : index
    %swap3A_10 = tpu.vector_load %arg15[%swap3A_9] {strides = array<i32>} : memref<80xi32, #tpu.memory_space<vmem>>, vector<16xi32>,
    tpu.vector_store %arg15[%swap3A_9], %add3A_8 {strides = array<i32>} : memref<80xi32, #tpu.memory_space<vmem>>, vector<16xi32>,
    %iota3A_11 = tpu.iota {dimensions = array<i32: 0>} : vector<16xi32>
    %add3A_12 = arith.constant 32 : i32
    %add3A_13 = vector.broadcast %add3A_12 : i32 to vector<16xi32>
    %add3A_14 = arith.addi %iota3A_11, %add3A_13 : vector<16xi32>
    %swap3A_15 = arith.constant 32 : index
    %swap3A_16 = tpu.vector_load %arg15[%swap3A_15] {strides = array<i32>} : memref<80xi32, #tpu.memory_space<vmem>>, vector<16xi32>,
    tpu.vector_store %arg15[%swap3A_15], %add3A_14 {strides = array<i32>} : memref<80xi32, #tpu.memory_space<vmem>>, vector<16xi32>,
    %iota3A_17 = tpu.iota {dimensions = array<i32: 0>} : vector<16xi32>
    %add3A_18 = arith.constant 48 : i32
    %add3A_19 = vector.broadcast %add3A_18 : i32 to vector<16xi32>
    %add3A_20 = arith.addi %iota3A_17, %add3A_19 : vector<16xi32>
    %swap3A_21 = arith.constant 48 : index
    %swap3A_22 = tpu.vector_load %arg15[%swap3A_21] {strides = array<i32>} : memref<80xi32, #tpu.memory_space<vmem>>, vector<16xi32>,
    tpu.vector_store %arg15[%swap3A_21], %add3A_20 {strides = array<i32>} : memref<80xi32, #tpu.memory_space<vmem>>, vector<16xi32>,
    %iota3A_23 = tpu.iota {dimensions = array<i32: 0>} : vector<16xi32>
    %add3A_24 = arith.constant 64 : i32
    %add3A_25 = vector.broadcast %add3A_24 : i32 to vector<16xi32>
    %add3A_26 = arith.addi %iota3A_23, %add3A_25 : vector<16xi32>
    %swap3A_27 = arith.constant 64 : index
    %swap3A_28 = tpu.vector_load %arg15[%swap3A_27] {strides = array<i32>} : memref<80xi32, #tpu.memory_space<vmem>>, vector<16xi32>,
    tpu.vector_store %arg15[%swap3A_27], %add3A_26 {strides = array<i32>} : memref<80xi32, #tpu.memory_space<vmem>>, vector<16xi32>,
    %eq3A = arith.constant 0 : i32
    %eq3A_29 = arith.cmpi eq, %arg1, %eq3A : i32
    %convert_element_type3A = arith.extui %eq3A_29 : i1 to i32
    %cond3A = arith.constant 0 : i32
    %cond3A_30 = arith.cmpi ne, %convert_element_type3A, %cond3A : i32
    scf.if %cond3A_30 {
      "tpu.region"() ({
        %run_scoped3A = tpu.sem_alloc : memref<!tpu.dma_semaphore, #tpu.memory_space<semaphore_mem>>
        tpu.enqueue_dma source(%arg5 : memref<80x128xf32, #tpu.memory_space<hbm>>) target(%arg16 : memref<80x128xf32, #tpu.memory_space<vmem_shared>>) target_semaphore(%run_scoped3A : memref<!tpu.dma_semaphore, #tpu.memory_space<semaphore_mem>>)
        tpu.wait_dma2 semaphore(%run_scoped3A : memref<!tpu.dma_semaphore, #tpu.memory_space<semaphore_mem>>) src(%arg5 : memref<80x128xf32, #tpu.memory_space<hbm>>) dst(%arg16 : memref<80x128xf32, #tpu.memory_space<vmem_shared>>)
        tpu.yield
      }) : () -> ()
      "tpu.region"() ({
        %run_scoped3A = tpu.sem_alloc : memref<!tpu.dma_semaphore, #tpu.memory_space<semaphore_mem>>
        tpu.enqueue_dma source(%arg5 : memref<80x128xf32, #tpu.memory_space<hbm>>) target(%arg17 : memref<80x128xf32, #tpu.memory_space<vmem_shared>>) target_semaphore(%run_scoped3A : memref<!tpu.dma_semaphore, #tpu.memory_space<semaphore_mem>>)
        tpu.wait_dma2 semaphore(%run_scoped3A : memref<!tpu.dma_semaphore, #tpu.memory_space<semaphore_mem>>) src(%arg5 : memref<80x128xf32, #tpu.memory_space<hbm>>) dst(%arg17 : memref<80x128xf32, #tpu.memory_space<vmem_shared>>)
        tpu.yield
      }) : () -> ()
      "tpu.region"() ({
        %run_scoped3A = tpu.sem_alloc : memref<!tpu.dma_semaphore, #tpu.memory_space<semaphore_mem>>
        tpu.enqueue_dma source(%arg5 : memref<80x128xf32, #tpu.memory_space<hbm>>) target(%arg18 : memref<80x128xf32, #tpu.memory_space<vmem_shared>>) target_semaphore(%run_scoped3A : memref<!tpu.dma_semaphore, #tpu.memory_space<semaphore_mem>>)
        tpu.wait_dma2 semaphore(%run_scoped3A : memref<!tpu.dma_semaphore, #tpu.memory_space<semaphore_mem>>) src(%arg5 : memref<80x128xf32, #tpu.memory_space<hbm>>) dst(%arg18 : memref<80x128xf32, #tpu.memory_space<vmem_shared>>)
        tpu.yield
      }) : () -> ()
    } else {
    }
    %broadcast_in_dim3A = arith.constant 1.000000e+00 : f32
    %broadcast_in_dim3A_31 = vector.broadcast %broadcast_in_dim3A : f32 to vector<16xf32>
    %scan3A = arith.constant 0 : i32
    %scan3A_32 = arith.constant 0 : i32
    %scan3A_33 = arith.constant 125 : i32
    %scan3A_34 = arith.addi %scan3A_32, %scan3A_33 : i32
    %scan3A_35 = arith.constant 1 : i32
    scf.for %scan3A_43 = %scan3A_32 to %scan3A_34 step %scan3A_35  : i32 {
      %get3A = arith.index_cast %scan3A_43 : i32 to index
      %get3A_44 = arith.constant 0 : index
      %get3A_45 = tpu.vector_load %arg9[%get3A, %get3A_44] {strides = array<i32>} : memref<125x80xi32, #tpu.memory_space<vmem>>, vector<16xi32>,
      %get3A_46 = arith.index_cast %scan3A_43 : i32 to index
      %get3A_47 = arith.constant 0 : index
      %get3A_48 = tpu.vector_load %arg10[%get3A_46, %get3A_47] {strides = array<i32>} : memref<125x80xi32, #tpu.memory_space<vmem>>, vector<16xi32>,
      %get3A_49 = arith.index_cast %scan3A_43 : i32 to index
      %get3A_50 = arith.constant 0 : index
      %get3A_51 = tpu.vector_load %arg11[%get3A_49, %get3A_50] {strides = array<i32>} : memref<125x80xf32, #tpu.memory_space<vmem>>, vector<16xf32>,
      %shift_right_logical3A = arith.constant 7 : i32
      %shift_right_logical3A_52 = vector.broadcast %shift_right_logical3A : i32 to vector<16xi32>
      %shift_right_logical3A_53 = arith.shrui %get3A_45, %shift_right_logical3A_52 : vector<16xi32>
      %and3A = arith.constant 127 : i32
      %and3A_54 = vector.broadcast %and3A : i32 to vector<16xi32>
      %and3A_55 = arith.andi %get3A_45, %and3A_54 : vector<16xi32>
      tpu.vector_store_idx %arg12[%shift_right_logical3A_53, %and3A_55], %get3A_51 {add = true} : memref<80x128xf32, #tpu.memory_space<vmem>>[vector<16xi32>, vector<16xi32>], vector<16xf32>,
      %shift_right_logical3A_56 = arith.constant 7 : i32
      %shift_right_logical3A_57 = vector.broadcast %shift_right_logical3A_56 : i32 to vector<16xi32>
      %shift_right_logical3A_58 = arith.shrui %get3A_48, %shift_right_logical3A_57 : vector<16xi32>
      %and3A_59 = arith.constant 127 : i32
      %and3A_60 = vector.broadcast %and3A_59 : i32 to vector<16xi32>
      %and3A_61 = arith.andi %get3A_48, %and3A_60 : vector<16xi32>
      tpu.vector_store_idx %arg13[%shift_right_logical3A_58, %and3A_61], %get3A_51 {add = true} : memref<80x128xf32, #tpu.memory_space<vmem>>[vector<16xi32>, vector<16xi32>], vector<16xf32>,
      %shift_right_logical3A_62 = arith.constant 7 : i32
      %shift_right_logical3A_63 = vector.broadcast %shift_right_logical3A_62 : i32 to vector<16xi32>
      %shift_right_logical3A_64 = arith.shrui %get3A_48, %shift_right_logical3A_63 : vector<16xi32>
      %and3A_65 = arith.constant 127 : i32
      %and3A_66 = vector.broadcast %and3A_65 : i32 to vector<16xi32>
      %and3A_67 = arith.andi %get3A_48, %and3A_66 : vector<16xi32>
      tpu.vector_store_idx %arg14[%shift_right_logical3A_64, %and3A_67], %broadcast_in_dim3A_31 {add = true} : memref<80x128xf32, #tpu.memory_space<vmem>>[vector<16xi32>, vector<16xi32>], vector<16xf32>,
      %get3A_68 = arith.index_cast %scan3A_43 : i32 to index
      %get3A_69 = arith.constant 16 : index
      %get3A_70 = tpu.vector_load %arg9[%get3A_68, %get3A_69] {strides = array<i32>} : memref<125x80xi32, #tpu.memory_space<vmem>>, vector<16xi32>,
      %get3A_71 = arith.index_cast %scan3A_43 : i32 to index
      %get3A_72 = arith.constant 16 : index
      %get3A_73 = tpu.vector_load %arg10[%get3A_71, %get3A_72] {strides = array<i32>} : memref<125x80xi32, #tpu.memory_space<vmem>>, vector<16xi32>,
      %get3A_74 = arith.index_cast %scan3A_43 : i32 to index
      %get3A_75 = arith.constant 16 : index
      %get3A_76 = tpu.vector_load %arg11[%get3A_74, %get3A_75] {strides = array<i32>} : memref<125x80xf32, #tpu.memory_space<vmem>>, vector<16xf32>,
      %shift_right_logical3A_77 = arith.constant 7 : i32
      %shift_right_logical3A_78 = vector.broadcast %shift_right_logical3A_77 : i32 to vector<16xi32>
      %shift_right_logical3A_79 = arith.shrui %get3A_70, %shift_right_logical3A_78 : vector<16xi32>
      %and3A_80 = arith.constant 127 : i32
      %and3A_81 = vector.broadcast %and3A_80 : i32 to vector<16xi32>
      %and3A_82 = arith.andi %get3A_70, %and3A_81 : vector<16xi32>
      tpu.vector_store_idx %arg12[%shift_right_logical3A_79, %and3A_82], %get3A_76 {add = true} : memref<80x128xf32, #tpu.memory_space<vmem>>[vector<16xi32>, vector<16xi32>], vector<16xf32>,
      %shift_right_logical3A_83 = arith.constant 7 : i32
      %shift_right_logical3A_84 = vector.broadcast %shift_right_logical3A_83 : i32 to vector<16xi32>
      %shift_right_logical3A_85 = arith.shrui %get3A_73, %shift_right_logical3A_84 : vector<16xi32>
      %and3A_86 = arith.constant 127 : i32
      %and3A_87 = vector.broadcast %and3A_86 : i32 to vector<16xi32>
      %and3A_88 = arith.andi %get3A_73, %and3A_87 : vector<16xi32>
      tpu.vector_store_idx %arg13[%shift_right_logical3A_85, %and3A_88], %get3A_76 {add = true} : memref<80x128xf32, #tpu.memory_space<vmem>>[vector<16xi32>, vector<16xi32>], vector<16xf32>,
      %shift_right_logical3A_89 = arith.constant 7 : i32
      %shift_right_logical3A_90 = vector.broadcast %shift_right_logical3A_89 : i32 to vector<16xi32>
      %shift_right_logical3A_91 = arith.shrui %get3A_73, %shift_right_logical3A_90 : vector<16xi32>
      %and3A_92 = arith.constant 127 : i32
      %and3A_93 = vector.broadcast %and3A_92 : i32 to vector<16xi32>
      %and3A_94 = arith.andi %get3A_73, %and3A_93 : vector<16xi32>
      tpu.vector_store_idx %arg14[%shift_right_logical3A_91, %and3A_94], %broadcast_in_dim3A_31 {add = true} : memref<80x128xf32, #tpu.memory_space<vmem>>[vector<16xi32>, vector<16xi32>], vector<16xf32>,
      %get3A_95 = arith.index_cast %scan3A_43 : i32 to index
      %get3A_96 = arith.constant 32 : index
      %get3A_97 = tpu.vector_load %arg9[%get3A_95, %get3A_96] {strides = array<i32>} : memref<125x80xi32, #tpu.memory_space<vmem>>, vector<16xi32>,
      %get3A_98 = arith.index_cast %scan3A_43 : i32 to index
      %get3A_99 = arith.constant 32 : index
      %get3A_100 = tpu.vector_load %arg10[%get3A_98, %get3A_99] {strides = array<i32>} : memref<125x80xi32, #tpu.memory_space<vmem>>, vector<16xi32>,
      %get3A_101 = arith.index_cast %scan3A_43 : i32 to index
      %get3A_102 = arith.constant 32 : index
      %get3A_103 = tpu.vector_load %arg11[%get3A_101, %get3A_102] {strides = array<i32>} : memref<125x80xf32, #tpu.memory_space<vmem>>, vector<16xf32>,
      %shift_right_logical3A_104 = arith.constant 7 : i32
      %shift_right_logical3A_105 = vector.broadcast %shift_right_logical3A_104 : i32 to vector<16xi32>
      %shift_right_logical3A_106 = arith.shrui %get3A_97, %shift_right_logical3A_105 : vector<16xi32>
      %and3A_107 = arith.constant 127 : i32
      %and3A_108 = vector.broadcast %and3A_107 : i32 to vector<16xi32>
      %and3A_109 = arith.andi %get3A_97, %and3A_108 : vector<16xi32>
      tpu.vector_store_idx %arg12[%shift_right_logical3A_106, %and3A_109], %get3A_103 {add = true} : memref<80x128xf32, #tpu.memory_space<vmem>>[vector<16xi32>, vector<16xi32>], vector<16xf32>,
      %shift_right_logical3A_110 = arith.constant 7 : i32
      %shift_right_logical3A_111 = vector.broadcast %shift_right_logical3A_110 : i32 to vector<16xi32>
      %shift_right_logical3A_112 = arith.shrui %get3A_100, %shift_right_logical3A_111 : vector<16xi32>
      %and3A_113 = arith.constant 127 : i32
      %and3A_114 = vector.broadcast %and3A_113 : i32 to vector<16xi32>
      %and3A_115 = arith.andi %get3A_100, %and3A_114 : vector<16xi32>
      tpu.vector_store_idx %arg13[%shift_right_logical3A_112, %and3A_115], %get3A_103 {add = true} : memref<80x128xf32, #tpu.memory_space<vmem>>[vector<16xi32>, vector<16xi32>], vector<16xf32>,
      %shift_right_logical3A_116 = arith.constant 7 : i32
      %shift_right_logical3A_117 = vector.broadcast %shift_right_logical3A_116 : i32 to vector<16xi32>
      %shift_right_logical3A_118 = arith.shrui %get3A_100, %shift_right_logical3A_117 : vector<16xi32>
      %and3A_119 = arith.constant 127 : i32
      %and3A_120 = vector.broadcast %and3A_119 : i32 to vector<16xi32>
      %and3A_121 = arith.andi %get3A_100, %and3A_120 : vector<16xi32>
      tpu.vector_store_idx %arg14[%shift_right_logical3A_118, %and3A_121], %broadcast_in_dim3A_31 {add = true} : memref<80x128xf32, #tpu.memory_space<vmem>>[vector<16xi32>, vector<16xi32>], vector<16xf32>,
      %get3A_122 = arith.index_cast %scan3A_43 : i32 to index
      %get3A_123 = arith.constant 48 : index
      %get3A_124 = tpu.vector_load %arg9[%get3A_122, %get3A_123] {strides = array<i32>} : memref<125x80xi32, #tpu.memory_space<vmem>>, vector<16xi32>,
      %get3A_125 = arith.index_cast %scan3A_43 : i32 to index
      %get3A_126 = arith.constant 48 : index
      %get3A_127 = tpu.vector_load %arg10[%get3A_125, %get3A_126] {strides = array<i32>} : memref<125x80xi32, #tpu.memory_space<vmem>>, vector<16xi32>,
      %get3A_128 = arith.index_cast %scan3A_43 : i32 to index
      %get3A_129 = arith.constant 48 : index
      %get3A_130 = tpu.vector_load %arg11[%get3A_128, %get3A_129] {strides = array<i32>} : memref<125x80xf32, #tpu.memory_space<vmem>>, vector<16xf32>,
      %shift_right_logical3A_131 = arith.constant 7 : i32
      %shift_right_logical3A_132 = vector.broadcast %shift_right_logical3A_131 : i32 to vector<16xi32>
      %shift_right_logical3A_133 = arith.shrui %get3A_124, %shift_right_logical3A_132 : vector<16xi32>
      %and3A_134 = arith.constant 127 : i32
      %and3A_135 = vector.broadcast %and3A_134 : i32 to vector<16xi32>
      %and3A_136 = arith.andi %get3A_124, %and3A_135 : vector<16xi32>
      tpu.vector_store_idx %arg12[%shift_right_logical3A_133, %and3A_136], %get3A_130 {add = true} : memref<80x128xf32, #tpu.memory_space<vmem>>[vector<16xi32>, vector<16xi32>], vector<16xf32>,
      %shift_right_logical3A_137 = arith.constant 7 : i32
      %shift_right_logical3A_138 = vector.broadcast %shift_right_logical3A_137 : i32 to vector<16xi32>
      %shift_right_logical3A_139 = arith.shrui %get3A_127, %shift_right_logical3A_138 : vector<16xi32>
      %and3A_140 = arith.constant 127 : i32
      %and3A_141 = vector.broadcast %and3A_140 : i32 to vector<16xi32>
      %and3A_142 = arith.andi %get3A_127, %and3A_141 : vector<16xi32>
      tpu.vector_store_idx %arg13[%shift_right_logical3A_139, %and3A_142], %get3A_130 {add = true} : memref<80x128xf32, #tpu.memory_space<vmem>>[vector<16xi32>, vector<16xi32>], vector<16xf32>,
      %shift_right_logical3A_143 = arith.constant 7 : i32
      %shift_right_logical3A_144 = vector.broadcast %shift_right_logical3A_143 : i32 to vector<16xi32>
      %shift_right_logical3A_145 = arith.shrui %get3A_127, %shift_right_logical3A_144 : vector<16xi32>
      %and3A_146 = arith.constant 127 : i32
      %and3A_147 = vector.broadcast %and3A_146 : i32 to vector<16xi32>
      %and3A_148 = arith.andi %get3A_127, %and3A_147 : vector<16xi32>
      tpu.vector_store_idx %arg14[%shift_right_logical3A_145, %and3A_148], %broadcast_in_dim3A_31 {add = true} : memref<80x128xf32, #tpu.memory_space<vmem>>[vector<16xi32>, vector<16xi32>], vector<16xf32>,
      %get3A_149 = arith.index_cast %scan3A_43 : i32 to index
      %get3A_150 = arith.constant 64 : index
      %get3A_151 = tpu.vector_load %arg9[%get3A_149, %get3A_150] {strides = array<i32>} : memref<125x80xi32, #tpu.memory_space<vmem>>, vector<16xi32>,
      %get3A_152 = arith.index_cast %scan3A_43 : i32 to index
      %get3A_153 = arith.constant 64 : index
      %get3A_154 = tpu.vector_load %arg10[%get3A_152, %get3A_153] {strides = array<i32>} : memref<125x80xi32, #tpu.memory_space<vmem>>, vector<16xi32>,
      %get3A_155 = arith.index_cast %scan3A_43 : i32 to index
      %get3A_156 = arith.constant 64 : index
      %get3A_157 = tpu.vector_load %arg11[%get3A_155, %get3A_156] {strides = array<i32>} : memref<125x80xf32, #tpu.memory_space<vmem>>, vector<16xf32>,
      %shift_right_logical3A_158 = arith.constant 7 : i32
      %shift_right_logical3A_159 = vector.broadcast %shift_right_logical3A_158 : i32 to vector<16xi32>
      %shift_right_logical3A_160 = arith.shrui %get3A_151, %shift_right_logical3A_159 : vector<16xi32>
      %and3A_161 = arith.constant 127 : i32
      %and3A_162 = vector.broadcast %and3A_161 : i32 to vector<16xi32>
      %and3A_163 = arith.andi %get3A_151, %and3A_162 : vector<16xi32>
      tpu.vector_store_idx %arg12[%shift_right_logical3A_160, %and3A_163], %get3A_157 {add = true} : memref<80x128xf32, #tpu.memory_space<vmem>>[vector<16xi32>, vector<16xi32>], vector<16xf32>,
      %shift_right_logical3A_164 = arith.constant 7 : i32
      %shift_right_logical3A_165 = vector.broadcast %shift_right_logical3A_164 : i32 to vector<16xi32>
      %shift_right_logical3A_166 = arith.shrui %get3A_154, %shift_right_logical3A_165 : vector<16xi32>
      %and3A_167 = arith.constant 127 : i32
      %and3A_168 = vector.broadcast %and3A_167 : i32 to vector<16xi32>
      %and3A_169 = arith.andi %get3A_154, %and3A_168 : vector<16xi32>
      tpu.vector_store_idx %arg13[%shift_right_logical3A_166, %and3A_169], %get3A_157 {add = true} : memref<80x128xf32, #tpu.memory_space<vmem>>[vector<16xi32>, vector<16xi32>], vector<16xf32>,
      %shift_right_logical3A_170 = arith.constant 7 : i32
      %shift_right_logical3A_171 = vector.broadcast %shift_right_logical3A_170 : i32 to vector<16xi32>
      %shift_right_logical3A_172 = arith.shrui %get3A_154, %shift_right_logical3A_171 : vector<16xi32>
      %and3A_173 = arith.constant 127 : i32
      %and3A_174 = vector.broadcast %and3A_173 : i32 to vector<16xi32>
      %and3A_175 = arith.andi %get3A_154, %and3A_174 : vector<16xi32>
      tpu.vector_store_idx %arg14[%shift_right_logical3A_172, %and3A_175], %broadcast_in_dim3A_31 {add = true} : memref<80x128xf32, #tpu.memory_space<vmem>>[vector<16xi32>, vector<16xi32>], vector<16xf32>,
    }
    %scan3A_36 = arith.constant 125 : i32
    %barrier3A = arith.constant 0 : index
    tpu.barrier barrier_id(%barrier3A)
    "tpu.region"() ({
      %run_scoped3A = tpu.sem_alloc : memref<!tpu.dma_semaphore, #tpu.memory_space<semaphore_mem>>
      %dma_start3A = arith.constant 0 : i32
      %dma_start3A_43 = arith.constant 0 : i32
      %dma_start3A_44 = tpu.memref_slice %arg16[%dma_start3A, %dma_start3A_43] : memref<80x128xf32, #tpu.memory_space<vmem_shared>> -> memref<80x128xf32, #tpu.memory_space<vmem_shared>>
      tpu.enqueue_indirect_dma source(%arg12 : memref<80x128xf32, #tpu.memory_space<vmem>>) target(%dma_start3A_44 : memref<80x128xf32, #tpu.memory_space<vmem_shared>>) offsets(%arg15 : memref<80xi32, #tpu.memory_space<vmem>>) semaphore(%run_scoped3A : memref<!tpu.dma_semaphore, #tpu.memory_space<semaphore_mem>>) {add = true}
      %dma_wait3A = arith.constant 0 : i32
      %dma_wait3A_45 = arith.constant 0 : i32
      %dma_wait3A_46 = tpu.memref_slice %arg16[%dma_wait3A, %dma_wait3A_45] : memref<80x128xf32, #tpu.memory_space<vmem_shared>> -> memref<80x128xf32, #tpu.memory_space<vmem_shared>>
      tpu.wait_indirect_dma semaphore(%run_scoped3A : memref<!tpu.dma_semaphore, #tpu.memory_space<semaphore_mem>>) src(%arg12 : memref<80x128xf32, #tpu.memory_space<vmem>>) dst(%dma_wait3A_46 : memref<80x128xf32, #tpu.memory_space<vmem_shared>>)
      tpu.yield
    }) : () -> ()
    "tpu.region"() ({
      %run_scoped3A = tpu.sem_alloc : memref<!tpu.dma_semaphore, #tpu.memory_space<semaphore_mem>>
      %dma_start3A = arith.constant 0 : i32
      %dma_start3A_43 = arith.constant 0 : i32
      %dma_start3A_44 = tpu.memref_slice %arg17[%dma_start3A, %dma_start3A_43] : memref<80x128xf32, #tpu.memory_space<vmem_shared>> -> memref<80x128xf32, #tpu.memory_space<vmem_shared>>
      tpu.enqueue_indirect_dma source(%arg13 : memref<80x128xf32, #tpu.memory_space<vmem>>) target(%dma_start3A_44 : memref<80x128xf32, #tpu.memory_space<vmem_shared>>) offsets(%arg15 : memref<80xi32, #tpu.memory_space<vmem>>) semaphore(%run_scoped3A : memref<!tpu.dma_semaphore, #tpu.memory_space<semaphore_mem>>) {add = true}
      %dma_wait3A = arith.constant 0 : i32
      %dma_wait3A_45 = arith.constant 0 : i32
      %dma_wait3A_46 = tpu.memref_slice %arg17[%dma_wait3A, %dma_wait3A_45] : memref<80x128xf32, #tpu.memory_space<vmem_shared>> -> memref<80x128xf32, #tpu.memory_space<vmem_shared>>
      tpu.wait_indirect_dma semaphore(%run_scoped3A : memref<!tpu.dma_semaphore, #tpu.memory_space<semaphore_mem>>) src(%arg13 : memref<80x128xf32, #tpu.memory_space<vmem>>) dst(%dma_wait3A_46 : memref<80x128xf32, #tpu.memory_space<vmem_shared>>)
      tpu.yield
    }) : () -> ()
    "tpu.region"() ({
      %run_scoped3A = tpu.sem_alloc : memref<!tpu.dma_semaphore, #tpu.memory_space<semaphore_mem>>
      %dma_start3A = arith.constant 0 : i32
      %dma_start3A_43 = arith.constant 0 : i32
      %dma_start3A_44 = tpu.memref_slice %arg18[%dma_start3A, %dma_start3A_43] : memref<80x128xf32, #tpu.memory_space<vmem_shared>> -> memref<80x128xf32, #tpu.memory_space<vmem_shared>>
      tpu.enqueue_indirect_dma source(%arg14 : memref<80x128xf32, #tpu.memory_space<vmem>>) target(%dma_start3A_44 : memref<80x128xf32, #tpu.memory_space<vmem_shared>>) offsets(%arg15 : memref<80xi32, #tpu.memory_space<vmem>>) semaphore(%run_scoped3A : memref<!tpu.dma_semaphore, #tpu.memory_space<semaphore_mem>>) {add = true}
      %dma_wait3A = arith.constant 0 : i32
      %dma_wait3A_45 = arith.constant 0 : i32
      %dma_wait3A_46 = tpu.memref_slice %arg18[%dma_wait3A, %dma_wait3A_45] : memref<80x128xf32, #tpu.memory_space<vmem_shared>> -> memref<80x128xf32, #tpu.memory_space<vmem_shared>>
      tpu.wait_indirect_dma semaphore(%run_scoped3A : memref<!tpu.dma_semaphore, #tpu.memory_space<semaphore_mem>>) src(%arg14 : memref<80x128xf32, #tpu.memory_space<vmem>>) dst(%dma_wait3A_46 : memref<80x128xf32, #tpu.memory_space<vmem_shared>>)
      tpu.yield
    }) : () -> ()
    %barrier3A_37 = arith.constant 0 : index
    tpu.barrier barrier_id(%barrier3A_37)
    %eq3A_38 = arith.constant 0 : i32
    %eq3A_39 = arith.cmpi eq, %arg1, %eq3A_38 : i32
    %convert_element_type3A_40 = arith.extui %eq3A_39 : i1 to i32
    %cond3A_41 = arith.constant 0 : i32
    %cond3A_42 = arith.cmpi ne, %convert_element_type3A_40, %cond3A_41 : i32
    scf.if %cond3A_42 {
      "tpu.region"() ({
        %run_scoped3A = tpu.sem_alloc : memref<!tpu.dma_semaphore, #tpu.memory_space<semaphore_mem>>
        %dma_start3A = arith.constant 0 : i32
        %dma_start3A_43 = arith.constant 0 : i32
        %dma_start3A_44 = tpu.memref_slice %arg6[%arg0, %dma_start3A, %dma_start3A_43] : memref<2x80x128xf32, #tpu.memory_space<hbm>> -> memref<1x80x128xf32, #tpu.memory_space<hbm>>
        %dma_start3A_45 = tpu.memref_squeeze %dma_start3A_44 : memref<1x80x128xf32, #tpu.memory_space<hbm>> -> memref<80x128xf32, #tpu.memory_space<hbm>>
        tpu.enqueue_dma source(%arg16 : memref<80x128xf32, #tpu.memory_space<vmem_shared>>) target(%dma_start3A_45 : memref<80x128xf32, #tpu.memory_space<hbm>>) target_semaphore(%run_scoped3A : memref<!tpu.dma_semaphore, #tpu.memory_space<semaphore_mem>>)
        %dma_wait3A = arith.constant 0 : i32
        %dma_wait3A_46 = arith.constant 0 : i32
        %dma_wait3A_47 = tpu.memref_slice %arg6[%arg0, %dma_wait3A, %dma_wait3A_46] : memref<2x80x128xf32, #tpu.memory_space<hbm>> -> memref<1x80x128xf32, #tpu.memory_space<hbm>>
        %dma_wait3A_48 = tpu.memref_squeeze %dma_wait3A_47 : memref<1x80x128xf32, #tpu.memory_space<hbm>> -> memref<80x128xf32, #tpu.memory_space<hbm>>
        tpu.wait_dma2 semaphore(%run_scoped3A : memref<!tpu.dma_semaphore, #tpu.memory_space<semaphore_mem>>) src(%arg16 : memref<80x128xf32, #tpu.memory_space<vmem_shared>>) dst(%dma_wait3A_48 : memref<80x128xf32, #tpu.memory_space<hbm>>)
        tpu.yield
      }) : () -> ()
      "tpu.region"() ({
        %run_scoped3A = tpu.sem_alloc : memref<!tpu.dma_semaphore, #tpu.memory_space<semaphore_mem>>
        %dma_start3A = arith.constant 0 : i32
        %dma_start3A_43 = arith.constant 0 : i32
        %dma_start3A_44 = tpu.memref_slice %arg7[%arg0, %dma_start3A, %dma_start3A_43] : memref<2x80x128xf32, #tpu.memory_space<hbm>> -> memref<1x80x128xf32, #tpu.memory_space<hbm>>
        %dma_start3A_45 = tpu.memref_squeeze %dma_start3A_44 : memref<1x80x128xf32, #tpu.memory_space<hbm>> -> memref<80x128xf32, #tpu.memory_space<hbm>>
        tpu.enqueue_dma source(%arg17 : memref<80x128xf32, #tpu.memory_space<vmem_shared>>) target(%dma_start3A_45 : memref<80x128xf32, #tpu.memory_space<hbm>>) target_semaphore(%run_scoped3A : memref<!tpu.dma_semaphore, #tpu.memory_space<semaphore_mem>>)
        %dma_wait3A = arith.constant 0 : i32
        %dma_wait3A_46 = arith.constant 0 : i32
        %dma_wait3A_47 = tpu.memref_slice %arg7[%arg0, %dma_wait3A, %dma_wait3A_46] : memref<2x80x128xf32, #tpu.memory_space<hbm>> -> memref<1x80x128xf32, #tpu.memory_space<hbm>>
        %dma_wait3A_48 = tpu.memref_squeeze %dma_wait3A_47 : memref<1x80x128xf32, #tpu.memory_space<hbm>> -> memref<80x128xf32, #tpu.memory_space<hbm>>
        tpu.wait_dma2 semaphore(%run_scoped3A : memref<!tpu.dma_semaphore, #tpu.memory_space<semaphore_mem>>) src(%arg17 : memref<80x128xf32, #tpu.memory_space<vmem_shared>>) dst(%dma_wait3A_48 : memref<80x128xf32, #tpu.memory_space<hbm>>)
        tpu.yield
      }) : () -> ()
      "tpu.region"() ({
        %run_scoped3A = tpu.sem_alloc : memref<!tpu.dma_semaphore, #tpu.memory_space<semaphore_mem>>
        %dma_start3A = arith.constant 0 : i32
        %dma_start3A_43 = arith.constant 0 : i32
        %dma_start3A_44 = tpu.memref_slice %arg8[%arg0, %dma_start3A, %dma_start3A_43] : memref<2x80x128xf32, #tpu.memory_space<hbm>> -> memref<1x80x128xf32, #tpu.memory_space<hbm>>
        %dma_start3A_45 = tpu.memref_squeeze %dma_start3A_44 : memref<1x80x128xf32, #tpu.memory_space<hbm>> -> memref<80x128xf32, #tpu.memory_space<hbm>>
        tpu.enqueue_dma source(%arg18 : memref<80x128xf32, #tpu.memory_space<vmem_shared>>) target(%dma_start3A_45 : memref<80x128xf32, #tpu.memory_space<hbm>>) target_semaphore(%run_scoped3A : memref<!tpu.dma_semaphore, #tpu.memory_space<semaphore_mem>>)
        %dma_wait3A = arith.constant 0 : i32
        %dma_wait3A_46 = arith.constant 0 : i32
        %dma_wait3A_47 = tpu.memref_slice %arg8[%arg0, %dma_wait3A, %dma_wait3A_46] : memref<2x80x128xf32, #tpu.memory_space<hbm>> -> memref<1x80x128xf32, #tpu.memory_space<hbm>>
        %dma_wait3A_48 = tpu.memref_squeeze %dma_wait3A_47 : memref<1x80x128xf32, #tpu.memory_space<hbm>> -> memref<80x128xf32, #tpu.memory_space<hbm>>
        tpu.wait_dma2 semaphore(%run_scoped3A : memref<!tpu.dma_semaphore, #tpu.memory_space<semaphore_mem>>) src(%arg18 : memref<80x128xf32, #tpu.memory_space<vmem_shared>>) dst(%dma_wait3A_48 : memref<80x128xf32, #tpu.memory_space<hbm>>)
        tpu.yield
      }) : () -> ()
    } else {
    }
    return
  }
}

#map = affine_map<(d0, d1) -> (0, 0)>
#map1 = affine_map<(d0, d1) -> (0, 0, 0)>
module attributes {stable_mosaic.version = 14 : i64} {
  func.func @_gcn_kernel(%arg0: i32, %arg1: i32, %arg2: memref<10000x128xf32, #tpu.memory_space<hbm>>, %arg3: memref<160x25x80xi32, #tpu.memory_space<hbm>>, %arg4: memref<160x25x80xi32, #tpu.memory_space<hbm>>, %arg5: memref<10240x128xf32, #tpu.memory_space<hbm>>, %arg6: memref<2x10240x128xf32, #tpu.memory_space<hbm>>, %arg7: memref<25x80xi32, #tpu.memory_space<vmem>>, %arg8: memref<25x80xi32, #tpu.memory_space<vmem>>, %arg9: memref<80x128xf32, #tpu.memory_space<vmem>>, %arg10: memref<80x128xf32, #tpu.memory_space<vmem>>, %arg11: memref<10240x128xf32, #tpu.memory_space<vmem_shared>>, %arg12: memref<!tpu.dma_semaphore, #tpu.memory_space<semaphore_mem>>, %arg13: memref<!tpu.dma_semaphore, #tpu.memory_space<semaphore_mem>>, %arg14: memref<!tpu.dma_semaphore, #tpu.memory_space<semaphore_mem>>, %arg15: memref<!tpu.dma_semaphore, #tpu.memory_space<semaphore_mem>>) attributes {dimension_semantics = [#tpu.dimension_semantics<core_parallel>, #tpu.dimension_semantics<subcore_parallel>], iteration_bounds = array<i64: 2, 16>, scalar_prefetch = 0 : i64, scratch_operands = 9 : i64, tpu.core_type = #tpu.core_type<sc_vector_subcore>, window_params = [{transform_indices = #map}, {transform_indices = #map1}, {transform_indices = #map1}, {transform_indices = #map}, {transform_indices = #map1}]} {
    %mul3A = arith.constant 640 : i32
    %mul3A_0 = arith.muli %arg1, %mul3A : i32
    "tpu.region"() ({
      %run_scoped3A = tpu.sem_alloc : memref<!tpu.dma_semaphore, #tpu.memory_space<semaphore_mem>>
      %dma_start3A = arith.constant 0 : i32
      %dma_start3A_7 = tpu.memref_slice %arg11[%mul3A_0, %dma_start3A] : memref<10240x128xf32, #tpu.memory_space<vmem_shared>> -> memref<640x128xf32, #tpu.memory_space<vmem_shared>>
      %dma_start3A_8 = arith.constant 0 : i32
      %dma_start3A_9 = tpu.memref_slice %arg5[%mul3A_0, %dma_start3A_8] : memref<10240x128xf32, #tpu.memory_space<hbm>> -> memref<640x128xf32, #tpu.memory_space<hbm>>
      tpu.enqueue_dma source(%dma_start3A_9 : memref<640x128xf32, #tpu.memory_space<hbm>>) target(%dma_start3A_7 : memref<640x128xf32, #tpu.memory_space<vmem_shared>>) target_semaphore(%run_scoped3A : memref<!tpu.dma_semaphore, #tpu.memory_space<semaphore_mem>>)
      %dma_wait3A = arith.constant 0 : i32
      %dma_wait3A_10 = tpu.memref_slice %arg11[%mul3A_0, %dma_wait3A] : memref<10240x128xf32, #tpu.memory_space<vmem_shared>> -> memref<640x128xf32, #tpu.memory_space<vmem_shared>>
      %dma_wait3A_11 = arith.constant 0 : i32
      %dma_wait3A_12 = tpu.memref_slice %arg5[%mul3A_0, %dma_wait3A_11] : memref<10240x128xf32, #tpu.memory_space<hbm>> -> memref<640x128xf32, #tpu.memory_space<hbm>>
      tpu.wait_dma2 semaphore(%run_scoped3A : memref<!tpu.dma_semaphore, #tpu.memory_space<semaphore_mem>>) src(%dma_wait3A_12 : memref<640x128xf32, #tpu.memory_space<hbm>>) dst(%dma_wait3A_10 : memref<640x128xf32, #tpu.memory_space<vmem_shared>>)
      tpu.yield
    }) : () -> ()
    %barrier3A = arith.constant 0 : index
    tpu.barrier barrier_id(%barrier3A)
    %scan3A = arith.constant 0 : i32
    %scan3A_1 = arith.constant 0 : i32
    %scan3A_2 = arith.constant 5 : i32
    %scan3A_3 = arith.addi %scan3A_1, %scan3A_2 : i32
    %scan3A_4 = arith.constant 1 : i32
    scf.for %scan3A_7 = %scan3A_1 to %scan3A_3 step %scan3A_4  : i32 {
      %mul3A_8 = arith.constant 2 : i32
      %mul3A_9 = arith.muli %arg1, %mul3A_8 : i32
      %add3A = arith.addi %mul3A_9, %arg0 : i32
      %mul3A_10 = arith.constant 5 : i32
      %mul3A_11 = arith.muli %add3A, %mul3A_10 : i32
      %add3A_12 = arith.addi %mul3A_11, %scan3A_7 : i32
      "tpu.region"() ({
        %run_scoped3A = tpu.sem_alloc : memref<!tpu.dma_semaphore, #tpu.memory_space<semaphore_mem>>
        %dma_start3A_78 = arith.constant 0 : i32
        %dma_start3A_79 = arith.constant 0 : i32
        %dma_start3A_80 = tpu.memref_slice %arg3[%add3A_12, %dma_start3A_78, %dma_start3A_79] : memref<160x25x80xi32, #tpu.memory_space<hbm>> -> memref<1x25x80xi32, #tpu.memory_space<hbm>>
        %dma_start3A_81 = tpu.memref_squeeze %dma_start3A_80 : memref<1x25x80xi32, #tpu.memory_space<hbm>> -> memref<25x80xi32, #tpu.memory_space<hbm>>
        %dma_start3A_82 = arith.constant 0 : i32
        %dma_start3A_83 = arith.constant 0 : i32
        %dma_start3A_84 = tpu.memref_slice %arg3[%add3A_12, %dma_start3A_82, %dma_start3A_83] : memref<160x25x80xi32, #tpu.memory_space<hbm>> -> memref<1x25x80xi32, #tpu.memory_space<hbm>>
        %dma_start3A_85 = tpu.memref_squeeze %dma_start3A_84 : memref<1x25x80xi32, #tpu.memory_space<hbm>> -> memref<25x80xi32, #tpu.memory_space<hbm>>
        tpu.enqueue_dma source(%dma_start3A_85 : memref<25x80xi32, #tpu.memory_space<hbm>>) target(%arg7 : memref<25x80xi32, #tpu.memory_space<vmem>>) target_semaphore(%run_scoped3A : memref<!tpu.dma_semaphore, #tpu.memory_space<semaphore_mem>>)
        %dma_wait3A_86 = arith.constant 0 : i32
        %dma_wait3A_87 = arith.constant 0 : i32
        %dma_wait3A_88 = tpu.memref_slice %arg3[%add3A_12, %dma_wait3A_86, %dma_wait3A_87] : memref<160x25x80xi32, #tpu.memory_space<hbm>> -> memref<1x25x80xi32, #tpu.memory_space<hbm>>
        %dma_wait3A_89 = tpu.memref_squeeze %dma_wait3A_88 : memref<1x25x80xi32, #tpu.memory_space<hbm>> -> memref<25x80xi32, #tpu.memory_space<hbm>>
        %dma_wait3A_90 = arith.constant 0 : i32
        %dma_wait3A_91 = arith.constant 0 : i32
        %dma_wait3A_92 = tpu.memref_slice %arg3[%add3A_12, %dma_wait3A_90, %dma_wait3A_91] : memref<160x25x80xi32, #tpu.memory_space<hbm>> -> memref<1x25x80xi32, #tpu.memory_space<hbm>>
        %dma_wait3A_93 = tpu.memref_squeeze %dma_wait3A_92 : memref<1x25x80xi32, #tpu.memory_space<hbm>> -> memref<25x80xi32, #tpu.memory_space<hbm>>
        tpu.wait_dma2 semaphore(%run_scoped3A : memref<!tpu.dma_semaphore, #tpu.memory_space<semaphore_mem>>) src(%dma_wait3A_93 : memref<25x80xi32, #tpu.memory_space<hbm>>) dst(%arg7 : memref<25x80xi32, #tpu.memory_space<vmem>>)
        tpu.yield
      }) : () -> ()
      "tpu.region"() ({
        %run_scoped3A = tpu.sem_alloc : memref<!tpu.dma_semaphore, #tpu.memory_space<semaphore_mem>>
        %dma_start3A_78 = arith.constant 0 : i32
        %dma_start3A_79 = arith.constant 0 : i32
        %dma_start3A_80 = tpu.memref_slice %arg4[%add3A_12, %dma_start3A_78, %dma_start3A_79] : memref<160x25x80xi32, #tpu.memory_space<hbm>> -> memref<1x25x80xi32, #tpu.memory_space<hbm>>
        %dma_start3A_81 = tpu.memref_squeeze %dma_start3A_80 : memref<1x25x80xi32, #tpu.memory_space<hbm>> -> memref<25x80xi32, #tpu.memory_space<hbm>>
        %dma_start3A_82 = arith.constant 0 : i32
        %dma_start3A_83 = arith.constant 0 : i32
        %dma_start3A_84 = tpu.memref_slice %arg4[%add3A_12, %dma_start3A_82, %dma_start3A_83] : memref<160x25x80xi32, #tpu.memory_space<hbm>> -> memref<1x25x80xi32, #tpu.memory_space<hbm>>
        %dma_start3A_85 = tpu.memref_squeeze %dma_start3A_84 : memref<1x25x80xi32, #tpu.memory_space<hbm>> -> memref<25x80xi32, #tpu.memory_space<hbm>>
        tpu.enqueue_dma source(%dma_start3A_85 : memref<25x80xi32, #tpu.memory_space<hbm>>) target(%arg8 : memref<25x80xi32, #tpu.memory_space<vmem>>) target_semaphore(%run_scoped3A : memref<!tpu.dma_semaphore, #tpu.memory_space<semaphore_mem>>)
        %dma_wait3A_86 = arith.constant 0 : i32
        %dma_wait3A_87 = arith.constant 0 : i32
        %dma_wait3A_88 = tpu.memref_slice %arg4[%add3A_12, %dma_wait3A_86, %dma_wait3A_87] : memref<160x25x80xi32, #tpu.memory_space<hbm>> -> memref<1x25x80xi32, #tpu.memory_space<hbm>>
        %dma_wait3A_89 = tpu.memref_squeeze %dma_wait3A_88 : memref<1x25x80xi32, #tpu.memory_space<hbm>> -> memref<25x80xi32, #tpu.memory_space<hbm>>
        %dma_wait3A_90 = arith.constant 0 : i32
        %dma_wait3A_91 = arith.constant 0 : i32
        %dma_wait3A_92 = tpu.memref_slice %arg4[%add3A_12, %dma_wait3A_90, %dma_wait3A_91] : memref<160x25x80xi32, #tpu.memory_space<hbm>> -> memref<1x25x80xi32, #tpu.memory_space<hbm>>
        %dma_wait3A_93 = tpu.memref_squeeze %dma_wait3A_92 : memref<1x25x80xi32, #tpu.memory_space<hbm>> -> memref<25x80xi32, #tpu.memory_space<hbm>>
        tpu.wait_dma2 semaphore(%run_scoped3A : memref<!tpu.dma_semaphore, #tpu.memory_space<semaphore_mem>>) src(%dma_wait3A_93 : memref<25x80xi32, #tpu.memory_space<hbm>>) dst(%arg8 : memref<25x80xi32, #tpu.memory_space<vmem>>)
        tpu.yield
      }) : () -> ()
      %dma_start3A = arith.constant 0 : i32
      %dma_start3A_13 = arith.constant 0 : i32
      %dma_start3A_14 = arith.constant 0 : i32
      %dma_start3A_15 = tpu.memref_slice %arg9[%dma_start3A_13, %dma_start3A_14] : memref<80x128xf32, #tpu.memory_space<vmem>> -> memref<40x128xf32, #tpu.memory_space<vmem>>
      %dma_start3A_16 = arith.constant 0 : i32
      %dma_start3A_17 = tpu.memref_slice %arg7[%dma_start3A, %dma_start3A_16] : memref<25x80xi32, #tpu.memory_space<vmem>> -> memref<1x40xi32, #tpu.memory_space<vmem>>
      %dma_start3A_18 = tpu.memref_squeeze %dma_start3A_17 : memref<1x40xi32, #tpu.memory_space<vmem>> -> memref<40xi32, #tpu.memory_space<vmem>>
      %dma_start3A_19 = arith.constant 0 : i32
      %dma_start3A_20 = arith.constant 0 : i32
      %dma_start3A_21 = tpu.memref_slice %arg2[%dma_start3A_19, %dma_start3A_20] : memref<10000x128xf32, #tpu.memory_space<hbm>> -> memref<10000x128xf32, #tpu.memory_space<hbm>>
      tpu.enqueue_indirect_dma source(%dma_start3A_21 : memref<10000x128xf32, #tpu.memory_space<hbm>>) target(%dma_start3A_15 : memref<40x128xf32, #tpu.memory_space<vmem>>) offsets(%dma_start3A_18 : memref<40xi32, #tpu.memory_space<vmem>>) semaphore(%arg12 : memref<!tpu.dma_semaphore, #tpu.memory_space<semaphore_mem>>)
      %dma_start3A_22 = arith.constant 0 : i32
      %dma_start3A_23 = arith.constant 40 : i32
      %dma_start3A_24 = arith.constant 0 : i32
      %dma_start3A_25 = tpu.memref_slice %arg9[%dma_start3A_23, %dma_start3A_24] : memref<80x128xf32, #tpu.memory_space<vmem>> -> memref<40x128xf32, #tpu.memory_space<vmem>>
      %dma_start3A_26 = arith.constant 40 : i32
      %dma_start3A_27 = tpu.memref_slice %arg7[%dma_start3A_22, %dma_start3A_26] : memref<25x80xi32, #tpu.memory_space<vmem>> -> memref<1x40xi32, #tpu.memory_space<vmem>>
      %dma_start3A_28 = tpu.memref_squeeze %dma_start3A_27 : memref<1x40xi32, #tpu.memory_space<vmem>> -> memref<40xi32, #tpu.memory_space<vmem>>
      %dma_start3A_29 = arith.constant 0 : i32
      %dma_start3A_30 = arith.constant 0 : i32
      %dma_start3A_31 = tpu.memref_slice %arg2[%dma_start3A_29, %dma_start3A_30] : memref<10000x128xf32, #tpu.memory_space<hbm>> -> memref<10000x128xf32, #tpu.memory_space<hbm>>
      tpu.enqueue_indirect_dma source(%dma_start3A_31 : memref<10000x128xf32, #tpu.memory_space<hbm>>) target(%dma_start3A_25 : memref<40x128xf32, #tpu.memory_space<vmem>>) offsets(%dma_start3A_28 : memref<40xi32, #tpu.memory_space<vmem>>) semaphore(%arg12 : memref<!tpu.dma_semaphore, #tpu.memory_space<semaphore_mem>>)
      %scan3A_32 = arith.constant 0 : i32
      %scan3A_33 = arith.constant 0 : i32
      %scan3A_34 = arith.constant 12 : i32
      %scan3A_35 = arith.addi %scan3A_33, %scan3A_34 : i32
      %scan3A_36 = arith.constant 1 : i32
      scf.for %scan3A_78 = %scan3A_33 to %scan3A_35 step %scan3A_36  : i32 {
        %mul3A_79 = arith.constant 2 : i32
        %mul3A_80 = arith.muli %mul3A_79, %scan3A_78 : i32
        %add3A_81 = arith.constant 0 : i32
        %add3A_82 = arith.addi %mul3A_80, %add3A_81 : i32
        %ge3A = arith.constant 1 : i32
        %ge3A_83 = arith.cmpi sge, %add3A_82, %ge3A : i32
        %convert_element_type3A = arith.extui %ge3A_83 : i1 to i32
        %cond3A = arith.constant 0 : i32
        %cond3A_84 = arith.cmpi ne, %convert_element_type3A, %cond3A : i32
        scf.if %cond3A_84 {
          %dma_wait3A_182 = arith.constant 0 : i32
          %dma_wait3A_183 = tpu.memref_slice %arg8[%add3A_82, %dma_wait3A_182] : memref<25x80xi32, #tpu.memory_space<vmem>> -> memref<1x80xi32, #tpu.memory_space<vmem>>
          %dma_wait3A_184 = tpu.memref_squeeze %dma_wait3A_183 : memref<1x80xi32, #tpu.memory_space<vmem>> -> memref<80xi32, #tpu.memory_space<vmem>>
          %dma_wait3A_185 = arith.constant 0 : i32
          %dma_wait3A_186 = arith.constant 0 : i32
          %dma_wait3A_187 = tpu.memref_slice %arg11[%dma_wait3A_185, %dma_wait3A_186] : memref<10240x128xf32, #tpu.memory_space<vmem_shared>> -> memref<10240x128xf32, #tpu.memory_space<vmem_shared>>
          tpu.wait_indirect_dma semaphore(%arg15 : memref<!tpu.dma_semaphore, #tpu.memory_space<semaphore_mem>>) src(%arg10 : memref<80x128xf32, #tpu.memory_space<vmem>>) dst(%dma_wait3A_187 : memref<10240x128xf32, #tpu.memory_space<vmem_shared>>)
        } else {
        }
        %add3A_85 = arith.constant 1 : i32
        %add3A_86 = arith.addi %add3A_82, %add3A_85 : i32
        %dma_start3A_87 = arith.constant 0 : i32
        %dma_start3A_88 = arith.constant 0 : i32
        %dma_start3A_89 = tpu.memref_slice %arg10[%dma_start3A_87, %dma_start3A_88] : memref<80x128xf32, #tpu.memory_space<vmem>> -> memref<40x128xf32, #tpu.memory_space<vmem>>
        %dma_start3A_90 = arith.constant 0 : i32
        %dma_start3A_91 = tpu.memref_slice %arg7[%add3A_86, %dma_start3A_90] : memref<25x80xi32, #tpu.memory_space<vmem>> -> memref<1x40xi32, #tpu.memory_space<vmem>>
        %dma_start3A_92 = tpu.memref_squeeze %dma_start3A_91 : memref<1x40xi32, #tpu.memory_space<vmem>> -> memref<40xi32, #tpu.memory_space<vmem>>
        %dma_start3A_93 = arith.constant 0 : i32
        %dma_start3A_94 = arith.constant 0 : i32
        %dma_start3A_95 = tpu.memref_slice %arg2[%dma_start3A_93, %dma_start3A_94] : memref<10000x128xf32, #tpu.memory_space<hbm>> -> memref<10000x128xf32, #tpu.memory_space<hbm>>
        tpu.enqueue_indirect_dma source(%dma_start3A_95 : memref<10000x128xf32, #tpu.memory_space<hbm>>) target(%dma_start3A_89 : memref<40x128xf32, #tpu.memory_space<vmem>>) offsets(%dma_start3A_92 : memref<40xi32, #tpu.memory_space<vmem>>) semaphore(%arg13 : memref<!tpu.dma_semaphore, #tpu.memory_space<semaphore_mem>>)
        %dma_start3A_96 = arith.constant 40 : i32
        %dma_start3A_97 = arith.constant 0 : i32
        %dma_start3A_98 = tpu.memref_slice %arg10[%dma_start3A_96, %dma_start3A_97] : memref<80x128xf32, #tpu.memory_space<vmem>> -> memref<40x128xf32, #tpu.memory_space<vmem>>
        %dma_start3A_99 = arith.constant 40 : i32
        %dma_start3A_100 = tpu.memref_slice %arg7[%add3A_86, %dma_start3A_99] : memref<25x80xi32, #tpu.memory_space<vmem>> -> memref<1x40xi32, #tpu.memory_space<vmem>>
        %dma_start3A_101 = tpu.memref_squeeze %dma_start3A_100 : memref<1x40xi32, #tpu.memory_space<vmem>> -> memref<40xi32, #tpu.memory_space<vmem>>
        %dma_start3A_102 = arith.constant 0 : i32
        %dma_start3A_103 = arith.constant 0 : i32
        %dma_start3A_104 = tpu.memref_slice %arg2[%dma_start3A_102, %dma_start3A_103] : memref<10000x128xf32, #tpu.memory_space<hbm>> -> memref<10000x128xf32, #tpu.memory_space<hbm>>
        tpu.enqueue_indirect_dma source(%dma_start3A_104 : memref<10000x128xf32, #tpu.memory_space<hbm>>) target(%dma_start3A_98 : memref<40x128xf32, #tpu.memory_space<vmem>>) offsets(%dma_start3A_101 : memref<40xi32, #tpu.memory_space<vmem>>) semaphore(%arg13 : memref<!tpu.dma_semaphore, #tpu.memory_space<semaphore_mem>>)
        %dma_wait3A_105 = arith.constant 0 : i32
        %dma_wait3A_106 = arith.constant 0 : i32
        %dma_wait3A_107 = tpu.memref_slice %arg9[%dma_wait3A_105, %dma_wait3A_106] : memref<80x128xf32, #tpu.memory_space<vmem>> -> memref<40x128xf32, #tpu.memory_space<vmem>>
        %dma_wait3A_108 = arith.constant 0 : i32
        %dma_wait3A_109 = tpu.memref_slice %arg7[%add3A_82, %dma_wait3A_108] : memref<25x80xi32, #tpu.memory_space<vmem>> -> memref<1x40xi32, #tpu.memory_space<vmem>>
        %dma_wait3A_110 = tpu.memref_squeeze %dma_wait3A_109 : memref<1x40xi32, #tpu.memory_space<vmem>> -> memref<40xi32, #tpu.memory_space<vmem>>
        %dma_wait3A_111 = arith.constant 0 : i32
        %dma_wait3A_112 = arith.constant 0 : i32
        %dma_wait3A_113 = tpu.memref_slice %arg2[%dma_wait3A_111, %dma_wait3A_112] : memref<10000x128xf32, #tpu.memory_space<hbm>> -> memref<10000x128xf32, #tpu.memory_space<hbm>>
        tpu.wait_indirect_dma semaphore(%arg12 : memref<!tpu.dma_semaphore, #tpu.memory_space<semaphore_mem>>) src(%dma_wait3A_113 : memref<10000x128xf32, #tpu.memory_space<hbm>>) dst(%dma_wait3A_107 : memref<40x128xf32, #tpu.memory_space<vmem>>)
        %dma_wait3A_114 = arith.constant 40 : i32
        %dma_wait3A_115 = arith.constant 0 : i32
        %dma_wait3A_116 = tpu.memref_slice %arg9[%dma_wait3A_114, %dma_wait3A_115] : memref<80x128xf32, #tpu.memory_space<vmem>> -> memref<40x128xf32, #tpu.memory_space<vmem>>
        %dma_wait3A_117 = arith.constant 40 : i32
        %dma_wait3A_118 = tpu.memref_slice %arg7[%add3A_82, %dma_wait3A_117] : memref<25x80xi32, #tpu.memory_space<vmem>> -> memref<1x40xi32, #tpu.memory_space<vmem>>
        %dma_wait3A_119 = tpu.memref_squeeze %dma_wait3A_118 : memref<1x40xi32, #tpu.memory_space<vmem>> -> memref<40xi32, #tpu.memory_space<vmem>>
        %dma_wait3A_120 = arith.constant 0 : i32
        %dma_wait3A_121 = arith.constant 0 : i32
        %dma_wait3A_122 = tpu.memref_slice %arg2[%dma_wait3A_120, %dma_wait3A_121] : memref<10000x128xf32, #tpu.memory_space<hbm>> -> memref<10000x128xf32, #tpu.memory_space<hbm>>
        tpu.wait_indirect_dma semaphore(%arg12 : memref<!tpu.dma_semaphore, #tpu.memory_space<semaphore_mem>>) src(%dma_wait3A_122 : memref<10000x128xf32, #tpu.memory_space<hbm>>) dst(%dma_wait3A_116 : memref<40x128xf32, #tpu.memory_space<vmem>>)
        %dma_start3A_123 = arith.constant 0 : i32
        %dma_start3A_124 = tpu.memref_slice %arg8[%add3A_82, %dma_start3A_123] : memref<25x80xi32, #tpu.memory_space<vmem>> -> memref<1x80xi32, #tpu.memory_space<vmem>>
        %dma_start3A_125 = tpu.memref_squeeze %dma_start3A_124 : memref<1x80xi32, #tpu.memory_space<vmem>> -> memref<80xi32, #tpu.memory_space<vmem>>
        %dma_start3A_126 = arith.constant 0 : i32
        %dma_start3A_127 = arith.constant 0 : i32
        %dma_start3A_128 = tpu.memref_slice %arg11[%dma_start3A_126, %dma_start3A_127] : memref<10240x128xf32, #tpu.memory_space<vmem_shared>> -> memref<10240x128xf32, #tpu.memory_space<vmem_shared>>
        tpu.enqueue_indirect_dma source(%arg9 : memref<80x128xf32, #tpu.memory_space<vmem>>) target(%dma_start3A_128 : memref<10240x128xf32, #tpu.memory_space<vmem_shared>>) offsets(%dma_start3A_125 : memref<80xi32, #tpu.memory_space<vmem>>) semaphore(%arg14 : memref<!tpu.dma_semaphore, #tpu.memory_space<semaphore_mem>>) {add = true}
        %mul3A_129 = arith.constant 2 : i32
        %mul3A_130 = arith.muli %mul3A_129, %scan3A_78 : i32
        %add3A_131 = arith.constant 1 : i32
        %add3A_132 = arith.addi %mul3A_130, %add3A_131 : i32
        %ge3A_133 = arith.constant 1 : i32
        %ge3A_134 = arith.cmpi sge, %add3A_132, %ge3A_133 : i32
        %convert_element_type3A_135 = arith.extui %ge3A_134 : i1 to i32
        %cond3A_136 = arith.constant 0 : i32
        %cond3A_137 = arith.cmpi ne, %convert_element_type3A_135, %cond3A_136 : i32
        scf.if %cond3A_137 {
          %dma_wait3A_182 = arith.constant 0 : i32
          %dma_wait3A_183 = tpu.memref_slice %arg8[%add3A_132, %dma_wait3A_182] : memref<25x80xi32, #tpu.memory_space<vmem>> -> memref<1x80xi32, #tpu.memory_space<vmem>>
          %dma_wait3A_184 = tpu.memref_squeeze %dma_wait3A_183 : memref<1x80xi32, #tpu.memory_space<vmem>> -> memref<80xi32, #tpu.memory_space<vmem>>
          %dma_wait3A_185 = arith.constant 0 : i32
          %dma_wait3A_186 = arith.constant 0 : i32
          %dma_wait3A_187 = tpu.memref_slice %arg11[%dma_wait3A_185, %dma_wait3A_186] : memref<10240x128xf32, #tpu.memory_space<vmem_shared>> -> memref<10240x128xf32, #tpu.memory_space<vmem_shared>>
          tpu.wait_indirect_dma semaphore(%arg14 : memref<!tpu.dma_semaphore, #tpu.memory_space<semaphore_mem>>) src(%arg9 : memref<80x128xf32, #tpu.memory_space<vmem>>) dst(%dma_wait3A_187 : memref<10240x128xf32, #tpu.memory_space<vmem_shared>>)
        } else {
        }
        %add3A_138 = arith.constant 1 : i32
        %add3A_139 = arith.addi %add3A_132, %add3A_138 : i32
        %dma_start3A_140 = arith.constant 0 : i32
        %dma_start3A_141 = arith.constant 0 : i32
        %dma_start3A_142 = tpu.memref_slice %arg9[%dma_start3A_140, %dma_start3A_141] : memref<80x128xf32, #tpu.memory_space<vmem>> -> memref<40x128xf32, #tpu.memory_space<vmem>>
        %dma_start3A_143 = arith.constant 0 : i32
        %dma_start3A_144 = tpu.memref_slice %arg7[%add3A_139, %dma_start3A_143] : memref<25x80xi32, #tpu.memory_space<vmem>> -> memref<1x40xi32, #tpu.memory_space<vmem>>
        %dma_start3A_145 = tpu.memref_squeeze %dma_start3A_144 : memref<1x40xi32, #tpu.memory_space<vmem>> -> memref<40xi32, #tpu.memory_space<vmem>>
        %dma_start3A_146 = arith.constant 0 : i32
        %dma_start3A_147 = arith.constant 0 : i32
        %dma_start3A_148 = tpu.memref_slice %arg2[%dma_start3A_146, %dma_start3A_147] : memref<10000x128xf32, #tpu.memory_space<hbm>> -> memref<10000x128xf32, #tpu.memory_space<hbm>>
        tpu.enqueue_indirect_dma source(%dma_start3A_148 : memref<10000x128xf32, #tpu.memory_space<hbm>>) target(%dma_start3A_142 : memref<40x128xf32, #tpu.memory_space<vmem>>) offsets(%dma_start3A_145 : memref<40xi32, #tpu.memory_space<vmem>>) semaphore(%arg12 : memref<!tpu.dma_semaphore, #tpu.memory_space<semaphore_mem>>)
        %dma_start3A_149 = arith.constant 40 : i32
        %dma_start3A_150 = arith.constant 0 : i32
        %dma_start3A_151 = tpu.memref_slice %arg9[%dma_start3A_149, %dma_start3A_150] : memref<80x128xf32, #tpu.memory_space<vmem>> -> memref<40x128xf32, #tpu.memory_space<vmem>>
        %dma_start3A_152 = arith.constant 40 : i32
        %dma_start3A_153 = tpu.memref_slice %arg7[%add3A_139, %dma_start3A_152] : memref<25x80xi32, #tpu.memory_space<vmem>> -> memref<1x40xi32, #tpu.memory_space<vmem>>
        %dma_start3A_154 = tpu.memref_squeeze %dma_start3A_153 : memref<1x40xi32, #tpu.memory_space<vmem>> -> memref<40xi32, #tpu.memory_space<vmem>>
        %dma_start3A_155 = arith.constant 0 : i32
        %dma_start3A_156 = arith.constant 0 : i32
        %dma_start3A_157 = tpu.memref_slice %arg2[%dma_start3A_155, %dma_start3A_156] : memref<10000x128xf32, #tpu.memory_space<hbm>> -> memref<10000x128xf32, #tpu.memory_space<hbm>>
        tpu.enqueue_indirect_dma source(%dma_start3A_157 : memref<10000x128xf32, #tpu.memory_space<hbm>>) target(%dma_start3A_151 : memref<40x128xf32, #tpu.memory_space<vmem>>) offsets(%dma_start3A_154 : memref<40xi32, #tpu.memory_space<vmem>>) semaphore(%arg12 : memref<!tpu.dma_semaphore, #tpu.memory_space<semaphore_mem>>)
        %dma_wait3A_158 = arith.constant 0 : i32
        %dma_wait3A_159 = arith.constant 0 : i32
        %dma_wait3A_160 = tpu.memref_slice %arg10[%dma_wait3A_158, %dma_wait3A_159] : memref<80x128xf32, #tpu.memory_space<vmem>> -> memref<40x128xf32, #tpu.memory_space<vmem>>
        %dma_wait3A_161 = arith.constant 0 : i32
        %dma_wait3A_162 = tpu.memref_slice %arg7[%add3A_132, %dma_wait3A_161] : memref<25x80xi32, #tpu.memory_space<vmem>> -> memref<1x40xi32, #tpu.memory_space<vmem>>
        %dma_wait3A_163 = tpu.memref_squeeze %dma_wait3A_162 : memref<1x40xi32, #tpu.memory_space<vmem>> -> memref<40xi32, #tpu.memory_space<vmem>>
        %dma_wait3A_164 = arith.constant 0 : i32
        %dma_wait3A_165 = arith.constant 0 : i32
        %dma_wait3A_166 = tpu.memref_slice %arg2[%dma_wait3A_164, %dma_wait3A_165] : memref<10000x128xf32, #tpu.memory_space<hbm>> -> memref<10000x128xf32, #tpu.memory_space<hbm>>
        tpu.wait_indirect_dma semaphore(%arg13 : memref<!tpu.dma_semaphore, #tpu.memory_space<semaphore_mem>>) src(%dma_wait3A_166 : memref<10000x128xf32, #tpu.memory_space<hbm>>) dst(%dma_wait3A_160 : memref<40x128xf32, #tpu.memory_space<vmem>>)
        %dma_wait3A_167 = arith.constant 40 : i32
        %dma_wait3A_168 = arith.constant 0 : i32
        %dma_wait3A_169 = tpu.memref_slice %arg10[%dma_wait3A_167, %dma_wait3A_168] : memref<80x128xf32, #tpu.memory_space<vmem>> -> memref<40x128xf32, #tpu.memory_space<vmem>>
        %dma_wait3A_170 = arith.constant 40 : i32
        %dma_wait3A_171 = tpu.memref_slice %arg7[%add3A_132, %dma_wait3A_170] : memref<25x80xi32, #tpu.memory_space<vmem>> -> memref<1x40xi32, #tpu.memory_space<vmem>>
        %dma_wait3A_172 = tpu.memref_squeeze %dma_wait3A_171 : memref<1x40xi32, #tpu.memory_space<vmem>> -> memref<40xi32, #tpu.memory_space<vmem>>
        %dma_wait3A_173 = arith.constant 0 : i32
        %dma_wait3A_174 = arith.constant 0 : i32
        %dma_wait3A_175 = tpu.memref_slice %arg2[%dma_wait3A_173, %dma_wait3A_174] : memref<10000x128xf32, #tpu.memory_space<hbm>> -> memref<10000x128xf32, #tpu.memory_space<hbm>>
        tpu.wait_indirect_dma semaphore(%arg13 : memref<!tpu.dma_semaphore, #tpu.memory_space<semaphore_mem>>) src(%dma_wait3A_175 : memref<10000x128xf32, #tpu.memory_space<hbm>>) dst(%dma_wait3A_169 : memref<40x128xf32, #tpu.memory_space<vmem>>)
        %dma_start3A_176 = arith.constant 0 : i32
        %dma_start3A_177 = tpu.memref_slice %arg8[%add3A_132, %dma_start3A_176] : memref<25x80xi32, #tpu.memory_space<vmem>> -> memref<1x80xi32, #tpu.memory_space<vmem>>
        %dma_start3A_178 = tpu.memref_squeeze %dma_start3A_177 : memref<1x80xi32, #tpu.memory_space<vmem>> -> memref<80xi32, #tpu.memory_space<vmem>>
        %dma_start3A_179 = arith.constant 0 : i32
        %dma_start3A_180 = arith.constant 0 : i32
        %dma_start3A_181 = tpu.memref_slice %arg11[%dma_start3A_179, %dma_start3A_180] : memref<10240x128xf32, #tpu.memory_space<vmem_shared>> -> memref<10240x128xf32, #tpu.memory_space<vmem_shared>>
        tpu.enqueue_indirect_dma source(%arg10 : memref<80x128xf32, #tpu.memory_space<vmem>>) target(%dma_start3A_181 : memref<10240x128xf32, #tpu.memory_space<vmem_shared>>) offsets(%dma_start3A_178 : memref<80xi32, #tpu.memory_space<vmem>>) semaphore(%arg15 : memref<!tpu.dma_semaphore, #tpu.memory_space<semaphore_mem>>) {add = true}
      }
      %scan3A_37 = arith.constant 12 : i32
      %dma_wait3A = arith.constant 24 : i32
      %dma_wait3A_38 = arith.constant 0 : i32
      %dma_wait3A_39 = tpu.memref_slice %arg8[%dma_wait3A, %dma_wait3A_38] : memref<25x80xi32, #tpu.memory_space<vmem>> -> memref<1x80xi32, #tpu.memory_space<vmem>>
      %dma_wait3A_40 = tpu.memref_squeeze %dma_wait3A_39 : memref<1x80xi32, #tpu.memory_space<vmem>> -> memref<80xi32, #tpu.memory_space<vmem>>
      %dma_wait3A_41 = arith.constant 0 : i32
      %dma_wait3A_42 = arith.constant 0 : i32
      %dma_wait3A_43 = tpu.memref_slice %arg11[%dma_wait3A_41, %dma_wait3A_42] : memref<10240x128xf32, #tpu.memory_space<vmem_shared>> -> memref<10240x128xf32, #tpu.memory_space<vmem_shared>>
      tpu.wait_indirect_dma semaphore(%arg15 : memref<!tpu.dma_semaphore, #tpu.memory_space<semaphore_mem>>) src(%arg10 : memref<80x128xf32, #tpu.memory_space<vmem>>) dst(%dma_wait3A_43 : memref<10240x128xf32, #tpu.memory_space<vmem_shared>>)
      %dma_wait3A_44 = arith.constant 24 : i32
      %dma_wait3A_45 = arith.constant 0 : i32
      %dma_wait3A_46 = arith.constant 0 : i32
      %dma_wait3A_47 = tpu.memref_slice %arg9[%dma_wait3A_45, %dma_wait3A_46] : memref<80x128xf32, #tpu.memory_space<vmem>> -> memref<40x128xf32, #tpu.memory_space<vmem>>
      %dma_wait3A_48 = arith.constant 0 : i32
      %dma_wait3A_49 = tpu.memref_slice %arg7[%dma_wait3A_44, %dma_wait3A_48] : memref<25x80xi32, #tpu.memory_space<vmem>> -> memref<1x40xi32, #tpu.memory_space<vmem>>
      %dma_wait3A_50 = tpu.memref_squeeze %dma_wait3A_49 : memref<1x40xi32, #tpu.memory_space<vmem>> -> memref<40xi32, #tpu.memory_space<vmem>>
      %dma_wait3A_51 = arith.constant 0 : i32
      %dma_wait3A_52 = arith.constant 0 : i32
      %dma_wait3A_53 = tpu.memref_slice %arg2[%dma_wait3A_51, %dma_wait3A_52] : memref<10000x128xf32, #tpu.memory_space<hbm>> -> memref<10000x128xf32, #tpu.memory_space<hbm>>
      tpu.wait_indirect_dma semaphore(%arg12 : memref<!tpu.dma_semaphore, #tpu.memory_space<semaphore_mem>>) src(%dma_wait3A_53 : memref<10000x128xf32, #tpu.memory_space<hbm>>) dst(%dma_wait3A_47 : memref<40x128xf32, #tpu.memory_space<vmem>>)
      %dma_wait3A_54 = arith.constant 24 : i32
      %dma_wait3A_55 = arith.constant 40 : i32
      %dma_wait3A_56 = arith.constant 0 : i32
      %dma_wait3A_57 = tpu.memref_slice %arg9[%dma_wait3A_55, %dma_wait3A_56] : memref<80x128xf32, #tpu.memory_space<vmem>> -> memref<40x128xf32, #tpu.memory_space<vmem>>
      %dma_wait3A_58 = arith.constant 40 : i32
      %dma_wait3A_59 = tpu.memref_slice %arg7[%dma_wait3A_54, %dma_wait3A_58] : memref<25x80xi32, #tpu.memory_space<vmem>> -> memref<1x40xi32, #tpu.memory_space<vmem>>
      %dma_wait3A_60 = tpu.memref_squeeze %dma_wait3A_59 : memref<1x40xi32, #tpu.memory_space<vmem>> -> memref<40xi32, #tpu.memory_space<vmem>>
      %dma_wait3A_61 = arith.constant 0 : i32
      %dma_wait3A_62 = arith.constant 0 : i32
      %dma_wait3A_63 = tpu.memref_slice %arg2[%dma_wait3A_61, %dma_wait3A_62] : memref<10000x128xf32, #tpu.memory_space<hbm>> -> memref<10000x128xf32, #tpu.memory_space<hbm>>
      tpu.wait_indirect_dma semaphore(%arg12 : memref<!tpu.dma_semaphore, #tpu.memory_space<semaphore_mem>>) src(%dma_wait3A_63 : memref<10000x128xf32, #tpu.memory_space<hbm>>) dst(%dma_wait3A_57 : memref<40x128xf32, #tpu.memory_space<vmem>>)
      %dma_start3A_64 = arith.constant 24 : i32
      %dma_start3A_65 = arith.constant 0 : i32
      %dma_start3A_66 = tpu.memref_slice %arg8[%dma_start3A_64, %dma_start3A_65] : memref<25x80xi32, #tpu.memory_space<vmem>> -> memref<1x80xi32, #tpu.memory_space<vmem>>
      %dma_start3A_67 = tpu.memref_squeeze %dma_start3A_66 : memref<1x80xi32, #tpu.memory_space<vmem>> -> memref<80xi32, #tpu.memory_space<vmem>>
      %dma_start3A_68 = arith.constant 0 : i32
      %dma_start3A_69 = arith.constant 0 : i32
      %dma_start3A_70 = tpu.memref_slice %arg11[%dma_start3A_68, %dma_start3A_69] : memref<10240x128xf32, #tpu.memory_space<vmem_shared>> -> memref<10240x128xf32, #tpu.memory_space<vmem_shared>>
      tpu.enqueue_indirect_dma source(%arg9 : memref<80x128xf32, #tpu.memory_space<vmem>>) target(%dma_start3A_70 : memref<10240x128xf32, #tpu.memory_space<vmem_shared>>) offsets(%dma_start3A_67 : memref<80xi32, #tpu.memory_space<vmem>>) semaphore(%arg14 : memref<!tpu.dma_semaphore, #tpu.memory_space<semaphore_mem>>) {add = true}
      %dma_wait3A_71 = arith.constant 24 : i32
      %dma_wait3A_72 = arith.constant 0 : i32
      %dma_wait3A_73 = tpu.memref_slice %arg8[%dma_wait3A_71, %dma_wait3A_72] : memref<25x80xi32, #tpu.memory_space<vmem>> -> memref<1x80xi32, #tpu.memory_space<vmem>>
      %dma_wait3A_74 = tpu.memref_squeeze %dma_wait3A_73 : memref<1x80xi32, #tpu.memory_space<vmem>> -> memref<80xi32, #tpu.memory_space<vmem>>
      %dma_wait3A_75 = arith.constant 0 : i32
      %dma_wait3A_76 = arith.constant 0 : i32
      %dma_wait3A_77 = tpu.memref_slice %arg11[%dma_wait3A_75, %dma_wait3A_76] : memref<10240x128xf32, #tpu.memory_space<vmem_shared>> -> memref<10240x128xf32, #tpu.memory_space<vmem_shared>>
      tpu.wait_indirect_dma semaphore(%arg14 : memref<!tpu.dma_semaphore, #tpu.memory_space<semaphore_mem>>) src(%arg9 : memref<80x128xf32, #tpu.memory_space<vmem>>) dst(%dma_wait3A_77 : memref<10240x128xf32, #tpu.memory_space<vmem_shared>>)
    }
    %scan3A_5 = arith.constant 5 : i32
    %barrier3A_6 = arith.constant 0 : index
    tpu.barrier barrier_id(%barrier3A_6)
    "tpu.region"() ({
      %run_scoped3A = tpu.sem_alloc : memref<!tpu.dma_semaphore, #tpu.memory_space<semaphore_mem>>
      %dma_start3A = arith.constant 0 : i32
      %dma_start3A_7 = tpu.memref_slice %arg6[%arg0, %mul3A_0, %dma_start3A] : memref<2x10240x128xf32, #tpu.memory_space<hbm>> -> memref<1x640x128xf32, #tpu.memory_space<hbm>>
      %dma_start3A_8 = tpu.memref_squeeze %dma_start3A_7 : memref<1x640x128xf32, #tpu.memory_space<hbm>> -> memref<640x128xf32, #tpu.memory_space<hbm>>
      %dma_start3A_9 = arith.constant 0 : i32
      %dma_start3A_10 = tpu.memref_slice %arg11[%mul3A_0, %dma_start3A_9] : memref<10240x128xf32, #tpu.memory_space<vmem_shared>> -> memref<640x128xf32, #tpu.memory_space<vmem_shared>>
      tpu.enqueue_dma source(%dma_start3A_10 : memref<640x128xf32, #tpu.memory_space<vmem_shared>>) target(%dma_start3A_8 : memref<640x128xf32, #tpu.memory_space<hbm>>) target_semaphore(%run_scoped3A : memref<!tpu.dma_semaphore, #tpu.memory_space<semaphore_mem>>)
      %dma_wait3A = arith.constant 0 : i32
      %dma_wait3A_11 = tpu.memref_slice %arg6[%arg0, %mul3A_0, %dma_wait3A] : memref<2x10240x128xf32, #tpu.memory_space<hbm>> -> memref<1x640x128xf32, #tpu.memory_space<hbm>>
      %dma_wait3A_12 = tpu.memref_squeeze %dma_wait3A_11 : memref<1x640x128xf32, #tpu.memory_space<hbm>> -> memref<640x128xf32, #tpu.memory_space<hbm>>
      %dma_wait3A_13 = arith.constant 0 : i32
      %dma_wait3A_14 = tpu.memref_slice %arg11[%mul3A_0, %dma_wait3A_13] : memref<10240x128xf32, #tpu.memory_space<vmem_shared>> -> memref<640x128xf32, #tpu.memory_space<vmem_shared>>
      tpu.wait_dma2 semaphore(%run_scoped3A : memref<!tpu.dma_semaphore, #tpu.memory_space<semaphore_mem>>) src(%dma_wait3A_14 : memref<640x128xf32, #tpu.memory_space<vmem_shared>>) dst(%dma_wait3A_12 : memref<640x128xf32, #tpu.memory_space<hbm>>)
      tpu.yield
    }) : () -> ()
    return
  }
}

module attributes {stable_mosaic.version = 14 : i64} {
  func.func @_pre_body(%arg0: i32, %arg1: memref<1000x128xf32, #tpu.memory_space<vmem>>, %arg2: memref<3x2x1000x1xf32, #tpu.memory_space<vmem>>, %arg3: memref<1000x128xf32, #tpu.memory_space<vmem>>, %arg4: memref<1000x128xf32, #tpu.memory_space<vmem>>, %arg5: memref<1000x1xf32, #tpu.memory_space<vmem>>) attributes {dimension_semantics = [#tpu.dimension_semantics<arbitrary>], iteration_bounds = array<i64: 10>, scalar_prefetch = 0 : i64, scratch_operands = 0 : i64, tpu.core_type = #tpu.core_type<tc>, window_params = [{transform_indices = @transform_0, window_bounds = array<i64: 1000, 128>}, {transform_indices = @transform_1, window_bounds = array<i64: 3, 2, 1000, 1>}, {transform_indices = @transform_2, window_bounds = array<i64: 1000, 128>}, {transform_indices = @transform_3, window_bounds = array<i64: 1000, 128>}, {transform_indices = @transform_4, window_bounds = array<i64: 1000, 1>}]} {
    %get3A = arith.constant 0 : index
    %get3A_0 = arith.constant 0 : index
    %get3A_1 = arith.constant 0 : index
    %get3A_2 = arith.constant 0 : index
    %get3A_3 = vector.load %arg2[%get3A, %get3A_0, %get3A_1, %get3A_2] : memref<3x2x1000x1xf32, #tpu.memory_space<vmem>>, vector<1x1x1000x1xf32>
    %get3A_4 = vector.shape_cast %get3A_3 : vector<1x1x1000x1xf32> to vector<1000x1xf32>
    %get3A_5 = arith.constant 0 : index
    %get3A_6 = arith.constant 1 : index
    %get3A_7 = arith.constant 0 : index
    %get3A_8 = arith.constant 0 : index
    %get3A_9 = vector.load %arg2[%get3A_5, %get3A_6, %get3A_7, %get3A_8] : memref<3x2x1000x1xf32, #tpu.memory_space<vmem>>, vector<1x1x1000x1xf32>
    %get3A_10 = vector.shape_cast %get3A_9 : vector<1x1x1000x1xf32> to vector<1000x1xf32>
    %add3A = arith.addf %get3A_4, %get3A_10 : vector<1000x1xf32>
    %get3A_11 = arith.constant 1 : index
    %get3A_12 = arith.constant 0 : index
    %get3A_13 = arith.constant 0 : index
    %get3A_14 = arith.constant 0 : index
    %get3A_15 = vector.load %arg2[%get3A_11, %get3A_12, %get3A_13, %get3A_14] : memref<3x2x1000x1xf32, #tpu.memory_space<vmem>>, vector<1x1x1000x1xf32>
    %get3A_16 = vector.shape_cast %get3A_15 : vector<1x1x1000x1xf32> to vector<1000x1xf32>
    %get3A_17 = arith.constant 1 : index
    %get3A_18 = arith.constant 1 : index
    %get3A_19 = arith.constant 0 : index
    %get3A_20 = arith.constant 0 : index
    %get3A_21 = vector.load %arg2[%get3A_17, %get3A_18, %get3A_19, %get3A_20] : memref<3x2x1000x1xf32, #tpu.memory_space<vmem>>, vector<1x1x1000x1xf32>
    %get3A_22 = vector.shape_cast %get3A_21 : vector<1x1x1000x1xf32> to vector<1000x1xf32>
    %add3A_23 = arith.addf %get3A_16, %get3A_22 : vector<1000x1xf32>
    %get3A_24 = arith.constant 2 : index
    %get3A_25 = arith.constant 0 : index
    %get3A_26 = arith.constant 0 : index
    %get3A_27 = arith.constant 0 : index
    %get3A_28 = vector.load %arg2[%get3A_24, %get3A_25, %get3A_26, %get3A_27] : memref<3x2x1000x1xf32, #tpu.memory_space<vmem>>, vector<1x1x1000x1xf32>
    %get3A_29 = vector.shape_cast %get3A_28 : vector<1x1x1000x1xf32> to vector<1000x1xf32>
    %get3A_30 = arith.constant 2 : index
    %get3A_31 = arith.constant 1 : index
    %get3A_32 = arith.constant 0 : index
    %get3A_33 = arith.constant 0 : index
    %get3A_34 = vector.load %arg2[%get3A_30, %get3A_31, %get3A_32, %get3A_33] : memref<3x2x1000x1xf32, #tpu.memory_space<vmem>>, vector<1x1x1000x1xf32>
    %get3A_35 = vector.shape_cast %get3A_34 : vector<1x1x1000x1xf32> to vector<1000x1xf32>
    %add3A_36 = arith.addf %get3A_29, %get3A_35 : vector<1000x1xf32>
    %get3A_37 = arith.constant 0 : index
    %get3A_38 = arith.constant 0 : index
    %get3A_39 = vector.load %arg1[%get3A_37, %get3A_38] : memref<1000x128xf32, #tpu.memory_space<vmem>>, vector<1000x128xf32>
    %gt3A = arith.constant 0.000000e+00 : f32
    %gt3A_40 = vector.broadcast %gt3A : f32 to vector<1000x1xf32>
    %gt3A_41 = arith.cmpf ogt, %add3A, %gt3A_40 : vector<1000x1xf32>
    %div3A = arith.constant 1.000000e+00 : f32
    %div3A_42 = vector.broadcast %div3A : f32 to vector<1000x1xf32>
    %div3A_43 = arith.divf %div3A_42, %add3A : vector<1000x1xf32>
    %jit3A = arith.constant 0.000000e+00 : f32
    %broadcast_in_dim3A = vector.broadcast %jit3A : f32 to vector<1000x1xf32>
    %select_n3A = arith.select %gt3A_41, %div3A_43, %broadcast_in_dim3A : vector<1000x1xi1>, vector<1000x1xf32>
    %mul3A = vector.broadcast %select_n3A : vector<1000x1xf32> to vector<1000x128xf32>
    %mul3A_44 = arith.mulf %get3A_39, %mul3A : vector<1000x128xf32>
    %swap3A = arith.constant 0 : index
    %swap3A_45 = arith.constant 0 : index
    %swap3A_46 = vector.load %arg3[%swap3A, %swap3A_45] : memref<1000x128xf32, #tpu.memory_space<vmem>>, vector<1000x128xf32>
    tpu.vector_store %arg3[%swap3A, %swap3A_45], %mul3A_44 {strides = array<i32>} : memref<1000x128xf32, #tpu.memory_space<vmem>>, vector<1000x128xf32>,
    %gt3A_47 = arith.constant 0.000000e+00 : f32
    %gt3A_48 = vector.broadcast %gt3A_47 : f32 to vector<1000x1xf32>
    %gt3A_49 = arith.cmpf ogt, %add3A_23, %gt3A_48 : vector<1000x1xf32>
    %div3A_50 = arith.constant 1.000000e+00 : f32
    %div3A_51 = vector.broadcast %div3A_50 : f32 to vector<1000x1xf32>
    %div3A_52 = arith.divf %div3A_51, %add3A_23 : vector<1000x1xf32>
    %jit3A_53 = arith.constant 0.000000e+00 : f32
    %broadcast_in_dim3A_54 = vector.broadcast %jit3A_53 : f32 to vector<1000x1xf32>
    %select_n3A_55 = arith.select %gt3A_49, %div3A_52, %broadcast_in_dim3A_54 : vector<1000x1xi1>, vector<1000x1xf32>
    %mul3A_56 = vector.broadcast %select_n3A_55 : vector<1000x1xf32> to vector<1000x128xf32>
    %mul3A_57 = arith.mulf %get3A_39, %mul3A_56 : vector<1000x128xf32>
    %swap3A_58 = arith.constant 0 : index
    %swap3A_59 = arith.constant 0 : index
    %swap3A_60 = vector.load %arg4[%swap3A_58, %swap3A_59] : memref<1000x128xf32, #tpu.memory_space<vmem>>, vector<1000x128xf32>
    tpu.vector_store %arg4[%swap3A_58, %swap3A_59], %mul3A_57 {strides = array<i32>} : memref<1000x128xf32, #tpu.memory_space<vmem>>, vector<1000x128xf32>,
    %add3A_61 = arith.constant 1.000000e+00 : f32
    %add3A_62 = vector.broadcast %add3A_61 : f32 to vector<1000x1xf32>
    %add3A_63 = arith.addf %add3A_36, %add3A_62 : vector<1000x1xf32>
    %rsqrt3A = math.rsqrt %add3A_63 : vector<1000x1xf32>
    %swap3A_64 = arith.constant 0 : index
    %swap3A_65 = arith.constant 0 : index
    %swap3A_66 = vector.load %arg5[%swap3A_64, %swap3A_65] : memref<1000x1xf32, #tpu.memory_space<vmem>>, vector<1000x1xf32>
    tpu.vector_store %arg5[%swap3A_64, %swap3A_65], %rsqrt3A {strides = array<i32>} : memref<1000x1xf32, #tpu.memory_space<vmem>>, vector<1000x1xf32>,
    return
  }
  func.func @transform_0(%arg0: i32) -> (i32, i32) {
    %c0_i32 = arith.constant 0 : i32
    %c0_i32_0 = arith.constant 0 : i32
    return %arg0, %c0_i32 : i32, i32
  }
  func.func @transform_1(%arg0: i32) -> (i32, i32, i32, i32) {
    %c0_i32 = arith.constant 0 : i32
    %c0_i32_0 = arith.constant 0 : i32
    %c0_i32_1 = arith.constant 0 : i32
    %c0_i32_2 = arith.constant 0 : i32
    return %c0_i32, %c0_i32_0, %arg0, %c0_i32_1 : i32, i32, i32, i32
  }
  func.func @transform_2(%arg0: i32) -> (i32, i32) {
    %c0_i32 = arith.constant 0 : i32
    %c0_i32_0 = arith.constant 0 : i32
    return %arg0, %c0_i32 : i32, i32
  }
  func.func @transform_3(%arg0: i32) -> (i32, i32) {
    %c0_i32 = arith.constant 0 : i32
    %c0_i32_0 = arith.constant 0 : i32
    return %arg0, %c0_i32 : i32, i32
  }
  func.func @transform_4(%arg0: i32) -> (i32, i32) {
    %c0_i32 = arith.constant 0 : i32
    %c0_i32_0 = arith.constant 0 : i32
    return %arg0, %c0_i32 : i32, i32
  }
}

module attributes {stable_mosaic.version = 14 : i64} {
  func.func @_gru_body(%arg0: i32, %arg1: memref<1000x128xf32, #tpu.memory_space<vmem>>, %arg2: memref<1x1000x128xf32, #tpu.memory_space<vmem>>, %arg3: memref<1x1000x128xf32, #tpu.memory_space<vmem>>, %arg4: memref<128x128xf32, #tpu.memory_space<vmem>>, %arg5: memref<128x128xf32, #tpu.memory_space<vmem>>, %arg6: memref<128x128xf32, #tpu.memory_space<vmem>>, %arg7: memref<128x128xf32, #tpu.memory_space<vmem>>, %arg8: memref<128x128xf32, #tpu.memory_space<vmem>>, %arg9: memref<128x128xf32, #tpu.memory_space<vmem>>, %arg10: memref<128x128xf32, #tpu.memory_space<vmem>>, %arg11: memref<128x128xf32, #tpu.memory_space<vmem>>, %arg12: memref<1x128xf32, #tpu.memory_space<vmem>>, %arg13: memref<1x128xf32, #tpu.memory_space<vmem>>, %arg14: memref<128x128xf32, #tpu.memory_space<vmem>>, %arg15: memref<1000x1xf32, #tpu.memory_space<vmem>>, %arg16: memref<1000x128xf32, #tpu.memory_space<vmem>>) attributes {dimension_semantics = [#tpu.dimension_semantics<arbitrary>], iteration_bounds = array<i64: 10>, scalar_prefetch = 0 : i64, scratch_operands = 0 : i64, tpu.core_type = #tpu.core_type<tc>, window_params = [{transform_indices = @transform_0, window_bounds = array<i64: 1000, 128>}, {transform_indices = @transform_1, window_bounds = array<i64: 1, 1000, 128>}, {transform_indices = @transform_2, window_bounds = array<i64: 1, 1000, 128>}, {pipeline_mode = #tpu.pipeline_mode<synchronous>, transform_indices = @transform_3, window_bounds = array<i64: 128, 128>}, {pipeline_mode = #tpu.pipeline_mode<synchronous>, transform_indices = @transform_4, window_bounds = array<i64: 128, 128>}, {pipeline_mode = #tpu.pipeline_mode<synchronous>, transform_indices = @transform_5, window_bounds = array<i64: 128, 128>}, {pipeline_mode = #tpu.pipeline_mode<synchronous>, transform_indices = @transform_6, window_bounds = array<i64: 128, 128>}, {pipeline_mode = #tpu.pipeline_mode<synchronous>, transform_indices = @transform_7, window_bounds = array<i64: 128, 128>}, {pipeline_mode = #tpu.pipeline_mode<synchronous>, transform_indices = @transform_8, window_bounds = array<i64: 128, 128>}, {pipeline_mode = #tpu.pipeline_mode<synchronous>, transform_indices = @transform_9, window_bounds = array<i64: 128, 128>}, {pipeline_mode = #tpu.pipeline_mode<synchronous>, transform_indices = @transform_10, window_bounds = array<i64: 128, 128>}, {pipeline_mode = #tpu.pipeline_mode<synchronous>, transform_indices = @transform_11, window_bounds = array<i64: 1, 128>}, {pipeline_mode = #tpu.pipeline_mode<synchronous>, transform_indices = @transform_12, window_bounds = array<i64: 1, 128>}, {pipeline_mode = #tpu.pipeline_mode<synchronous>, transform_indices = @transform_13, window_bounds = array<i64: 128, 128>}, {transform_indices = @transform_14, window_bounds = array<i64: 1000, 1>}, {transform_indices = @transform_15, window_bounds = array<i64: 1000, 128>}]} {
    %get3A = arith.constant 0 : index
    %get3A_0 = arith.constant 0 : index
    %get3A_1 = vector.load %arg1[%get3A, %get3A_0] : memref<1000x128xf32, #tpu.memory_space<vmem>>, vector<1000x128xf32>
    %get3A_2 = arith.constant 0 : index
    %get3A_3 = arith.constant 0 : index
    %get3A_4 = arith.constant 0 : index
    %get3A_5 = vector.load %arg2[%get3A_2, %get3A_3, %get3A_4] : memref<1x1000x128xf32, #tpu.memory_space<vmem>>, vector<1x1000x128xf32>
    %get3A_6 = vector.shape_cast %get3A_5 : vector<1x1000x128xf32> to vector<1000x128xf32>
    %get3A_7 = arith.constant 0 : index
    %get3A_8 = arith.constant 0 : index
    %get3A_9 = arith.constant 0 : index
    %get3A_10 = vector.load %arg3[%get3A_7, %get3A_8, %get3A_9] : memref<1x1000x128xf32, #tpu.memory_space<vmem>>, vector<1x1000x128xf32>
    %get3A_11 = vector.shape_cast %get3A_10 : vector<1x1000x128xf32> to vector<1000x128xf32>
    %get3A_12 = arith.constant 0 : index
    %get3A_13 = arith.constant 0 : index
    %get3A_14 = vector.load %arg4[%get3A_12, %get3A_13] : memref<128x128xf32, #tpu.memory_space<vmem>>, vector<128x128xf32>
    %get3A_15 = arith.constant 0 : index
    %get3A_16 = arith.constant 0 : index
    %get3A_17 = vector.load %arg5[%get3A_15, %get3A_16] : memref<128x128xf32, #tpu.memory_space<vmem>>, vector<128x128xf32>
    %add3A = arith.addf %get3A_14, %get3A_17 : vector<128x128xf32>
    %get3A_18 = arith.constant 0 : index
    %get3A_19 = arith.constant 0 : index
    %get3A_20 = vector.load %arg8[%get3A_18, %get3A_19] : memref<128x128xf32, #tpu.memory_space<vmem>>, vector<128x128xf32>
    %get3A_21 = arith.constant 0 : index
    %get3A_22 = arith.constant 0 : index
    %get3A_23 = vector.load %arg9[%get3A_21, %get3A_22] : memref<128x128xf32, #tpu.memory_space<vmem>>, vector<128x128xf32>
    %add3A_24 = arith.addf %get3A_20, %get3A_23 : vector<128x128xf32>
    %dot_general3A = arith.constant dense<0.000000e+00> : vector<1000x128xf32>
    %dot_general3A_25 = tpu.matmul %get3A_1, %add3A, %dot_general3A {dimension_numbers = #tpu.dot_dimension_numbers<[1], [0], [0], [1], [0, 0, 1, 1], [], []>, transpose_lhs_hint = false} : vector<1000x128xf32>, vector<128x128xf32>, vector<1000x128xf32> -> vector<1000x128xf32>
    %get3A_26 = arith.constant 0 : index
    %get3A_27 = arith.constant 0 : index
    %get3A_28 = vector.load %arg6[%get3A_26, %get3A_27] : memref<128x128xf32, #tpu.memory_space<vmem>>, vector<128x128xf32>
    %dot_general3A_29 = arith.constant dense<0.000000e+00> : vector<1000x128xf32>
    %dot_general3A_30 = tpu.matmul %get3A_6, %get3A_28, %dot_general3A_29 {dimension_numbers = #tpu.dot_dimension_numbers<[1], [0], [0], [1], [0, 0, 1, 1], [], []>, transpose_lhs_hint = false} : vector<1000x128xf32>, vector<128x128xf32>, vector<1000x128xf32> -> vector<1000x128xf32>
    %add3A_31 = arith.addf %dot_general3A_25, %dot_general3A_30 : vector<1000x128xf32>
    %get3A_32 = arith.constant 0 : index
    %get3A_33 = arith.constant 0 : index
    %get3A_34 = vector.load %arg7[%get3A_32, %get3A_33] : memref<128x128xf32, #tpu.memory_space<vmem>>, vector<128x128xf32>
    %dot_general3A_35 = arith.constant dense<0.000000e+00> : vector<1000x128xf32>
    %dot_general3A_36 = tpu.matmul %get3A_11, %get3A_34, %dot_general3A_35 {dimension_numbers = #tpu.dot_dimension_numbers<[1], [0], [0], [1], [0, 0, 1, 1], [], []>, transpose_lhs_hint = false} : vector<1000x128xf32>, vector<128x128xf32>, vector<1000x128xf32> -> vector<1000x128xf32>
    %add3A_37 = arith.addf %add3A_31, %dot_general3A_36 : vector<1000x128xf32>
    %get3A_38 = arith.constant 0 : index
    %get3A_39 = arith.constant 0 : index
    %get3A_40 = vector.load %arg12[%get3A_38, %get3A_39] : memref<1x128xf32, #tpu.memory_space<vmem>>, vector<1x128xf32>
    %add3A_41 = vector.broadcast %get3A_40 : vector<1x128xf32> to vector<1000x128xf32>
    %add3A_42 = arith.addf %add3A_37, %add3A_41 : vector<1000x128xf32>
    %dot_general3A_43 = arith.constant dense<0.000000e+00> : vector<1000x128xf32>
    %dot_general3A_44 = tpu.matmul %get3A_1, %add3A_24, %dot_general3A_43 {dimension_numbers = #tpu.dot_dimension_numbers<[1], [0], [0], [1], [0, 0, 1, 1], [], []>, transpose_lhs_hint = false} : vector<1000x128xf32>, vector<128x128xf32>, vector<1000x128xf32> -> vector<1000x128xf32>
    %get3A_45 = arith.constant 0 : index
    %get3A_46 = arith.constant 0 : index
    %get3A_47 = vector.load %arg10[%get3A_45, %get3A_46] : memref<128x128xf32, #tpu.memory_space<vmem>>, vector<128x128xf32>
    %dot_general3A_48 = arith.constant dense<0.000000e+00> : vector<1000x128xf32>
    %dot_general3A_49 = tpu.matmul %get3A_6, %get3A_47, %dot_general3A_48 {dimension_numbers = #tpu.dot_dimension_numbers<[1], [0], [0], [1], [0, 0, 1, 1], [], []>, transpose_lhs_hint = false} : vector<1000x128xf32>, vector<128x128xf32>, vector<1000x128xf32> -> vector<1000x128xf32>
    %add3A_50 = arith.addf %dot_general3A_44, %dot_general3A_49 : vector<1000x128xf32>
    %get3A_51 = arith.constant 0 : index
    %get3A_52 = arith.constant 0 : index
    %get3A_53 = vector.load %arg11[%get3A_51, %get3A_52] : memref<128x128xf32, #tpu.memory_space<vmem>>, vector<128x128xf32>
    %dot_general3A_54 = arith.constant dense<0.000000e+00> : vector<1000x128xf32>
    %dot_general3A_55 = tpu.matmul %get3A_11, %get3A_53, %dot_general3A_54 {dimension_numbers = #tpu.dot_dimension_numbers<[1], [0], [0], [1], [0, 0, 1, 1], [], []>, transpose_lhs_hint = false} : vector<1000x128xf32>, vector<128x128xf32>, vector<1000x128xf32> -> vector<1000x128xf32>
    %add3A_56 = arith.addf %add3A_50, %dot_general3A_55 : vector<1000x128xf32>
    %get3A_57 = arith.constant 0 : index
    %get3A_58 = arith.constant 0 : index
    %get3A_59 = vector.load %arg13[%get3A_57, %get3A_58] : memref<1x128xf32, #tpu.memory_space<vmem>>, vector<1x128xf32>
    %add3A_60 = vector.broadcast %get3A_59 : vector<1x128xf32> to vector<1000x128xf32>
    %add3A_61 = arith.addf %add3A_56, %add3A_60 : vector<1000x128xf32>
    %logistic3A = arith.negf %add3A_42 : vector<1000x128xf32>
    %logistic3A_62 = math.exp %logistic3A : vector<1000x128xf32>
    %logistic3A_63 = arith.constant 1.000000e+00 : f32
    %logistic3A_64 = vector.broadcast %logistic3A_63 : f32 to vector<1000x128xf32>
    %logistic3A_65 = arith.addf %logistic3A_64, %logistic3A_62 : vector<1000x128xf32>
    %logistic3A_66 = arith.divf %logistic3A_64, %logistic3A_65 : vector<1000x128xf32>
    %tanh3A = math.tanh %add3A_61 : vector<1000x128xf32>
    %sub3A = arith.constant 1.000000e+00 : f32
    %sub3A_67 = vector.broadcast %sub3A : f32 to vector<1000x128xf32>
    %sub3A_68 = arith.subf %sub3A_67, %logistic3A_66 : vector<1000x128xf32>
    %mul3A = arith.mulf %sub3A_68, %tanh3A : vector<1000x128xf32>
    %get3A_69 = arith.constant 0 : index
    %get3A_70 = arith.constant 0 : index
    %get3A_71 = vector.load %arg15[%get3A_69, %get3A_70] : memref<1000x1xf32, #tpu.memory_space<vmem>>, vector<1000x1xf32>
    %get3A_72 = arith.constant 0 : index
    %get3A_73 = arith.constant 0 : index
    %get3A_74 = vector.load %arg14[%get3A_72, %get3A_73] : memref<128x128xf32, #tpu.memory_space<vmem>>, vector<128x128xf32>
    %dot_general3A_75 = arith.constant dense<0.000000e+00> : vector<1000x128xf32>
    %dot_general3A_76 = tpu.matmul %mul3A, %get3A_74, %dot_general3A_75 {dimension_numbers = #tpu.dot_dimension_numbers<[1], [0], [0], [1], [0, 0, 1, 1], [], []>, transpose_lhs_hint = false} : vector<1000x128xf32>, vector<128x128xf32>, vector<1000x128xf32> -> vector<1000x128xf32>
    %mul3A_77 = vector.broadcast %get3A_71 : vector<1000x1xf32> to vector<1000x128xf32>
    %mul3A_78 = arith.mulf %mul3A_77, %dot_general3A_76 : vector<1000x128xf32>
    %swap3A = arith.constant 0 : index
    %swap3A_79 = arith.constant 0 : index
    %swap3A_80 = vector.load %arg16[%swap3A, %swap3A_79] : memref<1000x128xf32, #tpu.memory_space<vmem>>, vector<1000x128xf32>
    tpu.vector_store %arg16[%swap3A, %swap3A_79], %mul3A_78 {strides = array<i32>} : memref<1000x128xf32, #tpu.memory_space<vmem>>, vector<1000x128xf32>,
    return
  }
  func.func @transform_0(%arg0: i32) -> (i32, i32) {
    %c0_i32 = arith.constant 0 : i32
    %c0_i32_0 = arith.constant 0 : i32
    return %arg0, %c0_i32 : i32, i32
  }
  func.func @transform_1(%arg0: i32) -> (i32, i32, i32) {
    %c0_i32 = arith.constant 0 : i32
    %c0_i32_0 = arith.constant 0 : i32
    %c0_i32_1 = arith.constant 0 : i32
    return %c0_i32, %arg0, %c0_i32_0 : i32, i32, i32
  }
  func.func @transform_2(%arg0: i32) -> (i32, i32, i32) {
    %c1_i32 = arith.constant 1 : i32
    %c0_i32 = arith.constant 0 : i32
    %c0_i32_0 = arith.constant 0 : i32
    return %c1_i32, %arg0, %c0_i32 : i32, i32, i32
  }
  func.func @transform_3(%arg0: i32) -> (i32, i32) {
    %c0_i32 = arith.constant 0 : i32
    %c0_i32_0 = arith.constant 0 : i32
    %c0_i32_1 = arith.constant 0 : i32
    return %c0_i32, %c0_i32_0 : i32, i32
  }
  func.func @transform_4(%arg0: i32) -> (i32, i32) {
    %c0_i32 = arith.constant 0 : i32
    %c0_i32_0 = arith.constant 0 : i32
    %c0_i32_1 = arith.constant 0 : i32
    return %c0_i32, %c0_i32_0 : i32, i32
  }
  func.func @transform_5(%arg0: i32) -> (i32, i32) {
    %c0_i32 = arith.constant 0 : i32
    %c0_i32_0 = arith.constant 0 : i32
    %c0_i32_1 = arith.constant 0 : i32
    return %c0_i32, %c0_i32_0 : i32, i32
  }
  func.func @transform_6(%arg0: i32) -> (i32, i32) {
    %c0_i32 = arith.constant 0 : i32
    %c0_i32_0 = arith.constant 0 : i32
    %c0_i32_1 = arith.constant 0 : i32
    return %c0_i32, %c0_i32_0 : i32, i32
  }
  func.func @transform_7(%arg0: i32) -> (i32, i32) {
    %c0_i32 = arith.constant 0 : i32
    %c0_i32_0 = arith.constant 0 : i32
    %c0_i32_1 = arith.constant 0 : i32
    return %c0_i32, %c0_i32_0 : i32, i32
  }
  func.func @transform_8(%arg0: i32) -> (i32, i32) {
    %c0_i32 = arith.constant 0 : i32
    %c0_i32_0 = arith.constant 0 : i32
    %c0_i32_1 = arith.constant 0 : i32
    return %c0_i32, %c0_i32_0 : i32, i32
  }
  func.func @transform_9(%arg0: i32) -> (i32, i32) {
    %c0_i32 = arith.constant 0 : i32
    %c0_i32_0 = arith.constant 0 : i32
    %c0_i32_1 = arith.constant 0 : i32
    return %c0_i32, %c0_i32_0 : i32, i32
  }
  func.func @transform_10(%arg0: i32) -> (i32, i32) {
    %c0_i32 = arith.constant 0 : i32
    %c0_i32_0 = arith.constant 0 : i32
    %c0_i32_1 = arith.constant 0 : i32
    return %c0_i32, %c0_i32_0 : i32, i32
  }
  func.func @transform_11(%arg0: i32) -> (i32, i32) {
    %c0_i32 = arith.constant 0 : i32
    %c0_i32_0 = arith.constant 0 : i32
    %c0_i32_1 = arith.constant 0 : i32
    return %c0_i32, %c0_i32_0 : i32, i32
  }
  func.func @transform_12(%arg0: i32) -> (i32, i32) {
    %c0_i32 = arith.constant 0 : i32
    %c0_i32_0 = arith.constant 0 : i32
    %c0_i32_1 = arith.constant 0 : i32
    return %c0_i32, %c0_i32_0 : i32, i32
  }
  func.func @transform_13(%arg0: i32) -> (i32, i32) {
    %c0_i32 = arith.constant 0 : i32
    %c0_i32_0 = arith.constant 0 : i32
    %c0_i32_1 = arith.constant 0 : i32
    return %c0_i32, %c0_i32_0 : i32, i32
  }
  func.func @transform_14(%arg0: i32) -> (i32, i32) {
    %c0_i32 = arith.constant 0 : i32
    %c0_i32_0 = arith.constant 0 : i32
    return %arg0, %c0_i32 : i32, i32
  }
  func.func @transform_15(%arg0: i32) -> (i32, i32) {
    %c0_i32 = arith.constant 0 : i32
    %c0_i32_0 = arith.constant 0 : i32
    return %arg0, %c0_i32 : i32, i32
  }
}

module attributes {stable_mosaic.version = 14 : i64} {
  func.func @_gcnout_body(%arg0: i32, %arg1: memref<1x1000x128xf32, #tpu.memory_space<vmem>>, %arg2: memref<1x1000x128xf32, #tpu.memory_space<vmem>>, %arg3: memref<1000x128xf32, #tpu.memory_space<vmem>>, %arg4: memref<1000x1xf32, #tpu.memory_space<vmem>>, %arg5: memref<1x128xf32, #tpu.memory_space<vmem>>, %arg6: memref<1000x128xf32, #tpu.memory_space<vmem>>, %arg7: memref<1x128xf32, #tpu.memory_space<vmem>>, %arg8: memref<1x128xf32, #tpu.memory_space<vmem>>) attributes {dimension_semantics = [#tpu.dimension_semantics<arbitrary>], iteration_bounds = array<i64: 10>, scalar_prefetch = 0 : i64, scratch_operands = 0 : i64, tpu.core_type = #tpu.core_type<tc>, window_params = [{transform_indices = @transform_0, window_bounds = array<i64: 1, 1000, 128>}, {transform_indices = @transform_1, window_bounds = array<i64: 1, 1000, 128>}, {transform_indices = @transform_2, window_bounds = array<i64: 1000, 128>}, {transform_indices = @transform_3, window_bounds = array<i64: 1000, 1>}, {pipeline_mode = #tpu.pipeline_mode<synchronous>, transform_indices = @transform_4, window_bounds = array<i64: 1, 128>}, {transform_indices = @transform_5, window_bounds = array<i64: 1000, 128>}, {pipeline_mode = #tpu.pipeline_mode<synchronous>, transform_indices = @transform_6, window_bounds = array<i64: 1, 128>}, {pipeline_mode = #tpu.pipeline_mode<synchronous>, transform_indices = @transform_7, window_bounds = array<i64: 1, 128>}]} {
    %get3A = arith.constant 0 : index
    %get3A_0 = arith.constant 0 : index
    %get3A_1 = arith.constant 0 : index
    %get3A_2 = vector.load %arg1[%get3A, %get3A_0, %get3A_1] : memref<1x1000x128xf32, #tpu.memory_space<vmem>>, vector<1x1000x128xf32>
    %get3A_3 = vector.shape_cast %get3A_2 : vector<1x1000x128xf32> to vector<1000x128xf32>
    %get3A_4 = arith.constant 0 : index
    %get3A_5 = arith.constant 0 : index
    %get3A_6 = arith.constant 0 : index
    %get3A_7 = vector.load %arg2[%get3A_4, %get3A_5, %get3A_6] : memref<1x1000x128xf32, #tpu.memory_space<vmem>>, vector<1x1000x128xf32>
    %get3A_8 = vector.shape_cast %get3A_7 : vector<1x1000x128xf32> to vector<1000x128xf32>
    %add3A = arith.addf %get3A_3, %get3A_8 : vector<1000x128xf32>
    %get3A_9 = arith.constant 0 : index
    %get3A_10 = arith.constant 0 : index
    %get3A_11 = vector.load %arg3[%get3A_9, %get3A_10] : memref<1000x128xf32, #tpu.memory_space<vmem>>, vector<1000x128xf32>
    %add3A_12 = arith.addf %add3A, %get3A_11 : vector<1000x128xf32>
    %get3A_13 = arith.constant 0 : index
    %get3A_14 = arith.constant 0 : index
    %get3A_15 = vector.load %arg4[%get3A_13, %get3A_14] : memref<1000x1xf32, #tpu.memory_space<vmem>>, vector<1000x1xf32>
    %mul3A = vector.broadcast %get3A_15 : vector<1000x1xf32> to vector<1000x128xf32>
    %mul3A_16 = arith.mulf %add3A_12, %mul3A : vector<1000x128xf32>
    %get3A_17 = arith.constant 0 : index
    %get3A_18 = arith.constant 0 : index
    %get3A_19 = vector.load %arg5[%get3A_17, %get3A_18] : memref<1x128xf32, #tpu.memory_space<vmem>>, vector<1x128xf32>
    %add3A_20 = vector.broadcast %get3A_19 : vector<1x128xf32> to vector<1000x128xf32>
    %add3A_21 = arith.addf %mul3A_16, %add3A_20 : vector<1000x128xf32>
    %max3A = arith.constant 0.000000e+00 : f32
    %max3A_22 = vector.broadcast %max3A : f32 to vector<1000x128xf32>
    %max3A_23 = arith.maximumf %add3A_21, %max3A_22 : vector<1000x128xf32>
    %swap3A = arith.constant 0 : index
    %swap3A_24 = arith.constant 0 : index
    %swap3A_25 = vector.load %arg6[%swap3A, %swap3A_24] : memref<1000x128xf32, #tpu.memory_space<vmem>>, vector<1000x128xf32>
    tpu.vector_store %arg6[%swap3A, %swap3A_24], %max3A_23 {strides = array<i32>} : memref<1000x128xf32, #tpu.memory_space<vmem>>, vector<1000x128xf32>,
    %eq3A = arith.constant 0 : i32
    %eq3A_26 = arith.cmpi eq, %arg0, %eq3A : i32
    %convert_element_type3A = arith.extui %eq3A_26 : i1 to i32
    %cond3A = arith.constant 0 : i32
    %cond3A_27 = arith.cmpi ne, %convert_element_type3A, %cond3A : i32
    scf.if %cond3A_27 {
      %broadcast_in_dim3A_47 = arith.constant 0.000000e+00 : f32
      %broadcast_in_dim3A_48 = vector.broadcast %broadcast_in_dim3A_47 : f32 to vector<1x128xf32>
      %swap3A_49 = arith.constant 0 : index
      %swap3A_50 = arith.constant 0 : index
      %swap3A_51 = vector.load %arg7[%swap3A_49, %swap3A_50] : memref<1x128xf32, #tpu.memory_space<vmem>>, vector<1x128xf32>
      tpu.vector_store %arg7[%swap3A_49, %swap3A_50], %broadcast_in_dim3A_48 {strides = array<i32>} : memref<1x128xf32, #tpu.memory_space<vmem>>, vector<1x128xf32>,
      %broadcast_in_dim3A_52 = arith.constant 0.000000e+00 : f32
      %broadcast_in_dim3A_53 = vector.broadcast %broadcast_in_dim3A_52 : f32 to vector<1x128xf32>
      %swap3A_54 = arith.constant 0 : index
      %swap3A_55 = arith.constant 0 : index
      %swap3A_56 = vector.load %arg8[%swap3A_54, %swap3A_55] : memref<1x128xf32, #tpu.memory_space<vmem>>, vector<1x128xf32>
      tpu.vector_store %arg8[%swap3A_54, %swap3A_55], %broadcast_in_dim3A_53 {strides = array<i32>} : memref<1x128xf32, #tpu.memory_space<vmem>>, vector<1x128xf32>,
    } else {
    }
    %get3A_28 = arith.constant 0 : index
    %get3A_29 = arith.constant 0 : index
    %get3A_30 = vector.load %arg7[%get3A_28, %get3A_29] : memref<1x128xf32, #tpu.memory_space<vmem>>, vector<1x128xf32>
    %reduce_sum3A = arith.constant dense<0.000000e+00> : vector<128xf32>
    %reduce_sum3A_31 = vector.multi_reduction <add>, %max3A_23, %reduce_sum3A [0] : vector<1000x128xf32> to vector<128xf32>
    %broadcast_in_dim3A = vector.shape_cast %reduce_sum3A_31 : vector<128xf32> to vector<1x128xf32>
    %add3A_32 = arith.addf %get3A_30, %broadcast_in_dim3A : vector<1x128xf32>
    %swap3A_33 = arith.constant 0 : index
    %swap3A_34 = arith.constant 0 : index
    %swap3A_35 = vector.load %arg7[%swap3A_33, %swap3A_34] : memref<1x128xf32, #tpu.memory_space<vmem>>, vector<1x128xf32>
    tpu.vector_store %arg7[%swap3A_33, %swap3A_34], %add3A_32 {strides = array<i32>} : memref<1x128xf32, #tpu.memory_space<vmem>>, vector<1x128xf32>,
    %get3A_36 = arith.constant 0 : index
    %get3A_37 = arith.constant 0 : index
    %get3A_38 = vector.load %arg8[%get3A_36, %get3A_37] : memref<1x128xf32, #tpu.memory_space<vmem>>, vector<1x128xf32>
    %mul3A_39 = arith.mulf %max3A_23, %max3A_23 : vector<1000x128xf32>
    %reduce_sum3A_40 = arith.constant dense<0.000000e+00> : vector<128xf32>
    %reduce_sum3A_41 = vector.multi_reduction <add>, %mul3A_39, %reduce_sum3A_40 [0] : vector<1000x128xf32> to vector<128xf32>
    %broadcast_in_dim3A_42 = vector.shape_cast %reduce_sum3A_41 : vector<128xf32> to vector<1x128xf32>
    %add3A_43 = arith.addf %get3A_38, %broadcast_in_dim3A_42 : vector<1x128xf32>
    %swap3A_44 = arith.constant 0 : index
    %swap3A_45 = arith.constant 0 : index
    %swap3A_46 = vector.load %arg8[%swap3A_44, %swap3A_45] : memref<1x128xf32, #tpu.memory_space<vmem>>, vector<1x128xf32>
    tpu.vector_store %arg8[%swap3A_44, %swap3A_45], %add3A_43 {strides = array<i32>} : memref<1x128xf32, #tpu.memory_space<vmem>>, vector<1x128xf32>,
    return
  }
  func.func @transform_0(%arg0: i32) -> (i32, i32, i32) {
    %c0_i32 = arith.constant 0 : i32
    %c0_i32_0 = arith.constant 0 : i32
    %c0_i32_1 = arith.constant 0 : i32
    return %c0_i32, %arg0, %c0_i32_0 : i32, i32, i32
  }
  func.func @transform_1(%arg0: i32) -> (i32, i32, i32) {
    %c1_i32 = arith.constant 1 : i32
    %c0_i32 = arith.constant 0 : i32
    %c0_i32_0 = arith.constant 0 : i32
    return %c1_i32, %arg0, %c0_i32 : i32, i32, i32
  }
  func.func @transform_2(%arg0: i32) -> (i32, i32) {
    %c0_i32 = arith.constant 0 : i32
    %c0_i32_0 = arith.constant 0 : i32
    return %arg0, %c0_i32 : i32, i32
  }
  func.func @transform_3(%arg0: i32) -> (i32, i32) {
    %c0_i32 = arith.constant 0 : i32
    %c0_i32_0 = arith.constant 0 : i32
    return %arg0, %c0_i32 : i32, i32
  }
  func.func @transform_4(%arg0: i32) -> (i32, i32) {
    %c0_i32 = arith.constant 0 : i32
    %c0_i32_0 = arith.constant 0 : i32
    %c0_i32_1 = arith.constant 0 : i32
    return %c0_i32, %c0_i32_0 : i32, i32
  }
  func.func @transform_5(%arg0: i32) -> (i32, i32) {
    %c0_i32 = arith.constant 0 : i32
    %c0_i32_0 = arith.constant 0 : i32
    return %arg0, %c0_i32 : i32, i32
  }
  func.func @transform_6(%arg0: i32) -> (i32, i32) {
    %c0_i32 = arith.constant 0 : i32
    %c0_i32_0 = arith.constant 0 : i32
    %c0_i32_1 = arith.constant 0 : i32
    return %c0_i32, %c0_i32_0 : i32, i32
  }
  func.func @transform_7(%arg0: i32) -> (i32, i32) {
    %c0_i32 = arith.constant 0 : i32
    %c0_i32_0 = arith.constant 0 : i32
    %c0_i32_1 = arith.constant 0 : i32
    return %c0_i32, %c0_i32_0 : i32, i32
  }
}

module attributes {stable_mosaic.version = 14 : i64} {
  func.func @_final_body(%arg0: i32, %arg1: memref<1000x128xf32, #tpu.memory_space<vmem>>, %arg2: memref<1x128xf32, #tpu.memory_space<vmem>>, %arg3: memref<1x128xf32, #tpu.memory_space<vmem>>, %arg4: memref<1x128xf32, #tpu.memory_space<vmem>>, %arg5: memref<1x128xf32, #tpu.memory_space<vmem>>, %arg6: memref<128x1xf32, #tpu.memory_space<vmem>>, %arg7: memref<1x1xf32, #tpu.memory_space<vmem>>, %arg8: memref<1000x1xf32, #tpu.memory_space<vmem>>) attributes {dimension_semantics = [#tpu.dimension_semantics<arbitrary>], iteration_bounds = array<i64: 10>, scalar_prefetch = 0 : i64, scratch_operands = 0 : i64, tpu.core_type = #tpu.core_type<tc>, window_params = [{transform_indices = @transform_0, window_bounds = array<i64: 1000, 128>}, {pipeline_mode = #tpu.pipeline_mode<synchronous>, transform_indices = @transform_1, window_bounds = array<i64: 1, 128>}, {pipeline_mode = #tpu.pipeline_mode<synchronous>, transform_indices = @transform_2, window_bounds = array<i64: 1, 128>}, {pipeline_mode = #tpu.pipeline_mode<synchronous>, transform_indices = @transform_3, window_bounds = array<i64: 1, 128>}, {pipeline_mode = #tpu.pipeline_mode<synchronous>, transform_indices = @transform_4, window_bounds = array<i64: 1, 128>}, {pipeline_mode = #tpu.pipeline_mode<synchronous>, transform_indices = @transform_5, window_bounds = array<i64: 128, 1>}, {pipeline_mode = #tpu.pipeline_mode<synchronous>, transform_indices = @transform_6, window_bounds = array<i64: 1, 1>}, {transform_indices = @transform_7, window_bounds = array<i64: 1000, 1>}]} {
    %get3A = arith.constant 0 : index
    %get3A_0 = arith.constant 0 : index
    %get3A_1 = vector.load %arg2[%get3A, %get3A_0] : memref<1x128xf32, #tpu.memory_space<vmem>>, vector<1x128xf32>
    %div3A = arith.constant 1.000000e+04 : f32
    %div3A_2 = vector.broadcast %div3A : f32 to vector<1x128xf32>
    %div3A_3 = arith.divf %get3A_1, %div3A_2 : vector<1x128xf32>
    %get3A_4 = arith.constant 0 : index
    %get3A_5 = arith.constant 0 : index
    %get3A_6 = vector.load %arg3[%get3A_4, %get3A_5] : memref<1x128xf32, #tpu.memory_space<vmem>>, vector<1x128xf32>
    %div3A_7 = arith.constant 1.000000e+04 : f32
    %div3A_8 = vector.broadcast %div3A_7 : f32 to vector<1x128xf32>
    %div3A_9 = arith.divf %get3A_6, %div3A_8 : vector<1x128xf32>
    %mul3A = arith.mulf %div3A_3, %div3A_3 : vector<1x128xf32>
    %sub3A = arith.subf %div3A_9, %mul3A : vector<1x128xf32>
    %add3A = arith.constant 9.99999974E-6 : f32
    %add3A_10 = vector.broadcast %add3A : f32 to vector<1x128xf32>
    %add3A_11 = arith.addf %sub3A, %add3A_10 : vector<1x128xf32>
    %rsqrt3A = math.rsqrt %add3A_11 : vector<1x128xf32>
    %get3A_12 = arith.constant 0 : index
    %get3A_13 = arith.constant 0 : index
    %get3A_14 = vector.load %arg4[%get3A_12, %get3A_13] : memref<1x128xf32, #tpu.memory_space<vmem>>, vector<1x128xf32>
    %mul3A_15 = arith.mulf %get3A_14, %rsqrt3A : vector<1x128xf32>
    %get3A_16 = arith.constant 0 : index
    %get3A_17 = arith.constant 0 : index
    %get3A_18 = vector.load %arg1[%get3A_16, %get3A_17] : memref<1000x128xf32, #tpu.memory_space<vmem>>, vector<1000x128xf32>
    %mul3A_19 = vector.broadcast %mul3A_15 : vector<1x128xf32> to vector<1000x128xf32>
    %mul3A_20 = arith.mulf %get3A_18, %mul3A_19 : vector<1000x128xf32>
    %get3A_21 = arith.constant 0 : index
    %get3A_22 = arith.constant 0 : index
    %get3A_23 = vector.load %arg5[%get3A_21, %get3A_22] : memref<1x128xf32, #tpu.memory_space<vmem>>, vector<1x128xf32>
    %mul3A_24 = arith.mulf %div3A_3, %mul3A_15 : vector<1x128xf32>
    %sub3A_25 = arith.subf %get3A_23, %mul3A_24 : vector<1x128xf32>
    %get3A_26 = arith.constant 0 : index
    %get3A_27 = arith.constant 0 : index
    %get3A_28 = vector.load %arg6[%get3A_26, %get3A_27] : memref<128x1xf32, #tpu.memory_space<vmem>>, vector<128x1xf32>
    %dot_general3A = arith.constant dense<0.000000e+00> : vector<1000x1xf32>
    %dot_general3A_29 = tpu.matmul %mul3A_20, %get3A_28, %dot_general3A {dimension_numbers = #tpu.dot_dimension_numbers<[1], [0], [0], [1], [0, 0, 1, 1], [], []>, transpose_lhs_hint = false} : vector<1000x128xf32>, vector<128x1xf32>, vector<1000x1xf32> -> vector<1000x1xf32>
    %get3A_30 = arith.constant 0 : index
    %get3A_31 = arith.constant 0 : index
    %get3A_32 = vector.load %arg6[%get3A_30, %get3A_31] : memref<128x1xf32, #tpu.memory_space<vmem>>, vector<128x1xf32>
    %dot_general3A_33 = arith.constant dense<0.000000e+00> : vector<1x1xf32>
    %dot_general3A_34 = tpu.matmul %sub3A_25, %get3A_32, %dot_general3A_33 {dimension_numbers = #tpu.dot_dimension_numbers<[1], [0], [0], [1], [0, 0, 1, 1], [], []>, transpose_lhs_hint = false} : vector<1x128xf32>, vector<128x1xf32>, vector<1x1xf32> -> vector<1x1xf32>
    %add3A_35 = vector.broadcast %dot_general3A_34 : vector<1x1xf32> to vector<1000x1xf32>
    %add3A_36 = arith.addf %dot_general3A_29, %add3A_35 : vector<1000x1xf32>
    %get3A_37 = arith.constant 0 : index
    %get3A_38 = arith.constant 0 : index
    %get3A_39 = vector.load %arg7[%get3A_37, %get3A_38] : memref<1x1xf32, #tpu.memory_space<vmem>>, vector<1x1xf32>
    %add3A_40 = vector.broadcast %get3A_39 : vector<1x1xf32> to vector<1000x1xf32>
    %add3A_41 = arith.addf %add3A_36, %add3A_40 : vector<1000x1xf32>
    %swap3A = arith.constant 0 : index
    %swap3A_42 = arith.constant 0 : index
    %swap3A_43 = vector.load %arg8[%swap3A, %swap3A_42] : memref<1000x1xf32, #tpu.memory_space<vmem>>, vector<1000x1xf32>
    tpu.vector_store %arg8[%swap3A, %swap3A_42], %add3A_41 {strides = array<i32>} : memref<1000x1xf32, #tpu.memory_space<vmem>>, vector<1000x1xf32>,
    return
  }
  func.func @transform_0(%arg0: i32) -> (i32, i32) {
    %c0_i32 = arith.constant 0 : i32
    %c0_i32_0 = arith.constant 0 : i32
    return %arg0, %c0_i32 : i32, i32
  }
  func.func @transform_1(%arg0: i32) -> (i32, i32) {
    %c0_i32 = arith.constant 0 : i32
    %c0_i32_0 = arith.constant 0 : i32
    %c0_i32_1 = arith.constant 0 : i32
    return %c0_i32, %c0_i32_0 : i32, i32
  }
  func.func @transform_2(%arg0: i32) -> (i32, i32) {
    %c0_i32 = arith.constant 0 : i32
    %c0_i32_0 = arith.constant 0 : i32
    %c0_i32_1 = arith.constant 0 : i32
    return %c0_i32, %c0_i32_0 : i32, i32
  }
  func.func @transform_3(%arg0: i32) -> (i32, i32) {
    %c0_i32 = arith.constant 0 : i32
    %c0_i32_0 = arith.constant 0 : i32
    %c0_i32_1 = arith.constant 0 : i32
    return %c0_i32, %c0_i32_0 : i32, i32
  }
  func.func @transform_4(%arg0: i32) -> (i32, i32) {
    %c0_i32 = arith.constant 0 : i32
    %c0_i32_0 = arith.constant 0 : i32
    %c0_i32_1 = arith.constant 0 : i32
    return %c0_i32, %c0_i32_0 : i32, i32
  }
  func.func @transform_5(%arg0: i32) -> (i32, i32) {
    %c0_i32 = arith.constant 0 : i32
    %c0_i32_0 = arith.constant 0 : i32
    %c0_i32_1 = arith.constant 0 : i32
    return %c0_i32, %c0_i32_0 : i32, i32
  }
  func.func @transform_6(%arg0: i32) -> (i32, i32) {
    %c0_i32 = arith.constant 0 : i32
    %c0_i32_0 = arith.constant 0 : i32
    %c0_i32_1 = arith.constant 0 : i32
    return %c0_i32, %c0_i32_0 : i32, i32
  }
  func.func @transform_7(%arg0: i32) -> (i32, i32) {
    %c0_i32 = arith.constant 0 : i32
    %c0_i32_0 = arith.constant 0 : i32
    return %arg0, %c0_i32 : i32, i32
  }
}

</mosaic_0001>

<sc_bundles>
// kernel: kernel.12.cloned.1.call-start
scs
__scs_entry_jumppad:
0x0: {  	(pc) =	sbr.rel $0x88, $3  }
0x1: {  	(tag) =	ssettag $0x0;
	lr =	simm.s32 $0x1  }
0x2: {  	[smem:$0x3F94] =	sst lr;
	_ =	strace $0xD0000000  }
0x3: {  	_ = 	snop  }
0x4: {  	_ = 	snop  }
0x5: {  	_ = 	snop  }
0x6: {  	_ = 	snop  }
0x7: {  	_ = 	snop  }
__scs_overlays_trampoline_lowered:
0x8: {  	[smem:$0x3FA3] =	sst s0  }
0x9: {  	[smem:$0x3FA4] =	sst s1  }
0xa: {  	[smem:$0x3FA5] =	sst s2  }
0xb: {  	[smem:$0x3FA6] =	sst s3  }
0xc: {  	[smem:$0x3FA7] =	sst s4  }
0xd: {  	[smem:$0x3FA8] =	sst s5  }
0xe: {  	[smem:$0x3FA9] =	sst s6  }
0xf: {  	[smem:$0x3FAA] =	sst s7  }
0x10: {  	[smem:$0x3FAB] =	sst s8  }
0x11: {  	[smem:$0x3FAC] =	sst s9;
	s0 =	simm.s32 @!p0 $0x0  }
0x12: {  	s1 =	sld [smem:$0x3F92];
	s0 =	simm.s32 @p0 $0x1  }
0x13: {  	[smem:$0x3FAD] =	sst s0;
	s0 =	simm.s32 @!p1 $0x0  }
0x14: {  	s2 =	sld [smem:$0x3F91];
	s0 =	simm.s32 @p1 $0x1  }
0x15: {  	[smem:$0x3FAE] =	sst s0;
	s0 =	simm.s32 @!p2 $0x0  }
0x16: {  	s3 =	sld [smem:$0x3FDB];
	s0 =	simm.s32 @p2 $0x1  }
0x17: {  	s4 =	simm.s32 $0x1BF5;
	[smem:$0x3FB0] =	sst s0  }
0x18: {  	s0 =	sld [smem:$0x3F93];
	_ =	swait.ge [sflag:s4], $0x0  }
0x19: {  	s7 =	sld [smem:$0x3F94]  }
0x1a: {  	s8 =	sadd.s32 $0xFFFFE003, lr  }
0x1b: {  	s9 =	sadd.s32 $0xFFFFFEF7, lr;
	s5 =	simm.s32 $0xFFFFFFFF;
	p2 =	slt.u32 s8, $0xFFFFF086  }
0x1c: {  	p1 =	slt.u32 s9, $0xF7A;
	s5 =	simm.s32 @!p2 $0x0  }
0x1d: {  	s5 =	simm.s32 @p1 $0x1;
	p0 =	seq.s32 s7, s2  }
0x1e: {  	s7 =	smul.u32 @!p0 $0xF7A, s2;
	p2 =	seq.s32 @!p0 s5, $0x0  }
0x1f: {  	s9 =	smul.u32 $0xF7A, s1;
	s8 =	simm.s32 @!p0 $0x1BF5;
	p2 =	por !p2, p0  }
0x20: {  	[sflag:s8] =	ssyncset.s32 @!p0 $0xFFFFF086;
	s6 =	sadd.s32 @!p0 s3, s7;
	s7 =	simm.s32 @!p0 $0x108  }
0x21: {  	s3 =	sadd.s32 s3, s9;
	s6 =	sadd.s32 @!p0 $0x88, s6;
	s7 =	simm.s32 @p2 $0x1082  }
0x22: {  	[simem:s7], [sflag:s8] =	dma.local @!p0 [hbm:s6], $0xF7A  }
0x23: {  	s9 =	sor.u32 $0xD0000000, s2;
	s6 =	simm.s32 $0x108;
	_ =	swait.ge @!p0 [sflag:s8], $0x0  }
0x24: {  	s3 =	sadd.s32 $0x88, s3;
	s6 =	simm.s32 @!p1 $0x1082;
	[sflag:s4] =	ssyncset.s32 $0xFFFFF086  }
0x25: {  	[simem:s6], [sflag:s4] =	dma.local [hbm:s3], $0xF7A  }
0x26: {  	[smem:$0x3F94] =	sst s1;
	(tag) =	ssettag s2;
	_ =	strace s9  }
0x27: {  	s1 =	sld [smem:$0x3FA4]  }
0x28: {  	s2 =	sld [smem:$0x3FA5]  }
0x29: {  	s4 =	sld [smem:$0x3FA7]  }
0x2a: {  	p0 =	seq.s32 s5, $0x0;
	s5 =	sld [smem:$0x3FA8]  }
0x2b: {  	s6 =	sld [smem:$0x3FA9]  }
0x2c: {  	s7 =	sld [smem:$0x3FAA]  }
0x2d: {  	s3 =	simm.s32 $0x108;
	s8 =	sld [smem:$0x3FAB]  }
0x2e: {  	s3 =	simm.s32 @!p0 $0x1082;
	s9 =	sld [smem:$0x3FAC]  }
0x2f: {  	lr =	sadd.s32 s0, s3;
	s0 =	sld [smem:$0x3FA3]  }
0x30: {  	s3 =	sld [smem:$0x3FA6]  }
0x31: {  	[smem:$0x3FAF] =	sst s10  }
0x32: {  	s10 =	sld [smem:$0x3FAD];
	_ =	sdelay $0x3  }
0x33: {  	p0 =	seq.s32 s10, $0x1;
	s10 =	sld [smem:$0x3FAF];
	_ =	sdelay $0x3  }
0x34: {  	[smem:$0x3FAF] =	sst s10  }
0x35: {  	s10 =	sld [smem:$0x3FAE];
	_ =	sdelay $0x3  }
0x36: {  	p1 =	seq.s32 s10, $0x1;
	s10 =	sld [smem:$0x3FAF];
	_ =	sdelay $0x3  }
0x37: {  	[smem:$0x3FAF] =	sst s10  }
0x38: {  	s10 =	sld [smem:$0x3FB0]  }
0x39: {  	_ = 	snop;
	(pc) =	sbr.ind lr, $3  }
0x3a: {  	_ = 	snop  }
0x3b: {  	_ = 	snop  }
0x3c: {  	p2 =	seq.s32 s10, $0x1;
	s10 =	sld [smem:$0x3FAF]  }
0x3d: {  	_ =	shalt  }
0x3e: {  	_ =	shalt  }
0x3f: {  	_ =	shalt  }
0x40: {  	_ =	shalt  }
0x41: {  	_ =	shalt  }
0x42: {  	_ =	shalt  }
0x43: {  	_ =	shalt  }
0x44: {  	_ =	shalt  }
0x45: {  	_ =	shalt  }
0x46: {  	_ =	shalt  }
0x47: {  	_ =	shalt  }
0x48: {  	_ =	shalt  }
0x49: {  	_ =	shalt  }
0x4a: {  	_ =	shalt  }
0x4b: {  	_ =	shalt  }
0x4c: {  	_ =	shalt  }
0x4d: {  	_ =	shalt  }
0x4e: {  	_ =	shalt  }
0x4f: {  	_ =	shalt  }
0x50: {  	_ =	shalt  }
0x51: {  	_ =	shalt  }
0x52: {  	_ =	shalt  }
0x53: {  	_ =	shalt  }
0x54: {  	_ =	shalt  }
0x55: {  	_ =	shalt  }
0x56: {  	_ =	shalt  }
0x57: {  	_ =	shalt  }
0x58: {  	_ =	shalt  }
0x59: {  	_ =	shalt  }
0x5a: {  	_ =	shalt  }
0x5b: {  	_ =	shalt  }
0x5c: {  	_ =	shalt  }
0x5d: {  	_ =	shalt  }
0x5e: {  	_ =	shalt  }
0x5f: {  	_ =	shalt  }
0x60: {  	_ =	shalt  }
0x61: {  	_ =	shalt  }
0x62: {  	_ =	shalt  }
0x63: {  	_ =	shalt  }
0x64: {  	_ =	shalt  }
0x65: {  	_ =	shalt  }
0x66: {  	_ =	shalt  }
0x67: {  	_ =	shalt  }
0x68: {  	_ =	shalt  }
0x69: {  	_ =	shalt  }
0x6a: {  	_ =	shalt  }
0x6b: {  	_ =	shalt  }
0x6c: {  	_ =	shalt  }
0x6d: {  	_ =	shalt  }
0x6e: {  	_ =	shalt  }
0x6f: {  	_ =	shalt  }
0x70: {  	_ =	shalt  }
0x71: {  	_ =	shalt  }
0x72: {  	_ =	shalt  }
0x73: {  	_ =	shalt  }
0x74: {  	_ =	shalt  }
0x75: {  	_ =	shalt  }
0x76: {  	_ =	shalt  }
0x77: {  	_ =	shalt  }
0x78: {  	_ =	shalt  }
0x79: {  	_ =	shalt  }
0x7a: {  	_ =	shalt  }
0x7b: {  	_ =	shalt  }
0x7c: {  	_ =	shalt  }
0x7d: {  	_ =	shalt  }
0x7e: {  	_ =	shalt  }
0x7f: {  	_ =	shalt  }
0x80: {  	_ =	shalt  }
0x81: {  	_ =	shalt  }
0x82: {  	_ =	shalt  }
0x83: {  	_ =	shalt  }
0x84: {  	_ =	shalt  }
0x85: {  	_ =	shalt  }
0x86: {  	_ =	shalt  }
0x87: {  	_ =	shalt  }
.Lfunc_end0:
.L_simem_size_0:
called_computation.1_lowered:
.L_overlay_start_0:
0x88: {  	s2 =	sld [smem:$0x3FD9]  }
0x89: {  	s3 =	sld [smem:$0x3FFE];
	_ =	sdelay $0x1  }
0x8a: {  	s1 =	srdreg.scid  }
0x8b: {  	s0 =	sand.u32 $0x1, s1  }
0x8c: {  	s16 =	sshll.u32 s0, $0xA;
	s2 =	sadd.s32 s3, s2  }
0x8d: {  	s2 =	sadd.s32 s2, s16  }
0x8e: {  	[smem:$0x3FBB] =	sst s2  }
0x8f: {  	_ = 	snop  }
0x90: {  	(tm) =	ssettm $0x1  }
0x91: {  	s17 =	sld [smem:$0x3FFB];
	_ =	sdelay $0x3  }
0x92: {  	_ =	strace s17  }
0x93: {  	s2 =	sld [smem:$0x3FFC];
	_ =	sdelay $0x3  }
0x94: {  	_ =	strace s2  }
0x95: {  	s2 =	sld [smem:$0x3FFD];
	_ =	sdelay $0x3  }
0x96: {  	_ =	strace s2  }
0x97: {  	_ =	strace $0x8FFFFFFF  }
0x98: {  	s18 =	sld [smem:$0x3FDB];
	_ =	sdelay $0x1  }
0x99: {  	s19 =	simm.s32 $_scs_section_size  }
0x9a: {  	s4 =	simm.s32 $_size__tile_overlayer_lowered;
	s5 =	simm.s32 $_tile_overlayer_lowered  }
0x9b: {  	s22 =	simm.s32 $0x1BFF;
	s21 =	sshll.u32 s5, $0x1;
	s2 =	sadd.s32 s19, s18  }
0x9c: {  	s6 =	simm.s32 $0x0;
	s20 =	sshll.u32 s4, $0x1;
	s4 =	sadd.s32 s21, s2  }
0x9d: {  	[timem:s6], [sflag:s22] =	dma.local [hbm:s4], s20  }
0x9e: {  	_ =	swait.ge [sflag:s22], s20  }
0x9f: {  	s3 =	ssub.s32 $0x0, s20;
	[sflag:s22] =	ssyncset.done $0x0  }
0xa0: {  	[sflag:s22] =	ssyncadd.s32 s3;
	_ =	sdelay $0x1  }
0xa1: {  	s23 =	simm.s32 $0x1B8B  }
0xa2: {  	_ =	swait.ge [sflag:s23], $0x1  }
0xa3: {  	[sflag:s23] =	ssyncset.done $0x0  }
0xa4: {  	s25 =	simm.s32 $0x1B8E;
	s24 =	sld [smem:$0x3FFE];
	[sflag:s23] =	ssyncadd.s32 $0xFFFFFFFF  }
0xa5: {  	s26 =	simm.s32 $execute0_lowered;
	[smem:$0x3FD2] =	sst s25  }
0xa6: {  	s4 =	sshll.u32 s26, $0x1;
	_ =	strace $0x80000049;
	[dreg:$0x1] =	wrdreg $0xFFFFFFFF  }
0xa7: {  	s28 =	simm.s32 $_size_execute0_lowered;
	s2 =	sadd.s32 s2, s4;
	[dreg:$0x0] =	wrdreg $0x0  }
0xa8: {  	s4 =	sshll.u32 s28, $0x1;
	[dreg:$0x2] =	wrdreg s2  }
0xa9: {  	[dreg:$0x3] =	wrdreg s4  }
0xaa: {  	[dreg:$0x4] =	wrdreg $0xC0  }
0xab: {  	_ =	task [dreg:s6], $0x5FFFF  }
0xac: {  	[dreg:$0x1] =	wrdreg $0xFFFFFFFF  }
0xad: {  	[dreg:$0x0] =	wrdreg $0x60  }
0xae: {  	[dreg:$0x2] =	wrdreg s24  }
0xaf: {  	[dreg:$0x3] =	wrdreg $0xA4800  }
0xb0: {  	[dreg:$0x4] =	wrdreg $0x9  }
0xb1: {  	_ =	task.clear_ibuf [dreg:s6], $0x5FFFF;
	_ =	strace $0x90000049  }
0xb2: {  	s29 =	simm.s32 $0x9;
	_ =	strace $0x8000004B  }
0xb3: {  	_ =	swait.ge [sflag:s29], $0x1  }
0xb4: {  	[sflag:s29] =	ssyncadd.s32 $0xFFFFFFFF  }
0xb5: {  	_ =	strace $0x9000004B  }
0xb6: {  	_ =	sfence  }
0xb7: {  	s30 =	sld [smem:$0x0];
	_ =	sdelay $0x2  }
0xb8: {  	s31 =	sshll.u32 s1, $0xD;
	s1 =	sshrl.u32 s1, $0x2  }
0xb9: {  	s3 =	sand.u32 $0x4000, s31;
	s1 =	sadd.s32 s1, s30  }
0xba: {  	s0 =	sor.u32 s3, s0;
	s1 =	sshll.u32 s1, $0x11  }
0xbb: {  	s0 =	sor.u32 s1, s0  }
0xbc: {  	s0 =	sadd.s32 $0x8F2B, s0  }
0xbd: {  	[sflag:s0] =	ssyncadd.remote.s32 $0x1  }
0xbe: {  	_ =	sfence.sel $0xFFFF  }
0xbf: {  	[dreg:$0x0] =	wrdreg $0xFFFFFFFF;
	(pc) =	sbr.abs _section_cstart, $3  }
0xc0: {  	[dreg:$0x1] =	wrdreg $0xFFFFFFFF  }
0xc1: {  	_ =	task.clear_ibuf [dreg:s6], $0x2FFFF;
	_ =	strace $0x9FFFFFFF  }
0xc2: {  	(tm) =	ssettm $0x7FFFFFFF  }
0xc3: {  	_ =	shalt  }
tec
execute0_lowered:
.L_overlay_start_1:
0x0: {  	(tag) =	ssettag $0x1  }
0x1: {  	s0 =	rddreg [dreg:$0x0]  }
0x2: {  	s2 =	rddreg [dreg:$0x1];
	s3 =	simm.s32 $0x0;
	s13 =	stileid.u32  }
0x3: {  	s1 =	srdreg.scid;
	s16 =	simm.s32 $0x5;
	s17 =	simm.s32 $0x1C00  }
0x4: {  	s18 =	simm.s32 $0x3800;
	s19 =	simm.s32 $0x1;
	s20 =	simm.s32 $0x5400  }
0x5: {  	s21 =	simm.s32 $0x50;
	s22 =	simm.s32 $0x5480;
	s23 =	simm.s32 $0x3  }
0x6: {  	s24 =	simm.s32 $0x2;
	s25 =	simm.s32 $0x7C80;
	s28 =	simm.s32 $0x0  }
0x7: {  	[smem:$0x7FF] =	sst s3;
	s10 =	smul.u32 $0x14000, s13;
	s4 =	sand.u32 $0x1, s1  }
0x8: {  	s5 =	sadd.s32 $0x69E00, s0;
	s6 =	sadd.s32 $0x3200, s0;
	s7 =	sadd.s32 $0x35600, s0  }
0x9: {  	s8 =	sadd.s32 $0x46E00, s0;
	s9 =	sadd.s32 $0x58600, s0;
	s26 =	smul.u32 $0x50000, s13  }
0xa: {  	s30 =	sshll.u32 s13, $0x6;
	_ =	strace $0x8000004A;
	s1 =	smul.u32 $0x140000, s4  }
0xb: {  	s12 =	ssub.s32 $0x2, s4;
	p0 =	seq.s32 s4, $0x1;
	p2 =	sne.s32 s4, $0x0  }
0xc: {  	s11 =	sshrl.u32 s10, $0x3;
	s29 =	sshrl.u32 s12, $0x1;
	s1 =	sadd.s32 s10, s1  }
0xd: {  	p1 =	por !p0, !p0;
	s11 =	sadd.s32 s11, s0;
	s1 =	sshrl.u32 s1, $0x3  }
0xe: {  	s10 =	sshrl.u32 s26, $0x2;
	s11 =	sadd.s32 $0x91000, s11;
	s0 =	sadd.s32 s1, s0  }
0xf: {  	s1 =	ssub.s32 s12, s29;
	[dreg:$0x3] =	wrdreg s11;
	s0 =	sadd.s32 $0xB9000, s0  }
0x10: {  	s10 =	sadd.s32 s10, s2;
	s31 =	smax.u32 s1, $0x1;
	[dreg:$0x4] =	wrdreg s0  }
0x11: {  	s26 =	simm.s32 $0x4;
	s1 =	sshrl.u32 s10, $0x3;
	[dreg:$0x5] =	wrdreg s31  }
0x12: {  	s11 =	sor.u32 $0x1C05, s30;
	s12 =	smul.u32 $0x5, s13;
	[dreg:$0x6] =	wrdreg s1  }
.LBB2_1:
0x13: {  	s0 =	rddreg [dreg:$0x3]  }
0x14: {  	[spmem:s1], [sflag:s11] =	dma.local [hbm:s0], $0x2800  }
0x15: {  	_ =	swait.ge [sflag:s16], $0x2800  }
0x16: {  	[sflag:s16] =	ssyncset.done $0x0  }
0x17: {  	[sflag:s16] =	ssyncadd.s32 $0xFFFFD800  }
0x18: {  	s15 =	smov.u32 s11;
	s29 =	simm.s32 $0x0;
	[bflag:$0x0] =	sbarrier.arrive $0xFFFF  }
.LBB2_2:
0x19: {  	s0 =	smul.u32 $0x29, s29;
	_ =	sdelay $0x1  }
0x1a: {  	s0 =	sshrl.u32 s0, $0xA  }
0x1b: {  	s0 =	sand.u32 $0x3F, s0  }
0x1c: {  	s1 =	smul.u32 $0x19, s0;
	_ =	sdelay $0x1  }
0x1d: {  	p3 =	seq.s32 s29, $0x0;
	s1 =	ssub.s32 s29, s1  }
0x1e: {  	s10 =	sand.u32 @!p3 $0xFF, s1  }
0x1f: {  	s30 =	sand.u32 $0xFF, s1;
	p4 =	sne.s32 @!p3 s10, $0x0  }
0x20: {  	s1 =	sor.u32 s30, s4;
	p4 =	por p4, p3  }
0x21: {  	s0 =	sadd.s32 s0, s12;
	p3 =	sne.s32 s1, $0x0;
	s10 =	simm.s32 @!p4 $0x4  }
0x22: {  	s1 =	smul.u32 @!p3 $0x380, s0;
	_ =	swait.ge @!p4 [sflag:s10], $0x2800  }
0x23: {  	[sflag:s10] =	ssyncset.done @!p4 $0x0  }
0x24: {  	s13 =	simm.s32 @!p3 $0x0;
	[sflag:s10] =	ssyncadd.s32 @!p4 $0xFFFFD800;
	s10 =	sadd.s32 @!p3 s7, s1  }
0x25: {  	[tilespmem:s13], [sflag:$0x5] =	stream.linear.gather @!p3 [hbm4b:s10+s13], $0x1900, $0x38;
	[tilespmem:$0x1E480] =	vst v63  }
0x26: {  	s10 =	simm.s32 @!p3 $0x5  }
0x27: {  	p4 =	sne.s32 s30, $0x0;
	_ =	swait.ge @!p3 [sflag:s10], $0x1900  }
0x28: {  	s31 =	simm.s32 @!p3 $0x1C00;
	p5 =	por p4, p1;
	[sflag:s10] =	ssyncset.done @!p3 $0x0  }
.Ltmp0:
0x29: {  	s1 =	sadd.s32 @!p3 s8, s1;
	[sflag:s10] =	ssyncadd.s32 @!p3 $0xFFFFE700;
	(pc) =	sbr.rel @p5 .LBB2_4-.Ltmp0, $4  }
0x2a: {  	[tilespmem:s31], [sflag:$0x5] =	stream.linear.gather @!p3 [hbm4b:s1+s13], $0x1900, $0x38;
	[tilespmem:$0x1E480] =	vst v63  }
0x2b: {  	_ =	swait.ge @!p3 [sflag:s10], $0x1900  }
0x2c: {  	[sflag:s10] =	ssyncset.done @!p3 $0x0  }
0x2d: {  	[sflag:s10] =	ssyncadd.s32 @!p3 $0xFFFFE700  }
0x2e: {  	s0 =	smul.u32 $0x380, s0;
	_ =	sdelay $0x1  }
0x2f: {  	s1 =	sadd.s32 s8, s0  }
0x30: {  	[tilespmem:s3], [sflag:$0x5] =	stream.linear.gather [hbm4b:s1+s3], $0x1900, $0x38;
	[tilespmem:$0x1E480] =	vst v63  }
0x31: {  	_ =	swait.ge [sflag:s16], $0x1900  }
0x32: {  	[sflag:s16] =	ssyncset.done $0x0  }
.Ltmp1:
0x33: {  	s31 =	sadd.s32 s7, s0;
	[sflag:s16] =	ssyncadd.s32 $0xFFFFE700;
	(pc) =	sbr.rel .LBB2_6-.Ltmp1, $4  }
0x34: {  	[tilespmem:s17], [sflag:$0x5] =	stream.linear.gather [hbm4b:s31+s3], $0x1900, $0x38;
	[tilespmem:$0x1E480] =	vst v63  }
0x35: {  	_ =	swait.ge [sflag:s16], $0x1900  }
0x36: {  	[sflag:s16] =	ssyncset.done $0x0  }
0x37: {  	[sflag:s16] =	ssyncadd.s32 $0xFFFFE700  }
.LBB2_4:
.Ltmp2:
0x38: {  	(pc) =	sbr.rel @!p4 .LBB2_5-.Ltmp2, $1  }
0x39: {  	_ =	sdelay $0x3  }
.Ltmp3:
0x3a: {  	(pc) =	sbr.rel .LBB2_8-.Ltmp3, $4  }
0x3b: {  	_ = 	snop  }
0x3c: {  	_ =	swait.ge [sflag:s26], $0x2800  }
0x3d: {  	[sflag:s26] =	ssyncset.done $0x0  }
0x3e: {  	s0 =	sshll.u32 s30, $0x1;
	[sflag:s26] =	ssyncadd.s32 $0xFFFFD800  }
.LBB2_5:
0x3f: {  	s0 =	smul.u32 $0x380, s0  }
.LBB2_6:
0x40: {  	_ = 	snop  }
0x41: {  	s0 =	sadd.s32 s9, s0  }
0x42: {  	[tilespmem:s18], [sflag:$0x5] =	stream.linear.gather [hbm4b:s0+s3], $0x1900, $0x38;
	[tilespmem:$0x1E480] =	vst v63  }
0x43: {  	_ =	swait.ge [sflag:s16], $0x1900  }
0x44: {  	s1 =	simm.s32 @!p2 $0x0;
	[sflag:s16] =	ssyncset.done $0x0  }
0x45: {  	s10 =	simm.s32 @!p2 $0x5480;
	s0 =	simm.s32 @!p2 $0x28;
	[sflag:s16] =	ssyncadd.s32 $0xFFFFE700  }
0x46: {  	[tilespmem:s10], [sflag:$0x1] =	stream.indirect.gather @!p2 [hbm4b:s5+s0], $0x80, s1, s0, $0xb8;
	[tilespmem:$0x1E480] =	vst v63  }
0x47: {  	s1 =	simm.s32 @!p2 $0x6880  }
0x48: {  	[tilespmem:s1], [sflag:$0x1] =	stream.indirect.gather @!p2 [hbm4b:s5+s0], $0x80, s0, s0, $0xb8;
	[tilespmem:$0x1E480] =	vst v63  }
0x49: {  	s10 =	simm.s32 @p0 $0x5480;
	s0 =	simm.s32 @p0 $0x28;
	s1 =	simm.s32 @p0 $0x0  }
0x4a: {  	[tilespmem:s10], [sflag:$0x1] =	stream.indirect.gather @p0 [hbm4b:s6+s0], $0x80, s1, s0, $0xb8;
	[tilespmem:$0x1E480] =	vst v63  }
0x4b: {  	s1 =	simm.s32 @p0 $0x6880  }
0x4c: {  	[tilespmem:s1], [sflag:$0x1] =	stream.indirect.gather @p0 [hbm4b:s6+s0], $0x80, s0, s0, $0xb8;
	[tilespmem:$0x1E480] =	vst v63  }
0x4d: {  	s0 =	simm.s32 $0x0  }
0x4e: {  	s0 =	simm.s32 @p0 $0x0  }
.LBB2_8:
0x4f: {  	s31 =	sor.u32 $0x1, s0  }
0x50: {  	s10 =	simm.s32 @!p2 $0x28;
	s13 =	simm.s32 @!p2 $0x7C80;
	s1 =	sshll.u32 @!p2 s31, $0x7  }
0x51: {  	[tilespmem:s13], [sflag:$0x2] =	stream.indirect.gather @!p2 [hbm4b:s5+s10], $0x80, s1, s10, $0xb8;
	[tilespmem:$0x1E480] =	vst v63  }
0x52: {  	s1 =	sor.u32 @!p2 $0x28, s1;
	s13 =	simm.s32 @!p2 $0x9080  }
0x53: {  	[tilespmem:s13], [sflag:$0x2] =	stream.indirect.gather @!p2 [hbm4b:s5+s10], $0x80, s1, s10, $0xb8;
	[tilespmem:$0x1E480] =	vst v63  }
0x54: {  	s1 =	sshll.u32 @p0 s31, $0x7;
	s10 =	simm.s32 @p0 $0x28;
	s13 =	simm.s32 @p0 $0x7C80  }
0x55: {  	[tilespmem:s13], [sflag:$0x2] =	stream.indirect.gather @p0 [hbm4b:s6+s10], $0x80, s1, s10, $0xb8;
	[tilespmem:$0x1E480] =	vst v63  }
0x56: {  	s1 =	sor.u32 @p0 $0x28, s1;
	s13 =	simm.s32 @p0 $0x9080  }
0x57: {  	[tilespmem:s13], [sflag:$0x2] =	stream.indirect.gather @p0 [hbm4b:s6+s10], $0x80, s1, s10, $0xb8;
	[tilespmem:$0x1E480] =	vst v63  }
0x58: {  	_ =	swait.ge [sflag:s19], $0x1400  }
0x59: {  	[sflag:s19] =	ssyncset.done $0x0  }
0x5a: {  	[sflag:s19] =	ssyncadd.s32 $0xFFFFEC00  }
0x5b: {  	_ =	swait.ge [sflag:s19], $0x1400  }
0x5c: {  	[sflag:s19] =	ssyncset.done $0x0  }
0x5d: {  	s1 =	sshll.u32 s30, $0x8;
	[sflag:s19] =	ssyncadd.s32 $0xFFFFEC00  }
0x5e: {  	v0 =	vld [tilespmem:s1+$0x3800];
	_ =	sdelay $0x4  }
0x5f: {  	[tilespmem:$0x5400] =	vst v0  }
0x60: {  	v0 =	vld [tilespmem:s1+$0x3810];
	_ =	sdelay $0x4  }
0x61: {  	[tilespmem:$0x5410] =	vst v0  }
0x62: {  	v0 =	vld [tilespmem:s1+$0x3820];
	_ =	sdelay $0x4  }
0x63: {  	[tilespmem:$0x5420] =	vst v0  }
0x64: {  	v0 =	vld [tilespmem:s1+$0x3830];
	_ =	sdelay $0x4  }
0x65: {  	[tilespmem:$0x5430] =	vst v0  }
0x66: {  	v0 =	vld [tilespmem:s1+$0x3840];
	_ =	sdelay $0x4  }
0x67: {  	s10 =	simm.s32 $0x0;
	[tilespmem:$0x5440] =	vst v0  }
.LBB2_9:
0x68: {  	s13 =	sshll.u32 s10, $0x4  }
0x69: {  	v0 =	vmov s13  }
0x6a: {  	v0 =	vbroadcast v0, $0x0;
	_ =	sdelay $0x2  }
0x6b: {  	s14 =	sshll.u32 s10, $0xB  }
0x6c: {  	s14 =	sand.u32 $0x3FFFF800, s14  }
0x6d: {  	v1 =	vld [tilespmem:s14+$0x5480]  }
0x6e: {  	v0 =	vld.idx.msk [tilespmem:v0+s20+$0x0], $0xffff  }
0x6f: {  	v2 =	vld [tilespmem:s14+$0x5490]  }
0x70: {  	v3 =	vld [tilespmem:s14+$0x54A0]  }
0x71: {  	v4 =	vld [tilespmem:s14+$0x54B0]  }
0x72: {  	v5 =	vld [tilespmem:s14+$0x54C0]  }
0x73: {  	v6 =	vld [tilespmem:s14+$0x54D0];
	v1 =	vmul.f32 v1, v0  }
0x74: {  	v7 =	vld [tilespmem:s14+$0x54E0];
	v2 =	vmul.f32 v2, v0  }
0x75: {  	v45 =	vld [tilespmem:s14+$0x54F0];
	v44 =	vmul.f32 v3, v0;
	[tilespmem:s14+$0x5480] =	vst v1  }
0x76: {  	s11 =	sor.u32 $0x1, s13;
	v46 =	vmul.f32 v4, v0;
	[tilespmem:s14+$0x5490] =	vst v2  }
0x77: {  	v47 =	vmov s11;
	v48 =	vmul.f32 v5, v0;
	[tilespmem:s14+$0x54A0] =	vst v44  }
0x78: {  	v4 =	vbroadcast v47, $0x0;
	v49 =	vmul.f32 v6, v0;
	[tilespmem:s14+$0x54B0] =	vst v46  }
0x79: {  	v50 =	vmul.f32 v7, v0;
	[tilespmem:s14+$0x54C0] =	vst v48  }
0x7a: {  	v0 =	vmul.f32 v45, v0;
	[tilespmem:s14+$0x54D0] =	vst v49  }
0x7b: {  	s11 =	sshll.u32 s11, $0x7;
	[tilespmem:s14+$0x54E0] =	vst v50  }
0x7c: {  	s11 =	sand.u32 $0x3FFFF880, s11;
	[tilespmem:s14+$0x54F0] =	vst v0  }
0x7d: {  	v1 =	vld [tilespmem:s11+$0x5480]  }
0x7e: {  	v0 =	vld.idx.msk [tilespmem:v4+s20+$0x0], $0xffff  }
0x7f: {  	v2 =	vld [tilespmem:s11+$0x5490]  }
0x80: {  	v51 =	vld [tilespmem:s11+$0x54A0]  }
0x81: {  	v52 =	vld [tilespmem:s11+$0x54B0]  }
0x82: {  	v53 =	vld [tilespmem:s11+$0x54C0]  }
0x83: {  	v54 =	vld [tilespmem:s11+$0x54D0];
	v1 =	vmul.f32 v1, v0  }
0x84: {  	v55 =	vld [tilespmem:s11+$0x54E0];
	v2 =	vmul.f32 v2, v0  }
0x85: {  	s14 =	sor.u32 $0x2, s13;
	v57 =	vld [tilespmem:s11+$0x54F0];
	v56 =	vmul.f32 v51, v0;
	[tilespmem:s11+$0x5480] =	vst v1  }
0x86: {  	v59 =	vmov s14;
	v58 =	vmul.f32 v52, v0;
	[tilespmem:s11+$0x5490] =	vst v2  }
0x87: {  	v4 =	vbroadcast v59, $0x0;
	v60 =	vmul.f32 v53, v0;
	[tilespmem:s11+$0x54A0] =	vst v56  }
0x88: {  	v61 =	vmul.f32 v54, v0;
	[tilespmem:s11+$0x54B0] =	vst v58  }
0x89: {  	v62 =	vmul.f32 v55, v0;
	[tilespmem:s11+$0x54C0] =	vst v60  }
0x8a: {  	v0 =	vmul.f32 v57, v0;
	[tilespmem:s11+$0x54D0] =	vst v61  }
0x8b: {  	[tilespmem:s11+$0x54E0] =	vst v62  }
0x8c: {  	s14 =	sshll.u32 s14, $0x7;
	[tilespmem:s11+$0x54F0] =	vst v0  }
0x8d: {  	s11 =	sand.u32 $0x3FFFF900, s14;
	v0 =	vld.idx.msk [tilespmem:v4+s20+$0x0], $0xffff  }
0x8e: {  	v1 =	vld [tilespmem:s11+$0x5480]  }
0x8f: {  	v2 =	vld [tilespmem:s11+$0x5490]  }
0x90: {  	v63 =	vld [tilespmem:s11+$0x54A0]  }
0x91: {  	v9 =	vld [tilespmem:s11+$0x54B0]  }
0x92: {  	v10 =	vld [tilespmem:s11+$0x54C0]  }
0x93: {  	v11 =	vld [tilespmem:s11+$0x54D0];
	v1 =	vmul.f32 v1, v0  }
0x94: {  	v12 =	vld [tilespmem:s11+$0x54E0];
	v2 =	vmul.f32 v2, v0  }
0x95: {  	s14 =	sor.u32 $0x3, s13;
	v14 =	vld [tilespmem:s11+$0x54F0];
	v13 =	vmul.f32 v63, v0;
	[tilespmem:s11+$0x5480] =	vst v1  }
0x96: {  	v16 =	vmov s14;
	v15 =	vmul.f32 v9, v0;
	[tilespmem:s11+$0x5490] =	vst v2  }
0x97: {  	v4 =	vbroadcast v16, $0x0;
	v17 =	vmul.f32 v10, v0;
	[tilespmem:s11+$0x54A0] =	vst v13  }
0x98: {  	v18 =	vmul.f32 v11, v0;
	[tilespmem:s11+$0x54B0] =	vst v15  }
0x99: {  	v19 =	vmul.f32 v12, v0;
	[tilespmem:s11+$0x54C0] =	vst v17  }
0x9a: {  	v0 =	vmul.f32 v14, v0;
	[tilespmem:s11+$0x54D0] =	vst v18  }
0x9b: {  	[tilespmem:s11+$0x54E0] =	vst v19  }
0x9c: {  	s14 =	sshll.u32 s14, $0x7;
	[tilespmem:s11+$0x54F0] =	vst v0  }
0x9d: {  	s11 =	sand.u32 $0x3FFFF980, s14;
	v0 =	vld.idx.msk [tilespmem:v4+s20+$0x0], $0xffff  }
0x9e: {  	v1 =	vld [tilespmem:s11+$0x5480]  }
0x9f: {  	v2 =	vld [tilespmem:s11+$0x5490]  }
0xa0: {  	v20 =	vld [tilespmem:s11+$0x54A0]  }
0xa1: {  	v21 =	vld [tilespmem:s11+$0x54B0]  }
0xa2: {  	v22 =	vld [tilespmem:s11+$0x54C0]  }
0xa3: {  	v23 =	vld [tilespmem:s11+$0x54D0];
	v1 =	vmul.f32 v1, v0  }
0xa4: {  	v24 =	vld [tilespmem:s11+$0x54E0];
	v2 =	vmul.f32 v2, v0  }
0xa5: {  	s14 =	sor.u32 $0x4, s13;
	v26 =	vld [tilespmem:s11+$0x54F0];
	v25 =	vmul.f32 v20, v0;
	[tilespmem:s11+$0x5480] =	vst v1  }
0xa6: {  	v28 =	vmov s14;
	v27 =	vmul.f32 v21, v0;
	[tilespmem:s11+$0x5490] =	vst v2  }
0xa7: {  	v4 =	vbroadcast v28, $0x0;
	v29 =	vmul.f32 v22, v0;
	[tilespmem:s11+$0x54A0] =	vst v25  }
0xa8: {  	v30 =	vmul.f32 v23, v0;
	[tilespmem:s11+$0x54B0] =	vst v27  }
0xa9: {  	v31 =	vmul.f32 v24, v0;
	[tilespmem:s11+$0x54C0] =	vst v29  }
0xaa: {  	v0 =	vmul.f32 v26, v0;
	[tilespmem:s11+$0x54D0] =	vst v30  }
0xab: {  	[tilespmem:s11+$0x54E0] =	vst v31  }
0xac: {  	s14 =	sshll.u32 s14, $0x7;
	[tilespmem:s11+$0x54F0] =	vst v0  }
0xad: {  	s11 =	sand.u32 $0x3FFFFA00, s14;
	v0 =	vld.idx.msk [tilespmem:v4+s20+$0x0], $0xffff  }
0xae: {  	v1 =	vld [tilespmem:s11+$0x5480]  }
0xaf: {  	v2 =	vld [tilespmem:s11+$0x5490]  }
0xb0: {  	v32 =	vld [tilespmem:s11+$0x54A0]  }
0xb1: {  	v33 =	vld [tilespmem:s11+$0x54B0]  }
0xb2: {  	v34 =	vld [tilespmem:s11+$0x54C0]  }
0xb3: {  	v35 =	vld [tilespmem:s11+$0x54D0];
	v1 =	vmul.f32 v1, v0  }
0xb4: {  	v36 =	vld [tilespmem:s11+$0x54E0];
	v2 =	vmul.f32 v2, v0  }
0xb5: {  	s14 =	sor.u32 $0x5, s13;
	v38 =	vld [tilespmem:s11+$0x54F0];
	v37 =	vmul.f32 v32, v0;
	[tilespmem:s11+$0x5480] =	vst v1  }
0xb6: {  	v40 =	vmov s14;
	v39 =	vmul.f32 v33, v0;
	[tilespmem:s11+$0x5490] =	vst v2  }
0xb7: {  	v4 =	vbroadcast v40, $0x0;
	v41 =	vmul.f32 v34, v0;
	[tilespmem:s11+$0x54A0] =	vst v37  }
0xb8: {  	v42 =	vmul.f32 v35, v0;
	[tilespmem:s11+$0x54B0] =	vst v39  }
0xb9: {  	v43 =	vmul.f32 v36, v0;
	[tilespmem:s11+$0x54C0] =	vst v41  }
0xba: {  	v0 =	vmul.f32 v38, v0;
	[tilespmem:s11+$0x54D0] =	vst v42  }
0xbb: {  	[tilespmem:s11+$0x54E0] =	vst v43  }
0xbc: {  	s14 =	sshll.u32 s14, $0x7;
	[tilespmem:s11+$0x54F0] =	vst v0  }
0xbd: {  	s11 =	sand.u32 $0x3FFFFA80, s14;
	v0 =	vld.idx.msk [tilespmem:v4+s20+$0x0], $0xffff  }
0xbe: {  	v1 =	vld [tilespmem:s11+$0x5480]  }
0xbf: {  	v2 =	vld [tilespmem:s11+$0x5490]  }
0xc0: {  	v44 =	vld [tilespmem:s11+$0x54A0]  }
0xc1: {  	v45 =	vld [tilespmem:s11+$0x54B0]  }
0xc2: {  	v46 =	vld [tilespmem:s11+$0x54C0]  }
0xc3: {  	v47 =	vld [tilespmem:s11+$0x54D0];
	v1 =	vmul.f32 v1, v0  }
0xc4: {  	v48 =	vld [tilespmem:s11+$0x54E0];
	v2 =	vmul.f32 v2, v0  }
0xc5: {  	s14 =	sor.u32 $0x6, s13;
	v50 =	vld [tilespmem:s11+$0x54F0];
	v49 =	vmul.f32 v44, v0;
	[tilespmem:s11+$0x5480] =	vst v1  }
0xc6: {  	v52 =	vmov s14;
	v51 =	vmul.f32 v45, v0;
	[tilespmem:s11+$0x5490] =	vst v2  }
0xc7: {  	v4 =	vbroadcast v52, $0x0;
	v53 =	vmul.f32 v46, v0;
	[tilespmem:s11+$0x54A0] =	vst v49  }
0xc8: {  	v54 =	vmul.f32 v47, v0;
	[tilespmem:s11+$0x54B0] =	vst v51  }
0xc9: {  	v55 =	vmul.f32 v48, v0;
	[tilespmem:s11+$0x54C0] =	vst v53  }
0xca: {  	v0 =	vmul.f32 v50, v0;
	[tilespmem:s11+$0x54D0] =	vst v54  }
0xcb: {  	[tilespmem:s11+$0x54E0] =	vst v55  }
0xcc: {  	s14 =	sshll.u32 s14, $0x7;
	[tilespmem:s11+$0x54F0] =	vst v0  }
0xcd: {  	s11 =	sand.u32 $0x3FFFFB00, s14;
	v0 =	vld.idx.msk [tilespmem:v4+s20+$0x0], $0xffff  }
0xce: {  	v1 =	vld [tilespmem:s11+$0x5480]  }
0xcf: {  	v2 =	vld [tilespmem:s11+$0x5490]  }
0xd0: {  	v56 =	vld [tilespmem:s11+$0x54A0]  }
0xd1: {  	v57 =	vld [tilespmem:s11+$0x54B0]  }
0xd2: {  	v58 =	vld [tilespmem:s11+$0x54C0]  }
0xd3: {  	v59 =	vld [tilespmem:s11+$0x54D0];
	v1 =	vmul.f32 v1, v0  }
0xd4: {  	v60 =	vld [tilespmem:s11+$0x54E0];
	v2 =	vmul.f32 v2, v0  }
0xd5: {  	s14 =	sor.u32 $0x7, s13;
	v62 =	vld [tilespmem:s11+$0x54F0];
	v61 =	vmul.f32 v56, v0;
	[tilespmem:s11+$0x5480] =	vst v1  }
0xd6: {  	v8 =	vmov s14;
	v63 =	vmul.f32 v57, v0;
	[tilespmem:s11+$0x5490] =	vst v2  }
0xd7: {  	v4 =	vbroadcast v8, $0x0;
	v9 =	vmul.f32 v58, v0;
	[tilespmem:s11+$0x54A0] =	vst v61  }
0xd8: {  	v10 =	vmul.f32 v59, v0;
	[tilespmem:s11+$0x54B0] =	vst v63  }
0xd9: {  	v11 =	vmul.f32 v60, v0;
	[tilespmem:s11+$0x54C0] =	vst v9  }
0xda: {  	v0 =	vmul.f32 v62, v0;
	[tilespmem:s11+$0x54D0] =	vst v10  }
0xdb: {  	[tilespmem:s11+$0x54E0] =	vst v11  }
0xdc: {  	s14 =	sshll.u32 s14, $0x7;
	[tilespmem:s11+$0x54F0] =	vst v0  }
0xdd: {  	s11 =	sand.u32 $0x3FFFFB80, s14;
	v0 =	vld.idx.msk [tilespmem:v4+s20+$0x0], $0xffff  }
0xde: {  	v1 =	vld [tilespmem:s11+$0x5480]  }
0xdf: {  	v2 =	vld [tilespmem:s11+$0x5490]  }
0xe0: {  	v12 =	vld [tilespmem:s11+$0x54A0]  }
0xe1: {  	v13 =	vld [tilespmem:s11+$0x54B0]  }
0xe2: {  	v14 =	vld [tilespmem:s11+$0x54C0]  }
0xe3: {  	v15 =	vld [tilespmem:s11+$0x54D0];
	v1 =	vmul.f32 v1, v0  }
0xe4: {  	v16 =	vld [tilespmem:s11+$0x54E0];
	v2 =	vmul.f32 v2, v0  }
0xe5: {  	s14 =	sor.u32 $0x8, s13;
	v18 =	vld [tilespmem:s11+$0x54F0];
	v17 =	vmul.f32 v12, v0;
	[tilespmem:s11+$0x5480] =	vst v1  }
0xe6: {  	v20 =	vmov s14;
	v19 =	vmul.f32 v13, v0;
	[tilespmem:s11+$0x5490] =	vst v2  }
0xe7: {  	v4 =	vbroadcast v20, $0x0;
	v21 =	vmul.f32 v14, v0;
	[tilespmem:s11+$0x54A0] =	vst v17  }
0xe8: {  	v22 =	vmul.f32 v15, v0;
	[tilespmem:s11+$0x54B0] =	vst v19  }
0xe9: {  	v23 =	vmul.f32 v16, v0;
	[tilespmem:s11+$0x54C0] =	vst v21  }
0xea: {  	v0 =	vmul.f32 v18, v0;
	[tilespmem:s11+$0x54D0] =	vst v22  }
0xeb: {  	[tilespmem:s11+$0x54E0] =	vst v23  }
0xec: {  	s14 =	sshll.u32 s14, $0x7;
	[tilespmem:s11+$0x54F0] =	vst v0  }
0xed: {  	s11 =	sand.u32 $0x3FFFFC00, s14;
	v0 =	vld.idx.msk [tilespmem:v4+s20+$0x0], $0xffff  }
0xee: {  	v1 =	vld [tilespmem:s11+$0x5480]  }
0xef: {  	v2 =	vld [tilespmem:s11+$0x5490]  }
0xf0: {  	v24 =	vld [tilespmem:s11+$0x54A0]  }
0xf1: {  	v25 =	vld [tilespmem:s11+$0x54B0]  }
0xf2: {  	v26 =	vld [tilespmem:s11+$0x54C0]  }
0xf3: {  	v27 =	vld [tilespmem:s11+$0x54D0];
	v1 =	vmul.f32 v1, v0  }
0xf4: {  	v28 =	vld [tilespmem:s11+$0x54E0];
	v2 =	vmul.f32 v2, v0  }
0xf5: {  	s14 =	sor.u32 $0x9, s13;
	v30 =	vld [tilespmem:s11+$0x54F0];
	v29 =	vmul.f32 v24, v0;
	[tilespmem:s11+$0x5480] =	vst v1  }
0xf6: {  	v32 =	vmov s14;
	v31 =	vmul.f32 v25, v0;
	[tilespmem:s11+$0x5490] =	vst v2  }
0xf7: {  	v4 =	vbroadcast v32, $0x0;
	v33 =	vmul.f32 v26, v0;
	[tilespmem:s11+$0x54A0] =	vst v29  }
0xf8: {  	v34 =	vmul.f32 v27, v0;
	[tilespmem:s11+$0x54B0] =	vst v31  }
0xf9: {  	v35 =	vmul.f32 v28, v0;
	[tilespmem:s11+$0x54C0] =	vst v33  }
0xfa: {  	v0 =	vmul.f32 v30, v0;
	[tilespmem:s11+$0x54D0] =	vst v34  }
0xfb: {  	[tilespmem:s11+$0x54E0] =	vst v35  }
0xfc: {  	s14 =	sshll.u32 s14, $0x7;
	[tilespmem:s11+$0x54F0] =	vst v0  }
0xfd: {  	s11 =	sand.u32 $0x3FFFFC80, s14;
	v0 =	vld.idx.msk [tilespmem:v4+s20+$0x0], $0xffff  }
0xfe: {  	v1 =	vld [tilespmem:s11+$0x5480]  }
0xff: {  	v2 =	vld [tilespmem:s11+$0x5490]  }
0x100: {  	v36 =	vld [tilespmem:s11+$0x54A0]  }
0x101: {  	v37 =	vld [tilespmem:s11+$0x54B0]  }
0x102: {  	v38 =	vld [tilespmem:s11+$0x54C0]  }
0x103: {  	v39 =	vld [tilespmem:s11+$0x54D0];
	v1 =	vmul.f32 v1, v0  }
0x104: {  	v40 =	vld [tilespmem:s11+$0x54E0];
	v2 =	vmul.f32 v2, v0  }
0x105: {  	s14 =	sor.u32 $0xA, s13;
	v42 =	vld [tilespmem:s11+$0x54F0];
	v41 =	vmul.f32 v36, v0;
	[tilespmem:s11+$0x5480] =	vst v1  }
0x106: {  	v44 =	vmov s14;
	v43 =	vmul.f32 v37, v0;
	[tilespmem:s11+$0x5490] =	vst v2  }
0x107: {  	v4 =	vbroadcast v44, $0x0;
	v45 =	vmul.f32 v38, v0;
	[tilespmem:s11+$0x54A0] =	vst v41  }
0x108: {  	v46 =	vmul.f32 v39, v0;
	[tilespmem:s11+$0x54B0] =	vst v43  }
0x109: {  	v47 =	vmul.f32 v40, v0;
	[tilespmem:s11+$0x54C0] =	vst v45  }
0x10a: {  	v0 =	vmul.f32 v42, v0;
	[tilespmem:s11+$0x54D0] =	vst v46  }
0x10b: {  	[tilespmem:s11+$0x54E0] =	vst v47  }
0x10c: {  	s14 =	sshll.u32 s14, $0x7;
	[tilespmem:s11+$0x54F0] =	vst v0  }
0x10d: {  	s11 =	sand.u32 $0x3FFFFD00, s14;
	v0 =	vld.idx.msk [tilespmem:v4+s20+$0x0], $0xffff  }
0x10e: {  	v1 =	vld [tilespmem:s11+$0x5480]  }
0x10f: {  	v2 =	vld [tilespmem:s11+$0x5490]  }
0x110: {  	v48 =	vld [tilespmem:s11+$0x54A0]  }
0x111: {  	v49 =	vld [tilespmem:s11+$0x54B0]  }
0x112: {  	v50 =	vld [tilespmem:s11+$0x54C0]  }
0x113: {  	v51 =	vld [tilespmem:s11+$0x54D0];
	v1 =	vmul.f32 v1, v0  }
0x114: {  	v52 =	vld [tilespmem:s11+$0x54E0];
	v2 =	vmul.f32 v2, v0  }
0x115: {  	s14 =	sor.u32 $0xB, s13;
	v54 =	vld [tilespmem:s11+$0x54F0];
	v53 =	vmul.f32 v48, v0;
	[tilespmem:s11+$0x5480] =	vst v1  }
0x116: {  	v56 =	vmov s14;
	v55 =	vmul.f32 v49, v0;
	[tilespmem:s11+$0x5490] =	vst v2  }
0x117: {  	v4 =	vbroadcast v56, $0x0;
	v57 =	vmul.f32 v50, v0;
	[tilespmem:s11+$0x54A0] =	vst v53  }
0x118: {  	v58 =	vmul.f32 v51, v0;
	[tilespmem:s11+$0x54B0] =	vst v55  }
0x119: {  	v59 =	vmul.f32 v52, v0;
	[tilespmem:s11+$0x54C0] =	vst v57  }
0x11a: {  	v0 =	vmul.f32 v54, v0;
	[tilespmem:s11+$0x54D0] =	vst v58  }
0x11b: {  	[tilespmem:s11+$0x54E0] =	vst v59  }
0x11c: {  	s14 =	sshll.u32 s14, $0x7;
	[tilespmem:s11+$0x54F0] =	vst v0  }
0x11d: {  	s11 =	sand.u32 $0x3FFFFD80, s14;
	v0 =	vld.idx.msk [tilespmem:v4+s20+$0x0], $0xffff  }
0x11e: {  	v1 =	vld [tilespmem:s11+$0x5480]  }
0x11f: {  	v2 =	vld [tilespmem:s11+$0x5490]  }
0x120: {  	v60 =	vld [tilespmem:s11+$0x54A0]  }
0x121: {  	v61 =	vld [tilespmem:s11+$0x54B0]  }
0x122: {  	v62 =	vld [tilespmem:s11+$0x54C0]  }
0x123: {  	v63 =	vld [tilespmem:s11+$0x54D0];
	v1 =	vmul.f32 v1, v0  }
0x124: {  	v9 =	vld [tilespmem:s11+$0x54E0];
	v2 =	vmul.f32 v2, v0  }
0x125: {  	s14 =	sor.u32 $0xC, s13;
	v11 =	vld [tilespmem:s11+$0x54F0];
	v10 =	vmul.f32 v60, v0;
	[tilespmem:s11+$0x5480] =	vst v1  }
0x126: {  	v13 =	vmov s14;
	v12 =	vmul.f32 v61, v0;
	[tilespmem:s11+$0x5490] =	vst v2  }
0x127: {  	v4 =	vbroadcast v13, $0x0;
	v14 =	vmul.f32 v62, v0;
	[tilespmem:s11+$0x54A0] =	vst v10  }
0x128: {  	v15 =	vmul.f32 v63, v0;
	[tilespmem:s11+$0x54B0] =	vst v12  }
0x129: {  	v16 =	vmul.f32 v9, v0;
	[tilespmem:s11+$0x54C0] =	vst v14  }
0x12a: {  	v0 =	vmul.f32 v11, v0;
	[tilespmem:s11+$0x54D0] =	vst v15  }
0x12b: {  	[tilespmem:s11+$0x54E0] =	vst v16  }
0x12c: {  	s14 =	sshll.u32 s14, $0x7;
	[tilespmem:s11+$0x54F0] =	vst v0  }
0x12d: {  	s11 =	sand.u32 $0x3FFFFE00, s14;
	v0 =	vld.idx.msk [tilespmem:v4+s20+$0x0], $0xffff  }
0x12e: {  	v1 =	vld [tilespmem:s11+$0x5480]  }
0x12f: {  	v2 =	vld [tilespmem:s11+$0x5490]  }
0x130: {  	v17 =	vld [tilespmem:s11+$0x54A0]  }
0x131: {  	v18 =	vld [tilespmem:s11+$0x54B0]  }
0x132: {  	v19 =	vld [tilespmem:s11+$0x54C0]  }
0x133: {  	v20 =	vld [tilespmem:s11+$0x54D0];
	v1 =	vmul.f32 v1, v0  }
0x134: {  	v21 =	vld [tilespmem:s11+$0x54E0];
	v2 =	vmul.f32 v2, v0  }
0x135: {  	s14 =	sor.u32 $0xD, s13;
	v23 =	vld [tilespmem:s11+$0x54F0];
	v22 =	vmul.f32 v17, v0;
	[tilespmem:s11+$0x5480] =	vst v1  }
0x136: {  	v25 =	vmov s14;
	v24 =	vmul.f32 v18, v0;
	[tilespmem:s11+$0x5490] =	vst v2  }
0x137: {  	v4 =	vbroadcast v25, $0x0;
	v26 =	vmul.f32 v19, v0;
	[tilespmem:s11+$0x54A0] =	vst v22  }
0x138: {  	v27 =	vmul.f32 v20, v0;
	[tilespmem:s11+$0x54B0] =	vst v24  }
0x139: {  	v28 =	vmul.f32 v21, v0;
	[tilespmem:s11+$0x54C0] =	vst v26  }
0x13a: {  	v0 =	vmul.f32 v23, v0;
	[tilespmem:s11+$0x54D0] =	vst v27  }
0x13b: {  	[tilespmem:s11+$0x54E0] =	vst v28  }
0x13c: {  	s14 =	sshll.u32 s14, $0x7;
	[tilespmem:s11+$0x54F0] =	vst v0  }
0x13d: {  	s11 =	sand.u32 $0x3FFFFE80, s14;
	v0 =	vld.idx.msk [tilespmem:v4+s20+$0x0], $0xffff  }
0x13e: {  	v1 =	vld [tilespmem:s11+$0x5480]  }
0x13f: {  	v2 =	vld [tilespmem:s11+$0x5490]  }
0x140: {  	v29 =	vld [tilespmem:s11+$0x54A0]  }
0x141: {  	v30 =	vld [tilespmem:s11+$0x54B0]  }
0x142: {  	v31 =	vld [tilespmem:s11+$0x54C0]  }
0x143: {  	v32 =	vld [tilespmem:s11+$0x54D0];
	v1 =	vmul.f32 v1, v0  }
0x144: {  	v33 =	vld [tilespmem:s11+$0x54E0];
	v2 =	vmul.f32 v2, v0  }
0x145: {  	s13 =	sor.u32 $0xE, s13;
	v35 =	vld [tilespmem:s11+$0x54F0];
	v34 =	vmul.f32 v29, v0;
	[tilespmem:s11+$0x5480] =	vst v1  }
0x146: {  	v37 =	vmov s13;
	v36 =	vmul.f32 v30, v0;
	[tilespmem:s11+$0x5490] =	vst v2  }
0x147: {  	v4 =	vbroadcast v37, $0x0;
	v38 =	vmul.f32 v31, v0;
	[tilespmem:s11+$0x54A0] =	vst v34  }
0x148: {  	v39 =	vmul.f32 v32, v0;
	[tilespmem:s11+$0x54B0] =	vst v36  }
0x149: {  	v40 =	vmul.f32 v33, v0;
	[tilespmem:s11+$0x54C0] =	vst v38  }
0x14a: {  	v0 =	vmul.f32 v35, v0;
	[tilespmem:s11+$0x54D0] =	vst v39  }
0x14b: {  	[tilespmem:s11+$0x54E0] =	vst v40  }
0x14c: {  	s13 =	sshll.u32 s13, $0x7;
	[tilespmem:s11+$0x54F0] =	vst v0  }
0x14d: {  	s11 =	sand.u32 $0x3FFFFF00, s13;
	v0 =	vld.idx.msk [tilespmem:v4+s20+$0x0], $0xffff  }
0x14e: {  	v1 =	vld [tilespmem:s11+$0x5480]  }
0x14f: {  	v2 =	vld [tilespmem:s11+$0x5490]  }
0x150: {  	v41 =	vld [tilespmem:s11+$0x54A0]  }
0x151: {  	v42 =	vld [tilespmem:s11+$0x54B0]  }
0x152: {  	v43 =	vld [tilespmem:s11+$0x54C0]  }
0x153: {  	v44 =	vld [tilespmem:s11+$0x54D0];
	v1 =	vmul.f32 v1, v0  }
0x154: {  	v45 =	vld [tilespmem:s11+$0x54E0];
	v2 =	vmul.f32 v2, v0  }
0x155: {  	v47 =	vld [tilespmem:s11+$0x54F0];
	v46 =	vmul.f32 v41, v0;
	[tilespmem:s11+$0x5480] =	vst v1  }
0x156: {  	v48 =	vmul.f32 v42, v0;
	[tilespmem:s11+$0x5490] =	vst v2  }
0x157: {  	s14 =	sshllo.u32 s10, $0x4;
	v49 =	vmul.f32 v43, v0;
	[tilespmem:s11+$0x54A0] =	vst v46  }
0x158: {  	v51 =	vmov s14;
	v50 =	vmul.f32 v44, v0;
	[tilespmem:s11+$0x54B0] =	vst v48  }
0x159: {  	v52 =	vmul.f32 v45, v0;
	[tilespmem:s11+$0x54C0] =	vst v49  }
0x15a: {  	v0 =	vmul.f32 v47, v0;
	[tilespmem:s11+$0x54D0] =	vst v50  }
0x15b: {  	[tilespmem:s11+$0x54E0] =	vst v52  }
0x15c: {  	s14 =	sshll.u32 s14, $0x7;
	[tilespmem:s11+$0x54F0] =	vst v0  }
0x15d: {  	s11 =	sand.u32 $0x3FFFFF80, s14;
	v0 =	vld.idx.msk [tilespmem:v51+s20+$0x0], $0xffff  }
0x15e: {  	v1 =	vld [tilespmem:s11+$0x5480]  }
0x15f: {  	v2 =	vld [tilespmem:s11+$0x5490]  }
0x160: {  	v53 =	vld [tilespmem:s11+$0x54A0]  }
0x161: {  	v54 =	vld [tilespmem:s11+$0x54B0]  }
0x162: {  	v55 =	vld [tilespmem:s11+$0x54C0]  }
0x163: {  	v56 =	vld [tilespmem:s11+$0x54D0];
	v1 =	vmul.f32 v1, v0  }
0x164: {  	v57 =	vld [tilespmem:s11+$0x54E0];
	v2 =	vmul.f32 v2, v0  }
0x165: {  	v59 =	vld [tilespmem:s11+$0x54F0];
	v58 =	vmul.f32 v53, v0;
	[tilespmem:s11+$0x5480] =	vst v1  }
0x166: {  	v60 =	vmul.f32 v54, v0;
	[tilespmem:s11+$0x5490] =	vst v2  }
0x167: {  	p3 =	sne.s32 s10, $0x4;
	v61 =	vmul.f32 v55, v0;
	[tilespmem:s11+$0x54A0] =	vst v58  }
.Ltmp4:
0x168: {  	v62 =	vmul.f32 v56, v0;
	[tilespmem:s11+$0x54B0] =	vst v60;
	(pc) =	sbr.rel @p3 .LBB2_9-.Ltmp4, $4  }
0x169: {  	v63 =	vmul.f32 v57, v0;
	[tilespmem:s11+$0x54C0] =	vst v61  }
0x16a: {  	v0 =	vmul.f32 v59, v0;
	[tilespmem:s11+$0x54D0] =	vst v62  }
0x16b: {  	[tilespmem:s11+$0x54E0] =	vst v63  }
0x16c: {  	s10 =	sadd.s32 $0x1, s10;
	[tilespmem:s11+$0x54F0] =	vst v0  }
0x16d: {  	s1 =	sadd.s32 $0x1C00, s1;
	p3 =	sgt.u32 s30, $0x17  }
0x16e: {  	[spmem:s2] =	stream.indirect.scatter.add.f32 [tilespmem:s22], [sflag:$0x3], $0x80, s1, s21, $0xb8;
	[tilespmem:$0x1E480] =	vst v63  }
0x16f: {  	p4 =	sne.s32 @!p3 s4, $0x0  }
0x170: {  	s0 =	sadd.s32 $0x2, s0;
	_ =	swait.ge [sflag:s23], $0x2800;
	p4 =	por p4, p3  }
0x171: {  	[sflag:s23] =	ssyncset.done $0x0;
	s1 =	sshll.u32 @!p4 s0, $0x7  }
0x172: {  	s10 =	simm.s32 @!p4 $0x28;
	s11 =	simm.s32 @!p4 $0x5480;
	[sflag:s23] =	ssyncadd.s32 $0xFFFFD800  }
0x173: {  	[tilespmem:s11], [sflag:$0x1] =	stream.indirect.gather @!p4 [hbm4b:s5+s10], $0x80, s1, s10, $0xb8;
	[tilespmem:$0x1E480] =	vst v63  }
0x174: {  	p3 =	por !p0, p3;
	s1 =	sor.u32 @!p4 $0x28, s1;
	s11 =	simm.s32 @!p4 $0x6880  }
0x175: {  	[tilespmem:s11], [sflag:$0x1] =	stream.indirect.gather @!p4 [hbm4b:s5+s10], $0x80, s1, s10, $0xb8;
	[tilespmem:$0x1E480] =	vst v63  }
0x176: {  	s0 =	sshll.u32 @!p3 s0, $0x7;
	s1 =	simm.s32 @!p3 $0x28;
	s10 =	simm.s32 @!p3 $0x5480  }
0x177: {  	[tilespmem:s10], [sflag:$0x1] =	stream.indirect.gather @!p3 [hbm4b:s6+s1], $0x80, s0, s1, $0xb8;
	[tilespmem:$0x1E480] =	vst v63  }
0x178: {  	s0 =	sor.u32 @!p3 $0x28, s0;
	s10 =	simm.s32 @!p3 $0x6880  }
0x179: {  	[tilespmem:s10], [sflag:$0x1] =	stream.indirect.gather @!p3 [hbm4b:s6+s1], $0x80, s0, s1, $0xb8;
	[tilespmem:$0x1E480] =	vst v63  }
0x17a: {  	_ =	swait.ge [sflag:s24], $0x1400  }
0x17b: {  	[sflag:s24] =	ssyncset.done $0x0  }
0x17c: {  	[sflag:s24] =	ssyncadd.s32 $0xFFFFEC00  }
0x17d: {  	_ =	swait.ge [sflag:s24], $0x1400  }
0x17e: {  	[sflag:s24] =	ssyncset.done $0x0  }
0x17f: {  	s0 =	sshll.u32 s31, $0x7;
	[sflag:s24] =	ssyncadd.s32 $0xFFFFEC00  }
0x180: {  	v0 =	vld [tilespmem:s0+$0x3800];
	_ =	sdelay $0x4  }
0x181: {  	[tilespmem:$0x5400] =	vst v0  }
0x182: {  	v0 =	vld [tilespmem:s0+$0x3810];
	_ =	sdelay $0x4  }
0x183: {  	[tilespmem:$0x5410] =	vst v0  }
0x184: {  	v0 =	vld [tilespmem:s0+$0x3820];
	_ =	sdelay $0x4  }
0x185: {  	[tilespmem:$0x5420] =	vst v0  }
0x186: {  	v0 =	vld [tilespmem:s0+$0x3830];
	_ =	sdelay $0x4  }
0x187: {  	[tilespmem:$0x5430] =	vst v0  }
0x188: {  	v0 =	vld [tilespmem:s0+$0x3840];
	_ =	sdelay $0x4  }
0x189: {  	s1 =	simm.s32 $0x0;
	[tilespmem:$0x5440] =	vst v0  }
.LBB2_11:
0x18a: {  	s10 =	sshll.u32 s1, $0x4  }
0x18b: {  	v0 =	vmov s10  }
0x18c: {  	v0 =	vbroadcast v0, $0x0;
	_ =	sdelay $0x2  }
0x18d: {  	s11 =	sshll.u32 s1, $0xB  }
0x18e: {  	s11 =	sand.u32 $0x3FFFF800, s11  }
0x18f: {  	v1 =	vld [tilespmem:s11+$0x7C80]  }
0x190: {  	v0 =	vld.idx.msk [tilespmem:v0+s20+$0x0], $0xffff  }
0x191: {  	v2 =	vld [tilespmem:s11+$0x7C90]  }
0x192: {  	v3 =	vld [tilespmem:s11+$0x7CA0]  }
0x193: {  	v4 =	vld [tilespmem:s11+$0x7CB0]  }
0x194: {  	v5 =	vld [tilespmem:s11+$0x7CC0]  }
0x195: {  	v6 =	vld [tilespmem:s11+$0x7CD0];
	v1 =	vmul.f32 v1, v0  }
0x196: {  	v7 =	vld [tilespmem:s11+$0x7CE0];
	v2 =	vmul.f32 v2, v0  }
0x197: {  	v45 =	vld [tilespmem:s11+$0x7CF0];
	v44 =	vmul.f32 v3, v0;
	[tilespmem:s11+$0x7C80] =	vst v1  }
0x198: {  	s13 =	sor.u32 $0x1, s10;
	v46 =	vmul.f32 v4, v0;
	[tilespmem:s11+$0x7C90] =	vst v2  }
0x199: {  	v47 =	vmov s13;
	v48 =	vmul.f32 v5, v0;
	[tilespmem:s11+$0x7CA0] =	vst v44  }
0x19a: {  	v4 =	vbroadcast v47, $0x0;
	v49 =	vmul.f32 v6, v0;
	[tilespmem:s11+$0x7CB0] =	vst v46  }
0x19b: {  	v50 =	vmul.f32 v7, v0;
	[tilespmem:s11+$0x7CC0] =	vst v48  }
0x19c: {  	v0 =	vmul.f32 v45, v0;
	[tilespmem:s11+$0x7CD0] =	vst v49  }
0x19d: {  	s13 =	sshll.u32 s13, $0x7;
	[tilespmem:s11+$0x7CE0] =	vst v50  }
0x19e: {  	[tilespmem:s11+$0x7CF0] =	vst v0;
	s11 =	sand.u32 $0x3FFFF880, s13  }
0x19f: {  	v1 =	vld [tilespmem:s11+$0x7C80]  }
0x1a0: {  	v0 =	vld.idx.msk [tilespmem:v4+s20+$0x0], $0xffff  }
0x1a1: {  	v2 =	vld [tilespmem:s11+$0x7C90]  }
0x1a2: {  	v51 =	vld [tilespmem:s11+$0x7CA0]  }
0x1a3: {  	v52 =	vld [tilespmem:s11+$0x7CB0]  }
0x1a4: {  	v53 =	vld [tilespmem:s11+$0x7CC0]  }
0x1a5: {  	v54 =	vld [tilespmem:s11+$0x7CD0];
	v1 =	vmul.f32 v1, v0  }
0x1a6: {  	v55 =	vld [tilespmem:s11+$0x7CE0];
	v2 =	vmul.f32 v2, v0  }
0x1a7: {  	s14 =	sor.u32 $0x2, s10;
	v57 =	vld [tilespmem:s11+$0x7CF0];
	v56 =	vmul.f32 v51, v0;
	[tilespmem:s11+$0x7C80] =	vst v1  }
0x1a8: {  	v59 =	vmov s14;
	v58 =	vmul.f32 v52, v0;
	[tilespmem:s11+$0x7C90] =	vst v2  }
0x1a9: {  	v4 =	vbroadcast v59, $0x0;
	v60 =	vmul.f32 v53, v0;
	[tilespmem:s11+$0x7CA0] =	vst v56  }
0x1aa: {  	v61 =	vmul.f32 v54, v0;
	[tilespmem:s11+$0x7CB0] =	vst v58  }
0x1ab: {  	v62 =	vmul.f32 v55, v0;
	[tilespmem:s11+$0x7CC0] =	vst v60  }
0x1ac: {  	v0 =	vmul.f32 v57, v0;
	[tilespmem:s11+$0x7CD0] =	vst v61  }
0x1ad: {  	[tilespmem:s11+$0x7CE0] =	vst v62  }
0x1ae: {  	s30 =	sshll.u32 s14, $0x7;
	[tilespmem:s11+$0x7CF0] =	vst v0  }
0x1af: {  	s11 =	sand.u32 $0x3FFFF900, s30;
	v0 =	vld.idx.msk [tilespmem:v4+s20+$0x0], $0xffff  }
0x1b0: {  	v1 =	vld [tilespmem:s11+$0x7C80]  }
0x1b1: {  	v2 =	vld [tilespmem:s11+$0x7C90]  }
0x1b2: {  	v63 =	vld [tilespmem:s11+$0x7CA0]  }
0x1b3: {  	v9 =	vld [tilespmem:s11+$0x7CB0]  }
0x1b4: {  	v10 =	vld [tilespmem:s11+$0x7CC0]  }
0x1b5: {  	v11 =	vld [tilespmem:s11+$0x7CD0];
	v1 =	vmul.f32 v1, v0  }
0x1b6: {  	v12 =	vld [tilespmem:s11+$0x7CE0];
	v2 =	vmul.f32 v2, v0  }
0x1b7: {  	s31 =	sor.u32 $0x3, s10;
	v14 =	vld [tilespmem:s11+$0x7CF0];
	v13 =	vmul.f32 v63, v0;
	[tilespmem:s11+$0x7C80] =	vst v1  }
0x1b8: {  	v16 =	vmov s31;
	v15 =	vmul.f32 v9, v0;
	[tilespmem:s11+$0x7C90] =	vst v2  }
0x1b9: {  	v4 =	vbroadcast v16, $0x0;
	v17 =	vmul.f32 v10, v0;
	[tilespmem:s11+$0x7CA0] =	vst v13  }
0x1ba: {  	v18 =	vmul.f32 v11, v0;
	[tilespmem:s11+$0x7CB0] =	vst v15  }
0x1bb: {  	v19 =	vmul.f32 v12, v0;
	[tilespmem:s11+$0x7CC0] =	vst v17  }
0x1bc: {  	v0 =	vmul.f32 v14, v0;
	[tilespmem:s11+$0x7CD0] =	vst v18  }
0x1bd: {  	[tilespmem:s11+$0x7CE0] =	vst v19  }
0x1be: {  	s13 =	sshll.u32 s31, $0x7;
	[tilespmem:s11+$0x7CF0] =	vst v0  }
0x1bf: {  	s11 =	sand.u32 $0x3FFFF980, s13;
	v0 =	vld.idx.msk [tilespmem:v4+s20+$0x0], $0xffff  }
0x1c0: {  	v1 =	vld [tilespmem:s11+$0x7C80]  }
0x1c1: {  	v2 =	vld [tilespmem:s11+$0x7C90]  }
0x1c2: {  	v20 =	vld [tilespmem:s11+$0x7CA0]  }
0x1c3: {  	v21 =	vld [tilespmem:s11+$0x7CB0]  }
0x1c4: {  	v22 =	vld [tilespmem:s11+$0x7CC0]  }
0x1c5: {  	v23 =	vld [tilespmem:s11+$0x7CD0];
	v1 =	vmul.f32 v1, v0  }
0x1c6: {  	v24 =	vld [tilespmem:s11+$0x7CE0];
	v2 =	vmul.f32 v2, v0  }
0x1c7: {  	s14 =	sor.u32 $0x4, s10;
	v26 =	vld [tilespmem:s11+$0x7CF0];
	v25 =	vmul.f32 v20, v0;
	[tilespmem:s11+$0x7C80] =	vst v1  }
0x1c8: {  	v28 =	vmov s14;
	v27 =	vmul.f32 v21, v0;
	[tilespmem:s11+$0x7C90] =	vst v2  }
0x1c9: {  	v4 =	vbroadcast v28, $0x0;
	v29 =	vmul.f32 v22, v0;
	[tilespmem:s11+$0x7CA0] =	vst v25  }
0x1ca: {  	v30 =	vmul.f32 v23, v0;
	[tilespmem:s11+$0x7CB0] =	vst v27  }
0x1cb: {  	v31 =	vmul.f32 v24, v0;
	[tilespmem:s11+$0x7CC0] =	vst v29  }
0x1cc: {  	v0 =	vmul.f32 v26, v0;
	[tilespmem:s11+$0x7CD0] =	vst v30  }
0x1cd: {  	[tilespmem:s11+$0x7CE0] =	vst v31  }
0x1ce: {  	s30 =	sshll.u32 s14, $0x7;
	[tilespmem:s11+$0x7CF0] =	vst v0  }
0x1cf: {  	s11 =	sand.u32 $0x3FFFFA00, s30;
	v0 =	vld.idx.msk [tilespmem:v4+s20+$0x0], $0xffff  }
0x1d0: {  	v1 =	vld [tilespmem:s11+$0x7C80]  }
0x1d1: {  	v2 =	vld [tilespmem:s11+$0x7C90]  }
0x1d2: {  	v32 =	vld [tilespmem:s11+$0x7CA0]  }
0x1d3: {  	v33 =	vld [tilespmem:s11+$0x7CB0]  }
0x1d4: {  	v34 =	vld [tilespmem:s11+$0x7CC0]  }
0x1d5: {  	v35 =	vld [tilespmem:s11+$0x7CD0];
	v1 =	vmul.f32 v1, v0  }
0x1d6: {  	v36 =	vld [tilespmem:s11+$0x7CE0];
	v2 =	vmul.f32 v2, v0  }
0x1d7: {  	s31 =	sor.u32 $0x5, s10;
	v38 =	vld [tilespmem:s11+$0x7CF0];
	v37 =	vmul.f32 v32, v0;
	[tilespmem:s11+$0x7C80] =	vst v1  }
0x1d8: {  	v40 =	vmov s31;
	v39 =	vmul.f32 v33, v0;
	[tilespmem:s11+$0x7C90] =	vst v2  }
0x1d9: {  	v4 =	vbroadcast v40, $0x0;
	v41 =	vmul.f32 v34, v0;
	[tilespmem:s11+$0x7CA0] =	vst v37  }
0x1da: {  	v42 =	vmul.f32 v35, v0;
	[tilespmem:s11+$0x7CB0] =	vst v39  }
0x1db: {  	v43 =	vmul.f32 v36, v0;
	[tilespmem:s11+$0x7CC0] =	vst v41  }
0x1dc: {  	v0 =	vmul.f32 v38, v0;
	[tilespmem:s11+$0x7CD0] =	vst v42  }
0x1dd: {  	[tilespmem:s11+$0x7CE0] =	vst v43  }
0x1de: {  	s13 =	sshll.u32 s31, $0x7;
	[tilespmem:s11+$0x7CF0] =	vst v0  }
0x1df: {  	s11 =	sand.u32 $0x3FFFFA80, s13;
	v0 =	vld.idx.msk [tilespmem:v4+s20+$0x0], $0xffff  }
0x1e0: {  	v1 =	vld [tilespmem:s11+$0x7C80]  }
0x1e1: {  	v2 =	vld [tilespmem:s11+$0x7C90]  }
0x1e2: {  	v44 =	vld [tilespmem:s11+$0x7CA0]  }
0x1e3: {  	v45 =	vld [tilespmem:s11+$0x7CB0]  }
0x1e4: {  	v46 =	vld [tilespmem:s11+$0x7CC0]  }
0x1e5: {  	v47 =	vld [tilespmem:s11+$0x7CD0];
	v1 =	vmul.f32 v1, v0  }
0x1e6: {  	v48 =	vld [tilespmem:s11+$0x7CE0];
	v2 =	vmul.f32 v2, v0  }
0x1e7: {  	s14 =	sor.u32 $0x6, s10;
	v50 =	vld [tilespmem:s11+$0x7CF0];
	v49 =	vmul.f32 v44, v0;
	[tilespmem:s11+$0x7C80] =	vst v1  }
0x1e8: {  	v52 =	vmov s14;
	v51 =	vmul.f32 v45, v0;
	[tilespmem:s11+$0x7C90] =	vst v2  }
0x1e9: {  	v4 =	vbroadcast v52, $0x0;
	v53 =	vmul.f32 v46, v0;
	[tilespmem:s11+$0x7CA0] =	vst v49  }
0x1ea: {  	v54 =	vmul.f32 v47, v0;
	[tilespmem:s11+$0x7CB0] =	vst v51  }
0x1eb: {  	v55 =	vmul.f32 v48, v0;
	[tilespmem:s11+$0x7CC0] =	vst v53  }
0x1ec: {  	v0 =	vmul.f32 v50, v0;
	[tilespmem:s11+$0x7CD0] =	vst v54  }
0x1ed: {  	[tilespmem:s11+$0x7CE0] =	vst v55  }
0x1ee: {  	s30 =	sshll.u32 s14, $0x7;
	[tilespmem:s11+$0x7CF0] =	vst v0  }
0x1ef: {  	s11 =	sand.u32 $0x3FFFFB00, s30;
	v0 =	vld.idx.msk [tilespmem:v4+s20+$0x0], $0xffff  }
0x1f0: {  	v1 =	vld [tilespmem:s11+$0x7C80]  }
0x1f1: {  	v2 =	vld [tilespmem:s11+$0x7C90]  }
0x1f2: {  	v56 =	vld [tilespmem:s11+$0x7CA0]  }
0x1f3: {  	v57 =	vld [tilespmem:s11+$0x7CB0]  }
0x1f4: {  	v58 =	vld [tilespmem:s11+$0x7CC0]  }
0x1f5: {  	v59 =	vld [tilespmem:s11+$0x7CD0];
	v1 =	vmul.f32 v1, v0  }
0x1f6: {  	v60 =	vld [tilespmem:s11+$0x7CE0];
	v2 =	vmul.f32 v2, v0  }
0x1f7: {  	s31 =	sor.u32 $0x7, s10;
	v62 =	vld [tilespmem:s11+$0x7CF0];
	v61 =	vmul.f32 v56, v0;
	[tilespmem:s11+$0x7C80] =	vst v1  }
0x1f8: {  	v8 =	vmov s31;
	v63 =	vmul.f32 v57, v0;
	[tilespmem:s11+$0x7C90] =	vst v2  }
0x1f9: {  	v4 =	vbroadcast v8, $0x0;
	v9 =	vmul.f32 v58, v0;
	[tilespmem:s11+$0x7CA0] =	vst v61  }
0x1fa: {  	v10 =	vmul.f32 v59, v0;
	[tilespmem:s11+$0x7CB0] =	vst v63  }
0x1fb: {  	v11 =	vmul.f32 v60, v0;
	[tilespmem:s11+$0x7CC0] =	vst v9  }
0x1fc: {  	v0 =	vmul.f32 v62, v0;
	[tilespmem:s11+$0x7CD0] =	vst v10  }
0x1fd: {  	[tilespmem:s11+$0x7CE0] =	vst v11  }
0x1fe: {  	s13 =	sshll.u32 s31, $0x7;
	[tilespmem:s11+$0x7CF0] =	vst v0  }
0x1ff: {  	s11 =	sand.u32 $0x3FFFFB80, s13;
	v0 =	vld.idx.msk [tilespmem:v4+s20+$0x0], $0xffff  }
0x200: {  	v1 =	vld [tilespmem:s11+$0x7C80]  }
0x201: {  	v2 =	vld [tilespmem:s11+$0x7C90]  }
0x202: {  	v12 =	vld [tilespmem:s11+$0x7CA0]  }
0x203: {  	v13 =	vld [tilespmem:s11+$0x7CB0]  }
0x204: {  	v14 =	vld [tilespmem:s11+$0x7CC0]  }
0x205: {  	v15 =	vld [tilespmem:s11+$0x7CD0];
	v1 =	vmul.f32 v1, v0  }
0x206: {  	v16 =	vld [tilespmem:s11+$0x7CE0];
	v2 =	vmul.f32 v2, v0  }
0x207: {  	s14 =	sor.u32 $0x8, s10;
	v18 =	vld [tilespmem:s11+$0x7CF0];
	v17 =	vmul.f32 v12, v0;
	[tilespmem:s11+$0x7C80] =	vst v1  }
0x208: {  	v20 =	vmov s14;
	v19 =	vmul.f32 v13, v0;
	[tilespmem:s11+$0x7C90] =	vst v2  }
0x209: {  	v4 =	vbroadcast v20, $0x0;
	v21 =	vmul.f32 v14, v0;
	[tilespmem:s11+$0x7CA0] =	vst v17  }
0x20a: {  	v22 =	vmul.f32 v15, v0;
	[tilespmem:s11+$0x7CB0] =	vst v19  }
0x20b: {  	v23 =	vmul.f32 v16, v0;
	[tilespmem:s11+$0x7CC0] =	vst v21  }
0x20c: {  	v0 =	vmul.f32 v18, v0;
	[tilespmem:s11+$0x7CD0] =	vst v22  }
0x20d: {  	[tilespmem:s11+$0x7CE0] =	vst v23  }
0x20e: {  	s30 =	sshll.u32 s14, $0x7;
	[tilespmem:s11+$0x7CF0] =	vst v0  }
0x20f: {  	s11 =	sand.u32 $0x3FFFFC00, s30;
	v0 =	vld.idx.msk [tilespmem:v4+s20+$0x0], $0xffff  }
0x210: {  	v1 =	vld [tilespmem:s11+$0x7C80]  }
0x211: {  	v2 =	vld [tilespmem:s11+$0x7C90]  }
0x212: {  	v24 =	vld [tilespmem:s11+$0x7CA0]  }
0x213: {  	v25 =	vld [tilespmem:s11+$0x7CB0]  }
0x214: {  	v26 =	vld [tilespmem:s11+$0x7CC0]  }
0x215: {  	v27 =	vld [tilespmem:s11+$0x7CD0];
	v1 =	vmul.f32 v1, v0  }
0x216: {  	v28 =	vld [tilespmem:s11+$0x7CE0];
	v2 =	vmul.f32 v2, v0  }
0x217: {  	s31 =	sor.u32 $0x9, s10;
	v30 =	vld [tilespmem:s11+$0x7CF0];
	v29 =	vmul.f32 v24, v0;
	[tilespmem:s11+$0x7C80] =	vst v1  }
0x218: {  	v32 =	vmov s31;
	v31 =	vmul.f32 v25, v0;
	[tilespmem:s11+$0x7C90] =	vst v2  }
0x219: {  	v4 =	vbroadcast v32, $0x0;
	v33 =	vmul.f32 v26, v0;
	[tilespmem:s11+$0x7CA0] =	vst v29  }
0x21a: {  	v34 =	vmul.f32 v27, v0;
	[tilespmem:s11+$0x7CB0] =	vst v31  }
0x21b: {  	v35 =	vmul.f32 v28, v0;
	[tilespmem:s11+$0x7CC0] =	vst v33  }
0x21c: {  	v0 =	vmul.f32 v30, v0;
	[tilespmem:s11+$0x7CD0] =	vst v34  }
0x21d: {  	[tilespmem:s11+$0x7CE0] =	vst v35  }
0x21e: {  	s13 =	sshll.u32 s31, $0x7;
	[tilespmem:s11+$0x7CF0] =	vst v0  }
0x21f: {  	s11 =	sand.u32 $0x3FFFFC80, s13;
	v0 =	vld.idx.msk [tilespmem:v4+s20+$0x0], $0xffff  }
0x220: {  	v1 =	vld [tilespmem:s11+$0x7C80]  }
0x221: {  	v2 =	vld [tilespmem:s11+$0x7C90]  }
0x222: {  	v36 =	vld [tilespmem:s11+$0x7CA0]  }
0x223: {  	v37 =	vld [tilespmem:s11+$0x7CB0]  }
0x224: {  	v38 =	vld [tilespmem:s11+$0x7CC0]  }
0x225: {  	v39 =	vld [tilespmem:s11+$0x7CD0];
	v1 =	vmul.f32 v1, v0  }
0x226: {  	v40 =	vld [tilespmem:s11+$0x7CE0];
	v2 =	vmul.f32 v2, v0  }
0x227: {  	s14 =	sor.u32 $0xA, s10;
	v42 =	vld [tilespmem:s11+$0x7CF0];
	v41 =	vmul.f32 v36, v0;
	[tilespmem:s11+$0x7C80] =	vst v1  }
0x228: {  	v44 =	vmov s14;
	v43 =	vmul.f32 v37, v0;
	[tilespmem:s11+$0x7C90] =	vst v2  }
0x229: {  	v4 =	vbroadcast v44, $0x0;
	v45 =	vmul.f32 v38, v0;
	[tilespmem:s11+$0x7CA0] =	vst v41  }
0x22a: {  	v46 =	vmul.f32 v39, v0;
	[tilespmem:s11+$0x7CB0] =	vst v43  }
0x22b: {  	v47 =	vmul.f32 v40, v0;
	[tilespmem:s11+$0x7CC0] =	vst v45  }
0x22c: {  	v0 =	vmul.f32 v42, v0;
	[tilespmem:s11+$0x7CD0] =	vst v46  }
0x22d: {  	[tilespmem:s11+$0x7CE0] =	vst v47  }
0x22e: {  	s30 =	sshll.u32 s14, $0x7;
	[tilespmem:s11+$0x7CF0] =	vst v0  }
0x22f: {  	s11 =	sand.u32 $0x3FFFFD00, s30;
	v0 =	vld.idx.msk [tilespmem:v4+s20+$0x0], $0xffff  }
0x230: {  	v1 =	vld [tilespmem:s11+$0x7C80]  }
0x231: {  	v2 =	vld [tilespmem:s11+$0x7C90]  }
0x232: {  	v48 =	vld [tilespmem:s11+$0x7CA0]  }
0x233: {  	v49 =	vld [tilespmem:s11+$0x7CB0]  }
0x234: {  	v50 =	vld [tilespmem:s11+$0x7CC0]  }
0x235: {  	v51 =	vld [tilespmem:s11+$0x7CD0];
	v1 =	vmul.f32 v1, v0  }
0x236: {  	v52 =	vld [tilespmem:s11+$0x7CE0];
	v2 =	vmul.f32 v2, v0  }
0x237: {  	s31 =	sor.u32 $0xB, s10;
	v54 =	vld [tilespmem:s11+$0x7CF0];
	v53 =	vmul.f32 v48, v0;
	[tilespmem:s11+$0x7C80] =	vst v1  }
0x238: {  	v56 =	vmov s31;
	v55 =	vmul.f32 v49, v0;
	[tilespmem:s11+$0x7C90] =	vst v2  }
0x239: {  	v4 =	vbroadcast v56, $0x0;
	v57 =	vmul.f32 v50, v0;
	[tilespmem:s11+$0x7CA0] =	vst v53  }
0x23a: {  	v58 =	vmul.f32 v51, v0;
	[tilespmem:s11+$0x7CB0] =	vst v55  }
0x23b: {  	v59 =	vmul.f32 v52, v0;
	[tilespmem:s11+$0x7CC0] =	vst v57  }
0x23c: {  	v0 =	vmul.f32 v54, v0;
	[tilespmem:s11+$0x7CD0] =	vst v58  }
0x23d: {  	[tilespmem:s11+$0x7CE0] =	vst v59  }
0x23e: {  	s13 =	sshll.u32 s31, $0x7;
	[tilespmem:s11+$0x7CF0] =	vst v0  }
0x23f: {  	s11 =	sand.u32 $0x3FFFFD80, s13;
	v0 =	vld.idx.msk [tilespmem:v4+s20+$0x0], $0xffff  }
0x240: {  	v1 =	vld [tilespmem:s11+$0x7C80]  }
0x241: {  	v2 =	vld [tilespmem:s11+$0x7C90]  }
0x242: {  	v60 =	vld [tilespmem:s11+$0x7CA0]  }
0x243: {  	v61 =	vld [tilespmem:s11+$0x7CB0]  }
0x244: {  	v62 =	vld [tilespmem:s11+$0x7CC0]  }
0x245: {  	v63 =	vld [tilespmem:s11+$0x7CD0];
	v1 =	vmul.f32 v1, v0  }
0x246: {  	v9 =	vld [tilespmem:s11+$0x7CE0];
	v2 =	vmul.f32 v2, v0  }
0x247: {  	s14 =	sor.u32 $0xC, s10;
	v11 =	vld [tilespmem:s11+$0x7CF0];
	v10 =	vmul.f32 v60, v0;
	[tilespmem:s11+$0x7C80] =	vst v1  }
0x248: {  	v13 =	vmov s14;
	v12 =	vmul.f32 v61, v0;
	[tilespmem:s11+$0x7C90] =	vst v2  }
0x249: {  	v4 =	vbroadcast v13, $0x0;
	v14 =	vmul.f32 v62, v0;
	[tilespmem:s11+$0x7CA0] =	vst v10  }
0x24a: {  	v15 =	vmul.f32 v63, v0;
	[tilespmem:s11+$0x7CB0] =	vst v12  }
0x24b: {  	v16 =	vmul.f32 v9, v0;
	[tilespmem:s11+$0x7CC0] =	vst v14  }
0x24c: {  	v0 =	vmul.f32 v11, v0;
	[tilespmem:s11+$0x7CD0] =	vst v15  }
0x24d: {  	[tilespmem:s11+$0x7CE0] =	vst v16  }
0x24e: {  	s30 =	sshll.u32 s14, $0x7;
	[tilespmem:s11+$0x7CF0] =	vst v0  }
0x24f: {  	s11 =	sand.u32 $0x3FFFFE00, s30;
	v0 =	vld.idx.msk [tilespmem:v4+s20+$0x0], $0xffff  }
0x250: {  	v1 =	vld [tilespmem:s11+$0x7C80]  }
0x251: {  	v2 =	vld [tilespmem:s11+$0x7C90]  }
0x252: {  	v17 =	vld [tilespmem:s11+$0x7CA0]  }
0x253: {  	v18 =	vld [tilespmem:s11+$0x7CB0]  }
0x254: {  	v19 =	vld [tilespmem:s11+$0x7CC0]  }
0x255: {  	v20 =	vld [tilespmem:s11+$0x7CD0];
	v1 =	vmul.f32 v1, v0  }
0x256: {  	v21 =	vld [tilespmem:s11+$0x7CE0];
	v2 =	vmul.f32 v2, v0  }
0x257: {  	s31 =	sor.u32 $0xD, s10;
	v23 =	vld [tilespmem:s11+$0x7CF0];
	v22 =	vmul.f32 v17, v0;
	[tilespmem:s11+$0x7C80] =	vst v1  }
0x258: {  	v25 =	vmov s31;
	v24 =	vmul.f32 v18, v0;
	[tilespmem:s11+$0x7C90] =	vst v2  }
0x259: {  	v4 =	vbroadcast v25, $0x0;
	v26 =	vmul.f32 v19, v0;
	[tilespmem:s11+$0x7CA0] =	vst v22  }
0x25a: {  	v27 =	vmul.f32 v20, v0;
	[tilespmem:s11+$0x7CB0] =	vst v24  }
0x25b: {  	v28 =	vmul.f32 v21, v0;
	[tilespmem:s11+$0x7CC0] =	vst v26  }
0x25c: {  	v0 =	vmul.f32 v23, v0;
	[tilespmem:s11+$0x7CD0] =	vst v27  }
0x25d: {  	[tilespmem:s11+$0x7CE0] =	vst v28  }
0x25e: {  	s14 =	sshll.u32 s31, $0x7;
	[tilespmem:s11+$0x7CF0] =	vst v0  }
0x25f: {  	s11 =	sand.u32 $0x3FFFFE80, s14;
	v0 =	vld.idx.msk [tilespmem:v4+s20+$0x0], $0xffff  }
0x260: {  	v1 =	vld [tilespmem:s11+$0x7C80]  }
0x261: {  	v2 =	vld [tilespmem:s11+$0x7C90]  }
0x262: {  	v29 =	vld [tilespmem:s11+$0x7CA0]  }
0x263: {  	v30 =	vld [tilespmem:s11+$0x7CB0]  }
0x264: {  	v31 =	vld [tilespmem:s11+$0x7CC0]  }
0x265: {  	v32 =	vld [tilespmem:s11+$0x7CD0];
	v1 =	vmul.f32 v1, v0  }
0x266: {  	v33 =	vld [tilespmem:s11+$0x7CE0];
	v2 =	vmul.f32 v2, v0  }
0x267: {  	s10 =	sor.u32 $0xE, s10;
	v35 =	vld [tilespmem:s11+$0x7CF0];
	v34 =	vmul.f32 v29, v0;
	[tilespmem:s11+$0x7C80] =	vst v1  }
0x268: {  	v37 =	vmov s10;
	v36 =	vmul.f32 v30, v0;
	[tilespmem:s11+$0x7C90] =	vst v2  }
0x269: {  	v4 =	vbroadcast v37, $0x0;
	v38 =	vmul.f32 v31, v0;
	[tilespmem:s11+$0x7CA0] =	vst v34  }
0x26a: {  	v39 =	vmul.f32 v32, v0;
	[tilespmem:s11+$0x7CB0] =	vst v36  }
0x26b: {  	v40 =	vmul.f32 v33, v0;
	[tilespmem:s11+$0x7CC0] =	vst v38  }
0x26c: {  	v0 =	vmul.f32 v35, v0;
	[tilespmem:s11+$0x7CD0] =	vst v39  }
0x26d: {  	[tilespmem:s11+$0x7CE0] =	vst v40  }
0x26e: {  	s10 =	sshll.u32 s10, $0x7;
	[tilespmem:s11+$0x7CF0] =	vst v0  }
0x26f: {  	s10 =	sand.u32 $0x3FFFFF00, s10;
	v0 =	vld.idx.msk [tilespmem:v4+s20+$0x0], $0xffff  }
0x270: {  	v1 =	vld [tilespmem:s10+$0x7C80]  }
0x271: {  	v2 =	vld [tilespmem:s10+$0x7C90]  }
0x272: {  	v41 =	vld [tilespmem:s10+$0x7CA0]  }
0x273: {  	v42 =	vld [tilespmem:s10+$0x7CB0]  }
0x274: {  	v43 =	vld [tilespmem:s10+$0x7CC0]  }
0x275: {  	v44 =	vld [tilespmem:s10+$0x7CD0];
	v1 =	vmul.f32 v1, v0  }
0x276: {  	v45 =	vld [tilespmem:s10+$0x7CE0];
	v2 =	vmul.f32 v2, v0  }
0x277: {  	v47 =	vld [tilespmem:s10+$0x7CF0];
	v46 =	vmul.f32 v41, v0;
	[tilespmem:s10+$0x7C80] =	vst v1  }
0x278: {  	v48 =	vmul.f32 v42, v0;
	[tilespmem:s10+$0x7C90] =	vst v2  }
0x279: {  	s30 =	sshllo.u32 s1, $0x4;
	v49 =	vmul.f32 v43, v0;
	[tilespmem:s10+$0x7CA0] =	vst v46  }
0x27a: {  	v51 =	vmov s30;
	v50 =	vmul.f32 v44, v0;
	[tilespmem:s10+$0x7CB0] =	vst v48  }
0x27b: {  	v52 =	vmul.f32 v45, v0;
	[tilespmem:s10+$0x7CC0] =	vst v49  }
0x27c: {  	v0 =	vmul.f32 v47, v0;
	[tilespmem:s10+$0x7CD0] =	vst v50  }
0x27d: {  	[tilespmem:s10+$0x7CE0] =	vst v52  }
0x27e: {  	s31 =	sshll.u32 s30, $0x7;
	[tilespmem:s10+$0x7CF0] =	vst v0  }
0x27f: {  	s10 =	sand.u32 $0x3FFFFF80, s31;
	v0 =	vld.idx.msk [tilespmem:v51+s20+$0x0], $0xffff  }
0x280: {  	v1 =	vld [tilespmem:s10+$0x7C80]  }
0x281: {  	v2 =	vld [tilespmem:s10+$0x7C90]  }
0x282: {  	v53 =	vld [tilespmem:s10+$0x7CA0]  }
0x283: {  	v54 =	vld [tilespmem:s10+$0x7CB0]  }
0x284: {  	v55 =	vld [tilespmem:s10+$0x7CC0]  }
0x285: {  	v56 =	vld [tilespmem:s10+$0x7CD0];
	v1 =	vmul.f32 v1, v0  }
0x286: {  	v57 =	vld [tilespmem:s10+$0x7CE0];
	v2 =	vmul.f32 v2, v0  }
0x287: {  	v59 =	vld [tilespmem:s10+$0x7CF0];
	v58 =	vmul.f32 v53, v0;
	[tilespmem:s10+$0x7C80] =	vst v1  }
0x288: {  	v60 =	vmul.f32 v54, v0;
	[tilespmem:s10+$0x7C90] =	vst v2  }
0x289: {  	p3 =	sne.s32 s1, $0x4;
	v61 =	vmul.f32 v55, v0;
	[tilespmem:s10+$0x7CA0] =	vst v58  }
.Ltmp5:
0x28a: {  	v62 =	vmul.f32 v56, v0;
	[tilespmem:s10+$0x7CB0] =	vst v60;
	(pc) =	sbr.rel @p3 .LBB2_11-.Ltmp5, $4  }
0x28b: {  	v63 =	vmul.f32 v57, v0;
	[tilespmem:s10+$0x7CC0] =	vst v61  }
0x28c: {  	v0 =	vmul.f32 v59, v0;
	[tilespmem:s10+$0x7CD0] =	vst v62  }
0x28d: {  	[tilespmem:s10+$0x7CE0] =	vst v63  }
0x28e: {  	s1 =	sadd.s32 $0x1, s1;
	[tilespmem:s10+$0x7CF0] =	vst v0  }
0x28f: {  	s29 =	sadd.s32 $0x1, s29  }
0x290: {  	p3 =	sne.s32 s29, $0x7D  }
.Ltmp6:
0x291: {  	_ = 	snop;
	(pc) =	sbr.rel @p3 .LBB2_2-.Ltmp6, $3  }
0x292: {  	_ =	sdelay $0x1  }
0x293: {  	s0 =	sadd.s32 $0x1C00, s0  }
0x294: {  	[spmem:s2] =	stream.indirect.scatter.add.f32 [tilespmem:s25], [sflag:$0x4], $0x80, s0, s21, $0xb8;
	[tilespmem:$0x1E480] =	vst v63  }
0x295: {  	_ =	swait.ge [sflag:s26], $0x2800  }
0x296: {  	[sflag:s26] =	ssyncset.done $0x0  }
0x297: {  	[sflag:s26] =	ssyncadd.s32 $0xFFFFD800  }
0x298: {  	[bflag:$0x0] =	sbarrier.arrive $0xFFFF  }
0x299: {  	s0 =	rddreg [dreg:$0x4]  }
0x29a: {  	s1 =	rddreg [dreg:$0x6]  }
0x29b: {  	[hbm:s0], [sflag:s15] =	dma.local [spmem:s1], $0x2800  }
0x29c: {  	_ =	swait.ge [sflag:s16], $0x2800  }
0x29d: {  	s28 =	sadd.s32 $0x1, s28;
	s31 =	rddreg [dreg:$0x5]  }
0x29e: {  	p3 =	sne.s32 s28, s31  }
.Ltmp7:
0x29f: {  	_ = 	snop;
	(pc) =	sbr.rel @p3 .LBB2_1-.Ltmp7, $3  }
0x2a0: {  	_ =	sdelay $0x1  }
0x2a1: {  	[sflag:s16] =	ssyncset.done $0x0  }
0x2a2: {  	s11 =	smov.u32 s15;
	[sflag:s16] =	ssyncadd.s32 $0xFFFFD800  }
0x2a3: {  	_ =	sfence.sel $0x180000  }
0x2a4: {  	[bflag:$0x0] =	sbarrier.arrive $0xFFFF  }
0x2a5: {  	_ =	strace $0x9000004A  }
0x2a6: {  	s0 =	stileid.u32;
	[bflag:$0x2] =	sbarrier.arrive $0xFFFF  }
0x2a7: {  	p0 =	sne.s32 s0, $0x0;
	s0 =	rddreg [dreg:$0x2]  }
0x2a8: {  	s0 =	sadd.s32 @!p0 $0x100000, s0  }
0x2a9: {  	[sflag:s0] =	ssyncadd.tile.s32 @!p0 $0x1;
	_ =	shalt  }
.Lfunc_end2:
_tile_overlayer_lowered:
.L_overlay_start_2:
0x2aa: {  	(tag) =	ssettag $0x2  }
0x2ab: {  	s0 =	rddreg [dreg:$0x0];
	s2 =	stileid.u32  }
0x2ac: {  	s1 =	rddreg [dreg:$0x1];
	p0 =	sne.s32 s2, $0x0  }
0x2ad: {  	s3 =	rddreg [dreg:$0x2];
	[bflag:$0x3] =	sbarrier.arrive $0xFFFF;
	s2 =	simm.s32 @!p0 $0x1C05  }
0x2ae: {  	[timem:s3], [sflag:s2] =	dma.local @!p0 [hbm:s0], s1  }
0x2af: {  	s0 =	simm.s32 @!p0 $0x5  }
0x2b0: {  	_ =	swait.ge @!p0 [sflag:s0], s1  }
0x2b1: {  	s1 =	ssub.s32 @!p0 $0x0, s1;
	[sflag:s0] =	ssyncset.done @!p0 $0x0  }
0x2b2: {  	[sflag:s0] =	ssyncadd.s32 @!p0 s1  }
0x2b3: {  	[bflag:$0x3] =	sbarrier.arrive $0xFFFF  }
0x2b4: {  	_ =	shalt  }

// kernel: kernel.15.cloned.1.call-start
scs
__scs_entry_jumppad:
0x0: {  	(pc) =	sbr.rel $0x88, $3  }
0x1: {  	(tag) =	ssettag $0x0;
	lr =	simm.s32 $0x1  }
0x2: {  	[smem:$0x3F94] =	sst lr;
	_ =	strace $0xD0000000  }
0x3: {  	_ = 	snop  }
0x4: {  	_ = 	snop  }
0x5: {  	_ = 	snop  }
0x6: {  	_ = 	snop  }
0x7: {  	_ = 	snop  }
__scs_overlays_trampoline_lowered:
0x8: {  	[smem:$0x3FA3] =	sst s0  }
0x9: {  	[smem:$0x3FA4] =	sst s1  }
0xa: {  	[smem:$0x3FA5] =	sst s2  }
0xb: {  	[smem:$0x3FA6] =	sst s3  }
0xc: {  	[smem:$0x3FA7] =	sst s4  }
0xd: {  	[smem:$0x3FA8] =	sst s5  }
0xe: {  	[smem:$0x3FA9] =	sst s6  }
0xf: {  	[smem:$0x3FAA] =	sst s7  }
0x10: {  	[smem:$0x3FAB] =	sst s8  }
0x11: {  	[smem:$0x3FAC] =	sst s9;
	s0 =	simm.s32 @!p0 $0x0  }
0x12: {  	s1 =	sld [smem:$0x3F92];
	s0 =	simm.s32 @p0 $0x1  }
0x13: {  	[smem:$0x3FAD] =	sst s0;
	s0 =	simm.s32 @!p1 $0x0  }
0x14: {  	s2 =	sld [smem:$0x3F91];
	s0 =	simm.s32 @p1 $0x1  }
0x15: {  	[smem:$0x3FAE] =	sst s0;
	s0 =	simm.s32 @!p2 $0x0  }
0x16: {  	s3 =	sld [smem:$0x3FDB];
	s0 =	simm.s32 @p2 $0x1  }
0x17: {  	s4 =	simm.s32 $0x1BF5;
	[smem:$0x3FB0] =	sst s0  }
0x18: {  	s0 =	sld [smem:$0x3F93];
	_ =	swait.ge [sflag:s4], $0x0  }
0x19: {  	s7 =	sld [smem:$0x3F94]  }
0x1a: {  	s8 =	sadd.s32 $0xFFFFE003, lr  }
0x1b: {  	s9 =	sadd.s32 $0xFFFFFEF7, lr;
	s5 =	simm.s32 $0xFFFFFFFF;
	p2 =	slt.u32 s8, $0xFFFFF086  }
0x1c: {  	p1 =	slt.u32 s9, $0xF7A;
	s5 =	simm.s32 @!p2 $0x0  }
0x1d: {  	s5 =	simm.s32 @p1 $0x1;
	p0 =	seq.s32 s7, s2  }
0x1e: {  	s7 =	smul.u32 @!p0 $0xF7A, s2;
	p2 =	seq.s32 @!p0 s5, $0x0  }
0x1f: {  	s9 =	smul.u32 $0xF7A, s1;
	s8 =	simm.s32 @!p0 $0x1BF5;
	p2 =	por !p2, p0  }
0x20: {  	[sflag:s8] =	ssyncset.s32 @!p0 $0xFFFFF086;
	s6 =	sadd.s32 @!p0 s3, s7;
	s7 =	simm.s32 @!p0 $0x108  }
0x21: {  	s3 =	sadd.s32 s3, s9;
	s6 =	sadd.s32 @!p0 $0x88, s6;
	s7 =	simm.s32 @p2 $0x1082  }
0x22: {  	[simem:s7], [sflag:s8] =	dma.local @!p0 [hbm:s6], $0xF7A  }
0x23: {  	s9 =	sor.u32 $0xD0000000, s2;
	s6 =	simm.s32 $0x108;
	_ =	swait.ge @!p0 [sflag:s8], $0x0  }
0x24: {  	s3 =	sadd.s32 $0x88, s3;
	s6 =	simm.s32 @!p1 $0x1082;
	[sflag:s4] =	ssyncset.s32 $0xFFFFF086  }
0x25: {  	[simem:s6], [sflag:s4] =	dma.local [hbm:s3], $0xF7A  }
0x26: {  	[smem:$0x3F94] =	sst s1;
	(tag) =	ssettag s2;
	_ =	strace s9  }
0x27: {  	s1 =	sld [smem:$0x3FA4]  }
0x28: {  	s2 =	sld [smem:$0x3FA5]  }
0x29: {  	s4 =	sld [smem:$0x3FA7]  }
0x2a: {  	p0 =	seq.s32 s5, $0x0;
	s5 =	sld [smem:$0x3FA8]  }
0x2b: {  	s6 =	sld [smem:$0x3FA9]  }
0x2c: {  	s7 =	sld [smem:$0x3FAA]  }
0x2d: {  	s3 =	simm.s32 $0x108;
	s8 =	sld [smem:$0x3FAB]  }
0x2e: {  	s3 =	simm.s32 @!p0 $0x1082;
	s9 =	sld [smem:$0x3FAC]  }
0x2f: {  	lr =	sadd.s32 s0, s3;
	s0 =	sld [smem:$0x3FA3]  }
0x30: {  	s3 =	sld [smem:$0x3FA6]  }
0x31: {  	[smem:$0x3FAF] =	sst s10  }
0x32: {  	s10 =	sld [smem:$0x3FAD];
	_ =	sdelay $0x3  }
0x33: {  	p0 =	seq.s32 s10, $0x1;
	s10 =	sld [smem:$0x3FAF];
	_ =	sdelay $0x3  }
0x34: {  	[smem:$0x3FAF] =	sst s10  }
0x35: {  	s10 =	sld [smem:$0x3FAE];
	_ =	sdelay $0x3  }
0x36: {  	p1 =	seq.s32 s10, $0x1;
	s10 =	sld [smem:$0x3FAF];
	_ =	sdelay $0x3  }
0x37: {  	[smem:$0x3FAF] =	sst s10  }
0x38: {  	s10 =	sld [smem:$0x3FB0]  }
0x39: {  	_ = 	snop;
	(pc) =	sbr.ind lr, $3  }
0x3a: {  	_ = 	snop  }
0x3b: {  	_ = 	snop  }
0x3c: {  	p2 =	seq.s32 s10, $0x1;
	s10 =	sld [smem:$0x3FAF]  }
0x3d: {  	_ =	shalt  }
0x3e: {  	_ =	shalt  }
0x3f: {  	_ =	shalt  }
0x40: {  	_ =	shalt  }
0x41: {  	_ =	shalt  }
0x42: {  	_ =	shalt  }
0x43: {  	_ =	shalt  }
0x44: {  	_ =	shalt  }
0x45: {  	_ =	shalt  }
0x46: {  	_ =	shalt  }
0x47: {  	_ =	shalt  }
0x48: {  	_ =	shalt  }
0x49: {  	_ =	shalt  }
0x4a: {  	_ =	shalt  }
0x4b: {  	_ =	shalt  }
0x4c: {  	_ =	shalt  }
0x4d: {  	_ =	shalt  }
0x4e: {  	_ =	shalt  }
0x4f: {  	_ =	shalt  }
0x50: {  	_ =	shalt  }
0x51: {  	_ =	shalt  }
0x52: {  	_ =	shalt  }
0x53: {  	_ =	shalt  }
0x54: {  	_ =	shalt  }
0x55: {  	_ =	shalt  }
0x56: {  	_ =	shalt  }
0x57: {  	_ =	shalt  }
0x58: {  	_ =	shalt  }
0x59: {  	_ =	shalt  }
0x5a: {  	_ =	shalt  }
0x5b: {  	_ =	shalt  }
0x5c: {  	_ =	shalt  }
0x5d: {  	_ =	shalt  }
0x5e: {  	_ =	shalt  }
0x5f: {  	_ =	shalt  }
0x60: {  	_ =	shalt  }
0x61: {  	_ =	shalt  }
0x62: {  	_ =	shalt  }
0x63: {  	_ =	shalt  }
0x64: {  	_ =	shalt  }
0x65: {  	_ =	shalt  }
0x66: {  	_ =	shalt  }
0x67: {  	_ =	shalt  }
0x68: {  	_ =	shalt  }
0x69: {  	_ =	shalt  }
0x6a: {  	_ =	shalt  }
0x6b: {  	_ =	shalt  }
0x6c: {  	_ =	shalt  }
0x6d: {  	_ =	shalt  }
0x6e: {  	_ =	shalt  }
0x6f: {  	_ =	shalt  }
0x70: {  	_ =	shalt  }
0x71: {  	_ =	shalt  }
0x72: {  	_ =	shalt  }
0x73: {  	_ =	shalt  }
0x74: {  	_ =	shalt  }
0x75: {  	_ =	shalt  }
0x76: {  	_ =	shalt  }
0x77: {  	_ =	shalt  }
0x78: {  	_ =	shalt  }
0x79: {  	_ =	shalt  }
0x7a: {  	_ =	shalt  }
0x7b: {  	_ =	shalt  }
0x7c: {  	_ =	shalt  }
0x7d: {  	_ =	shalt  }
0x7e: {  	_ =	shalt  }
0x7f: {  	_ =	shalt  }
0x80: {  	_ =	shalt  }
0x81: {  	_ =	shalt  }
0x82: {  	_ =	shalt  }
0x83: {  	_ =	shalt  }
0x84: {  	_ =	shalt  }
0x85: {  	_ =	shalt  }
0x86: {  	_ =	shalt  }
0x87: {  	_ =	shalt  }
.Lfunc_end0:
.L_simem_size_0:
called_computation.2_lowered:
.L_overlay_start_0:
0x88: {  	s2 =	sld [smem:$0x3FD9]  }
0x89: {  	s3 =	sld [smem:$0x3FFE];
	_ =	sdelay $0x1  }
0x8a: {  	s1 =	srdreg.scid  }
0x8b: {  	s0 =	sand.u32 $0x1, s1  }
0x8c: {  	s16 =	sshll.u32 s0, $0xA;
	s2 =	sadd.s32 s3, s2  }
0x8d: {  	s2 =	sadd.s32 s2, s16  }
0x8e: {  	[smem:$0x3FBB] =	sst s2  }
0x8f: {  	_ = 	snop  }
0x90: {  	(tm) =	ssettm $0x1  }
0x91: {  	s17 =	sld [smem:$0x3FFB];
	_ =	sdelay $0x3  }
0x92: {  	_ =	strace s17  }
0x93: {  	s2 =	sld [smem:$0x3FFC];
	_ =	sdelay $0x3  }
0x94: {  	_ =	strace s2  }
0x95: {  	s2 =	sld [smem:$0x3FFD];
	_ =	sdelay $0x3  }
0x96: {  	_ =	strace s2  }
0x97: {  	_ =	strace $0x8FFFFFFF  }
0x98: {  	s18 =	sld [smem:$0x3FDB];
	_ =	sdelay $0x1  }
0x99: {  	s19 =	simm.s32 $_scs_section_size  }
0x9a: {  	s4 =	simm.s32 $_size__tile_overlayer_lowered;
	s5 =	simm.s32 $_tile_overlayer_lowered  }
0x9b: {  	s22 =	simm.s32 $0x1BFF;
	s21 =	sshll.u32 s5, $0x1;
	s2 =	sadd.s32 s19, s18  }
0x9c: {  	s6 =	simm.s32 $0x0;
	s20 =	sshll.u32 s4, $0x1;
	s4 =	sadd.s32 s21, s2  }
0x9d: {  	[timem:s6], [sflag:s22] =	dma.local [hbm:s4], s20  }
0x9e: {  	_ =	swait.ge [sflag:s22], s20  }
0x9f: {  	s3 =	ssub.s32 $0x0, s20;
	[sflag:s22] =	ssyncset.done $0x0  }
0xa0: {  	[sflag:s22] =	ssyncadd.s32 s3;
	_ =	sdelay $0x1  }
0xa1: {  	s23 =	simm.s32 $0x1B8B  }
0xa2: {  	_ =	swait.ge [sflag:s23], $0x1  }
0xa3: {  	[sflag:s23] =	ssyncset.done $0x0  }
0xa4: {  	s25 =	simm.s32 $0x1B8E;
	s24 =	sld [smem:$0x3FFE];
	[sflag:s23] =	ssyncadd.s32 $0xFFFFFFFF  }
0xa5: {  	s26 =	simm.s32 $execute0_lowered;
	[smem:$0x3FD2] =	sst s25  }
0xa6: {  	s4 =	sshll.u32 s26, $0x1;
	_ =	strace $0x8000004C;
	[dreg:$0x1] =	wrdreg $0xFFFFFFFF  }
0xa7: {  	s28 =	simm.s32 $_size_execute0_lowered;
	s2 =	sadd.s32 s2, s4;
	[dreg:$0x0] =	wrdreg $0x0  }
0xa8: {  	s4 =	sshll.u32 s28, $0x1;
	[dreg:$0x2] =	wrdreg s2  }
0xa9: {  	[dreg:$0x3] =	wrdreg s4  }
0xaa: {  	[dreg:$0x4] =	wrdreg $0xC0  }
0xab: {  	_ =	task [dreg:s6], $0x5FFFF  }
0xac: {  	[dreg:$0x1] =	wrdreg $0xFFFFFFFF  }
0xad: {  	[dreg:$0x0] =	wrdreg $0x60  }
0xae: {  	[dreg:$0x2] =	wrdreg s24  }
0xaf: {  	[dreg:$0x3] =	wrdreg $0x70000  }
0xb0: {  	[dreg:$0x4] =	wrdreg $0x9  }
0xb1: {  	_ =	task.clear_ibuf [dreg:s6], $0x5FFFF;
	_ =	strace $0x9000004C  }
0xb2: {  	s29 =	simm.s32 $0x9;
	_ =	strace $0x8000004E  }
0xb3: {  	_ =	swait.ge [sflag:s29], $0x1  }
0xb4: {  	[sflag:s29] =	ssyncadd.s32 $0xFFFFFFFF  }
0xb5: {  	_ =	strace $0x9000004E  }
0xb6: {  	_ =	sfence  }
0xb7: {  	s30 =	sld [smem:$0x0];
	_ =	sdelay $0x2  }
0xb8: {  	s31 =	sshll.u32 s1, $0xD;
	s1 =	sshrl.u32 s1, $0x2  }
0xb9: {  	s3 =	sand.u32 $0x4000, s31;
	s1 =	sadd.s32 s1, s30  }
0xba: {  	s0 =	sor.u32 s3, s0;
	s1 =	sshll.u32 s1, $0x11  }
0xbb: {  	s0 =	sor.u32 s1, s0  }
0xbc: {  	s0 =	sadd.s32 $0x8F2B, s0  }
0xbd: {  	[sflag:s0] =	ssyncadd.remote.s32 $0x1  }
0xbe: {  	_ =	sfence.sel $0xFFFF  }
0xbf: {  	[dreg:$0x0] =	wrdreg $0xFFFFFFFF;
	(pc) =	sbr.abs _section_cstart, $3  }
0xc0: {  	[dreg:$0x1] =	wrdreg $0xFFFFFFFF  }
0xc1: {  	_ =	task.clear_ibuf [dreg:s6], $0x2FFFF;
	_ =	strace $0x9FFFFFFF  }
0xc2: {  	(tm) =	ssettm $0x7FFFFFFF  }
0xc3: {  	_ =	shalt  }
tec
execute0_lowered:
.L_overlay_start_1:
0x0: {  	(tag) =	ssettag $0x1  }
0x1: {  	s0 =	rddreg [dreg:$0x0]  }
0x2: {  	s2 =	rddreg [dreg:$0x1]  }
0x3: {  	s11 =	stileid.u32;
	s1 =	srdreg.scid;
	s3 =	simm.s32 $0x0  }
0x4: {  	s13 =	simm.s32 $0x5;
	s14 =	simm.s32 $0x1000;
	s15 =	simm.s32 $0x28  }
0x5: {  	s16 =	simm.s32 $0x2000;
	s17 =	simm.s32 $0x3400;
	s18 =	simm.s32 $0x80  }
0x6: {  	s19 =	simm.s32 $0x4800;
	s20 =	simm.s32 $0xA8;
	s21 =	simm.s32 $0x5C00  }
0x7: {  	s28 =	simm.s32 $0x2;
	s29 =	simm.s32 $0x1080;
	s30 =	simm.s32 $0x4  }
0x8: {  	s31 =	simm.s32 $0x1C00;
	s7 =	smul.u32 $0x14000, s11;
	s1 =	sand.u32 $0x1, s1  }
0x9: {  	[smem:$0x7FF] =	sst s3;
	s4 =	sadd.s32 $0xB9000, s0;
	s5 =	sadd.s32 $0x109000, s0  }
0xa: {  	s6 =	sadd.s32 $0x11D000, s0;
	s10 =	smul.u32 $0x50000, s11;
	s25 =	sshll.u32 s11, $0x1  }
0xb: {  	s26 =	sshll.u32 s11, $0x6;
	s8 =	smul.u32 $0x140000, s1;
	_ =	strace $0x8000004D  }
0xc: {  	s22 =	ssub.s32 $0x2, s1;
	s1 =	sor.u32 s1, s25;
	s25 =	simm.s32 $0x100  }
0xd: {  	s9 =	sshrl.u32 s7, $0x3;
	s23 =	sshrl.u32 s22, $0x1;
	s24 =	sshrl.u32 s10, $0x2  }
0xe: {  	s7 =	sadd.s32 s7, s8;
	s9 =	sadd.s32 s9, s0;
	s12 =	sadd.s32 s24, s2  }
0xf: {  	s8 =	sor.u32 $0x1C05, s26;
	s24 =	simm.s32 $0x3;
	s26 =	simm.s32 $0x128  }
0x10: {  	s7 =	sshrl.u32 s7, $0x3;
	s9 =	sadd.s32 $0x91000, s9;
	s12 =	sshrl.u32 s12, $0x3  }
0x11: {  	s0 =	sadd.s32 s7, s0;
	s7 =	ssub.s32 s22, s23;
	[dreg:$0x3] =	wrdreg s9  }
0x12: {  	s9 =	smul.u32 $0x5, s1;
	s22 =	simm.s32 $0x1;
	s0 =	sadd.s32 $0x3200, s0  }
0x13: {  	s23 =	simm.s32 $0x50;
	s11 =	smax.u32 s7, $0x1;
	[dreg:$0x4] =	wrdreg s0  }
.LBB2_1:
0x14: {  	s0 =	rddreg [dreg:$0x3]  }
0x15: {  	[spmem:s12], [sflag:s8] =	dma.local [hbm:s0], $0x2800  }
0x16: {  	_ =	swait.ge [sflag:s13], $0x2800  }
0x17: {  	[sflag:s13] =	ssyncset.done $0x0  }
0x18: {  	[sflag:s13] =	ssyncadd.s32 $0xFFFFD800  }
0x19: {  	s0 =	simm.s32 $0x0;
	[bflag:$0x0] =	sbarrier.arrive $0xFFFF  }
.LBB2_2:
0x1a: {  	s1 =	sadd.s32 s9, s0  }
0x1b: {  	s1 =	sshll.u32 s1, $0x9  }
0x1c: {  	s10 =	simm.s32 $0x0;
	s7 =	sadd.s32 s5, s1  }
0x1d: {  	[tilespmem:s10], [sflag:$0x5] =	stream.linear.gather [hbm4b:s7+s10], $0xC80, $0x38;
	[tilespmem:$0x1B000] =	vst v63  }
0x1e: {  	_ =	swait.ge [sflag:s13], $0xC80  }
0x1f: {  	[sflag:s13] =	ssyncset.done $0x0  }
0x20: {  	s1 =	sadd.s32 s6, s1;
	[sflag:s13] =	ssyncadd.s32 $0xFFFFF380  }
0x21: {  	[tilespmem:s14], [sflag:$0x5] =	stream.linear.gather [hbm4b:s1+s10], $0xC80, $0x38;
	[tilespmem:$0x1B000] =	vst v63  }
0x22: {  	_ =	swait.ge [sflag:s13], $0xC80  }
0x23: {  	[sflag:s13] =	ssyncset.done $0x0  }
0x24: {  	[sflag:s13] =	ssyncadd.s32 $0xFFFFF380  }
0x25: {  	[tilespmem:s16], [sflag:$0x1] =	stream.indirect.gather [hbm4b:s4+s15], $0x80, s10, s15, $0xb8;
	[tilespmem:$0x1B000] =	vst v63  }
0x26: {  	_ = 	snop  }
0x27: {  	[tilespmem:s17], [sflag:$0x1] =	stream.indirect.gather [hbm4b:s4+s15], $0x80, s15, s15, $0xb8;
	[tilespmem:$0x1B000] =	vst v63  }
0x28: {  	_ = 	snop  }
0x29: {  	[tilespmem:s19], [sflag:$0x2] =	stream.indirect.gather [hbm4b:s4+s15], $0x80, s18, s15, $0xb8;
	[tilespmem:$0x1B000] =	vst v63  }
0x2a: {  	_ = 	snop  }
0x2b: {  	[tilespmem:s21], [sflag:$0x2] =	stream.indirect.gather [hbm4b:s4+s15], $0x80, s20, s15, $0xb8;
	[tilespmem:$0x1B000] =	vst v63  }
0x2c: {  	_ =	swait.ge [sflag:s22], $0x1400  }
0x2d: {  	[sflag:s22] =	ssyncset.done $0x0  }
0x2e: {  	[sflag:s22] =	ssyncadd.s32 $0xFFFFEC00  }
0x2f: {  	_ =	swait.ge [sflag:s22], $0x1400  }
0x30: {  	[sflag:s22] =	ssyncset.done $0x0  }
0x31: {  	[sflag:s22] =	ssyncadd.s32 $0xFFFFEC00  }
0x32: {  	[spmem:s2] =	stream.indirect.scatter.add.f32 [tilespmem:s16], [sflag:$0x3], $0x80, s14, s23, $0xb8;
	[tilespmem:$0x1B000] =	vst v63  }
0x33: {  	_ =	swait.ge [sflag:s24], $0x2800  }
0x34: {  	[sflag:s24] =	ssyncset.done $0x0  }
0x35: {  	[sflag:s24] =	ssyncadd.s32 $0xFFFFD800  }
0x36: {  	[tilespmem:s16], [sflag:$0x1] =	stream.indirect.gather [hbm4b:s4+s15], $0x80, s25, s15, $0xb8;
	[tilespmem:$0x1B000] =	vst v63  }
0x37: {  	_ = 	snop  }
0x38: {  	[tilespmem:s17], [sflag:$0x1] =	stream.indirect.gather [hbm4b:s4+s15], $0x80, s26, s15, $0xb8;
	[tilespmem:$0x1B000] =	vst v63  }
0x39: {  	_ =	swait.ge [sflag:s28], $0x1400  }
0x3a: {  	[sflag:s28] =	ssyncset.done $0x0  }
0x3b: {  	[sflag:s28] =	ssyncadd.s32 $0xFFFFEC00  }
0x3c: {  	_ =	swait.ge [sflag:s28], $0x1400  }
0x3d: {  	[sflag:s28] =	ssyncset.done $0x0  }
0x3e: {  	[sflag:s28] =	ssyncadd.s32 $0xFFFFEC00  }
0x3f: {  	[spmem:s2] =	stream.indirect.scatter.add.f32 [tilespmem:s19], [sflag:$0x4], $0x80, s29, s23, $0xb8;
	[tilespmem:$0x1B000] =	vst v63  }
0x40: {  	_ =	swait.ge [sflag:s30], $0x2800  }
0x41: {  	[sflag:s30] =	ssyncset.done $0x0  }
0x42: {  	s10 =	simm.s32 $0x180;
	[sflag:s30] =	ssyncadd.s32 $0xFFFFD800  }
0x43: {  	[tilespmem:s19], [sflag:$0x2] =	stream.indirect.gather [hbm4b:s4+s15], $0x80, s10, s15, $0xb8;
	[tilespmem:$0x1B000] =	vst v63  }
0x44: {  	s7 =	simm.s32 $0x1A8  }
0x45: {  	[tilespmem:s21], [sflag:$0x2] =	stream.indirect.gather [hbm4b:s4+s15], $0x80, s7, s15, $0xb8;
	[tilespmem:$0x1B000] =	vst v63  }
0x46: {  	_ =	swait.ge [sflag:s22], $0x1400  }
0x47: {  	[sflag:s22] =	ssyncset.done $0x0  }
0x48: {  	[sflag:s22] =	ssyncadd.s32 $0xFFFFEC00  }
0x49: {  	_ =	swait.ge [sflag:s22], $0x1400  }
0x4a: {  	[sflag:s22] =	ssyncset.done $0x0  }
0x4b: {  	s10 =	simm.s32 $0x1100;
	[sflag:s22] =	ssyncadd.s32 $0xFFFFEC00  }
0x4c: {  	[spmem:s2] =	stream.indirect.scatter.add.f32 [tilespmem:s16], [sflag:$0x3], $0x80, s10, s23, $0xb8;
	[tilespmem:$0x1B000] =	vst v63  }
0x4d: {  	_ =	swait.ge [sflag:s24], $0x2800  }
0x4e: {  	[sflag:s24] =	ssyncset.done $0x0  }
0x4f: {  	s7 =	simm.s32 $0x200;
	[sflag:s24] =	ssyncadd.s32 $0xFFFFD800  }
0x50: {  	[tilespmem:s16], [sflag:$0x1] =	stream.indirect.gather [hbm4b:s4+s15], $0x80, s7, s15, $0xb8;
	[tilespmem:$0x1B000] =	vst v63  }
0x51: {  	s10 =	simm.s32 $0x228  }
0x52: {  	[tilespmem:s17], [sflag:$0x1] =	stream.indirect.gather [hbm4b:s4+s15], $0x80, s10, s15, $0xb8;
	[tilespmem:$0x1B000] =	vst v63  }
0x53: {  	_ =	swait.ge [sflag:s28], $0x1400  }
0x54: {  	[sflag:s28] =	ssyncset.done $0x0  }
0x55: {  	[sflag:s28] =	ssyncadd.s32 $0xFFFFEC00  }
0x56: {  	_ =	swait.ge [sflag:s28], $0x1400  }
0x57: {  	[sflag:s28] =	ssyncset.done $0x0  }
0x58: {  	s1 =	simm.s32 $0x400;
	s7 =	simm.s32 $0x1180;
	[sflag:s28] =	ssyncadd.s32 $0xFFFFEC00  }
.LBB2_3:
0x59: {  	[spmem:s2] =	stream.indirect.scatter.add.f32 [tilespmem:s19], [sflag:$0x4], $0x80, s7, s23, $0xb8;
	[tilespmem:$0x1B000] =	vst v63  }
0x5a: {  	s7 =	smov.u32 s1  }
0x5b: {  	p0 =	sne.s32 s1, $0x2800;
	s1 =	sadd.s32 $0x400, s1;
	_ =	swait.ge [sflag:s30], $0x2800  }
0x5c: {  	s7 =	sshra.s32 s7, $0x2;
	[sflag:s30] =	ssyncset.done $0x0  }
0x5d: {  	s10 =	sadd.s32 $0x180, s7;
	[sflag:s30] =	ssyncadd.s32 $0xFFFFD800  }
0x5e: {  	[tilespmem:s19], [sflag:$0x2] =	stream.indirect.gather [hbm4b:s4+s15], $0x80, s10, s15, $0xb8;
	[tilespmem:$0x1B000] =	vst v63  }
0x5f: {  	s10 =	sadd.s32 $0x1A8, s7  }
0x60: {  	[tilespmem:s21], [sflag:$0x2] =	stream.indirect.gather [hbm4b:s4+s15], $0x80, s10, s15, $0xb8;
	[tilespmem:$0x1B000] =	vst v63  }
0x61: {  	_ =	swait.ge [sflag:s22], $0x1400  }
0x62: {  	[sflag:s22] =	ssyncset.done $0x0  }
0x63: {  	[sflag:s22] =	ssyncadd.s32 $0xFFFFEC00  }
0x64: {  	_ =	swait.ge [sflag:s22], $0x1400  }
0x65: {  	[sflag:s22] =	ssyncset.done $0x0  }
0x66: {  	s10 =	sadd.s32 $0x1100, s7;
	[sflag:s22] =	ssyncadd.s32 $0xFFFFEC00  }
0x67: {  	[spmem:s2] =	stream.indirect.scatter.add.f32 [tilespmem:s16], [sflag:$0x3], $0x80, s10, s23, $0xb8;
	[tilespmem:$0x1B000] =	vst v63  }
0x68: {  	_ =	swait.ge [sflag:s24], $0x2800  }
0x69: {  	[sflag:s24] =	ssyncset.done $0x0  }
0x6a: {  	s10 =	sadd.s32 $0x200, s7;
	[sflag:s24] =	ssyncadd.s32 $0xFFFFD800  }
0x6b: {  	[tilespmem:s16], [sflag:$0x1] =	stream.indirect.gather [hbm4b:s4+s15], $0x80, s10, s15, $0xb8;
	[tilespmem:$0x1B000] =	vst v63  }
0x6c: {  	s10 =	sadd.s32 $0x228, s7  }
0x6d: {  	[tilespmem:s17], [sflag:$0x1] =	stream.indirect.gather [hbm4b:s4+s15], $0x80, s10, s15, $0xb8;
	[tilespmem:$0x1B000] =	vst v63  }
0x6e: {  	_ =	swait.ge [sflag:s28], $0x1400  }
.Ltmp0:
0x6f: {  	[sflag:s28] =	ssyncset.done $0x0;
	(pc) =	sbr.rel @p0 .LBB2_3-.Ltmp0, $4  }
0x70: {  	[sflag:s28] =	ssyncadd.s32 $0xFFFFEC00  }
0x71: {  	_ =	swait.ge [sflag:s28], $0x1400  }
0x72: {  	[sflag:s28] =	ssyncset.done $0x0  }
0x73: {  	s7 =	sadd.s32 $0x1180, s7;
	[sflag:s28] =	ssyncadd.s32 $0xFFFFEC00  }
0x74: {  	[spmem:s2] =	stream.indirect.scatter.add.f32 [tilespmem:s19], [sflag:$0x4], $0x80, s7, s23, $0xb8;
	[tilespmem:$0x1B000] =	vst v63  }
0x75: {  	_ =	swait.ge [sflag:s30], $0x2800  }
0x76: {  	[sflag:s30] =	ssyncset.done $0x0  }
0x77: {  	[sflag:s30] =	ssyncadd.s32 $0xFFFFD800  }
0x78: {  	_ =	swait.ge [sflag:s22], $0x1400  }
0x79: {  	[sflag:s22] =	ssyncset.done $0x0  }
0x7a: {  	[sflag:s22] =	ssyncadd.s32 $0xFFFFEC00  }
0x7b: {  	s0 =	sadd.s32 $0x1, s0;
	_ =	swait.ge [sflag:s22], $0x1400  }
0x7c: {  	p0 =	sne.s32 s0, $0x5;
	[sflag:s22] =	ssyncset.done $0x0  }
.Ltmp1:
0x7d: {  	[sflag:s22] =	ssyncadd.s32 $0xFFFFEC00;
	(pc) =	sbr.rel @p0 .LBB2_2-.Ltmp1, $4  }
0x7e: {  	[spmem:s2] =	stream.indirect.scatter.add.f32 [tilespmem:s16], [sflag:$0x3], $0x80, s31, s23, $0xb8;
	[tilespmem:$0x1B000] =	vst v63  }
0x7f: {  	_ =	swait.ge [sflag:s24], $0x2800  }
0x80: {  	[sflag:s24] =	ssyncset.done $0x0  }
0x81: {  	[sflag:s24] =	ssyncadd.s32 $0xFFFFD800  }
0x82: {  	s3 =	sadd.s32 $0x1, s3  }
0x83: {  	[bflag:$0x0] =	sbarrier.arrive $0xFFFF;
	p0 =	sne.s32 s3, s11  }
.Ltmp2:
0x84: {  	s0 =	rddreg [dreg:$0x4];
	(pc) =	sbr.rel @p0 .LBB2_1-.Ltmp2, $4  }
0x85: {  	[hbm:s0], [sflag:s8] =	dma.local [spmem:s12], $0x2800  }
0x86: {  	_ =	swait.ge [sflag:s13], $0x2800  }
0x87: {  	[sflag:s13] =	ssyncset.done $0x0  }
0x88: {  	[sflag:s13] =	ssyncadd.s32 $0xFFFFD800  }
0x89: {  	_ =	sfence.sel $0x180000  }
0x8a: {  	[bflag:$0x0] =	sbarrier.arrive $0xFFFF  }
0x8b: {  	_ =	strace $0x9000004D  }
0x8c: {  	s0 =	stileid.u32;
	[bflag:$0x2] =	sbarrier.arrive $0xFFFF  }
0x8d: {  	p0 =	sne.s32 s0, $0x0;
	s0 =	rddreg [dreg:$0x2]  }
0x8e: {  	s0 =	sadd.s32 @!p0 $0x100000, s0  }
0x8f: {  	[sflag:s0] =	ssyncadd.tile.s32 @!p0 $0x1;
	_ =	shalt  }
.Lfunc_end2:
_tile_overlayer_lowered:
.L_overlay_start_2:
0x90: {  	(tag) =	ssettag $0x2  }
0x91: {  	s0 =	rddreg [dreg:$0x0];
	s2 =	stileid.u32  }
0x92: {  	s1 =	rddreg [dreg:$0x1];
	p0 =	sne.s32 s2, $0x0  }
0x93: {  	s3 =	rddreg [dreg:$0x2];
	[bflag:$0x3] =	sbarrier.arrive $0xFFFF;
	s2 =	simm.s32 @!p0 $0x1C05  }
0x94: {  	[timem:s3], [sflag:s2] =	dma.local @!p0 [hbm:s0], s1  }
0x95: {  	s0 =	simm.s32 @!p0 $0x5  }
0x96: {  	_ =	swait.ge @!p0 [sflag:s0], s1  }
0x97: {  	s1 =	ssub.s32 @!p0 $0x0, s1;
	[sflag:s0] =	ssyncset.done @!p0 $0x0  }
0x98: {  	[sflag:s0] =	ssyncadd.s32 @!p0 s1  }
0x99: {  	[bflag:$0x3] =	sbarrier.arrive $0xFFFF  }
0x9a: {  	_ =	shalt  }

// kernel: kernel.9.cloned.1.call-start
scs
__scs_entry_jumppad:
0x0: {  	(pc) =	sbr.rel $0x88, $3  }
0x1: {  	(tag) =	ssettag $0x0;
	lr =	simm.s32 $0x1  }
0x2: {  	[smem:$0x3F94] =	sst lr;
	_ =	strace $0xD0000000  }
0x3: {  	_ = 	snop  }
0x4: {  	_ = 	snop  }
0x5: {  	_ = 	snop  }
0x6: {  	_ = 	snop  }
0x7: {  	_ = 	snop  }
__scs_overlays_trampoline_lowered:
0x8: {  	[smem:$0x3FA3] =	sst s0  }
0x9: {  	[smem:$0x3FA4] =	sst s1  }
0xa: {  	[smem:$0x3FA5] =	sst s2  }
0xb: {  	[smem:$0x3FA6] =	sst s3  }
0xc: {  	[smem:$0x3FA7] =	sst s4  }
0xd: {  	[smem:$0x3FA8] =	sst s5  }
0xe: {  	[smem:$0x3FA9] =	sst s6  }
0xf: {  	[smem:$0x3FAA] =	sst s7  }
0x10: {  	[smem:$0x3FAB] =	sst s8  }
0x11: {  	[smem:$0x3FAC] =	sst s9;
	s0 =	simm.s32 @!p0 $0x0  }
0x12: {  	s1 =	sld [smem:$0x3F92];
	s0 =	simm.s32 @p0 $0x1  }
0x13: {  	[smem:$0x3FAD] =	sst s0;
	s0 =	simm.s32 @!p1 $0x0  }
0x14: {  	s2 =	sld [smem:$0x3F91];
	s0 =	simm.s32 @p1 $0x1  }
0x15: {  	[smem:$0x3FAE] =	sst s0;
	s0 =	simm.s32 @!p2 $0x0  }
0x16: {  	s3 =	sld [smem:$0x3FDB];
	s0 =	simm.s32 @p2 $0x1  }
0x17: {  	s4 =	simm.s32 $0x1BF5;
	[smem:$0x3FB0] =	sst s0  }
0x18: {  	s0 =	sld [smem:$0x3F93];
	_ =	swait.ge [sflag:s4], $0x0  }
0x19: {  	s7 =	sld [smem:$0x3F94]  }
0x1a: {  	s8 =	sadd.s32 $0xFFFFE003, lr  }
0x1b: {  	s9 =	sadd.s32 $0xFFFFFEF7, lr;
	s5 =	simm.s32 $0xFFFFFFFF;
	p2 =	slt.u32 s8, $0xFFFFF086  }
0x1c: {  	p1 =	slt.u32 s9, $0xF7A;
	s5 =	simm.s32 @!p2 $0x0  }
0x1d: {  	s5 =	simm.s32 @p1 $0x1;
	p0 =	seq.s32 s7, s2  }
0x1e: {  	s7 =	smul.u32 @!p0 $0xF7A, s2;
	p2 =	seq.s32 @!p0 s5, $0x0  }
0x1f: {  	s9 =	smul.u32 $0xF7A, s1;
	s8 =	simm.s32 @!p0 $0x1BF5;
	p2 =	por !p2, p0  }
0x20: {  	[sflag:s8] =	ssyncset.s32 @!p0 $0xFFFFF086;
	s6 =	sadd.s32 @!p0 s3, s7;
	s7 =	simm.s32 @!p0 $0x108  }
0x21: {  	s3 =	sadd.s32 s3, s9;
	s6 =	sadd.s32 @!p0 $0x88, s6;
	s7 =	simm.s32 @p2 $0x1082  }
0x22: {  	[simem:s7], [sflag:s8] =	dma.local @!p0 [hbm:s6], $0xF7A  }
0x23: {  	s9 =	sor.u32 $0xD0000000, s2;
	s6 =	simm.s32 $0x108;
	_ =	swait.ge @!p0 [sflag:s8], $0x0  }
0x24: {  	s3 =	sadd.s32 $0x88, s3;
	s6 =	simm.s32 @!p1 $0x1082;
	[sflag:s4] =	ssyncset.s32 $0xFFFFF086  }
0x25: {  	[simem:s6], [sflag:s4] =	dma.local [hbm:s3], $0xF7A  }
0x26: {  	[smem:$0x3F94] =	sst s1;
	(tag) =	ssettag s2;
	_ =	strace s9  }
0x27: {  	s1 =	sld [smem:$0x3FA4]  }
0x28: {  	s2 =	sld [smem:$0x3FA5]  }
0x29: {  	s4 =	sld [smem:$0x3FA7]  }
0x2a: {  	p0 =	seq.s32 s5, $0x0;
	s5 =	sld [smem:$0x3FA8]  }
0x2b: {  	s6 =	sld [smem:$0x3FA9]  }
0x2c: {  	s7 =	sld [smem:$0x3FAA]  }
0x2d: {  	s3 =	simm.s32 $0x108;
	s8 =	sld [smem:$0x3FAB]  }
0x2e: {  	s3 =	simm.s32 @!p0 $0x1082;
	s9 =	sld [smem:$0x3FAC]  }
0x2f: {  	lr =	sadd.s32 s0, s3;
	s0 =	sld [smem:$0x3FA3]  }
0x30: {  	s3 =	sld [smem:$0x3FA6]  }
0x31: {  	[smem:$0x3FAF] =	sst s10  }
0x32: {  	s10 =	sld [smem:$0x3FAD];
	_ =	sdelay $0x3  }
0x33: {  	p0 =	seq.s32 s10, $0x1;
	s10 =	sld [smem:$0x3FAF];
	_ =	sdelay $0x3  }
0x34: {  	[smem:$0x3FAF] =	sst s10  }
0x35: {  	s10 =	sld [smem:$0x3FAE];
	_ =	sdelay $0x3  }
0x36: {  	p1 =	seq.s32 s10, $0x1;
	s10 =	sld [smem:$0x3FAF];
	_ =	sdelay $0x3  }
0x37: {  	[smem:$0x3FAF] =	sst s10  }
0x38: {  	s10 =	sld [smem:$0x3FB0]  }
0x39: {  	_ = 	snop;
	(pc) =	sbr.ind lr, $3  }
0x3a: {  	_ = 	snop  }
0x3b: {  	_ = 	snop  }
0x3c: {  	p2 =	seq.s32 s10, $0x1;
	s10 =	sld [smem:$0x3FAF]  }
0x3d: {  	_ =	shalt  }
0x3e: {  	_ =	shalt  }
0x3f: {  	_ =	shalt  }
0x40: {  	_ =	shalt  }
0x41: {  	_ =	shalt  }
0x42: {  	_ =	shalt  }
0x43: {  	_ =	shalt  }
0x44: {  	_ =	shalt  }
0x45: {  	_ =	shalt  }
0x46: {  	_ =	shalt  }
0x47: {  	_ =	shalt  }
0x48: {  	_ =	shalt  }
0x49: {  	_ =	shalt  }
0x4a: {  	_ =	shalt  }
0x4b: {  	_ =	shalt  }
0x4c: {  	_ =	shalt  }
0x4d: {  	_ =	shalt  }
0x4e: {  	_ =	shalt  }
0x4f: {  	_ =	shalt  }
0x50: {  	_ =	shalt  }
0x51: {  	_ =	shalt  }
0x52: {  	_ =	shalt  }
0x53: {  	_ =	shalt  }
0x54: {  	_ =	shalt  }
0x55: {  	_ =	shalt  }
0x56: {  	_ =	shalt  }
0x57: {  	_ =	shalt  }
0x58: {  	_ =	shalt  }
0x59: {  	_ =	shalt  }
0x5a: {  	_ =	shalt  }
0x5b: {  	_ =	shalt  }
0x5c: {  	_ =	shalt  }
0x5d: {  	_ =	shalt  }
0x5e: {  	_ =	shalt  }
0x5f: {  	_ =	shalt  }
0x60: {  	_ =	shalt  }
0x61: {  	_ =	shalt  }
0x62: {  	_ =	shalt  }
0x63: {  	_ =	shalt  }
0x64: {  	_ =	shalt  }
0x65: {  	_ =	shalt  }
0x66: {  	_ =	shalt  }
0x67: {  	_ =	shalt  }
0x68: {  	_ =	shalt  }
0x69: {  	_ =	shalt  }
0x6a: {  	_ =	shalt  }
0x6b: {  	_ =	shalt  }
0x6c: {  	_ =	shalt  }
0x6d: {  	_ =	shalt  }
0x6e: {  	_ =	shalt  }
0x6f: {  	_ =	shalt  }
0x70: {  	_ =	shalt  }
0x71: {  	_ =	shalt  }
0x72: {  	_ =	shalt  }
0x73: {  	_ =	shalt  }
0x74: {  	_ =	shalt  }
0x75: {  	_ =	shalt  }
0x76: {  	_ =	shalt  }
0x77: {  	_ =	shalt  }
0x78: {  	_ =	shalt  }
0x79: {  	_ =	shalt  }
0x7a: {  	_ =	shalt  }
0x7b: {  	_ =	shalt  }
0x7c: {  	_ =	shalt  }
0x7d: {  	_ =	shalt  }
0x7e: {  	_ =	shalt  }
0x7f: {  	_ =	shalt  }
0x80: {  	_ =	shalt  }
0x81: {  	_ =	shalt  }
0x82: {  	_ =	shalt  }
0x83: {  	_ =	shalt  }
0x84: {  	_ =	shalt  }
0x85: {  	_ =	shalt  }
0x86: {  	_ =	shalt  }
0x87: {  	_ =	shalt  }
.Lfunc_end0:
.L_simem_size_0:
called_computation_lowered:
.L_overlay_start_0:
0x88: {  	s2 =	sld [smem:$0x3FD9]  }
0x89: {  	s3 =	sld [smem:$0x3FFE];
	_ =	sdelay $0x1  }
0x8a: {  	s1 =	srdreg.scid  }
0x8b: {  	s0 =	sand.u32 $0x1, s1  }
0x8c: {  	s16 =	sshll.u32 s0, $0xA;
	s2 =	sadd.s32 s3, s2  }
0x8d: {  	s2 =	sadd.s32 s2, s16  }
0x8e: {  	[smem:$0x3FBB] =	sst s2  }
0x8f: {  	_ = 	snop  }
0x90: {  	(tm) =	ssettm $0x1  }
0x91: {  	s17 =	sld [smem:$0x3FFB];
	_ =	sdelay $0x3  }
0x92: {  	_ =	strace s17  }
0x93: {  	s2 =	sld [smem:$0x3FFC];
	_ =	sdelay $0x3  }
0x94: {  	_ =	strace s2  }
0x95: {  	s2 =	sld [smem:$0x3FFD];
	_ =	sdelay $0x3  }
0x96: {  	_ =	strace s2  }
0x97: {  	_ =	strace $0x8FFFFFFF  }
0x98: {  	s18 =	sld [smem:$0x3FDB];
	_ =	sdelay $0x1  }
0x99: {  	s19 =	simm.s32 $_scs_section_size  }
0x9a: {  	s4 =	simm.s32 $_size__tile_overlayer_lowered;
	s5 =	simm.s32 $_tile_overlayer_lowered  }
0x9b: {  	s22 =	simm.s32 $0x1BFF;
	s21 =	sshll.u32 s5, $0x1;
	s2 =	sadd.s32 s19, s18  }
0x9c: {  	s6 =	simm.s32 $0x0;
	s20 =	sshll.u32 s4, $0x1;
	s4 =	sadd.s32 s21, s2  }
0x9d: {  	[timem:s6], [sflag:s22] =	dma.local [hbm:s4], s20  }
0x9e: {  	_ =	swait.ge [sflag:s22], s20  }
0x9f: {  	s3 =	ssub.s32 $0x0, s20;
	[sflag:s22] =	ssyncset.done $0x0  }
0xa0: {  	[sflag:s22] =	ssyncadd.s32 s3;
	_ =	sdelay $0x1  }
0xa1: {  	s23 =	simm.s32 $0x1B8B  }
0xa2: {  	_ =	swait.ge [sflag:s23], $0x1  }
0xa3: {  	[sflag:s23] =	ssyncset.done $0x0  }
0xa4: {  	s25 =	simm.s32 $0x1B8E;
	s24 =	sld [smem:$0x3FFE];
	[sflag:s23] =	ssyncadd.s32 $0xFFFFFFFF  }
0xa5: {  	s26 =	simm.s32 $execute0_lowered;
	[smem:$0x3FD2] =	sst s25  }
0xa6: {  	s4 =	sshll.u32 s26, $0x1;
	_ =	strace $0x80000046;
	[dreg:$0x1] =	wrdreg $0xFFFFFFFF  }
0xa7: {  	s28 =	simm.s32 $_size_execute0_lowered;
	s2 =	sadd.s32 s2, s4;
	[dreg:$0x0] =	wrdreg $0x0  }
0xa8: {  	s4 =	sshll.u32 s28, $0x1;
	[dreg:$0x2] =	wrdreg s2  }
0xa9: {  	[dreg:$0x3] =	wrdreg s4  }
0xaa: {  	[dreg:$0x4] =	wrdreg $0xC0  }
0xab: {  	_ =	task [dreg:s6], $0x5FFFF  }
0xac: {  	[dreg:$0x1] =	wrdreg $0xFFFFFFFF  }
0xad: {  	[dreg:$0x0] =	wrdreg $0x60  }
0xae: {  	[dreg:$0x2] =	wrdreg s24  }
0xaf: {  	[dreg:$0x3] =	wrdreg $0x138800  }
0xb0: {  	[dreg:$0x4] =	wrdreg $0x13B000  }
0xb1: {  	[dreg:$0x5] =	wrdreg $0x13D800  }
0xb2: {  	[dreg:$0x6] =	wrdreg $0x9  }
0xb3: {  	_ =	task.clear_ibuf [dreg:s6], $0x7FFFF;
	_ =	strace $0x90000046  }
0xb4: {  	s29 =	simm.s32 $0x9;
	_ =	strace $0x80000048  }
0xb5: {  	_ =	swait.ge [sflag:s29], $0x1  }
0xb6: {  	[sflag:s29] =	ssyncadd.s32 $0xFFFFFFFF  }
0xb7: {  	_ =	strace $0x90000048  }
0xb8: {  	_ =	sfence  }
0xb9: {  	s30 =	sld [smem:$0x0];
	_ =	sdelay $0x2  }
0xba: {  	s31 =	sshll.u32 s1, $0xD;
	s1 =	sshrl.u32 s1, $0x2  }
0xbb: {  	s3 =	sand.u32 $0x4000, s31;
	s1 =	sadd.s32 s1, s30  }
0xbc: {  	s0 =	sor.u32 s3, s0;
	s1 =	sshll.u32 s1, $0x11  }
0xbd: {  	s0 =	sor.u32 s1, s0  }
0xbe: {  	s0 =	sadd.s32 $0x8F2B, s0  }
0xbf: {  	[sflag:s0] =	ssyncadd.remote.s32 $0x1  }
0xc0: {  	_ =	sfence.sel $0xFFFF  }
0xc1: {  	[dreg:$0x0] =	wrdreg $0xFFFFFFFF;
	(pc) =	sbr.abs _section_cstart, $3  }
0xc2: {  	[dreg:$0x1] =	wrdreg $0xFFFFFFFF  }
0xc3: {  	_ =	task.clear_ibuf [dreg:s6], $0x2FFFF;
	_ =	strace $0x9FFFFFFF  }
0xc4: {  	(tm) =	ssettm $0x7FFFFFFF  }
0xc5: {  	_ =	shalt  }
tec
execute0_lowered:
.L_overlay_start_1:
0x0: {  	(tag) =	ssettag $0x1  }
0x1: {  	s6 =	rddreg [dreg:$0x0]  }
0x2: {  	s1 =	rddreg [dreg:$0x1]  }
0x3: {  	s2 =	rddreg [dreg:$0x2]  }
0x4: {  	s3 =	rddreg [dreg:$0x3];
	s4 =	srdreg.scid  }
0x5: {  	s0 =	rddreg [dreg:$0x4];
	s13 =	stileid.u32;
	s14 =	simm.s32 $0x4000  }
0x6: {  	s15 =	simm.s32 $0x8000;
	s16 =	simm.s32 $0xC000;
	s17 =	simm.s32 $0xE800  }
0x7: {  	s18 =	simm.s32 $0x11000;
	s22 =	simm.s32 $0x50;
	s23 =	simm.s32 $0x13800  }
0x8: {  	s24 =	simm.s32 $0x0;
	s5 =	sand.u32 $0x1, s4;
	s4 =	simm.s32 $0x0  }
0x9: {  	s7 =	sshll.u32 s13, $0xC;
	p0 =	sne.s32 s13, $0x0;
	s13 =	simm.s32 $0x1  }
0xa: {  	s8 =	sshll.u32 s5, $0xB;
	[smem:$0x7FF] =	sst s4;
	s29 =	smul.u32 $0x500, s5  }
0xb: {  	s30 =	ssub.s32 $0x2, s5;
	s5 =	sadd.s32 $0x33200, s6;
	s19 =	sshrl.u32 @!p0 s1, $0x3  }
0xc: {  	s20 =	sshrl.u32 @!p0 s2, $0x3;
	s21 =	sshrl.u32 @!p0 s3, $0x3;
	s7 =	sor.u32 s8, s7  }
0xd: {  	_ =	strace $0x80000047;
	s31 =	sshrl.u32 s30, $0x1;
	s9 =	sadd.s32 s7, s6  }
0xe: {  	v0 =	vlaneseq.u32;
	s11 =	sadd.s32 s29, s6;
	s12 =	ssub.s32 s30, s31;
	s6 =	sadd.s32 $0x3200, s9  }
0xf: {  	v5 =	vimm.f32 $1.000000000e+00;
	v1 =	vor.u32 $0x10, v0;
	s7 =	sadd.s32 $0x13200, s9;
	s8 =	sadd.s32 $0x23200, s9;
	s9 =	sadd.s32 $0x33800, s11  }
0x10: {  	v2 =	vor.u32 $0x20, v0;
	v3 =	vor.u32 $0x30, v0;
	v4 =	vor.u32 $0x40, v0;
	s10 =	sadd.s32 $0x34200, s11;
	s11 =	sadd.s32 $0x34C00, s11;
	s12 =	smax.u32 s12, $0x1  }
.LBB2_1:
0x11: {  	[tilespmem:s4], [sflag:$0x1] =	stream.linear.gather [hbm4b:s6+s4], $0x3E80, $0x38;
	[tilespmem:$0x14000] =	vst v63  }
0x12: {  	_ =	swait.ge [sflag:s13], $0x3E80  }
0x13: {  	[sflag:s13] =	ssyncset.done $0x0  }
0x14: {  	[sflag:s13] =	ssyncadd.s32 $0xFFFFC180  }
0x15: {  	[tilespmem:s14], [sflag:$0x1] =	stream.linear.gather [hbm4b:s7+s4], $0x3E80, $0x38;
	[tilespmem:$0x14000] =	vst v63  }
0x16: {  	_ =	swait.ge [sflag:s13], $0x3E80  }
0x17: {  	[sflag:s13] =	ssyncset.done $0x0  }
0x18: {  	[sflag:s13] =	ssyncadd.s32 $0xFFFFC180  }
0x19: {  	[tilespmem:s15], [sflag:$0x1] =	stream.linear.gather [hbm4b:s8+s4], $0x3E80, $0x38;
	[tilespmem:$0x14000] =	vst v63  }
0x1a: {  	_ =	swait.ge [sflag:s13], $0x3E80  }
0x1b: {  	[sflag:s13] =	ssyncset.done $0x0  }
0x1c: {  	[sflag:s13] =	ssyncadd.s32 $0xFFFFC180  }
0x1d: {  	[tilespmem:s16], [sflag:$0x1] =	stream.linear.gather [hbm4b:s5+s4], $0x2800, $0x38;
	[tilespmem:$0x14000] =	vst v63  }
0x1e: {  	_ =	swait.ge [sflag:s13], $0x2800  }
0x1f: {  	[sflag:s13] =	ssyncset.done $0x0  }
0x20: {  	[sflag:s13] =	ssyncadd.s32 $0xFFFFD800  }
0x21: {  	[tilespmem:s17], [sflag:$0x1] =	stream.linear.gather [hbm4b:s5+s4], $0x2800, $0x38;
	[tilespmem:$0x14000] =	vst v63  }
0x22: {  	_ =	swait.ge [sflag:s13], $0x2800  }
0x23: {  	[sflag:s13] =	ssyncset.done $0x0  }
0x24: {  	[sflag:s13] =	ssyncadd.s32 $0xFFFFD800  }
0x25: {  	[tilespmem:s18], [sflag:$0x1] =	stream.linear.gather [hbm4b:s5+s4], $0x2800, $0x38;
	[tilespmem:$0x14000] =	vst v63  }
0x26: {  	_ =	swait.ge [sflag:s13], $0x2800  }
0x27: {  	[sflag:s13] =	ssyncset.done $0x0  }
0x28: {  	[sflag:s13] =	ssyncadd.s32 $0xFFFFD800  }
0x29: {  	[tilespmem:$0x13800] =	vst v0  }
0x2a: {  	[tilespmem:$0x13810] =	vst v1  }
0x2b: {  	[tilespmem:$0x13820] =	vst v2  }
0x2c: {  	[tilespmem:$0x13830] =	vst v3  }
0x2d: {  	s25 =	simm.s32 @!p0 $0x1C01;
	s26 =	simm.s32 @!p0 $0x1;
	[tilespmem:$0x13840] =	vst v4  }
0x2e: {  	[spmem:s19], [sflag:s25] =	dma.local @!p0 [hbm:s5], $0x500  }
0x2f: {  	_ =	swait.ge @!p0 [sflag:s26], $0x500  }
0x30: {  	[sflag:s26] =	ssyncset.done @!p0 $0x0  }
0x31: {  	[sflag:s26] =	ssyncadd.s32 @!p0 $0xFFFFFB00  }
0x32: {  	[spmem:s20], [sflag:s25] =	dma.local @!p0 [hbm:s5], $0x500  }
0x33: {  	_ =	swait.ge @!p0 [sflag:s26], $0x500  }
0x34: {  	[sflag:s26] =	ssyncset.done @!p0 $0x0  }
0x35: {  	[sflag:s26] =	ssyncadd.s32 @!p0 $0xFFFFFB00  }
0x36: {  	[spmem:s21], [sflag:s25] =	dma.local @!p0 [hbm:s5], $0x500  }
0x37: {  	_ =	swait.ge @!p0 [sflag:s26], $0x500  }
0x38: {  	[sflag:s26] =	ssyncset.done @!p0 $0x0  }
0x39: {  	s25 =	simm.s32 $0x0;
	[sflag:s26] =	ssyncadd.s32 @!p0 $0xFFFFFB00  }
.LBB2_2:
0x3a: {  	s26 =	sshra.s32 s25, $0x2  }
0x3b: {  	v6 =	vld [tilespmem:s26+$0x0]  }
0x3c: {  	v7 =	vld [tilespmem:s26+$0x4000];
	_ =	sdelay $0x1  }
0x3d: {  	v8 =	vld [tilespmem:s26+$0x8000];
	_ =	sdelay $0x4  }
0x3e: {  	[tilespmem:v6+s16+$0x0] =	vst.idx.add.f32.msk $0xffff, v8  }
0x3f: {  	[tilespmem:v7+s17+$0x0] =	vst.idx.add.f32.msk $0xffff, v8  }
0x40: {  	[tilespmem:v7+s18+$0x0] =	vst.idx.add.f32.msk $0xffff, v5  }
0x41: {  	v6 =	vld [tilespmem:s26+$0x10]  }
0x42: {  	v7 =	vld [tilespmem:s26+$0x4010];
	_ =	sdelay $0x1  }
0x43: {  	v8 =	vld [tilespmem:s26+$0x8010];
	_ =	sdelay $0x4  }
0x44: {  	[tilespmem:v6+s16+$0x0] =	vst.idx.add.f32.msk $0xffff, v8  }
0x45: {  	[tilespmem:v7+s17+$0x0] =	vst.idx.add.f32.msk $0xffff, v8  }
0x46: {  	[tilespmem:v7+s18+$0x0] =	vst.idx.add.f32.msk $0xffff, v5  }
0x47: {  	v6 =	vld [tilespmem:s26+$0x20]  }
0x48: {  	v7 =	vld [tilespmem:s26+$0x4020];
	_ =	sdelay $0x1  }
0x49: {  	v8 =	vld [tilespmem:s26+$0x8020];
	_ =	sdelay $0x4  }
0x4a: {  	[tilespmem:v6+s16+$0x0] =	vst.idx.add.f32.msk $0xffff, v8  }
0x4b: {  	[tilespmem:v7+s17+$0x0] =	vst.idx.add.f32.msk $0xffff, v8  }
0x4c: {  	[tilespmem:v7+s18+$0x0] =	vst.idx.add.f32.msk $0xffff, v5  }
0x4d: {  	v6 =	vld [tilespmem:s26+$0x30]  }
0x4e: {  	v7 =	vld [tilespmem:s26+$0x4030];
	_ =	sdelay $0x1  }
0x4f: {  	v8 =	vld [tilespmem:s26+$0x8030];
	_ =	sdelay $0x4  }
0x50: {  	[tilespmem:v6+s16+$0x0] =	vst.idx.add.f32.msk $0xffff, v8  }
0x51: {  	[tilespmem:v7+s17+$0x0] =	vst.idx.add.f32.msk $0xffff, v8  }
0x52: {  	[tilespmem:v7+s18+$0x0] =	vst.idx.add.f32.msk $0xffff, v5  }
0x53: {  	v6 =	vld [tilespmem:s26+$0x40]  }
0x54: {  	v7 =	vld [tilespmem:s26+$0x4040];
	_ =	sdelay $0x1  }
0x55: {  	v8 =	vld [tilespmem:s26+$0x8040];
	_ =	sdelay $0x1  }
0x56: {  	p1 =	sne.s32 s25, $0xF800  }
.Ltmp0:
0x57: {  	_ = 	snop;
	(pc) =	sbr.rel @p1 .LBB2_2-.Ltmp0, $4  }
0x58: {  	_ = 	snop  }
0x59: {  	[tilespmem:v6+s16+$0x0] =	vst.idx.add.f32.msk $0xffff, v8  }
0x5a: {  	[tilespmem:v7+s17+$0x0] =	vst.idx.add.f32.msk $0xffff, v8  }
0x5b: {  	s25 =	sadd.s32 $0x200, s25;
	[tilespmem:v7+s18+$0x0] =	vst.idx.add.f32.msk $0xffff, v5  }
0x5c: {  	[bflag:$0x0] =	sbarrier.arrive $0xFFFF  }
0x5d: {  	[spmem:s1] =	stream.indirect.scatter.add.f32 [tilespmem:s16], [sflag:$0x1], $0x80, s23, s22, $0xb8;
	[tilespmem:$0x14000] =	vst v63  }
0x5e: {  	_ =	swait.ge [sflag:s13], $0x2800  }
0x5f: {  	[sflag:s13] =	ssyncset.done $0x0  }
0x60: {  	[sflag:s13] =	ssyncadd.s32 $0xFFFFD800  }
0x61: {  	[spmem:s2] =	stream.indirect.scatter.add.f32 [tilespmem:s17], [sflag:$0x1], $0x80, s23, s22, $0xb8;
	[tilespmem:$0x14000] =	vst v63  }
0x62: {  	_ =	swait.ge [sflag:s13], $0x2800  }
0x63: {  	[sflag:s13] =	ssyncset.done $0x0  }
0x64: {  	[sflag:s13] =	ssyncadd.s32 $0xFFFFD800  }
0x65: {  	[spmem:s3] =	stream.indirect.scatter.add.f32 [tilespmem:s18], [sflag:$0x1], $0x80, s23, s22, $0xb8;
	[tilespmem:$0x14000] =	vst v63  }
0x66: {  	_ =	swait.ge [sflag:s13], $0x2800  }
0x67: {  	[sflag:s13] =	ssyncset.done $0x0  }
0x68: {  	[sflag:s13] =	ssyncadd.s32 $0xFFFFD800  }
0x69: {  	s25 =	simm.s32 @!p0 $0x1C01;
	s26 =	simm.s32 @!p0 $0x1;
	[bflag:$0x0] =	sbarrier.arrive $0xFFFF  }
0x6a: {  	[hbm:s9], [sflag:s25] =	dma.local @!p0 [spmem:s19], $0x500  }
0x6b: {  	_ =	swait.ge @!p0 [sflag:s26], $0x500  }
0x6c: {  	[sflag:s26] =	ssyncset.done @!p0 $0x0  }
0x6d: {  	[sflag:s26] =	ssyncadd.s32 @!p0 $0xFFFFFB00  }
0x6e: {  	[hbm:s10], [sflag:s25] =	dma.local @!p0 [spmem:s20], $0x500  }
0x6f: {  	s24 =	sadd.s32 $0x1, s24;
	_ =	swait.ge @!p0 [sflag:s26], $0x500  }
0x70: {  	p1 =	sne.s32 s24, s12;
	[sflag:s26] =	ssyncset.done @!p0 $0x0  }
.Ltmp1:
0x71: {  	[sflag:s26] =	ssyncadd.s32 @!p0 $0xFFFFFB00;
	(pc) =	sbr.rel @p1 .LBB2_1-.Ltmp1, $4  }
0x72: {  	[hbm:s11], [sflag:s25] =	dma.local @!p0 [spmem:s21], $0x500  }
0x73: {  	_ =	swait.ge @!p0 [sflag:s26], $0x500  }
0x74: {  	[sflag:s26] =	ssyncset.done @!p0 $0x0  }
0x75: {  	[sflag:s26] =	ssyncadd.s32 @!p0 $0xFFFFFB00  }
0x76: {  	_ =	sfence.sel $0x180000  }
0x77: {  	[bflag:$0x0] =	sbarrier.arrive $0xFFFF  }
0x78: {  	_ =	strace $0x90000047  }
0x79: {  	s0 =	sadd.s32 @!p0 $0x100000, s0;
	[bflag:$0x2] =	sbarrier.arrive $0xFFFF  }
0x7a: {  	[sflag:s0] =	ssyncadd.tile.s32 @!p0 $0x1;
	_ =	shalt  }
.Lfunc_end2:
_tile_overlayer_lowered:
.L_overlay_start_2:
0x7b: {  	(tag) =	ssettag $0x2  }
0x7c: {  	s0 =	rddreg [dreg:$0x0];
	s2 =	stileid.u32  }
0x7d: {  	s1 =	rddreg [dreg:$0x1];
	p0 =	sne.s32 s2, $0x0  }
0x7e: {  	s3 =	rddreg [dreg:$0x2];
	[bflag:$0x3] =	sbarrier.arrive $0xFFFF;
	s2 =	simm.s32 @!p0 $0x1C01  }
0x7f: {  	[timem:s3], [sflag:s2] =	dma.local @!p0 [hbm:s0], s1  }
0x80: {  	s0 =	simm.s32 @!p0 $0x1  }
0x81: {  	_ =	swait.ge @!p0 [sflag:s0], s1  }
0x82: {  	s1 =	ssub.s32 @!p0 $0x0, s1;
	[sflag:s0] =	ssyncset.done @!p0 $0x0  }
0x83: {  	[sflag:s0] =	ssyncadd.s32 @!p0 s1  }
0x84: {  	[bflag:$0x3] =	sbarrier.arrive $0xFFFF  }
0x85: {  	_ =	shalt  }

</sc_bundles>
